<compile_context>
chip_gen: v7x
topology: tpu7x:2x2x1
jax: 0.10.2.dev20260603
libtpu: 0.0.44.dev20260713+nightly
codegen_flags: <defaults>
</compile_context>

<pallas_src>
import functools

import jax
import jax.numpy as jnp
from jax import lax
from jax.experimental import pallas as pl
from jax.experimental.pallas import tpu as pltpu, tpu_sc as plsc

VOCAB = 1000000
EMB_DIM = 32
BATCH = 16384
HIST = 50

_info = plsc.get_sparse_core_info()
NC, NS = _info.num_cores, _info.num_subcores
NW = NC * NS
L = _info.num_lanes

IB = 128
NI = BATCH // IB
UNITS = HIST * NI
UNITS_W = UNITS // NW
UPB = 2
CHUNK = UPB * IB
NBLK = UNITS_W // UPB
NBUF = 5
NWAVE = NBLK // NBUF
TILE = EMB_DIM * IB
NCH = TILE // L


def _make_kernel():
    mesh = plsc.VectorSubcoreMesh(core_axis_name="c", subcore_axis_name="s")

    @functools.partial(
        pl.kernel,
        mesh=mesh,
        out_type=jax.ShapeDtypeStruct((HIST, EMB_DIM // 8, NI * 8 * IB),
                                      jnp.float32),
        scratch_types=[
            pltpu.VMEM((UNITS_W * IB,), jnp.int32),
            pltpu.VMEM((NBUF * CHUNK, EMB_DIM), jnp.float32),
            pltpu.VMEM((NBUF * UPB * TILE,), jnp.float32),
            [pltpu.SemaphoreType.DMA] * NBUF,
            [pltpu.SemaphoreType.DMA] * (NBUF * UPB),
            pltpu.SemaphoreType.DMA,
        ],
        compiler_params=pltpu.CompilerParams(
            use_tc_tiling_on_sc=False, needs_layout_passes=False
        ),
    )
    def gather_kernel(xt_hbm, table_hbm, out_hbm, idx_v, rows_v, tout_v,
                      gsems, osems, isem):
        wid = lax.axis_index("s") * NC + lax.axis_index("c")
        ubase = wid * UNITS_W
        pltpu.async_copy(
            xt_hbm.at[pl.ds(ubase * IB, UNITS_W * IB)], idx_v, isem
        ).wait()

        iota = lax.iota(jnp.int32, L)
        iota128 = iota * IB

        def gather_blk(g, b):
            pltpu.async_copy(
                table_hbm.at[idx_v.at[pl.ds(g * CHUNK, CHUNK)]],
                rows_v.at[pl.ds(b * CHUNK, CHUNK)],
                gsems[b],
            )

        def gather_blk_wait(g, b):
            pltpu.make_async_copy(
                table_hbm.at[idx_v.at[pl.ds(g * CHUNK, CHUNK)]],
                rows_v.at[pl.ds(b * CHUNK, CHUNK)],
                gsems[b],
            ).wait()

        def store_unit(g, b, uu):
            u = ubase + g * UPB + uu
            h = u // NI
            i1 = u % NI
            t = b * UPB + uu
            for e1 in range(EMB_DIM // 8):
                pltpu.async_copy(
                    tout_v.at[pl.ds(t * TILE + e1 * 1024, 1024)],
                    out_hbm.at[h, e1, pl.ds(i1 * 1024, 1024)],
                    osems[t],
                )

        def store_unit_wait(g, b, uu):
            u = ubase + g * UPB + uu
            h = u // NI
            i1 = u % NI
            t = b * UPB + uu
            for e1 in range(EMB_DIM // 8):
                pltpu.make_async_copy(
                    tout_v.at[pl.ds(t * TILE + e1 * 1024, 1024)],
                    out_hbm.at[h, e1, pl.ds(i1 * 1024, 1024)],
                    osems[t],
                ).wait()

        def transpose_blk(b):
            row0 = b * CHUNK
            t0 = b * UPB
            base_a = iota128 + t0 * TILE
            base_b = base_a + L * IB
            base_c = iota128 + (t0 + 1) * TILE
            base_d = base_c + L * IB

            @plsc.parallel_loop(0, IB, unroll=8)
            def _(i2):
                va = rows_v[row0 + i2, pl.ds(0, L)]
                vb = rows_v[row0 + i2, pl.ds(L, L)]
                vc = rows_v[row0 + IB + i2, pl.ds(0, L)]
                vd = rows_v[row0 + IB + i2, pl.ds(L, L)]
                plsc.store_scatter(tout_v, [base_a + i2], va)
                plsc.store_scatter(tout_v, [base_b + i2], vb)
                plsc.store_scatter(tout_v, [base_c + i2], vc)
                plsc.store_scatter(tout_v, [base_d + i2], vd)

        for b in range(NBUF):
            gather_blk(b, b)

        def wave(i, carry):
            for b in range(NBUF):
                g = i * NBUF + b
                gather_blk_wait(g, b)
                @pl.when(i > 0)
                def _():
                    for uu in range(UPB):
                        store_unit_wait(g - NBUF, b, uu)
                transpose_blk(b)
                for uu in range(UPB):
                    store_unit(g, b, uu)
                @pl.when(i < NWAVE - 1)
                def _():
                    gather_blk(g + NBUF, b)
            return carry

        lax.fori_loop(0, NWAVE, wave, 0)

        for b in range(NBUF):
            for uu in range(UPB):
                store_unit_wait(NBLK - NBUF + b, b, uu)

    return gather_kernel


_gather = _make_kernel()


def kernel(x, table):
    xt_flat = x.T.reshape(BATCH * HIST).astype(jnp.int32)
    out3 = _gather(xt_flat, table)
    out5 = out3.reshape(HIST, EMB_DIM // 8, NI, 8, IB)
    return out5.transpose(2, 4, 0, 1, 3).reshape(BATCH, HIST, EMB_DIM)

# --- scband reference (transcript-rebuilt; emitter-appended) ---
"""Pipeline reference for scband-embedding-4458176053407 (READ-ONLY COPY).

The authoritative reference and input builder live on the scoring server;
editing this copy changes nothing except your own understanding.
"""

import jax, jax.numpy as jnp
import numpy as np

VOCAB = 1000000
EMB_DIM = 32
BATCH = 16384
HIST = 50

def setup_inputs(seed: int = 0) -> dict:
    key = jax.random.key(seed)
    k_idx, k_tab = jax.random.split(key)
    x = jax.random.randint(k_idx, (BATCH, HIST), 0, VOCAB, dtype=jnp.int64 if jax.config.jax_enable_x64 else jnp.int32)
    table = jax.random.normal(k_tab, (VOCAB, EMB_DIM), dtype=jnp.float32)
    return {"x": x, "table": table}

def reference(x, table):
    # nn.Embedding forward: row gather from embedding table
    return jnp.take(table, x, axis=0)

if __name__ == "__main__":
    import jax
    _d = setup_inputs()
    print(jax.jit(kernel)(*tuple(_d.values())))

</pallas_src>

<mosaic_0001>
#map = affine_map<(d0, d1) -> (0)>
#map1 = affine_map<(d0, d1) -> (0, 0)>
#map2 = affine_map<(d0, d1) -> (0, 0, 0)>
module attributes {stable_mosaic.version = 14 : i64} {
  func.func @gather_kernel(%arg0: i32, %arg1: i32, %arg2: memref<819200xi32, #tpu.memory_space<hbm>>, %arg3: memref<1000000x32xf32, #tpu.memory_space<hbm>>, %arg4: memref<50x4x131072xf32, #tpu.memory_space<hbm>>, %arg5: memref<25600xi32, #tpu.memory_space<vmem>>, %arg6: memref<1280x32xf32, #tpu.memory_space<vmem>>, %arg7: memref<40960xf32, #tpu.memory_space<vmem>>, %arg8: memref<!tpu.dma_semaphore, #tpu.memory_space<semaphore_mem>>, %arg9: memref<!tpu.dma_semaphore, #tpu.memory_space<semaphore_mem>>, %arg10: memref<!tpu.dma_semaphore, #tpu.memory_space<semaphore_mem>>, %arg11: memref<!tpu.dma_semaphore, #tpu.memory_space<semaphore_mem>>, %arg12: memref<!tpu.dma_semaphore, #tpu.memory_space<semaphore_mem>>, %arg13: memref<!tpu.dma_semaphore, #tpu.memory_space<semaphore_mem>>, %arg14: memref<!tpu.dma_semaphore, #tpu.memory_space<semaphore_mem>>, %arg15: memref<!tpu.dma_semaphore, #tpu.memory_space<semaphore_mem>>, %arg16: memref<!tpu.dma_semaphore, #tpu.memory_space<semaphore_mem>>, %arg17: memref<!tpu.dma_semaphore, #tpu.memory_space<semaphore_mem>>, %arg18: memref<!tpu.dma_semaphore, #tpu.memory_space<semaphore_mem>>, %arg19: memref<!tpu.dma_semaphore, #tpu.memory_space<semaphore_mem>>, %arg20: memref<!tpu.dma_semaphore, #tpu.memory_space<semaphore_mem>>, %arg21: memref<!tpu.dma_semaphore, #tpu.memory_space<semaphore_mem>>, %arg22: memref<!tpu.dma_semaphore, #tpu.memory_space<semaphore_mem>>, %arg23: memref<!tpu.dma_semaphore, #tpu.memory_space<semaphore_mem>>) attributes {dimension_semantics = [#tpu.dimension_semantics<core_parallel>, #tpu.dimension_semantics<subcore_parallel>], iteration_bounds = array<i64: 2, 16>, scalar_prefetch = 0 : i64, scratch_operands = 19 : i64, tpu.core_type = #tpu.core_type<sc_vector_subcore>, window_params = [{transform_indices = #map}, {transform_indices = #map1}, {transform_indices = #map2}]} {
    %mul3A = arith.constant 2 : i32
    %mul3A_0 = arith.muli %arg1, %mul3A : i32
    %add3A = arith.addi %mul3A_0, %arg0 : i32
    %mul3A_1 = arith.constant 200 : i32
    %mul3A_2 = arith.muli %add3A, %mul3A_1 : i32
    %mul3A_3 = arith.constant 128 : i32
    %mul3A_4 = arith.muli %mul3A_2, %mul3A_3 : i32
    %dma_start3A = tpu.memref_slice %arg2[%mul3A_4] : memref<819200xi32, #tpu.memory_space<hbm>> -> memref<25600xi32, #tpu.memory_space<hbm>>
    %dma_start3A_5 = tpu.memref_slice %arg2[%mul3A_4] : memref<819200xi32, #tpu.memory_space<hbm>> -> memref<25600xi32, #tpu.memory_space<hbm>>
    tpu.enqueue_dma source(%dma_start3A_5 : memref<25600xi32, #tpu.memory_space<hbm>>) target(%arg5 : memref<25600xi32, #tpu.memory_space<vmem>>) target_semaphore(%arg23 : memref<!tpu.dma_semaphore, #tpu.memory_space<semaphore_mem>>)
    %dma_wait3A = tpu.memref_slice %arg2[%mul3A_4] : memref<819200xi32, #tpu.memory_space<hbm>> -> memref<25600xi32, #tpu.memory_space<hbm>>
    %dma_wait3A_6 = tpu.memref_slice %arg2[%mul3A_4] : memref<819200xi32, #tpu.memory_space<hbm>> -> memref<25600xi32, #tpu.memory_space<hbm>>
    tpu.wait_dma2 semaphore(%arg23 : memref<!tpu.dma_semaphore, #tpu.memory_space<semaphore_mem>>) src(%dma_wait3A_6 : memref<25600xi32, #tpu.memory_space<hbm>>) dst(%arg5 : memref<25600xi32, #tpu.memory_space<vmem>>)
    %iota3A = tpu.iota {dimensions = array<i32: 0>} : vector<16xi32>
    %mul3A_7 = arith.constant 128 : i32
    %mul3A_8 = vector.broadcast %mul3A_7 : i32 to vector<16xi32>
    %mul3A_9 = arith.muli %iota3A, %mul3A_8 : vector<16xi32>
    %dma_start3A_10 = arith.constant 0 : i32
    %dma_start3A_11 = arith.constant 0 : i32
    %dma_start3A_12 = tpu.memref_slice %arg6[%dma_start3A_10, %dma_start3A_11] : memref<1280x32xf32, #tpu.memory_space<vmem>> -> memref<256x32xf32, #tpu.memory_space<vmem>>
    %dma_start3A_13 = arith.constant 0 : i32
    %dma_start3A_14 = tpu.memref_slice %arg5[%dma_start3A_13] : memref<25600xi32, #tpu.memory_space<vmem>> -> memref<256xi32, #tpu.memory_space<vmem>>
    %dma_start3A_15 = arith.constant 0 : i32
    %dma_start3A_16 = arith.constant 0 : i32
    %dma_start3A_17 = tpu.memref_slice %arg3[%dma_start3A_15, %dma_start3A_16] : memref<1000000x32xf32, #tpu.memory_space<hbm>> -> memref<1000000x32xf32, #tpu.memory_space<hbm>>
    tpu.enqueue_indirect_dma source(%dma_start3A_17 : memref<1000000x32xf32, #tpu.memory_space<hbm>>) target(%dma_start3A_12 : memref<256x32xf32, #tpu.memory_space<vmem>>) offsets(%dma_start3A_14 : memref<256xi32, #tpu.memory_space<vmem>>) semaphore(%arg8 : memref<!tpu.dma_semaphore, #tpu.memory_space<semaphore_mem>>)
    %dma_start3A_18 = arith.constant 256 : i32
    %dma_start3A_19 = arith.constant 0 : i32
    %dma_start3A_20 = tpu.memref_slice %arg6[%dma_start3A_18, %dma_start3A_19] : memref<1280x32xf32, #tpu.memory_space<vmem>> -> memref<256x32xf32, #tpu.memory_space<vmem>>
    %dma_start3A_21 = arith.constant 256 : i32
    %dma_start3A_22 = tpu.memref_slice %arg5[%dma_start3A_21] : memref<25600xi32, #tpu.memory_space<vmem>> -> memref<256xi32, #tpu.memory_space<vmem>>
    %dma_start3A_23 = arith.constant 0 : i32
    %dma_start3A_24 = arith.constant 0 : i32
    %dma_start3A_25 = tpu.memref_slice %arg3[%dma_start3A_23, %dma_start3A_24] : memref<1000000x32xf32, #tpu.memory_space<hbm>> -> memref<1000000x32xf32, #tpu.memory_space<hbm>>
    tpu.enqueue_indirect_dma source(%dma_start3A_25 : memref<1000000x32xf32, #tpu.memory_space<hbm>>) target(%dma_start3A_20 : memref<256x32xf32, #tpu.memory_space<vmem>>) offsets(%dma_start3A_22 : memref<256xi32, #tpu.memory_space<vmem>>) semaphore(%arg9 : memref<!tpu.dma_semaphore, #tpu.memory_space<semaphore_mem>>)
    %dma_start3A_26 = arith.constant 512 : i32
    %dma_start3A_27 = arith.constant 0 : i32
    %dma_start3A_28 = tpu.memref_slice %arg6[%dma_start3A_26, %dma_start3A_27] : memref<1280x32xf32, #tpu.memory_space<vmem>> -> memref<256x32xf32, #tpu.memory_space<vmem>>
    %dma_start3A_29 = arith.constant 512 : i32
    %dma_start3A_30 = tpu.memref_slice %arg5[%dma_start3A_29] : memref<25600xi32, #tpu.memory_space<vmem>> -> memref<256xi32, #tpu.memory_space<vmem>>
    %dma_start3A_31 = arith.constant 0 : i32
    %dma_start3A_32 = arith.constant 0 : i32
    %dma_start3A_33 = tpu.memref_slice %arg3[%dma_start3A_31, %dma_start3A_32] : memref<1000000x32xf32, #tpu.memory_space<hbm>> -> memref<1000000x32xf32, #tpu.memory_space<hbm>>
    tpu.enqueue_indirect_dma source(%dma_start3A_33 : memref<1000000x32xf32, #tpu.memory_space<hbm>>) target(%dma_start3A_28 : memref<256x32xf32, #tpu.memory_space<vmem>>) offsets(%dma_start3A_30 : memref<256xi32, #tpu.memory_space<vmem>>) semaphore(%arg10 : memref<!tpu.dma_semaphore, #tpu.memory_space<semaphore_mem>>)
    %dma_start3A_34 = arith.constant 768 : i32
    %dma_start3A_35 = arith.constant 0 : i32
    %dma_start3A_36 = tpu.memref_slice %arg6[%dma_start3A_34, %dma_start3A_35] : memref<1280x32xf32, #tpu.memory_space<vmem>> -> memref<256x32xf32, #tpu.memory_space<vmem>>
    %dma_start3A_37 = arith.constant 768 : i32
    %dma_start3A_38 = tpu.memref_slice %arg5[%dma_start3A_37] : memref<25600xi32, #tpu.memory_space<vmem>> -> memref<256xi32, #tpu.memory_space<vmem>>
    %dma_start3A_39 = arith.constant 0 : i32
    %dma_start3A_40 = arith.constant 0 : i32
    %dma_start3A_41 = tpu.memref_slice %arg3[%dma_start3A_39, %dma_start3A_40] : memref<1000000x32xf32, #tpu.memory_space<hbm>> -> memref<1000000x32xf32, #tpu.memory_space<hbm>>
    tpu.enqueue_indirect_dma source(%dma_start3A_41 : memref<1000000x32xf32, #tpu.memory_space<hbm>>) target(%dma_start3A_36 : memref<256x32xf32, #tpu.memory_space<vmem>>) offsets(%dma_start3A_38 : memref<256xi32, #tpu.memory_space<vmem>>) semaphore(%arg11 : memref<!tpu.dma_semaphore, #tpu.memory_space<semaphore_mem>>)
    %dma_start3A_42 = arith.constant 1024 : i32
    %dma_start3A_43 = arith.constant 0 : i32
    %dma_start3A_44 = tpu.memref_slice %arg6[%dma_start3A_42, %dma_start3A_43] : memref<1280x32xf32, #tpu.memory_space<vmem>> -> memref<256x32xf32, #tpu.memory_space<vmem>>
    %dma_start3A_45 = arith.constant 1024 : i32
    %dma_start3A_46 = tpu.memref_slice %arg5[%dma_start3A_45] : memref<25600xi32, #tpu.memory_space<vmem>> -> memref<256xi32, #tpu.memory_space<vmem>>
    %dma_start3A_47 = arith.constant 0 : i32
    %dma_start3A_48 = arith.constant 0 : i32
    %dma_start3A_49 = tpu.memref_slice %arg3[%dma_start3A_47, %dma_start3A_48] : memref<1000000x32xf32, #tpu.memory_space<hbm>> -> memref<1000000x32xf32, #tpu.memory_space<hbm>>
    tpu.enqueue_indirect_dma source(%dma_start3A_49 : memref<1000000x32xf32, #tpu.memory_space<hbm>>) target(%dma_start3A_44 : memref<256x32xf32, #tpu.memory_space<vmem>>) offsets(%dma_start3A_46 : memref<256xi32, #tpu.memory_space<vmem>>) semaphore(%arg12 : memref<!tpu.dma_semaphore, #tpu.memory_space<semaphore_mem>>)
    %scan3A = arith.constant 0 : i32
    %scan3A_50 = arith.constant 0 : i32
    %scan3A_51 = arith.constant 20 : i32
    %scan3A_52 = arith.addi %scan3A_50, %scan3A_51 : i32
    %scan3A_53 = arith.constant 1 : i32
    scf.for %scan3A_925 = %scan3A_50 to %scan3A_52 step %scan3A_53  : i32 {
      %mul3A_926 = arith.constant 5 : i32
      %mul3A_927 = arith.muli %scan3A_925, %mul3A_926 : i32
      %add3A_928 = arith.constant 0 : i32
      %add3A_929 = arith.addi %mul3A_927, %add3A_928 : i32
      %mul3A_930 = arith.constant 256 : i32
      %mul3A_931 = arith.muli %add3A_929, %mul3A_930 : i32
      %dma_wait3A_932 = arith.constant 0 : i32
      %dma_wait3A_933 = arith.constant 0 : i32
      %dma_wait3A_934 = tpu.memref_slice %arg6[%dma_wait3A_932, %dma_wait3A_933] : memref<1280x32xf32, #tpu.memory_space<vmem>> -> memref<256x32xf32, #tpu.memory_space<vmem>>
      %dma_wait3A_935 = tpu.memref_slice %arg5[%mul3A_931] : memref<25600xi32, #tpu.memory_space<vmem>> -> memref<256xi32, #tpu.memory_space<vmem>>
      %dma_wait3A_936 = arith.constant 0 : i32
      %dma_wait3A_937 = arith.constant 0 : i32
      %dma_wait3A_938 = tpu.memref_slice %arg3[%dma_wait3A_936, %dma_wait3A_937] : memref<1000000x32xf32, #tpu.memory_space<hbm>> -> memref<1000000x32xf32, #tpu.memory_space<hbm>>
      tpu.wait_indirect_dma semaphore(%arg8 : memref<!tpu.dma_semaphore, #tpu.memory_space<semaphore_mem>>) src(%dma_wait3A_938 : memref<1000000x32xf32, #tpu.memory_space<hbm>>) dst(%dma_wait3A_934 : memref<256x32xf32, #tpu.memory_space<vmem>>)
      %gt3A = arith.constant 0 : i32
      %gt3A_939 = arith.cmpi sgt, %scan3A_925, %gt3A : i32
      %convert_element_type3A = arith.extui %gt3A_939 : i1 to i32
      %cond3A = arith.constant 0 : i32
      %cond3A_940 = arith.cmpi ne, %convert_element_type3A, %cond3A : i32
      scf.if %cond3A_940 {
        %sub3A_2002 = arith.constant 5 : i32
        %sub3A_2003 = arith.subi %add3A_929, %sub3A_2002 : i32
        %mul3A_2004 = arith.constant 2 : i32
        %mul3A_2005 = arith.muli %sub3A_2003, %mul3A_2004 : i32
        %add3A_2006 = arith.addi %mul3A_2, %mul3A_2005 : i32
        %add3A_2007 = arith.constant 0 : i32
        %add3A_2008 = arith.addi %add3A_2006, %add3A_2007 : i32
        %jit3A_2009 = arith.constant 128 : i32
        %div3A_2010 = arith.divsi %add3A_2008, %jit3A_2009 : i32
        %sign3A_2011 = arith.constant 0 : i32
        %sign3A_2012 = arith.cmpi sgt, %add3A_2008, %sign3A_2011 : i32
        %sign3A_2013 = arith.extui %sign3A_2012 : i1 to i32
        %sign3A_2014 = arith.constant 0 : i32
        %sign3A_2015 = arith.cmpi slt, %add3A_2008, %sign3A_2014 : i32
        %sign3A_2016 = arith.extui %sign3A_2015 : i1 to i32
        %sign3A_2017 = arith.subi %sign3A_2013, %sign3A_2016 : i32
        %sign3A_2018 = arith.constant 0 : i32
        %sign3A_2019 = arith.cmpi sgt, %jit3A_2009, %sign3A_2018 : i32
        %sign3A_2020 = arith.extui %sign3A_2019 : i1 to i32
        %sign3A_2021 = arith.constant 0 : i32
        %sign3A_2022 = arith.cmpi slt, %jit3A_2009, %sign3A_2021 : i32
        %sign3A_2023 = arith.extui %sign3A_2022 : i1 to i32
        %sign3A_2024 = arith.subi %sign3A_2020, %sign3A_2023 : i32
        %ne3A_2025 = arith.cmpi ne, %sign3A_2017, %sign3A_2024 : i32
        %rem3A_2026 = arith.remsi %add3A_2008, %jit3A_2009 : i32
        %ne3A_2027 = arith.constant 0 : i32
        %ne3A_2028 = arith.cmpi ne, %rem3A_2026, %ne3A_2027 : i32
        %and3A_2029 = arith.andi %ne3A_2025, %ne3A_2028 : i1
        %sub3A_2030 = arith.constant 1 : i32
        %sub3A_2031 = arith.subi %div3A_2010, %sub3A_2030 : i32
        %select_n3A_2032 = arith.select %and3A_2029, %sub3A_2031, %div3A_2010 : i32
        %jit3A_2033 = arith.constant 128 : i32
        %eq3A_2034 = arith.constant 0 : i32
        %eq3A_2035 = arith.cmpi eq, %jit3A_2033, %eq3A_2034 : i32
        %jit3A_2036 = arith.constant 1 : i32
        %select_n3A_2037 = arith.select %eq3A_2035, %jit3A_2036, %jit3A_2033 : i32
        %rem3A_2038 = arith.remsi %add3A_2008, %select_n3A_2037 : i32
        %ne3A_2039 = arith.constant 0 : i32
        %ne3A_2040 = arith.cmpi ne, %rem3A_2038, %ne3A_2039 : i32
        %lt3A_2041 = arith.constant 0 : i32
        %lt3A_2042 = arith.cmpi slt, %rem3A_2038, %lt3A_2041 : i32
        %lt3A_2043 = arith.constant 0 : i32
        %lt3A_2044 = arith.cmpi slt, %select_n3A_2037, %lt3A_2043 : i32
        %ne3A_2045 = arith.xori %lt3A_2042, %lt3A_2044 : i1
        %and3A_2046 = arith.andi %ne3A_2045, %ne3A_2040 : i1
        %add3A_2047 = arith.addi %rem3A_2038, %select_n3A_2037 : i32
        %select_n3A_2048 = arith.select %and3A_2046, %add3A_2047, %rem3A_2038 : i32
        %mul3A_2049 = arith.constant 1024 : i32
        %mul3A_2050 = arith.muli %select_n3A_2048, %mul3A_2049 : i32
        %dma_wait3A_2051 = arith.constant 0 : i32
        %dma_wait3A_2052 = arith.constant 0 : i32
        %dma_wait3A_2053 = tpu.memref_slice %arg7[%dma_wait3A_2052] : memref<40960xf32, #tpu.memory_space<vmem>> -> memref<1024xf32, #tpu.memory_space<vmem>>
        %dma_wait3A_2054 = tpu.memref_slice %arg4[%select_n3A_2032, %dma_wait3A_2051, %mul3A_2050] : memref<50x4x131072xf32, #tpu.memory_space<hbm>> -> memref<1x1x1024xf32, #tpu.memory_space<hbm>>
        %dma_wait3A_2055 = tpu.memref_squeeze %dma_wait3A_2054 : memref<1x1x1024xf32, #tpu.memory_space<hbm>> -> memref<1024xf32, #tpu.memory_space<hbm>>
        %dma_wait3A_2056 = tpu.memref_slice %arg4[%select_n3A_2032, %dma_wait3A_2051, %mul3A_2050] : memref<50x4x131072xf32, #tpu.memory_space<hbm>> -> memref<1x1x1024xf32, #tpu.memory_space<hbm>>
        %dma_wait3A_2057 = tpu.memref_squeeze %dma_wait3A_2056 : memref<1x1x1024xf32, #tpu.memory_space<hbm>> -> memref<1024xf32, #tpu.memory_space<hbm>>
        %dma_wait3A_2058 = arith.constant 0 : i32
        %dma_wait3A_2059 = tpu.memref_slice %arg7[%dma_wait3A_2058] : memref<40960xf32, #tpu.memory_space<vmem>> -> memref<1024xf32, #tpu.memory_space<vmem>>
        tpu.wait_dma2 semaphore(%arg13 : memref<!tpu.dma_semaphore, #tpu.memory_space<semaphore_mem>>) src(%dma_wait3A_2059 : memref<1024xf32, #tpu.memory_space<vmem>>) dst(%dma_wait3A_2057 : memref<1024xf32, #tpu.memory_space<hbm>>)
        %mul3A_2060 = arith.constant 1024 : i32
        %mul3A_2061 = arith.muli %select_n3A_2048, %mul3A_2060 : i32
        %dma_wait3A_2062 = arith.constant 1 : i32
        %dma_wait3A_2063 = arith.constant 1024 : i32
        %dma_wait3A_2064 = tpu.memref_slice %arg7[%dma_wait3A_2063] : memref<40960xf32, #tpu.memory_space<vmem>> -> memref<1024xf32, #tpu.memory_space<vmem>>
        %dma_wait3A_2065 = tpu.memref_slice %arg4[%select_n3A_2032, %dma_wait3A_2062, %mul3A_2061] : memref<50x4x131072xf32, #tpu.memory_space<hbm>> -> memref<1x1x1024xf32, #tpu.memory_space<hbm>>
        %dma_wait3A_2066 = tpu.memref_squeeze %dma_wait3A_2065 : memref<1x1x1024xf32, #tpu.memory_space<hbm>> -> memref<1024xf32, #tpu.memory_space<hbm>>
        %dma_wait3A_2067 = tpu.memref_slice %arg4[%select_n3A_2032, %dma_wait3A_2062, %mul3A_2061] : memref<50x4x131072xf32, #tpu.memory_space<hbm>> -> memref<1x1x1024xf32, #tpu.memory_space<hbm>>
        %dma_wait3A_2068 = tpu.memref_squeeze %dma_wait3A_2067 : memref<1x1x1024xf32, #tpu.memory_space<hbm>> -> memref<1024xf32, #tpu.memory_space<hbm>>
        %dma_wait3A_2069 = arith.constant 1024 : i32
        %dma_wait3A_2070 = tpu.memref_slice %arg7[%dma_wait3A_2069] : memref<40960xf32, #tpu.memory_space<vmem>> -> memref<1024xf32, #tpu.memory_space<vmem>>
        tpu.wait_dma2 semaphore(%arg13 : memref<!tpu.dma_semaphore, #tpu.memory_space<semaphore_mem>>) src(%dma_wait3A_2070 : memref<1024xf32, #tpu.memory_space<vmem>>) dst(%dma_wait3A_2068 : memref<1024xf32, #tpu.memory_space<hbm>>)
        %mul3A_2071 = arith.constant 1024 : i32
        %mul3A_2072 = arith.muli %select_n3A_2048, %mul3A_2071 : i32
        %dma_wait3A_2073 = arith.constant 2 : i32
        %dma_wait3A_2074 = arith.constant 2048 : i32
        %dma_wait3A_2075 = tpu.memref_slice %arg7[%dma_wait3A_2074] : memref<40960xf32, #tpu.memory_space<vmem>> -> memref<1024xf32, #tpu.memory_space<vmem>>
        %dma_wait3A_2076 = tpu.memref_slice %arg4[%select_n3A_2032, %dma_wait3A_2073, %mul3A_2072] : memref<50x4x131072xf32, #tpu.memory_space<hbm>> -> memref<1x1x1024xf32, #tpu.memory_space<hbm>>
        %dma_wait3A_2077 = tpu.memref_squeeze %dma_wait3A_2076 : memref<1x1x1024xf32, #tpu.memory_space<hbm>> -> memref<1024xf32, #tpu.memory_space<hbm>>
        %dma_wait3A_2078 = tpu.memref_slice %arg4[%select_n3A_2032, %dma_wait3A_2073, %mul3A_2072] : memref<50x4x131072xf32, #tpu.memory_space<hbm>> -> memref<1x1x1024xf32, #tpu.memory_space<hbm>>
        %dma_wait3A_2079 = tpu.memref_squeeze %dma_wait3A_2078 : memref<1x1x1024xf32, #tpu.memory_space<hbm>> -> memref<1024xf32, #tpu.memory_space<hbm>>
        %dma_wait3A_2080 = arith.constant 2048 : i32
        %dma_wait3A_2081 = tpu.memref_slice %arg7[%dma_wait3A_2080] : memref<40960xf32, #tpu.memory_space<vmem>> -> memref<1024xf32, #tpu.memory_space<vmem>>
        tpu.wait_dma2 semaphore(%arg13 : memref<!tpu.dma_semaphore, #tpu.memory_space<semaphore_mem>>) src(%dma_wait3A_2081 : memref<1024xf32, #tpu.memory_space<vmem>>) dst(%dma_wait3A_2079 : memref<1024xf32, #tpu.memory_space<hbm>>)
        %mul3A_2082 = arith.constant 1024 : i32
        %mul3A_2083 = arith.muli %select_n3A_2048, %mul3A_2082 : i32
        %dma_wait3A_2084 = arith.constant 3 : i32
        %dma_wait3A_2085 = arith.constant 3072 : i32
        %dma_wait3A_2086 = tpu.memref_slice %arg7[%dma_wait3A_2085] : memref<40960xf32, #tpu.memory_space<vmem>> -> memref<1024xf32, #tpu.memory_space<vmem>>
        %dma_wait3A_2087 = tpu.memref_slice %arg4[%select_n3A_2032, %dma_wait3A_2084, %mul3A_2083] : memref<50x4x131072xf32, #tpu.memory_space<hbm>> -> memref<1x1x1024xf32, #tpu.memory_space<hbm>>
        %dma_wait3A_2088 = tpu.memref_squeeze %dma_wait3A_2087 : memref<1x1x1024xf32, #tpu.memory_space<hbm>> -> memref<1024xf32, #tpu.memory_space<hbm>>
        %dma_wait3A_2089 = tpu.memref_slice %arg4[%select_n3A_2032, %dma_wait3A_2084, %mul3A_2083] : memref<50x4x131072xf32, #tpu.memory_space<hbm>> -> memref<1x1x1024xf32, #tpu.memory_space<hbm>>
        %dma_wait3A_2090 = tpu.memref_squeeze %dma_wait3A_2089 : memref<1x1x1024xf32, #tpu.memory_space<hbm>> -> memref<1024xf32, #tpu.memory_space<hbm>>
        %dma_wait3A_2091 = arith.constant 3072 : i32
        %dma_wait3A_2092 = tpu.memref_slice %arg7[%dma_wait3A_2091] : memref<40960xf32, #tpu.memory_space<vmem>> -> memref<1024xf32, #tpu.memory_space<vmem>>
        tpu.wait_dma2 semaphore(%arg13 : memref<!tpu.dma_semaphore, #tpu.memory_space<semaphore_mem>>) src(%dma_wait3A_2092 : memref<1024xf32, #tpu.memory_space<vmem>>) dst(%dma_wait3A_2090 : memref<1024xf32, #tpu.memory_space<hbm>>)
        %sub3A_2093 = arith.constant 5 : i32
        %sub3A_2094 = arith.subi %add3A_929, %sub3A_2093 : i32
        %mul3A_2095 = arith.constant 2 : i32
        %mul3A_2096 = arith.muli %sub3A_2094, %mul3A_2095 : i32
        %add3A_2097 = arith.addi %mul3A_2, %mul3A_2096 : i32
        %add3A_2098 = arith.constant 1 : i32
        %add3A_2099 = arith.addi %add3A_2097, %add3A_2098 : i32
        %jit3A_2100 = arith.constant 128 : i32
        %div3A_2101 = arith.divsi %add3A_2099, %jit3A_2100 : i32
        %sign3A_2102 = arith.constant 0 : i32
        %sign3A_2103 = arith.cmpi sgt, %add3A_2099, %sign3A_2102 : i32
        %sign3A_2104 = arith.extui %sign3A_2103 : i1 to i32
        %sign3A_2105 = arith.constant 0 : i32
        %sign3A_2106 = arith.cmpi slt, %add3A_2099, %sign3A_2105 : i32
        %sign3A_2107 = arith.extui %sign3A_2106 : i1 to i32
        %sign3A_2108 = arith.subi %sign3A_2104, %sign3A_2107 : i32
        %sign3A_2109 = arith.constant 0 : i32
        %sign3A_2110 = arith.cmpi sgt, %jit3A_2100, %sign3A_2109 : i32
        %sign3A_2111 = arith.extui %sign3A_2110 : i1 to i32
        %sign3A_2112 = arith.constant 0 : i32
        %sign3A_2113 = arith.cmpi slt, %jit3A_2100, %sign3A_2112 : i32
        %sign3A_2114 = arith.extui %sign3A_2113 : i1 to i32
        %sign3A_2115 = arith.subi %sign3A_2111, %sign3A_2114 : i32
        %ne3A_2116 = arith.cmpi ne, %sign3A_2108, %sign3A_2115 : i32
        %rem3A_2117 = arith.remsi %add3A_2099, %jit3A_2100 : i32
        %ne3A_2118 = arith.constant 0 : i32
        %ne3A_2119 = arith.cmpi ne, %rem3A_2117, %ne3A_2118 : i32
        %and3A_2120 = arith.andi %ne3A_2116, %ne3A_2119 : i1
        %sub3A_2121 = arith.constant 1 : i32
        %sub3A_2122 = arith.subi %div3A_2101, %sub3A_2121 : i32
        %select_n3A_2123 = arith.select %and3A_2120, %sub3A_2122, %div3A_2101 : i32
        %jit3A_2124 = arith.constant 128 : i32
        %eq3A_2125 = arith.constant 0 : i32
        %eq3A_2126 = arith.cmpi eq, %jit3A_2124, %eq3A_2125 : i32
        %jit3A_2127 = arith.constant 1 : i32
        %select_n3A_2128 = arith.select %eq3A_2126, %jit3A_2127, %jit3A_2124 : i32
        %rem3A_2129 = arith.remsi %add3A_2099, %select_n3A_2128 : i32
        %ne3A_2130 = arith.constant 0 : i32
        %ne3A_2131 = arith.cmpi ne, %rem3A_2129, %ne3A_2130 : i32
        %lt3A_2132 = arith.constant 0 : i32
        %lt3A_2133 = arith.cmpi slt, %rem3A_2129, %lt3A_2132 : i32
        %lt3A_2134 = arith.constant 0 : i32
        %lt3A_2135 = arith.cmpi slt, %select_n3A_2128, %lt3A_2134 : i32
        %ne3A_2136 = arith.xori %lt3A_2133, %lt3A_2135 : i1
        %and3A_2137 = arith.andi %ne3A_2136, %ne3A_2131 : i1
        %add3A_2138 = arith.addi %rem3A_2129, %select_n3A_2128 : i32
        %select_n3A_2139 = arith.select %and3A_2137, %add3A_2138, %rem3A_2129 : i32
        %mul3A_2140 = arith.constant 1024 : i32
        %mul3A_2141 = arith.muli %select_n3A_2139, %mul3A_2140 : i32
        %dma_wait3A_2142 = arith.constant 0 : i32
        %dma_wait3A_2143 = arith.constant 4096 : i32
        %dma_wait3A_2144 = tpu.memref_slice %arg7[%dma_wait3A_2143] : memref<40960xf32, #tpu.memory_space<vmem>> -> memref<1024xf32, #tpu.memory_space<vmem>>
        %dma_wait3A_2145 = tpu.memref_slice %arg4[%select_n3A_2123, %dma_wait3A_2142, %mul3A_2141] : memref<50x4x131072xf32, #tpu.memory_space<hbm>> -> memref<1x1x1024xf32, #tpu.memory_space<hbm>>
        %dma_wait3A_2146 = tpu.memref_squeeze %dma_wait3A_2145 : memref<1x1x1024xf32, #tpu.memory_space<hbm>> -> memref<1024xf32, #tpu.memory_space<hbm>>
        %dma_wait3A_2147 = tpu.memref_slice %arg4[%select_n3A_2123, %dma_wait3A_2142, %mul3A_2141] : memref<50x4x131072xf32, #tpu.memory_space<hbm>> -> memref<1x1x1024xf32, #tpu.memory_space<hbm>>
        %dma_wait3A_2148 = tpu.memref_squeeze %dma_wait3A_2147 : memref<1x1x1024xf32, #tpu.memory_space<hbm>> -> memref<1024xf32, #tpu.memory_space<hbm>>
        %dma_wait3A_2149 = arith.constant 4096 : i32
        %dma_wait3A_2150 = tpu.memref_slice %arg7[%dma_wait3A_2149] : memref<40960xf32, #tpu.memory_space<vmem>> -> memref<1024xf32, #tpu.memory_space<vmem>>
        tpu.wait_dma2 semaphore(%arg14 : memref<!tpu.dma_semaphore, #tpu.memory_space<semaphore_mem>>) src(%dma_wait3A_2150 : memref<1024xf32, #tpu.memory_space<vmem>>) dst(%dma_wait3A_2148 : memref<1024xf32, #tpu.memory_space<hbm>>)
        %mul3A_2151 = arith.constant 1024 : i32
        %mul3A_2152 = arith.muli %select_n3A_2139, %mul3A_2151 : i32
        %dma_wait3A_2153 = arith.constant 1 : i32
        %dma_wait3A_2154 = arith.constant 5120 : i32
        %dma_wait3A_2155 = tpu.memref_slice %arg7[%dma_wait3A_2154] : memref<40960xf32, #tpu.memory_space<vmem>> -> memref<1024xf32, #tpu.memory_space<vmem>>
        %dma_wait3A_2156 = tpu.memref_slice %arg4[%select_n3A_2123, %dma_wait3A_2153, %mul3A_2152] : memref<50x4x131072xf32, #tpu.memory_space<hbm>> -> memref<1x1x1024xf32, #tpu.memory_space<hbm>>
        %dma_wait3A_2157 = tpu.memref_squeeze %dma_wait3A_2156 : memref<1x1x1024xf32, #tpu.memory_space<hbm>> -> memref<1024xf32, #tpu.memory_space<hbm>>
        %dma_wait3A_2158 = tpu.memref_slice %arg4[%select_n3A_2123, %dma_wait3A_2153, %mul3A_2152] : memref<50x4x131072xf32, #tpu.memory_space<hbm>> -> memref<1x1x1024xf32, #tpu.memory_space<hbm>>
        %dma_wait3A_2159 = tpu.memref_squeeze %dma_wait3A_2158 : memref<1x1x1024xf32, #tpu.memory_space<hbm>> -> memref<1024xf32, #tpu.memory_space<hbm>>
        %dma_wait3A_2160 = arith.constant 5120 : i32
        %dma_wait3A_2161 = tpu.memref_slice %arg7[%dma_wait3A_2160] : memref<40960xf32, #tpu.memory_space<vmem>> -> memref<1024xf32, #tpu.memory_space<vmem>>
        tpu.wait_dma2 semaphore(%arg14 : memref<!tpu.dma_semaphore, #tpu.memory_space<semaphore_mem>>) src(%dma_wait3A_2161 : memref<1024xf32, #tpu.memory_space<vmem>>) dst(%dma_wait3A_2159 : memref<1024xf32, #tpu.memory_space<hbm>>)
        %mul3A_2162 = arith.constant 1024 : i32
        %mul3A_2163 = arith.muli %select_n3A_2139, %mul3A_2162 : i32
        %dma_wait3A_2164 = arith.constant 2 : i32
        %dma_wait3A_2165 = arith.constant 6144 : i32
        %dma_wait3A_2166 = tpu.memref_slice %arg7[%dma_wait3A_2165] : memref<40960xf32, #tpu.memory_space<vmem>> -> memref<1024xf32, #tpu.memory_space<vmem>>
        %dma_wait3A_2167 = tpu.memref_slice %arg4[%select_n3A_2123, %dma_wait3A_2164, %mul3A_2163] : memref<50x4x131072xf32, #tpu.memory_space<hbm>> -> memref<1x1x1024xf32, #tpu.memory_space<hbm>>
        %dma_wait3A_2168 = tpu.memref_squeeze %dma_wait3A_2167 : memref<1x1x1024xf32, #tpu.memory_space<hbm>> -> memref<1024xf32, #tpu.memory_space<hbm>>
        %dma_wait3A_2169 = tpu.memref_slice %arg4[%select_n3A_2123, %dma_wait3A_2164, %mul3A_2163] : memref<50x4x131072xf32, #tpu.memory_space<hbm>> -> memref<1x1x1024xf32, #tpu.memory_space<hbm>>
        %dma_wait3A_2170 = tpu.memref_squeeze %dma_wait3A_2169 : memref<1x1x1024xf32, #tpu.memory_space<hbm>> -> memref<1024xf32, #tpu.memory_space<hbm>>
        %dma_wait3A_2171 = arith.constant 6144 : i32
        %dma_wait3A_2172 = tpu.memref_slice %arg7[%dma_wait3A_2171] : memref<40960xf32, #tpu.memory_space<vmem>> -> memref<1024xf32, #tpu.memory_space<vmem>>
        tpu.wait_dma2 semaphore(%arg14 : memref<!tpu.dma_semaphore, #tpu.memory_space<semaphore_mem>>) src(%dma_wait3A_2172 : memref<1024xf32, #tpu.memory_space<vmem>>) dst(%dma_wait3A_2170 : memref<1024xf32, #tpu.memory_space<hbm>>)
        %mul3A_2173 = arith.constant 1024 : i32
        %mul3A_2174 = arith.muli %select_n3A_2139, %mul3A_2173 : i32
        %dma_wait3A_2175 = arith.constant 3 : i32
        %dma_wait3A_2176 = arith.constant 7168 : i32
        %dma_wait3A_2177 = tpu.memref_slice %arg7[%dma_wait3A_2176] : memref<40960xf32, #tpu.memory_space<vmem>> -> memref<1024xf32, #tpu.memory_space<vmem>>
        %dma_wait3A_2178 = tpu.memref_slice %arg4[%select_n3A_2123, %dma_wait3A_2175, %mul3A_2174] : memref<50x4x131072xf32, #tpu.memory_space<hbm>> -> memref<1x1x1024xf32, #tpu.memory_space<hbm>>
        %dma_wait3A_2179 = tpu.memref_squeeze %dma_wait3A_2178 : memref<1x1x1024xf32, #tpu.memory_space<hbm>> -> memref<1024xf32, #tpu.memory_space<hbm>>
        %dma_wait3A_2180 = tpu.memref_slice %arg4[%select_n3A_2123, %dma_wait3A_2175, %mul3A_2174] : memref<50x4x131072xf32, #tpu.memory_space<hbm>> -> memref<1x1x1024xf32, #tpu.memory_space<hbm>>
        %dma_wait3A_2181 = tpu.memref_squeeze %dma_wait3A_2180 : memref<1x1x1024xf32, #tpu.memory_space<hbm>> -> memref<1024xf32, #tpu.memory_space<hbm>>
        %dma_wait3A_2182 = arith.constant 7168 : i32
        %dma_wait3A_2183 = tpu.memref_slice %arg7[%dma_wait3A_2182] : memref<40960xf32, #tpu.memory_space<vmem>> -> memref<1024xf32, #tpu.memory_space<vmem>>
        tpu.wait_dma2 semaphore(%arg14 : memref<!tpu.dma_semaphore, #tpu.memory_space<semaphore_mem>>) src(%dma_wait3A_2183 : memref<1024xf32, #tpu.memory_space<vmem>>) dst(%dma_wait3A_2181 : memref<1024xf32, #tpu.memory_space<hbm>>)
      } else {
      }
      %add3A_941 = arith.constant 0 : i32
      %add3A_942 = vector.broadcast %add3A_941 : i32 to vector<16xi32>
      %add3A_943 = arith.addi %mul3A_9, %add3A_942 : vector<16xi32>
      %add3A_944 = arith.constant 2048 : i32
      %add3A_945 = vector.broadcast %add3A_944 : i32 to vector<16xi32>
      %add3A_946 = arith.addi %add3A_943, %add3A_945 : vector<16xi32>
      %add3A_947 = arith.constant 4096 : i32
      %add3A_948 = vector.broadcast %add3A_947 : i32 to vector<16xi32>
      %add3A_949 = arith.addi %mul3A_9, %add3A_948 : vector<16xi32>
      %add3A_950 = arith.constant 2048 : i32
      %add3A_951 = vector.broadcast %add3A_950 : i32 to vector<16xi32>
      %add3A_952 = arith.addi %add3A_949, %add3A_951 : vector<16xi32>
      %parallel_loop3A = arith.constant 0 : i32
      %parallel_loop3A_953 = arith.constant 128 : i32
      %parallel_loop3A_954 = arith.constant 1 : i32
      scf.for %parallel_loop3A_2002 = %parallel_loop3A to %parallel_loop3A_953 step %parallel_loop3A_954  : i32 {
        %parallel_loop3A_2003 = arith.constant 0 : i32
        %parallel_loop3A_2004 = arith.addi %parallel_loop3A_2003, %parallel_loop3A_2002 : i32
        %parallel_loop3A_2005 = arith.index_cast %parallel_loop3A_2004 : i32 to index
        %parallel_loop3A_2006 = arith.constant 0 : index
        %parallel_loop3A_2007 = tpu.vector_load %arg6[%parallel_loop3A_2005, %parallel_loop3A_2006] {strides = array<i32>} : memref<1280x32xf32, #tpu.memory_space<vmem>>, vector<16xf32>,
        %parallel_loop3A_2008 = arith.constant 0 : i32
        %parallel_loop3A_2009 = arith.addi %parallel_loop3A_2008, %parallel_loop3A_2002 : i32
        %parallel_loop3A_2010 = arith.index_cast %parallel_loop3A_2009 : i32 to index
        %parallel_loop3A_2011 = arith.constant 16 : index
        %parallel_loop3A_2012 = tpu.vector_load %arg6[%parallel_loop3A_2010, %parallel_loop3A_2011] {strides = array<i32>} : memref<1280x32xf32, #tpu.memory_space<vmem>>, vector<16xf32>,
        %parallel_loop3A_2013 = arith.constant 128 : i32
        %parallel_loop3A_2014 = arith.addi %parallel_loop3A_2013, %parallel_loop3A_2002 : i32
        %parallel_loop3A_2015 = arith.index_cast %parallel_loop3A_2014 : i32 to index
        %parallel_loop3A_2016 = arith.constant 0 : index
        %parallel_loop3A_2017 = tpu.vector_load %arg6[%parallel_loop3A_2015, %parallel_loop3A_2016] {strides = array<i32>} : memref<1280x32xf32, #tpu.memory_space<vmem>>, vector<16xf32>,
        %parallel_loop3A_2018 = arith.constant 128 : i32
        %parallel_loop3A_2019 = arith.addi %parallel_loop3A_2018, %parallel_loop3A_2002 : i32
        %parallel_loop3A_2020 = arith.index_cast %parallel_loop3A_2019 : i32 to index
        %parallel_loop3A_2021 = arith.constant 16 : index
        %parallel_loop3A_2022 = tpu.vector_load %arg6[%parallel_loop3A_2020, %parallel_loop3A_2021] {strides = array<i32>} : memref<1280x32xf32, #tpu.memory_space<vmem>>, vector<16xf32>,
        %parallel_loop3A_2023 = vector.broadcast %parallel_loop3A_2002 : i32 to vector<16xi32>
        %parallel_loop3A_2024 = arith.addi %add3A_943, %parallel_loop3A_2023 : vector<16xi32>
        tpu.vector_store_idx %arg7[%parallel_loop3A_2024], %parallel_loop3A_2007 : memref<40960xf32, #tpu.memory_space<vmem>>[vector<16xi32>], vector<16xf32>,
        %parallel_loop3A_2025 = vector.broadcast %parallel_loop3A_2002 : i32 to vector<16xi32>
        %parallel_loop3A_2026 = arith.addi %add3A_946, %parallel_loop3A_2025 : vector<16xi32>
        tpu.vector_store_idx %arg7[%parallel_loop3A_2026], %parallel_loop3A_2012 : memref<40960xf32, #tpu.memory_space<vmem>>[vector<16xi32>], vector<16xf32>,
        %parallel_loop3A_2027 = vector.broadcast %parallel_loop3A_2002 : i32 to vector<16xi32>
        %parallel_loop3A_2028 = arith.addi %add3A_949, %parallel_loop3A_2027 : vector<16xi32>
        tpu.vector_store_idx %arg7[%parallel_loop3A_2028], %parallel_loop3A_2017 : memref<40960xf32, #tpu.memory_space<vmem>>[vector<16xi32>], vector<16xf32>,
        %parallel_loop3A_2029 = vector.broadcast %parallel_loop3A_2002 : i32 to vector<16xi32>
        %parallel_loop3A_2030 = arith.addi %add3A_952, %parallel_loop3A_2029 : vector<16xi32>
        tpu.vector_store_idx %arg7[%parallel_loop3A_2030], %parallel_loop3A_2022 : memref<40960xf32, #tpu.memory_space<vmem>>[vector<16xi32>], vector<16xf32>,
      } {sc.loop_unroll_factor = 8 : i64, sc.parallel_access}
      %mul3A_955 = arith.constant 2 : i32
      %mul3A_956 = arith.muli %add3A_929, %mul3A_955 : i32
      %add3A_957 = arith.addi %mul3A_2, %mul3A_956 : i32
      %add3A_958 = arith.constant 0 : i32
      %add3A_959 = arith.addi %add3A_957, %add3A_958 : i32
      %jit3A_960 = arith.constant 128 : i32
      %div3A_961 = arith.divsi %add3A_959, %jit3A_960 : i32
      %sign3A_962 = arith.constant 0 : i32
      %sign3A_963 = arith.cmpi sgt, %add3A_959, %sign3A_962 : i32
      %sign3A_964 = arith.extui %sign3A_963 : i1 to i32
      %sign3A_965 = arith.constant 0 : i32
      %sign3A_966 = arith.cmpi slt, %add3A_959, %sign3A_965 : i32
      %sign3A_967 = arith.extui %sign3A_966 : i1 to i32
      %sign3A_968 = arith.subi %sign3A_964, %sign3A_967 : i32
      %sign3A_969 = arith.constant 0 : i32
      %sign3A_970 = arith.cmpi sgt, %jit3A_960, %sign3A_969 : i32
      %sign3A_971 = arith.extui %sign3A_970 : i1 to i32
      %sign3A_972 = arith.constant 0 : i32
      %sign3A_973 = arith.cmpi slt, %jit3A_960, %sign3A_972 : i32
      %sign3A_974 = arith.extui %sign3A_973 : i1 to i32
      %sign3A_975 = arith.subi %sign3A_971, %sign3A_974 : i32
      %ne3A_976 = arith.cmpi ne, %sign3A_968, %sign3A_975 : i32
      %rem3A_977 = arith.remsi %add3A_959, %jit3A_960 : i32
      %ne3A_978 = arith.constant 0 : i32
      %ne3A_979 = arith.cmpi ne, %rem3A_977, %ne3A_978 : i32
      %and3A_980 = arith.andi %ne3A_976, %ne3A_979 : i1
      %sub3A_981 = arith.constant 1 : i32
      %sub3A_982 = arith.subi %div3A_961, %sub3A_981 : i32
      %select_n3A_983 = arith.select %and3A_980, %sub3A_982, %div3A_961 : i32
      %jit3A_984 = arith.constant 128 : i32
      %eq3A_985 = arith.constant 0 : i32
      %eq3A_986 = arith.cmpi eq, %jit3A_984, %eq3A_985 : i32
      %jit3A_987 = arith.constant 1 : i32
      %select_n3A_988 = arith.select %eq3A_986, %jit3A_987, %jit3A_984 : i32
      %rem3A_989 = arith.remsi %add3A_959, %select_n3A_988 : i32
      %ne3A_990 = arith.constant 0 : i32
      %ne3A_991 = arith.cmpi ne, %rem3A_989, %ne3A_990 : i32
      %lt3A_992 = arith.constant 0 : i32
      %lt3A_993 = arith.cmpi slt, %rem3A_989, %lt3A_992 : i32
      %lt3A_994 = arith.constant 0 : i32
      %lt3A_995 = arith.cmpi slt, %select_n3A_988, %lt3A_994 : i32
      %ne3A_996 = arith.xori %lt3A_993, %lt3A_995 : i1
      %and3A_997 = arith.andi %ne3A_996, %ne3A_991 : i1
      %add3A_998 = arith.addi %rem3A_989, %select_n3A_988 : i32
      %select_n3A_999 = arith.select %and3A_997, %add3A_998, %rem3A_989 : i32
      %mul3A_1000 = arith.constant 1024 : i32
      %mul3A_1001 = arith.muli %select_n3A_999, %mul3A_1000 : i32
      %dma_start3A_1002 = arith.constant 0 : i32
      %dma_start3A_1003 = arith.constant 0 : i32
      %dma_start3A_1004 = tpu.memref_slice %arg7[%dma_start3A_1003] : memref<40960xf32, #tpu.memory_space<vmem>> -> memref<1024xf32, #tpu.memory_space<vmem>>
      %dma_start3A_1005 = tpu.memref_slice %arg4[%select_n3A_983, %dma_start3A_1002, %mul3A_1001] : memref<50x4x131072xf32, #tpu.memory_space<hbm>> -> memref<1x1x1024xf32, #tpu.memory_space<hbm>>
      %dma_start3A_1006 = tpu.memref_squeeze %dma_start3A_1005 : memref<1x1x1024xf32, #tpu.memory_space<hbm>> -> memref<1024xf32, #tpu.memory_space<hbm>>
      %dma_start3A_1007 = tpu.memref_slice %arg4[%select_n3A_983, %dma_start3A_1002, %mul3A_1001] : memref<50x4x131072xf32, #tpu.memory_space<hbm>> -> memref<1x1x1024xf32, #tpu.memory_space<hbm>>
      %dma_start3A_1008 = tpu.memref_squeeze %dma_start3A_1007 : memref<1x1x1024xf32, #tpu.memory_space<hbm>> -> memref<1024xf32, #tpu.memory_space<hbm>>
      %dma_start3A_1009 = arith.constant 0 : i32
      %dma_start3A_1010 = tpu.memref_slice %arg7[%dma_start3A_1009] : memref<40960xf32, #tpu.memory_space<vmem>> -> memref<1024xf32, #tpu.memory_space<vmem>>
      tpu.enqueue_dma source(%dma_start3A_1010 : memref<1024xf32, #tpu.memory_space<vmem>>) target(%dma_start3A_1008 : memref<1024xf32, #tpu.memory_space<hbm>>) target_semaphore(%arg13 : memref<!tpu.dma_semaphore, #tpu.memory_space<semaphore_mem>>)
      %mul3A_1011 = arith.constant 1024 : i32
      %mul3A_1012 = arith.muli %select_n3A_999, %mul3A_1011 : i32
      %dma_start3A_1013 = arith.constant 1 : i32
      %dma_start3A_1014 = arith.constant 1024 : i32
      %dma_start3A_1015 = tpu.memref_slice %arg7[%dma_start3A_1014] : memref<40960xf32, #tpu.memory_space<vmem>> -> memref<1024xf32, #tpu.memory_space<vmem>>
      %dma_start3A_1016 = tpu.memref_slice %arg4[%select_n3A_983, %dma_start3A_1013, %mul3A_1012] : memref<50x4x131072xf32, #tpu.memory_space<hbm>> -> memref<1x1x1024xf32, #tpu.memory_space<hbm>>
      %dma_start3A_1017 = tpu.memref_squeeze %dma_start3A_1016 : memref<1x1x1024xf32, #tpu.memory_space<hbm>> -> memref<1024xf32, #tpu.memory_space<hbm>>
      %dma_start3A_1018 = tpu.memref_slice %arg4[%select_n3A_983, %dma_start3A_1013, %mul3A_1012] : memref<50x4x131072xf32, #tpu.memory_space<hbm>> -> memref<1x1x1024xf32, #tpu.memory_space<hbm>>
      %dma_start3A_1019 = tpu.memref_squeeze %dma_start3A_1018 : memref<1x1x1024xf32, #tpu.memory_space<hbm>> -> memref<1024xf32, #tpu.memory_space<hbm>>
      %dma_start3A_1020 = arith.constant 1024 : i32
      %dma_start3A_1021 = tpu.memref_slice %arg7[%dma_start3A_1020] : memref<40960xf32, #tpu.memory_space<vmem>> -> memref<1024xf32, #tpu.memory_space<vmem>>
      tpu.enqueue_dma source(%dma_start3A_1021 : memref<1024xf32, #tpu.memory_space<vmem>>) target(%dma_start3A_1019 : memref<1024xf32, #tpu.memory_space<hbm>>) target_semaphore(%arg13 : memref<!tpu.dma_semaphore, #tpu.memory_space<semaphore_mem>>)
      %mul3A_1022 = arith.constant 1024 : i32
      %mul3A_1023 = arith.muli %select_n3A_999, %mul3A_1022 : i32
      %dma_start3A_1024 = arith.constant 2 : i32
      %dma_start3A_1025 = arith.constant 2048 : i32
      %dma_start3A_1026 = tpu.memref_slice %arg7[%dma_start3A_1025] : memref<40960xf32, #tpu.memory_space<vmem>> -> memref<1024xf32, #tpu.memory_space<vmem>>
      %dma_start3A_1027 = tpu.memref_slice %arg4[%select_n3A_983, %dma_start3A_1024, %mul3A_1023] : memref<50x4x131072xf32, #tpu.memory_space<hbm>> -> memref<1x1x1024xf32, #tpu.memory_space<hbm>>
      %dma_start3A_1028 = tpu.memref_squeeze %dma_start3A_1027 : memref<1x1x1024xf32, #tpu.memory_space<hbm>> -> memref<1024xf32, #tpu.memory_space<hbm>>
      %dma_start3A_1029 = tpu.memref_slice %arg4[%select_n3A_983, %dma_start3A_1024, %mul3A_1023] : memref<50x4x131072xf32, #tpu.memory_space<hbm>> -> memref<1x1x1024xf32, #tpu.memory_space<hbm>>
      %dma_start3A_1030 = tpu.memref_squeeze %dma_start3A_1029 : memref<1x1x1024xf32, #tpu.memory_space<hbm>> -> memref<1024xf32, #tpu.memory_space<hbm>>
      %dma_start3A_1031 = arith.constant 2048 : i32
      %dma_start3A_1032 = tpu.memref_slice %arg7[%dma_start3A_1031] : memref<40960xf32, #tpu.memory_space<vmem>> -> memref<1024xf32, #tpu.memory_space<vmem>>
      tpu.enqueue_dma source(%dma_start3A_1032 : memref<1024xf32, #tpu.memory_space<vmem>>) target(%dma_start3A_1030 : memref<1024xf32, #tpu.memory_space<hbm>>) target_semaphore(%arg13 : memref<!tpu.dma_semaphore, #tpu.memory_space<semaphore_mem>>)
      %mul3A_1033 = arith.constant 1024 : i32
      %mul3A_1034 = arith.muli %select_n3A_999, %mul3A_1033 : i32
      %dma_start3A_1035 = arith.constant 3 : i32
      %dma_start3A_1036 = arith.constant 3072 : i32
      %dma_start3A_1037 = tpu.memref_slice %arg7[%dma_start3A_1036] : memref<40960xf32, #tpu.memory_space<vmem>> -> memref<1024xf32, #tpu.memory_space<vmem>>
      %dma_start3A_1038 = tpu.memref_slice %arg4[%select_n3A_983, %dma_start3A_1035, %mul3A_1034] : memref<50x4x131072xf32, #tpu.memory_space<hbm>> -> memref<1x1x1024xf32, #tpu.memory_space<hbm>>
      %dma_start3A_1039 = tpu.memref_squeeze %dma_start3A_1038 : memref<1x1x1024xf32, #tpu.memory_space<hbm>> -> memref<1024xf32, #tpu.memory_space<hbm>>
      %dma_start3A_1040 = tpu.memref_slice %arg4[%select_n3A_983, %dma_start3A_1035, %mul3A_1034] : memref<50x4x131072xf32, #tpu.memory_space<hbm>> -> memref<1x1x1024xf32, #tpu.memory_space<hbm>>
      %dma_start3A_1041 = tpu.memref_squeeze %dma_start3A_1040 : memref<1x1x1024xf32, #tpu.memory_space<hbm>> -> memref<1024xf32, #tpu.memory_space<hbm>>
      %dma_start3A_1042 = arith.constant 3072 : i32
      %dma_start3A_1043 = tpu.memref_slice %arg7[%dma_start3A_1042] : memref<40960xf32, #tpu.memory_space<vmem>> -> memref<1024xf32, #tpu.memory_space<vmem>>
      tpu.enqueue_dma source(%dma_start3A_1043 : memref<1024xf32, #tpu.memory_space<vmem>>) target(%dma_start3A_1041 : memref<1024xf32, #tpu.memory_space<hbm>>) target_semaphore(%arg13 : memref<!tpu.dma_semaphore, #tpu.memory_space<semaphore_mem>>)
      %mul3A_1044 = arith.constant 2 : i32
      %mul3A_1045 = arith.muli %add3A_929, %mul3A_1044 : i32
      %add3A_1046 = arith.addi %mul3A_2, %mul3A_1045 : i32
      %add3A_1047 = arith.constant 1 : i32
      %add3A_1048 = arith.addi %add3A_1046, %add3A_1047 : i32
      %jit3A_1049 = arith.constant 128 : i32
      %div3A_1050 = arith.divsi %add3A_1048, %jit3A_1049 : i32
      %sign3A_1051 = arith.constant 0 : i32
      %sign3A_1052 = arith.cmpi sgt, %add3A_1048, %sign3A_1051 : i32
      %sign3A_1053 = arith.extui %sign3A_1052 : i1 to i32
      %sign3A_1054 = arith.constant 0 : i32
      %sign3A_1055 = arith.cmpi slt, %add3A_1048, %sign3A_1054 : i32
      %sign3A_1056 = arith.extui %sign3A_1055 : i1 to i32
      %sign3A_1057 = arith.subi %sign3A_1053, %sign3A_1056 : i32
      %sign3A_1058 = arith.constant 0 : i32
      %sign3A_1059 = arith.cmpi sgt, %jit3A_1049, %sign3A_1058 : i32
      %sign3A_1060 = arith.extui %sign3A_1059 : i1 to i32
      %sign3A_1061 = arith.constant 0 : i32
      %sign3A_1062 = arith.cmpi slt, %jit3A_1049, %sign3A_1061 : i32
      %sign3A_1063 = arith.extui %sign3A_1062 : i1 to i32
      %sign3A_1064 = arith.subi %sign3A_1060, %sign3A_1063 : i32
      %ne3A_1065 = arith.cmpi ne, %sign3A_1057, %sign3A_1064 : i32
      %rem3A_1066 = arith.remsi %add3A_1048, %jit3A_1049 : i32
      %ne3A_1067 = arith.constant 0 : i32
      %ne3A_1068 = arith.cmpi ne, %rem3A_1066, %ne3A_1067 : i32
      %and3A_1069 = arith.andi %ne3A_1065, %ne3A_1068 : i1
      %sub3A_1070 = arith.constant 1 : i32
      %sub3A_1071 = arith.subi %div3A_1050, %sub3A_1070 : i32
      %select_n3A_1072 = arith.select %and3A_1069, %sub3A_1071, %div3A_1050 : i32
      %jit3A_1073 = arith.constant 128 : i32
      %eq3A_1074 = arith.constant 0 : i32
      %eq3A_1075 = arith.cmpi eq, %jit3A_1073, %eq3A_1074 : i32
      %jit3A_1076 = arith.constant 1 : i32
      %select_n3A_1077 = arith.select %eq3A_1075, %jit3A_1076, %jit3A_1073 : i32
      %rem3A_1078 = arith.remsi %add3A_1048, %select_n3A_1077 : i32
      %ne3A_1079 = arith.constant 0 : i32
      %ne3A_1080 = arith.cmpi ne, %rem3A_1078, %ne3A_1079 : i32
      %lt3A_1081 = arith.constant 0 : i32
      %lt3A_1082 = arith.cmpi slt, %rem3A_1078, %lt3A_1081 : i32
      %lt3A_1083 = arith.constant 0 : i32
      %lt3A_1084 = arith.cmpi slt, %select_n3A_1077, %lt3A_1083 : i32
      %ne3A_1085 = arith.xori %lt3A_1082, %lt3A_1084 : i1
      %and3A_1086 = arith.andi %ne3A_1085, %ne3A_1080 : i1
      %add3A_1087 = arith.addi %rem3A_1078, %select_n3A_1077 : i32
      %select_n3A_1088 = arith.select %and3A_1086, %add3A_1087, %rem3A_1078 : i32
      %mul3A_1089 = arith.constant 1024 : i32
      %mul3A_1090 = arith.muli %select_n3A_1088, %mul3A_1089 : i32
      %dma_start3A_1091 = arith.constant 0 : i32
      %dma_start3A_1092 = arith.constant 4096 : i32
      %dma_start3A_1093 = tpu.memref_slice %arg7[%dma_start3A_1092] : memref<40960xf32, #tpu.memory_space<vmem>> -> memref<1024xf32, #tpu.memory_space<vmem>>
      %dma_start3A_1094 = tpu.memref_slice %arg4[%select_n3A_1072, %dma_start3A_1091, %mul3A_1090] : memref<50x4x131072xf32, #tpu.memory_space<hbm>> -> memref<1x1x1024xf32, #tpu.memory_space<hbm>>
      %dma_start3A_1095 = tpu.memref_squeeze %dma_start3A_1094 : memref<1x1x1024xf32, #tpu.memory_space<hbm>> -> memref<1024xf32, #tpu.memory_space<hbm>>
      %dma_start3A_1096 = tpu.memref_slice %arg4[%select_n3A_1072, %dma_start3A_1091, %mul3A_1090] : memref<50x4x131072xf32, #tpu.memory_space<hbm>> -> memref<1x1x1024xf32, #tpu.memory_space<hbm>>
      %dma_start3A_1097 = tpu.memref_squeeze %dma_start3A_1096 : memref<1x1x1024xf32, #tpu.memory_space<hbm>> -> memref<1024xf32, #tpu.memory_space<hbm>>
      %dma_start3A_1098 = arith.constant 4096 : i32
      %dma_start3A_1099 = tpu.memref_slice %arg7[%dma_start3A_1098] : memref<40960xf32, #tpu.memory_space<vmem>> -> memref<1024xf32, #tpu.memory_space<vmem>>
      tpu.enqueue_dma source(%dma_start3A_1099 : memref<1024xf32, #tpu.memory_space<vmem>>) target(%dma_start3A_1097 : memref<1024xf32, #tpu.memory_space<hbm>>) target_semaphore(%arg14 : memref<!tpu.dma_semaphore, #tpu.memory_space<semaphore_mem>>)
      %mul3A_1100 = arith.constant 1024 : i32
      %mul3A_1101 = arith.muli %select_n3A_1088, %mul3A_1100 : i32
      %dma_start3A_1102 = arith.constant 1 : i32
      %dma_start3A_1103 = arith.constant 5120 : i32
      %dma_start3A_1104 = tpu.memref_slice %arg7[%dma_start3A_1103] : memref<40960xf32, #tpu.memory_space<vmem>> -> memref<1024xf32, #tpu.memory_space<vmem>>
      %dma_start3A_1105 = tpu.memref_slice %arg4[%select_n3A_1072, %dma_start3A_1102, %mul3A_1101] : memref<50x4x131072xf32, #tpu.memory_space<hbm>> -> memref<1x1x1024xf32, #tpu.memory_space<hbm>>
      %dma_start3A_1106 = tpu.memref_squeeze %dma_start3A_1105 : memref<1x1x1024xf32, #tpu.memory_space<hbm>> -> memref<1024xf32, #tpu.memory_space<hbm>>
      %dma_start3A_1107 = tpu.memref_slice %arg4[%select_n3A_1072, %dma_start3A_1102, %mul3A_1101] : memref<50x4x131072xf32, #tpu.memory_space<hbm>> -> memref<1x1x1024xf32, #tpu.memory_space<hbm>>
      %dma_start3A_1108 = tpu.memref_squeeze %dma_start3A_1107 : memref<1x1x1024xf32, #tpu.memory_space<hbm>> -> memref<1024xf32, #tpu.memory_space<hbm>>
      %dma_start3A_1109 = arith.constant 5120 : i32
      %dma_start3A_1110 = tpu.memref_slice %arg7[%dma_start3A_1109] : memref<40960xf32, #tpu.memory_space<vmem>> -> memref<1024xf32, #tpu.memory_space<vmem>>
      tpu.enqueue_dma source(%dma_start3A_1110 : memref<1024xf32, #tpu.memory_space<vmem>>) target(%dma_start3A_1108 : memref<1024xf32, #tpu.memory_space<hbm>>) target_semaphore(%arg14 : memref<!tpu.dma_semaphore, #tpu.memory_space<semaphore_mem>>)
      %mul3A_1111 = arith.constant 1024 : i32
      %mul3A_1112 = arith.muli %select_n3A_1088, %mul3A_1111 : i32
      %dma_start3A_1113 = arith.constant 2 : i32
      %dma_start3A_1114 = arith.constant 6144 : i32
      %dma_start3A_1115 = tpu.memref_slice %arg7[%dma_start3A_1114] : memref<40960xf32, #tpu.memory_space<vmem>> -> memref<1024xf32, #tpu.memory_space<vmem>>
      %dma_start3A_1116 = tpu.memref_slice %arg4[%select_n3A_1072, %dma_start3A_1113, %mul3A_1112] : memref<50x4x131072xf32, #tpu.memory_space<hbm>> -> memref<1x1x1024xf32, #tpu.memory_space<hbm>>
      %dma_start3A_1117 = tpu.memref_squeeze %dma_start3A_1116 : memref<1x1x1024xf32, #tpu.memory_space<hbm>> -> memref<1024xf32, #tpu.memory_space<hbm>>
      %dma_start3A_1118 = tpu.memref_slice %arg4[%select_n3A_1072, %dma_start3A_1113, %mul3A_1112] : memref<50x4x131072xf32, #tpu.memory_space<hbm>> -> memref<1x1x1024xf32, #tpu.memory_space<hbm>>
      %dma_start3A_1119 = tpu.memref_squeeze %dma_start3A_1118 : memref<1x1x1024xf32, #tpu.memory_space<hbm>> -> memref<1024xf32, #tpu.memory_space<hbm>>
      %dma_start3A_1120 = arith.constant 6144 : i32
      %dma_start3A_1121 = tpu.memref_slice %arg7[%dma_start3A_1120] : memref<40960xf32, #tpu.memory_space<vmem>> -> memref<1024xf32, #tpu.memory_space<vmem>>
      tpu.enqueue_dma source(%dma_start3A_1121 : memref<1024xf32, #tpu.memory_space<vmem>>) target(%dma_start3A_1119 : memref<1024xf32, #tpu.memory_space<hbm>>) target_semaphore(%arg14 : memref<!tpu.dma_semaphore, #tpu.memory_space<semaphore_mem>>)
      %mul3A_1122 = arith.constant 1024 : i32
      %mul3A_1123 = arith.muli %select_n3A_1088, %mul3A_1122 : i32
      %dma_start3A_1124 = arith.constant 3 : i32
      %dma_start3A_1125 = arith.constant 7168 : i32
      %dma_start3A_1126 = tpu.memref_slice %arg7[%dma_start3A_1125] : memref<40960xf32, #tpu.memory_space<vmem>> -> memref<1024xf32, #tpu.memory_space<vmem>>
      %dma_start3A_1127 = tpu.memref_slice %arg4[%select_n3A_1072, %dma_start3A_1124, %mul3A_1123] : memref<50x4x131072xf32, #tpu.memory_space<hbm>> -> memref<1x1x1024xf32, #tpu.memory_space<hbm>>
      %dma_start3A_1128 = tpu.memref_squeeze %dma_start3A_1127 : memref<1x1x1024xf32, #tpu.memory_space<hbm>> -> memref<1024xf32, #tpu.memory_space<hbm>>
      %dma_start3A_1129 = tpu.memref_slice %arg4[%select_n3A_1072, %dma_start3A_1124, %mul3A_1123] : memref<50x4x131072xf32, #tpu.memory_space<hbm>> -> memref<1x1x1024xf32, #tpu.memory_space<hbm>>
      %dma_start3A_1130 = tpu.memref_squeeze %dma_start3A_1129 : memref<1x1x1024xf32, #tpu.memory_space<hbm>> -> memref<1024xf32, #tpu.memory_space<hbm>>
      %dma_start3A_1131 = arith.constant 7168 : i32
      %dma_start3A_1132 = tpu.memref_slice %arg7[%dma_start3A_1131] : memref<40960xf32, #tpu.memory_space<vmem>> -> memref<1024xf32, #tpu.memory_space<vmem>>
      tpu.enqueue_dma source(%dma_start3A_1132 : memref<1024xf32, #tpu.memory_space<vmem>>) target(%dma_start3A_1130 : memref<1024xf32, #tpu.memory_space<hbm>>) target_semaphore(%arg14 : memref<!tpu.dma_semaphore, #tpu.memory_space<semaphore_mem>>)
      %lt3A_1133 = arith.constant 19 : i32
      %lt3A_1134 = arith.cmpi slt, %scan3A_925, %lt3A_1133 : i32
      %convert_element_type3A_1135 = arith.extui %lt3A_1134 : i1 to i32
      %cond3A_1136 = arith.constant 0 : i32
      %cond3A_1137 = arith.cmpi ne, %convert_element_type3A_1135, %cond3A_1136 : i32
      scf.if %cond3A_1137 {
        %add3A_2002 = arith.constant 5 : i32
        %add3A_2003 = arith.addi %add3A_929, %add3A_2002 : i32
        %mul3A_2004 = arith.constant 256 : i32
        %mul3A_2005 = arith.muli %add3A_2003, %mul3A_2004 : i32
        %dma_start3A_2006 = arith.constant 0 : i32
        %dma_start3A_2007 = arith.constant 0 : i32
        %dma_start3A_2008 = tpu.memref_slice %arg6[%dma_start3A_2006, %dma_start3A_2007] : memref<1280x32xf32, #tpu.memory_space<vmem>> -> memref<256x32xf32, #tpu.memory_space<vmem>>
        %dma_start3A_2009 = tpu.memref_slice %arg5[%mul3A_2005] : memref<25600xi32, #tpu.memory_space<vmem>> -> memref<256xi32, #tpu.memory_space<vmem>>
        %dma_start3A_2010 = arith.constant 0 : i32
        %dma_start3A_2011 = arith.constant 0 : i32
        %dma_start3A_2012 = tpu.memref_slice %arg3[%dma_start3A_2010, %dma_start3A_2011] : memref<1000000x32xf32, #tpu.memory_space<hbm>> -> memref<1000000x32xf32, #tpu.memory_space<hbm>>
        tpu.enqueue_indirect_dma source(%dma_start3A_2012 : memref<1000000x32xf32, #tpu.memory_space<hbm>>) target(%dma_start3A_2008 : memref<256x32xf32, #tpu.memory_space<vmem>>) offsets(%dma_start3A_2009 : memref<256xi32, #tpu.memory_space<vmem>>) semaphore(%arg8 : memref<!tpu.dma_semaphore, #tpu.memory_space<semaphore_mem>>)
      } else {
      }
      %mul3A_1138 = arith.constant 5 : i32
      %mul3A_1139 = arith.muli %scan3A_925, %mul3A_1138 : i32
      %add3A_1140 = arith.constant 1 : i32
      %add3A_1141 = arith.addi %mul3A_1139, %add3A_1140 : i32
      %mul3A_1142 = arith.constant 256 : i32
      %mul3A_1143 = arith.muli %add3A_1141, %mul3A_1142 : i32
      %dma_wait3A_1144 = arith.constant 256 : i32
      %dma_wait3A_1145 = arith.constant 0 : i32
      %dma_wait3A_1146 = tpu.memref_slice %arg6[%dma_wait3A_1144, %dma_wait3A_1145] : memref<1280x32xf32, #tpu.memory_space<vmem>> -> memref<256x32xf32, #tpu.memory_space<vmem>>
      %dma_wait3A_1147 = tpu.memref_slice %arg5[%mul3A_1143] : memref<25600xi32, #tpu.memory_space<vmem>> -> memref<256xi32, #tpu.memory_space<vmem>>
      %dma_wait3A_1148 = arith.constant 0 : i32
      %dma_wait3A_1149 = arith.constant 0 : i32
      %dma_wait3A_1150 = tpu.memref_slice %arg3[%dma_wait3A_1148, %dma_wait3A_1149] : memref<1000000x32xf32, #tpu.memory_space<hbm>> -> memref<1000000x32xf32, #tpu.memory_space<hbm>>
      tpu.wait_indirect_dma semaphore(%arg9 : memref<!tpu.dma_semaphore, #tpu.memory_space<semaphore_mem>>) src(%dma_wait3A_1150 : memref<1000000x32xf32, #tpu.memory_space<hbm>>) dst(%dma_wait3A_1146 : memref<256x32xf32, #tpu.memory_space<vmem>>)
      %gt3A_1151 = arith.constant 0 : i32
      %gt3A_1152 = arith.cmpi sgt, %scan3A_925, %gt3A_1151 : i32
      %convert_element_type3A_1153 = arith.extui %gt3A_1152 : i1 to i32
      %cond3A_1154 = arith.constant 0 : i32
      %cond3A_1155 = arith.cmpi ne, %convert_element_type3A_1153, %cond3A_1154 : i32
      scf.if %cond3A_1155 {
        %sub3A_2002 = arith.constant 5 : i32
        %sub3A_2003 = arith.subi %add3A_1141, %sub3A_2002 : i32
        %mul3A_2004 = arith.constant 2 : i32
        %mul3A_2005 = arith.muli %sub3A_2003, %mul3A_2004 : i32
        %add3A_2006 = arith.addi %mul3A_2, %mul3A_2005 : i32
        %add3A_2007 = arith.constant 0 : i32
        %add3A_2008 = arith.addi %add3A_2006, %add3A_2007 : i32
        %jit3A_2009 = arith.constant 128 : i32
        %div3A_2010 = arith.divsi %add3A_2008, %jit3A_2009 : i32
        %sign3A_2011 = arith.constant 0 : i32
        %sign3A_2012 = arith.cmpi sgt, %add3A_2008, %sign3A_2011 : i32
        %sign3A_2013 = arith.extui %sign3A_2012 : i1 to i32
        %sign3A_2014 = arith.constant 0 : i32
        %sign3A_2015 = arith.cmpi slt, %add3A_2008, %sign3A_2014 : i32
        %sign3A_2016 = arith.extui %sign3A_2015 : i1 to i32
        %sign3A_2017 = arith.subi %sign3A_2013, %sign3A_2016 : i32
        %sign3A_2018 = arith.constant 0 : i32
        %sign3A_2019 = arith.cmpi sgt, %jit3A_2009, %sign3A_2018 : i32
        %sign3A_2020 = arith.extui %sign3A_2019 : i1 to i32
        %sign3A_2021 = arith.constant 0 : i32
        %sign3A_2022 = arith.cmpi slt, %jit3A_2009, %sign3A_2021 : i32
        %sign3A_2023 = arith.extui %sign3A_2022 : i1 to i32
        %sign3A_2024 = arith.subi %sign3A_2020, %sign3A_2023 : i32
        %ne3A_2025 = arith.cmpi ne, %sign3A_2017, %sign3A_2024 : i32
        %rem3A_2026 = arith.remsi %add3A_2008, %jit3A_2009 : i32
        %ne3A_2027 = arith.constant 0 : i32
        %ne3A_2028 = arith.cmpi ne, %rem3A_2026, %ne3A_2027 : i32
        %and3A_2029 = arith.andi %ne3A_2025, %ne3A_2028 : i1
        %sub3A_2030 = arith.constant 1 : i32
        %sub3A_2031 = arith.subi %div3A_2010, %sub3A_2030 : i32
        %select_n3A_2032 = arith.select %and3A_2029, %sub3A_2031, %div3A_2010 : i32
        %jit3A_2033 = arith.constant 128 : i32
        %eq3A_2034 = arith.constant 0 : i32
        %eq3A_2035 = arith.cmpi eq, %jit3A_2033, %eq3A_2034 : i32
        %jit3A_2036 = arith.constant 1 : i32
        %select_n3A_2037 = arith.select %eq3A_2035, %jit3A_2036, %jit3A_2033 : i32
        %rem3A_2038 = arith.remsi %add3A_2008, %select_n3A_2037 : i32
        %ne3A_2039 = arith.constant 0 : i32
        %ne3A_2040 = arith.cmpi ne, %rem3A_2038, %ne3A_2039 : i32
        %lt3A_2041 = arith.constant 0 : i32
        %lt3A_2042 = arith.cmpi slt, %rem3A_2038, %lt3A_2041 : i32
        %lt3A_2043 = arith.constant 0 : i32
        %lt3A_2044 = arith.cmpi slt, %select_n3A_2037, %lt3A_2043 : i32
        %ne3A_2045 = arith.xori %lt3A_2042, %lt3A_2044 : i1
        %and3A_2046 = arith.andi %ne3A_2045, %ne3A_2040 : i1
        %add3A_2047 = arith.addi %rem3A_2038, %select_n3A_2037 : i32
        %select_n3A_2048 = arith.select %and3A_2046, %add3A_2047, %rem3A_2038 : i32
        %mul3A_2049 = arith.constant 1024 : i32
        %mul3A_2050 = arith.muli %select_n3A_2048, %mul3A_2049 : i32
        %dma_wait3A_2051 = arith.constant 0 : i32
        %dma_wait3A_2052 = arith.constant 8192 : i32
        %dma_wait3A_2053 = tpu.memref_slice %arg7[%dma_wait3A_2052] : memref<40960xf32, #tpu.memory_space<vmem>> -> memref<1024xf32, #tpu.memory_space<vmem>>
        %dma_wait3A_2054 = tpu.memref_slice %arg4[%select_n3A_2032, %dma_wait3A_2051, %mul3A_2050] : memref<50x4x131072xf32, #tpu.memory_space<hbm>> -> memref<1x1x1024xf32, #tpu.memory_space<hbm>>
        %dma_wait3A_2055 = tpu.memref_squeeze %dma_wait3A_2054 : memref<1x1x1024xf32, #tpu.memory_space<hbm>> -> memref<1024xf32, #tpu.memory_space<hbm>>
        %dma_wait3A_2056 = tpu.memref_slice %arg4[%select_n3A_2032, %dma_wait3A_2051, %mul3A_2050] : memref<50x4x131072xf32, #tpu.memory_space<hbm>> -> memref<1x1x1024xf32, #tpu.memory_space<hbm>>
        %dma_wait3A_2057 = tpu.memref_squeeze %dma_wait3A_2056 : memref<1x1x1024xf32, #tpu.memory_space<hbm>> -> memref<1024xf32, #tpu.memory_space<hbm>>
        %dma_wait3A_2058 = arith.constant 8192 : i32
        %dma_wait3A_2059 = tpu.memref_slice %arg7[%dma_wait3A_2058] : memref<40960xf32, #tpu.memory_space<vmem>> -> memref<1024xf32, #tpu.memory_space<vmem>>
        tpu.wait_dma2 semaphore(%arg15 : memref<!tpu.dma_semaphore, #tpu.memory_space<semaphore_mem>>) src(%dma_wait3A_2059 : memref<1024xf32, #tpu.memory_space<vmem>>) dst(%dma_wait3A_2057 : memref<1024xf32, #tpu.memory_space<hbm>>)
        %mul3A_2060 = arith.constant 1024 : i32
        %mul3A_2061 = arith.muli %select_n3A_2048, %mul3A_2060 : i32
        %dma_wait3A_2062 = arith.constant 1 : i32
        %dma_wait3A_2063 = arith.constant 9216 : i32
        %dma_wait3A_2064 = tpu.memref_slice %arg7[%dma_wait3A_2063] : memref<40960xf32, #tpu.memory_space<vmem>> -> memref<1024xf32, #tpu.memory_space<vmem>>
        %dma_wait3A_2065 = tpu.memref_slice %arg4[%select_n3A_2032, %dma_wait3A_2062, %mul3A_2061] : memref<50x4x131072xf32, #tpu.memory_space<hbm>> -> memref<1x1x1024xf32, #tpu.memory_space<hbm>>
        %dma_wait3A_2066 = tpu.memref_squeeze %dma_wait3A_2065 : memref<1x1x1024xf32, #tpu.memory_space<hbm>> -> memref<1024xf32, #tpu.memory_space<hbm>>
        %dma_wait3A_2067 = tpu.memref_slice %arg4[%select_n3A_2032, %dma_wait3A_2062, %mul3A_2061] : memref<50x4x131072xf32, #tpu.memory_space<hbm>> -> memref<1x1x1024xf32, #tpu.memory_space<hbm>>
        %dma_wait3A_2068 = tpu.memref_squeeze %dma_wait3A_2067 : memref<1x1x1024xf32, #tpu.memory_space<hbm>> -> memref<1024xf32, #tpu.memory_space<hbm>>
        %dma_wait3A_2069 = arith.constant 9216 : i32
        %dma_wait3A_2070 = tpu.memref_slice %arg7[%dma_wait3A_2069] : memref<40960xf32, #tpu.memory_space<vmem>> -> memref<1024xf32, #tpu.memory_space<vmem>>
        tpu.wait_dma2 semaphore(%arg15 : memref<!tpu.dma_semaphore, #tpu.memory_space<semaphore_mem>>) src(%dma_wait3A_2070 : memref<1024xf32, #tpu.memory_space<vmem>>) dst(%dma_wait3A_2068 : memref<1024xf32, #tpu.memory_space<hbm>>)
        %mul3A_2071 = arith.constant 1024 : i32
        %mul3A_2072 = arith.muli %select_n3A_2048, %mul3A_2071 : i32
        %dma_wait3A_2073 = arith.constant 2 : i32
        %dma_wait3A_2074 = arith.constant 10240 : i32
        %dma_wait3A_2075 = tpu.memref_slice %arg7[%dma_wait3A_2074] : memref<40960xf32, #tpu.memory_space<vmem>> -> memref<1024xf32, #tpu.memory_space<vmem>>
        %dma_wait3A_2076 = tpu.memref_slice %arg4[%select_n3A_2032, %dma_wait3A_2073, %mul3A_2072] : memref<50x4x131072xf32, #tpu.memory_space<hbm>> -> memref<1x1x1024xf32, #tpu.memory_space<hbm>>
        %dma_wait3A_2077 = tpu.memref_squeeze %dma_wait3A_2076 : memref<1x1x1024xf32, #tpu.memory_space<hbm>> -> memref<1024xf32, #tpu.memory_space<hbm>>
        %dma_wait3A_2078 = tpu.memref_slice %arg4[%select_n3A_2032, %dma_wait3A_2073, %mul3A_2072] : memref<50x4x131072xf32, #tpu.memory_space<hbm>> -> memref<1x1x1024xf32, #tpu.memory_space<hbm>>
        %dma_wait3A_2079 = tpu.memref_squeeze %dma_wait3A_2078 : memref<1x1x1024xf32, #tpu.memory_space<hbm>> -> memref<1024xf32, #tpu.memory_space<hbm>>
        %dma_wait3A_2080 = arith.constant 10240 : i32
        %dma_wait3A_2081 = tpu.memref_slice %arg7[%dma_wait3A_2080] : memref<40960xf32, #tpu.memory_space<vmem>> -> memref<1024xf32, #tpu.memory_space<vmem>>
        tpu.wait_dma2 semaphore(%arg15 : memref<!tpu.dma_semaphore, #tpu.memory_space<semaphore_mem>>) src(%dma_wait3A_2081 : memref<1024xf32, #tpu.memory_space<vmem>>) dst(%dma_wait3A_2079 : memref<1024xf32, #tpu.memory_space<hbm>>)
        %mul3A_2082 = arith.constant 1024 : i32
        %mul3A_2083 = arith.muli %select_n3A_2048, %mul3A_2082 : i32
        %dma_wait3A_2084 = arith.constant 3 : i32
        %dma_wait3A_2085 = arith.constant 11264 : i32
        %dma_wait3A_2086 = tpu.memref_slice %arg7[%dma_wait3A_2085] : memref<40960xf32, #tpu.memory_space<vmem>> -> memref<1024xf32, #tpu.memory_space<vmem>>
        %dma_wait3A_2087 = tpu.memref_slice %arg4[%select_n3A_2032, %dma_wait3A_2084, %mul3A_2083] : memref<50x4x131072xf32, #tpu.memory_space<hbm>> -> memref<1x1x1024xf32, #tpu.memory_space<hbm>>
        %dma_wait3A_2088 = tpu.memref_squeeze %dma_wait3A_2087 : memref<1x1x1024xf32, #tpu.memory_space<hbm>> -> memref<1024xf32, #tpu.memory_space<hbm>>
        %dma_wait3A_2089 = tpu.memref_slice %arg4[%select_n3A_2032, %dma_wait3A_2084, %mul3A_2083] : memref<50x4x131072xf32, #tpu.memory_space<hbm>> -> memref<1x1x1024xf32, #tpu.memory_space<hbm>>
        %dma_wait3A_2090 = tpu.memref_squeeze %dma_wait3A_2089 : memref<1x1x1024xf32, #tpu.memory_space<hbm>> -> memref<1024xf32, #tpu.memory_space<hbm>>
        %dma_wait3A_2091 = arith.constant 11264 : i32
        %dma_wait3A_2092 = tpu.memref_slice %arg7[%dma_wait3A_2091] : memref<40960xf32, #tpu.memory_space<vmem>> -> memref<1024xf32, #tpu.memory_space<vmem>>
        tpu.wait_dma2 semaphore(%arg15 : memref<!tpu.dma_semaphore, #tpu.memory_space<semaphore_mem>>) src(%dma_wait3A_2092 : memref<1024xf32, #tpu.memory_space<vmem>>) dst(%dma_wait3A_2090 : memref<1024xf32, #tpu.memory_space<hbm>>)
        %sub3A_2093 = arith.constant 5 : i32
        %sub3A_2094 = arith.subi %add3A_1141, %sub3A_2093 : i32
        %mul3A_2095 = arith.constant 2 : i32
        %mul3A_2096 = arith.muli %sub3A_2094, %mul3A_2095 : i32
        %add3A_2097 = arith.addi %mul3A_2, %mul3A_2096 : i32
        %add3A_2098 = arith.constant 1 : i32
        %add3A_2099 = arith.addi %add3A_2097, %add3A_2098 : i32
        %jit3A_2100 = arith.constant 128 : i32
        %div3A_2101 = arith.divsi %add3A_2099, %jit3A_2100 : i32
        %sign3A_2102 = arith.constant 0 : i32
        %sign3A_2103 = arith.cmpi sgt, %add3A_2099, %sign3A_2102 : i32
        %sign3A_2104 = arith.extui %sign3A_2103 : i1 to i32
        %sign3A_2105 = arith.constant 0 : i32
        %sign3A_2106 = arith.cmpi slt, %add3A_2099, %sign3A_2105 : i32
        %sign3A_2107 = arith.extui %sign3A_2106 : i1 to i32
        %sign3A_2108 = arith.subi %sign3A_2104, %sign3A_2107 : i32
        %sign3A_2109 = arith.constant 0 : i32
        %sign3A_2110 = arith.cmpi sgt, %jit3A_2100, %sign3A_2109 : i32
        %sign3A_2111 = arith.extui %sign3A_2110 : i1 to i32
        %sign3A_2112 = arith.constant 0 : i32
        %sign3A_2113 = arith.cmpi slt, %jit3A_2100, %sign3A_2112 : i32
        %sign3A_2114 = arith.extui %sign3A_2113 : i1 to i32
        %sign3A_2115 = arith.subi %sign3A_2111, %sign3A_2114 : i32
        %ne3A_2116 = arith.cmpi ne, %sign3A_2108, %sign3A_2115 : i32
        %rem3A_2117 = arith.remsi %add3A_2099, %jit3A_2100 : i32
        %ne3A_2118 = arith.constant 0 : i32
        %ne3A_2119 = arith.cmpi ne, %rem3A_2117, %ne3A_2118 : i32
        %and3A_2120 = arith.andi %ne3A_2116, %ne3A_2119 : i1
        %sub3A_2121 = arith.constant 1 : i32
        %sub3A_2122 = arith.subi %div3A_2101, %sub3A_2121 : i32
        %select_n3A_2123 = arith.select %and3A_2120, %sub3A_2122, %div3A_2101 : i32
        %jit3A_2124 = arith.constant 128 : i32
        %eq3A_2125 = arith.constant 0 : i32
        %eq3A_2126 = arith.cmpi eq, %jit3A_2124, %eq3A_2125 : i32
        %jit3A_2127 = arith.constant 1 : i32
        %select_n3A_2128 = arith.select %eq3A_2126, %jit3A_2127, %jit3A_2124 : i32
        %rem3A_2129 = arith.remsi %add3A_2099, %select_n3A_2128 : i32
        %ne3A_2130 = arith.constant 0 : i32
        %ne3A_2131 = arith.cmpi ne, %rem3A_2129, %ne3A_2130 : i32
        %lt3A_2132 = arith.constant 0 : i32
        %lt3A_2133 = arith.cmpi slt, %rem3A_2129, %lt3A_2132 : i32
        %lt3A_2134 = arith.constant 0 : i32
        %lt3A_2135 = arith.cmpi slt, %select_n3A_2128, %lt3A_2134 : i32
        %ne3A_2136 = arith.xori %lt3A_2133, %lt3A_2135 : i1
        %and3A_2137 = arith.andi %ne3A_2136, %ne3A_2131 : i1
        %add3A_2138 = arith.addi %rem3A_2129, %select_n3A_2128 : i32
        %select_n3A_2139 = arith.select %and3A_2137, %add3A_2138, %rem3A_2129 : i32
        %mul3A_2140 = arith.constant 1024 : i32
        %mul3A_2141 = arith.muli %select_n3A_2139, %mul3A_2140 : i32
        %dma_wait3A_2142 = arith.constant 0 : i32
        %dma_wait3A_2143 = arith.constant 12288 : i32
        %dma_wait3A_2144 = tpu.memref_slice %arg7[%dma_wait3A_2143] : memref<40960xf32, #tpu.memory_space<vmem>> -> memref<1024xf32, #tpu.memory_space<vmem>>
        %dma_wait3A_2145 = tpu.memref_slice %arg4[%select_n3A_2123, %dma_wait3A_2142, %mul3A_2141] : memref<50x4x131072xf32, #tpu.memory_space<hbm>> -> memref<1x1x1024xf32, #tpu.memory_space<hbm>>
        %dma_wait3A_2146 = tpu.memref_squeeze %dma_wait3A_2145 : memref<1x1x1024xf32, #tpu.memory_space<hbm>> -> memref<1024xf32, #tpu.memory_space<hbm>>
        %dma_wait3A_2147 = tpu.memref_slice %arg4[%select_n3A_2123, %dma_wait3A_2142, %mul3A_2141] : memref<50x4x131072xf32, #tpu.memory_space<hbm>> -> memref<1x1x1024xf32, #tpu.memory_space<hbm>>
        %dma_wait3A_2148 = tpu.memref_squeeze %dma_wait3A_2147 : memref<1x1x1024xf32, #tpu.memory_space<hbm>> -> memref<1024xf32, #tpu.memory_space<hbm>>
        %dma_wait3A_2149 = arith.constant 12288 : i32
        %dma_wait3A_2150 = tpu.memref_slice %arg7[%dma_wait3A_2149] : memref<40960xf32, #tpu.memory_space<vmem>> -> memref<1024xf32, #tpu.memory_space<vmem>>
        tpu.wait_dma2 semaphore(%arg16 : memref<!tpu.dma_semaphore, #tpu.memory_space<semaphore_mem>>) src(%dma_wait3A_2150 : memref<1024xf32, #tpu.memory_space<vmem>>) dst(%dma_wait3A_2148 : memref<1024xf32, #tpu.memory_space<hbm>>)
        %mul3A_2151 = arith.constant 1024 : i32
        %mul3A_2152 = arith.muli %select_n3A_2139, %mul3A_2151 : i32
        %dma_wait3A_2153 = arith.constant 1 : i32
        %dma_wait3A_2154 = arith.constant 13312 : i32
        %dma_wait3A_2155 = tpu.memref_slice %arg7[%dma_wait3A_2154] : memref<40960xf32, #tpu.memory_space<vmem>> -> memref<1024xf32, #tpu.memory_space<vmem>>
        %dma_wait3A_2156 = tpu.memref_slice %arg4[%select_n3A_2123, %dma_wait3A_2153, %mul3A_2152] : memref<50x4x131072xf32, #tpu.memory_space<hbm>> -> memref<1x1x1024xf32, #tpu.memory_space<hbm>>
        %dma_wait3A_2157 = tpu.memref_squeeze %dma_wait3A_2156 : memref<1x1x1024xf32, #tpu.memory_space<hbm>> -> memref<1024xf32, #tpu.memory_space<hbm>>
        %dma_wait3A_2158 = tpu.memref_slice %arg4[%select_n3A_2123, %dma_wait3A_2153, %mul3A_2152] : memref<50x4x131072xf32, #tpu.memory_space<hbm>> -> memref<1x1x1024xf32, #tpu.memory_space<hbm>>
        %dma_wait3A_2159 = tpu.memref_squeeze %dma_wait3A_2158 : memref<1x1x1024xf32, #tpu.memory_space<hbm>> -> memref<1024xf32, #tpu.memory_space<hbm>>
        %dma_wait3A_2160 = arith.constant 13312 : i32
        %dma_wait3A_2161 = tpu.memref_slice %arg7[%dma_wait3A_2160] : memref<40960xf32, #tpu.memory_space<vmem>> -> memref<1024xf32, #tpu.memory_space<vmem>>
        tpu.wait_dma2 semaphore(%arg16 : memref<!tpu.dma_semaphore, #tpu.memory_space<semaphore_mem>>) src(%dma_wait3A_2161 : memref<1024xf32, #tpu.memory_space<vmem>>) dst(%dma_wait3A_2159 : memref<1024xf32, #tpu.memory_space<hbm>>)
        %mul3A_2162 = arith.constant 1024 : i32
        %mul3A_2163 = arith.muli %select_n3A_2139, %mul3A_2162 : i32
        %dma_wait3A_2164 = arith.constant 2 : i32
        %dma_wait3A_2165 = arith.constant 14336 : i32
        %dma_wait3A_2166 = tpu.memref_slice %arg7[%dma_wait3A_2165] : memref<40960xf32, #tpu.memory_space<vmem>> -> memref<1024xf32, #tpu.memory_space<vmem>>
        %dma_wait3A_2167 = tpu.memref_slice %arg4[%select_n3A_2123, %dma_wait3A_2164, %mul3A_2163] : memref<50x4x131072xf32, #tpu.memory_space<hbm>> -> memref<1x1x1024xf32, #tpu.memory_space<hbm>>
        %dma_wait3A_2168 = tpu.memref_squeeze %dma_wait3A_2167 : memref<1x1x1024xf32, #tpu.memory_space<hbm>> -> memref<1024xf32, #tpu.memory_space<hbm>>
        %dma_wait3A_2169 = tpu.memref_slice %arg4[%select_n3A_2123, %dma_wait3A_2164, %mul3A_2163] : memref<50x4x131072xf32, #tpu.memory_space<hbm>> -> memref<1x1x1024xf32, #tpu.memory_space<hbm>>
        %dma_wait3A_2170 = tpu.memref_squeeze %dma_wait3A_2169 : memref<1x1x1024xf32, #tpu.memory_space<hbm>> -> memref<1024xf32, #tpu.memory_space<hbm>>
        %dma_wait3A_2171 = arith.constant 14336 : i32
        %dma_wait3A_2172 = tpu.memref_slice %arg7[%dma_wait3A_2171] : memref<40960xf32, #tpu.memory_space<vmem>> -> memref<1024xf32, #tpu.memory_space<vmem>>
        tpu.wait_dma2 semaphore(%arg16 : memref<!tpu.dma_semaphore, #tpu.memory_space<semaphore_mem>>) src(%dma_wait3A_2172 : memref<1024xf32, #tpu.memory_space<vmem>>) dst(%dma_wait3A_2170 : memref<1024xf32, #tpu.memory_space<hbm>>)
        %mul3A_2173 = arith.constant 1024 : i32
        %mul3A_2174 = arith.muli %select_n3A_2139, %mul3A_2173 : i32
        %dma_wait3A_2175 = arith.constant 3 : i32
        %dma_wait3A_2176 = arith.constant 15360 : i32
        %dma_wait3A_2177 = tpu.memref_slice %arg7[%dma_wait3A_2176] : memref<40960xf32, #tpu.memory_space<vmem>> -> memref<1024xf32, #tpu.memory_space<vmem>>
        %dma_wait3A_2178 = tpu.memref_slice %arg4[%select_n3A_2123, %dma_wait3A_2175, %mul3A_2174] : memref<50x4x131072xf32, #tpu.memory_space<hbm>> -> memref<1x1x1024xf32, #tpu.memory_space<hbm>>
        %dma_wait3A_2179 = tpu.memref_squeeze %dma_wait3A_2178 : memref<1x1x1024xf32, #tpu.memory_space<hbm>> -> memref<1024xf32, #tpu.memory_space<hbm>>
        %dma_wait3A_2180 = tpu.memref_slice %arg4[%select_n3A_2123, %dma_wait3A_2175, %mul3A_2174] : memref<50x4x131072xf32, #tpu.memory_space<hbm>> -> memref<1x1x1024xf32, #tpu.memory_space<hbm>>
        %dma_wait3A_2181 = tpu.memref_squeeze %dma_wait3A_2180 : memref<1x1x1024xf32, #tpu.memory_space<hbm>> -> memref<1024xf32, #tpu.memory_space<hbm>>
        %dma_wait3A_2182 = arith.constant 15360 : i32
        %dma_wait3A_2183 = tpu.memref_slice %arg7[%dma_wait3A_2182] : memref<40960xf32, #tpu.memory_space<vmem>> -> memref<1024xf32, #tpu.memory_space<vmem>>
        tpu.wait_dma2 semaphore(%arg16 : memref<!tpu.dma_semaphore, #tpu.memory_space<semaphore_mem>>) src(%dma_wait3A_2183 : memref<1024xf32, #tpu.memory_space<vmem>>) dst(%dma_wait3A_2181 : memref<1024xf32, #tpu.memory_space<hbm>>)
      } else {
      }
      %add3A_1156 = arith.constant 8192 : i32
      %add3A_1157 = vector.broadcast %add3A_1156 : i32 to vector<16xi32>
      %add3A_1158 = arith.addi %mul3A_9, %add3A_1157 : vector<16xi32>
      %add3A_1159 = arith.constant 2048 : i32
      %add3A_1160 = vector.broadcast %add3A_1159 : i32 to vector<16xi32>
      %add3A_1161 = arith.addi %add3A_1158, %add3A_1160 : vector<16xi32>
      %add3A_1162 = arith.constant 12288 : i32
      %add3A_1163 = vector.broadcast %add3A_1162 : i32 to vector<16xi32>
      %add3A_1164 = arith.addi %mul3A_9, %add3A_1163 : vector<16xi32>
      %add3A_1165 = arith.constant 2048 : i32
      %add3A_1166 = vector.broadcast %add3A_1165 : i32 to vector<16xi32>
      %add3A_1167 = arith.addi %add3A_1164, %add3A_1166 : vector<16xi32>
      %parallel_loop3A_1168 = arith.constant 0 : i32
      %parallel_loop3A_1169 = arith.constant 128 : i32
      %parallel_loop3A_1170 = arith.constant 1 : i32
      scf.for %parallel_loop3A_2002 = %parallel_loop3A_1168 to %parallel_loop3A_1169 step %parallel_loop3A_1170  : i32 {
        %parallel_loop3A_2003 = arith.constant 256 : i32
        %parallel_loop3A_2004 = arith.addi %parallel_loop3A_2003, %parallel_loop3A_2002 : i32
        %parallel_loop3A_2005 = arith.index_cast %parallel_loop3A_2004 : i32 to index
        %parallel_loop3A_2006 = arith.constant 0 : index
        %parallel_loop3A_2007 = tpu.vector_load %arg6[%parallel_loop3A_2005, %parallel_loop3A_2006] {strides = array<i32>} : memref<1280x32xf32, #tpu.memory_space<vmem>>, vector<16xf32>,
        %parallel_loop3A_2008 = arith.constant 256 : i32
        %parallel_loop3A_2009 = arith.addi %parallel_loop3A_2008, %parallel_loop3A_2002 : i32
        %parallel_loop3A_2010 = arith.index_cast %parallel_loop3A_2009 : i32 to index
        %parallel_loop3A_2011 = arith.constant 16 : index
        %parallel_loop3A_2012 = tpu.vector_load %arg6[%parallel_loop3A_2010, %parallel_loop3A_2011] {strides = array<i32>} : memref<1280x32xf32, #tpu.memory_space<vmem>>, vector<16xf32>,
        %parallel_loop3A_2013 = arith.constant 384 : i32
        %parallel_loop3A_2014 = arith.addi %parallel_loop3A_2013, %parallel_loop3A_2002 : i32
        %parallel_loop3A_2015 = arith.index_cast %parallel_loop3A_2014 : i32 to index
        %parallel_loop3A_2016 = arith.constant 0 : index
        %parallel_loop3A_2017 = tpu.vector_load %arg6[%parallel_loop3A_2015, %parallel_loop3A_2016] {strides = array<i32>} : memref<1280x32xf32, #tpu.memory_space<vmem>>, vector<16xf32>,
        %parallel_loop3A_2018 = arith.constant 384 : i32
        %parallel_loop3A_2019 = arith.addi %parallel_loop3A_2018, %parallel_loop3A_2002 : i32
        %parallel_loop3A_2020 = arith.index_cast %parallel_loop3A_2019 : i32 to index
        %parallel_loop3A_2021 = arith.constant 16 : index
        %parallel_loop3A_2022 = tpu.vector_load %arg6[%parallel_loop3A_2020, %parallel_loop3A_2021] {strides = array<i32>} : memref<1280x32xf32, #tpu.memory_space<vmem>>, vector<16xf32>,
        %parallel_loop3A_2023 = vector.broadcast %parallel_loop3A_2002 : i32 to vector<16xi32>
        %parallel_loop3A_2024 = arith.addi %add3A_1158, %parallel_loop3A_2023 : vector<16xi32>
        tpu.vector_store_idx %arg7[%parallel_loop3A_2024], %parallel_loop3A_2007 : memref<40960xf32, #tpu.memory_space<vmem>>[vector<16xi32>], vector<16xf32>,
        %parallel_loop3A_2025 = vector.broadcast %parallel_loop3A_2002 : i32 to vector<16xi32>
        %parallel_loop3A_2026 = arith.addi %add3A_1161, %parallel_loop3A_2025 : vector<16xi32>
        tpu.vector_store_idx %arg7[%parallel_loop3A_2026], %parallel_loop3A_2012 : memref<40960xf32, #tpu.memory_space<vmem>>[vector<16xi32>], vector<16xf32>,
        %parallel_loop3A_2027 = vector.broadcast %parallel_loop3A_2002 : i32 to vector<16xi32>
        %parallel_loop3A_2028 = arith.addi %add3A_1164, %parallel_loop3A_2027 : vector<16xi32>
        tpu.vector_store_idx %arg7[%parallel_loop3A_2028], %parallel_loop3A_2017 : memref<40960xf32, #tpu.memory_space<vmem>>[vector<16xi32>], vector<16xf32>,
        %parallel_loop3A_2029 = vector.broadcast %parallel_loop3A_2002 : i32 to vector<16xi32>
        %parallel_loop3A_2030 = arith.addi %add3A_1167, %parallel_loop3A_2029 : vector<16xi32>
        tpu.vector_store_idx %arg7[%parallel_loop3A_2030], %parallel_loop3A_2022 : memref<40960xf32, #tpu.memory_space<vmem>>[vector<16xi32>], vector<16xf32>,
      } {sc.loop_unroll_factor = 8 : i64, sc.parallel_access}
      %mul3A_1171 = arith.constant 2 : i32
      %mul3A_1172 = arith.muli %add3A_1141, %mul3A_1171 : i32
      %add3A_1173 = arith.addi %mul3A_2, %mul3A_1172 : i32
      %add3A_1174 = arith.constant 0 : i32
      %add3A_1175 = arith.addi %add3A_1173, %add3A_1174 : i32
      %jit3A_1176 = arith.constant 128 : i32
      %div3A_1177 = arith.divsi %add3A_1175, %jit3A_1176 : i32
      %sign3A_1178 = arith.constant 0 : i32
      %sign3A_1179 = arith.cmpi sgt, %add3A_1175, %sign3A_1178 : i32
      %sign3A_1180 = arith.extui %sign3A_1179 : i1 to i32
      %sign3A_1181 = arith.constant 0 : i32
      %sign3A_1182 = arith.cmpi slt, %add3A_1175, %sign3A_1181 : i32
      %sign3A_1183 = arith.extui %sign3A_1182 : i1 to i32
      %sign3A_1184 = arith.subi %sign3A_1180, %sign3A_1183 : i32
      %sign3A_1185 = arith.constant 0 : i32
      %sign3A_1186 = arith.cmpi sgt, %jit3A_1176, %sign3A_1185 : i32
      %sign3A_1187 = arith.extui %sign3A_1186 : i1 to i32
      %sign3A_1188 = arith.constant 0 : i32
      %sign3A_1189 = arith.cmpi slt, %jit3A_1176, %sign3A_1188 : i32
      %sign3A_1190 = arith.extui %sign3A_1189 : i1 to i32
      %sign3A_1191 = arith.subi %sign3A_1187, %sign3A_1190 : i32
      %ne3A_1192 = arith.cmpi ne, %sign3A_1184, %sign3A_1191 : i32
      %rem3A_1193 = arith.remsi %add3A_1175, %jit3A_1176 : i32
      %ne3A_1194 = arith.constant 0 : i32
      %ne3A_1195 = arith.cmpi ne, %rem3A_1193, %ne3A_1194 : i32
      %and3A_1196 = arith.andi %ne3A_1192, %ne3A_1195 : i1
      %sub3A_1197 = arith.constant 1 : i32
      %sub3A_1198 = arith.subi %div3A_1177, %sub3A_1197 : i32
      %select_n3A_1199 = arith.select %and3A_1196, %sub3A_1198, %div3A_1177 : i32
      %jit3A_1200 = arith.constant 128 : i32
      %eq3A_1201 = arith.constant 0 : i32
      %eq3A_1202 = arith.cmpi eq, %jit3A_1200, %eq3A_1201 : i32
      %jit3A_1203 = arith.constant 1 : i32
      %select_n3A_1204 = arith.select %eq3A_1202, %jit3A_1203, %jit3A_1200 : i32
      %rem3A_1205 = arith.remsi %add3A_1175, %select_n3A_1204 : i32
      %ne3A_1206 = arith.constant 0 : i32
      %ne3A_1207 = arith.cmpi ne, %rem3A_1205, %ne3A_1206 : i32
      %lt3A_1208 = arith.constant 0 : i32
      %lt3A_1209 = arith.cmpi slt, %rem3A_1205, %lt3A_1208 : i32
      %lt3A_1210 = arith.constant 0 : i32
      %lt3A_1211 = arith.cmpi slt, %select_n3A_1204, %lt3A_1210 : i32
      %ne3A_1212 = arith.xori %lt3A_1209, %lt3A_1211 : i1
      %and3A_1213 = arith.andi %ne3A_1212, %ne3A_1207 : i1
      %add3A_1214 = arith.addi %rem3A_1205, %select_n3A_1204 : i32
      %select_n3A_1215 = arith.select %and3A_1213, %add3A_1214, %rem3A_1205 : i32
      %mul3A_1216 = arith.constant 1024 : i32
      %mul3A_1217 = arith.muli %select_n3A_1215, %mul3A_1216 : i32
      %dma_start3A_1218 = arith.constant 0 : i32
      %dma_start3A_1219 = arith.constant 8192 : i32
      %dma_start3A_1220 = tpu.memref_slice %arg7[%dma_start3A_1219] : memref<40960xf32, #tpu.memory_space<vmem>> -> memref<1024xf32, #tpu.memory_space<vmem>>
      %dma_start3A_1221 = tpu.memref_slice %arg4[%select_n3A_1199, %dma_start3A_1218, %mul3A_1217] : memref<50x4x131072xf32, #tpu.memory_space<hbm>> -> memref<1x1x1024xf32, #tpu.memory_space<hbm>>
      %dma_start3A_1222 = tpu.memref_squeeze %dma_start3A_1221 : memref<1x1x1024xf32, #tpu.memory_space<hbm>> -> memref<1024xf32, #tpu.memory_space<hbm>>
      %dma_start3A_1223 = tpu.memref_slice %arg4[%select_n3A_1199, %dma_start3A_1218, %mul3A_1217] : memref<50x4x131072xf32, #tpu.memory_space<hbm>> -> memref<1x1x1024xf32, #tpu.memory_space<hbm>>
      %dma_start3A_1224 = tpu.memref_squeeze %dma_start3A_1223 : memref<1x1x1024xf32, #tpu.memory_space<hbm>> -> memref<1024xf32, #tpu.memory_space<hbm>>
      %dma_start3A_1225 = arith.constant 8192 : i32
      %dma_start3A_1226 = tpu.memref_slice %arg7[%dma_start3A_1225] : memref<40960xf32, #tpu.memory_space<vmem>> -> memref<1024xf32, #tpu.memory_space<vmem>>
      tpu.enqueue_dma source(%dma_start3A_1226 : memref<1024xf32, #tpu.memory_space<vmem>>) target(%dma_start3A_1224 : memref<1024xf32, #tpu.memory_space<hbm>>) target_semaphore(%arg15 : memref<!tpu.dma_semaphore, #tpu.memory_space<semaphore_mem>>)
      %mul3A_1227 = arith.constant 1024 : i32
      %mul3A_1228 = arith.muli %select_n3A_1215, %mul3A_1227 : i32
      %dma_start3A_1229 = arith.constant 1 : i32
      %dma_start3A_1230 = arith.constant 9216 : i32
      %dma_start3A_1231 = tpu.memref_slice %arg7[%dma_start3A_1230] : memref<40960xf32, #tpu.memory_space<vmem>> -> memref<1024xf32, #tpu.memory_space<vmem>>
      %dma_start3A_1232 = tpu.memref_slice %arg4[%select_n3A_1199, %dma_start3A_1229, %mul3A_1228] : memref<50x4x131072xf32, #tpu.memory_space<hbm>> -> memref<1x1x1024xf32, #tpu.memory_space<hbm>>
      %dma_start3A_1233 = tpu.memref_squeeze %dma_start3A_1232 : memref<1x1x1024xf32, #tpu.memory_space<hbm>> -> memref<1024xf32, #tpu.memory_space<hbm>>
      %dma_start3A_1234 = tpu.memref_slice %arg4[%select_n3A_1199, %dma_start3A_1229, %mul3A_1228] : memref<50x4x131072xf32, #tpu.memory_space<hbm>> -> memref<1x1x1024xf32, #tpu.memory_space<hbm>>
      %dma_start3A_1235 = tpu.memref_squeeze %dma_start3A_1234 : memref<1x1x1024xf32, #tpu.memory_space<hbm>> -> memref<1024xf32, #tpu.memory_space<hbm>>
      %dma_start3A_1236 = arith.constant 9216 : i32
      %dma_start3A_1237 = tpu.memref_slice %arg7[%dma_start3A_1236] : memref<40960xf32, #tpu.memory_space<vmem>> -> memref<1024xf32, #tpu.memory_space<vmem>>
      tpu.enqueue_dma source(%dma_start3A_1237 : memref<1024xf32, #tpu.memory_space<vmem>>) target(%dma_start3A_1235 : memref<1024xf32, #tpu.memory_space<hbm>>) target_semaphore(%arg15 : memref<!tpu.dma_semaphore, #tpu.memory_space<semaphore_mem>>)
      %mul3A_1238 = arith.constant 1024 : i32
      %mul3A_1239 = arith.muli %select_n3A_1215, %mul3A_1238 : i32
      %dma_start3A_1240 = arith.constant 2 : i32
      %dma_start3A_1241 = arith.constant 10240 : i32
      %dma_start3A_1242 = tpu.memref_slice %arg7[%dma_start3A_1241] : memref<40960xf32, #tpu.memory_space<vmem>> -> memref<1024xf32, #tpu.memory_space<vmem>>
      %dma_start3A_1243 = tpu.memref_slice %arg4[%select_n3A_1199, %dma_start3A_1240, %mul3A_1239] : memref<50x4x131072xf32, #tpu.memory_space<hbm>> -> memref<1x1x1024xf32, #tpu.memory_space<hbm>>
      %dma_start3A_1244 = tpu.memref_squeeze %dma_start3A_1243 : memref<1x1x1024xf32, #tpu.memory_space<hbm>> -> memref<1024xf32, #tpu.memory_space<hbm>>
      %dma_start3A_1245 = tpu.memref_slice %arg4[%select_n3A_1199, %dma_start3A_1240, %mul3A_1239] : memref<50x4x131072xf32, #tpu.memory_space<hbm>> -> memref<1x1x1024xf32, #tpu.memory_space<hbm>>
      %dma_start3A_1246 = tpu.memref_squeeze %dma_start3A_1245 : memref<1x1x1024xf32, #tpu.memory_space<hbm>> -> memref<1024xf32, #tpu.memory_space<hbm>>
      %dma_start3A_1247 = arith.constant 10240 : i32
      %dma_start3A_1248 = tpu.memref_slice %arg7[%dma_start3A_1247] : memref<40960xf32, #tpu.memory_space<vmem>> -> memref<1024xf32, #tpu.memory_space<vmem>>
      tpu.enqueue_dma source(%dma_start3A_1248 : memref<1024xf32, #tpu.memory_space<vmem>>) target(%dma_start3A_1246 : memref<1024xf32, #tpu.memory_space<hbm>>) target_semaphore(%arg15 : memref<!tpu.dma_semaphore, #tpu.memory_space<semaphore_mem>>)
      %mul3A_1249 = arith.constant 1024 : i32
      %mul3A_1250 = arith.muli %select_n3A_1215, %mul3A_1249 : i32
      %dma_start3A_1251 = arith.constant 3 : i32
      %dma_start3A_1252 = arith.constant 11264 : i32
      %dma_start3A_1253 = tpu.memref_slice %arg7[%dma_start3A_1252] : memref<40960xf32, #tpu.memory_space<vmem>> -> memref<1024xf32, #tpu.memory_space<vmem>>
      %dma_start3A_1254 = tpu.memref_slice %arg4[%select_n3A_1199, %dma_start3A_1251, %mul3A_1250] : memref<50x4x131072xf32, #tpu.memory_space<hbm>> -> memref<1x1x1024xf32, #tpu.memory_space<hbm>>
      %dma_start3A_1255 = tpu.memref_squeeze %dma_start3A_1254 : memref<1x1x1024xf32, #tpu.memory_space<hbm>> -> memref<1024xf32, #tpu.memory_space<hbm>>
      %dma_start3A_1256 = tpu.memref_slice %arg4[%select_n3A_1199, %dma_start3A_1251, %mul3A_1250] : memref<50x4x131072xf32, #tpu.memory_space<hbm>> -> memref<1x1x1024xf32, #tpu.memory_space<hbm>>
      %dma_start3A_1257 = tpu.memref_squeeze %dma_start3A_1256 : memref<1x1x1024xf32, #tpu.memory_space<hbm>> -> memref<1024xf32, #tpu.memory_space<hbm>>
      %dma_start3A_1258 = arith.constant 11264 : i32
      %dma_start3A_1259 = tpu.memref_slice %arg7[%dma_start3A_1258] : memref<40960xf32, #tpu.memory_space<vmem>> -> memref<1024xf32, #tpu.memory_space<vmem>>
      tpu.enqueue_dma source(%dma_start3A_1259 : memref<1024xf32, #tpu.memory_space<vmem>>) target(%dma_start3A_1257 : memref<1024xf32, #tpu.memory_space<hbm>>) target_semaphore(%arg15 : memref<!tpu.dma_semaphore, #tpu.memory_space<semaphore_mem>>)
      %mul3A_1260 = arith.constant 2 : i32
      %mul3A_1261 = arith.muli %add3A_1141, %mul3A_1260 : i32
      %add3A_1262 = arith.addi %mul3A_2, %mul3A_1261 : i32
      %add3A_1263 = arith.constant 1 : i32
      %add3A_1264 = arith.addi %add3A_1262, %add3A_1263 : i32
      %jit3A_1265 = arith.constant 128 : i32
      %div3A_1266 = arith.divsi %add3A_1264, %jit3A_1265 : i32
      %sign3A_1267 = arith.constant 0 : i32
      %sign3A_1268 = arith.cmpi sgt, %add3A_1264, %sign3A_1267 : i32
      %sign3A_1269 = arith.extui %sign3A_1268 : i1 to i32
      %sign3A_1270 = arith.constant 0 : i32
      %sign3A_1271 = arith.cmpi slt, %add3A_1264, %sign3A_1270 : i32
      %sign3A_1272 = arith.extui %sign3A_1271 : i1 to i32
      %sign3A_1273 = arith.subi %sign3A_1269, %sign3A_1272 : i32
      %sign3A_1274 = arith.constant 0 : i32
      %sign3A_1275 = arith.cmpi sgt, %jit3A_1265, %sign3A_1274 : i32
      %sign3A_1276 = arith.extui %sign3A_1275 : i1 to i32
      %sign3A_1277 = arith.constant 0 : i32
      %sign3A_1278 = arith.cmpi slt, %jit3A_1265, %sign3A_1277 : i32
      %sign3A_1279 = arith.extui %sign3A_1278 : i1 to i32
      %sign3A_1280 = arith.subi %sign3A_1276, %sign3A_1279 : i32
      %ne3A_1281 = arith.cmpi ne, %sign3A_1273, %sign3A_1280 : i32
      %rem3A_1282 = arith.remsi %add3A_1264, %jit3A_1265 : i32
      %ne3A_1283 = arith.constant 0 : i32
      %ne3A_1284 = arith.cmpi ne, %rem3A_1282, %ne3A_1283 : i32
      %and3A_1285 = arith.andi %ne3A_1281, %ne3A_1284 : i1
      %sub3A_1286 = arith.constant 1 : i32
      %sub3A_1287 = arith.subi %div3A_1266, %sub3A_1286 : i32
      %select_n3A_1288 = arith.select %and3A_1285, %sub3A_1287, %div3A_1266 : i32
      %jit3A_1289 = arith.constant 128 : i32
      %eq3A_1290 = arith.constant 0 : i32
      %eq3A_1291 = arith.cmpi eq, %jit3A_1289, %eq3A_1290 : i32
      %jit3A_1292 = arith.constant 1 : i32
      %select_n3A_1293 = arith.select %eq3A_1291, %jit3A_1292, %jit3A_1289 : i32
      %rem3A_1294 = arith.remsi %add3A_1264, %select_n3A_1293 : i32
      %ne3A_1295 = arith.constant 0 : i32
      %ne3A_1296 = arith.cmpi ne, %rem3A_1294, %ne3A_1295 : i32
      %lt3A_1297 = arith.constant 0 : i32
      %lt3A_1298 = arith.cmpi slt, %rem3A_1294, %lt3A_1297 : i32
      %lt3A_1299 = arith.constant 0 : i32
      %lt3A_1300 = arith.cmpi slt, %select_n3A_1293, %lt3A_1299 : i32
      %ne3A_1301 = arith.xori %lt3A_1298, %lt3A_1300 : i1
      %and3A_1302 = arith.andi %ne3A_1301, %ne3A_1296 : i1
      %add3A_1303 = arith.addi %rem3A_1294, %select_n3A_1293 : i32
      %select_n3A_1304 = arith.select %and3A_1302, %add3A_1303, %rem3A_1294 : i32
      %mul3A_1305 = arith.constant 1024 : i32
      %mul3A_1306 = arith.muli %select_n3A_1304, %mul3A_1305 : i32
      %dma_start3A_1307 = arith.constant 0 : i32
      %dma_start3A_1308 = arith.constant 12288 : i32
      %dma_start3A_1309 = tpu.memref_slice %arg7[%dma_start3A_1308] : memref<40960xf32, #tpu.memory_space<vmem>> -> memref<1024xf32, #tpu.memory_space<vmem>>
      %dma_start3A_1310 = tpu.memref_slice %arg4[%select_n3A_1288, %dma_start3A_1307, %mul3A_1306] : memref<50x4x131072xf32, #tpu.memory_space<hbm>> -> memref<1x1x1024xf32, #tpu.memory_space<hbm>>
      %dma_start3A_1311 = tpu.memref_squeeze %dma_start3A_1310 : memref<1x1x1024xf32, #tpu.memory_space<hbm>> -> memref<1024xf32, #tpu.memory_space<hbm>>
      %dma_start3A_1312 = tpu.memref_slice %arg4[%select_n3A_1288, %dma_start3A_1307, %mul3A_1306] : memref<50x4x131072xf32, #tpu.memory_space<hbm>> -> memref<1x1x1024xf32, #tpu.memory_space<hbm>>
      %dma_start3A_1313 = tpu.memref_squeeze %dma_start3A_1312 : memref<1x1x1024xf32, #tpu.memory_space<hbm>> -> memref<1024xf32, #tpu.memory_space<hbm>>
      %dma_start3A_1314 = arith.constant 12288 : i32
      %dma_start3A_1315 = tpu.memref_slice %arg7[%dma_start3A_1314] : memref<40960xf32, #tpu.memory_space<vmem>> -> memref<1024xf32, #tpu.memory_space<vmem>>
      tpu.enqueue_dma source(%dma_start3A_1315 : memref<1024xf32, #tpu.memory_space<vmem>>) target(%dma_start3A_1313 : memref<1024xf32, #tpu.memory_space<hbm>>) target_semaphore(%arg16 : memref<!tpu.dma_semaphore, #tpu.memory_space<semaphore_mem>>)
      %mul3A_1316 = arith.constant 1024 : i32
      %mul3A_1317 = arith.muli %select_n3A_1304, %mul3A_1316 : i32
      %dma_start3A_1318 = arith.constant 1 : i32
      %dma_start3A_1319 = arith.constant 13312 : i32
      %dma_start3A_1320 = tpu.memref_slice %arg7[%dma_start3A_1319] : memref<40960xf32, #tpu.memory_space<vmem>> -> memref<1024xf32, #tpu.memory_space<vmem>>
      %dma_start3A_1321 = tpu.memref_slice %arg4[%select_n3A_1288, %dma_start3A_1318, %mul3A_1317] : memref<50x4x131072xf32, #tpu.memory_space<hbm>> -> memref<1x1x1024xf32, #tpu.memory_space<hbm>>
      %dma_start3A_1322 = tpu.memref_squeeze %dma_start3A_1321 : memref<1x1x1024xf32, #tpu.memory_space<hbm>> -> memref<1024xf32, #tpu.memory_space<hbm>>
      %dma_start3A_1323 = tpu.memref_slice %arg4[%select_n3A_1288, %dma_start3A_1318, %mul3A_1317] : memref<50x4x131072xf32, #tpu.memory_space<hbm>> -> memref<1x1x1024xf32, #tpu.memory_space<hbm>>
      %dma_start3A_1324 = tpu.memref_squeeze %dma_start3A_1323 : memref<1x1x1024xf32, #tpu.memory_space<hbm>> -> memref<1024xf32, #tpu.memory_space<hbm>>
      %dma_start3A_1325 = arith.constant 13312 : i32
      %dma_start3A_1326 = tpu.memref_slice %arg7[%dma_start3A_1325] : memref<40960xf32, #tpu.memory_space<vmem>> -> memref<1024xf32, #tpu.memory_space<vmem>>
      tpu.enqueue_dma source(%dma_start3A_1326 : memref<1024xf32, #tpu.memory_space<vmem>>) target(%dma_start3A_1324 : memref<1024xf32, #tpu.memory_space<hbm>>) target_semaphore(%arg16 : memref<!tpu.dma_semaphore, #tpu.memory_space<semaphore_mem>>)
      %mul3A_1327 = arith.constant 1024 : i32
      %mul3A_1328 = arith.muli %select_n3A_1304, %mul3A_1327 : i32
      %dma_start3A_1329 = arith.constant 2 : i32
      %dma_start3A_1330 = arith.constant 14336 : i32
      %dma_start3A_1331 = tpu.memref_slice %arg7[%dma_start3A_1330] : memref<40960xf32, #tpu.memory_space<vmem>> -> memref<1024xf32, #tpu.memory_space<vmem>>
      %dma_start3A_1332 = tpu.memref_slice %arg4[%select_n3A_1288, %dma_start3A_1329, %mul3A_1328] : memref<50x4x131072xf32, #tpu.memory_space<hbm>> -> memref<1x1x1024xf32, #tpu.memory_space<hbm>>
      %dma_start3A_1333 = tpu.memref_squeeze %dma_start3A_1332 : memref<1x1x1024xf32, #tpu.memory_space<hbm>> -> memref<1024xf32, #tpu.memory_space<hbm>>
      %dma_start3A_1334 = tpu.memref_slice %arg4[%select_n3A_1288, %dma_start3A_1329, %mul3A_1328] : memref<50x4x131072xf32, #tpu.memory_space<hbm>> -> memref<1x1x1024xf32, #tpu.memory_space<hbm>>
      %dma_start3A_1335 = tpu.memref_squeeze %dma_start3A_1334 : memref<1x1x1024xf32, #tpu.memory_space<hbm>> -> memref<1024xf32, #tpu.memory_space<hbm>>
      %dma_start3A_1336 = arith.constant 14336 : i32
      %dma_start3A_1337 = tpu.memref_slice %arg7[%dma_start3A_1336] : memref<40960xf32, #tpu.memory_space<vmem>> -> memref<1024xf32, #tpu.memory_space<vmem>>
      tpu.enqueue_dma source(%dma_start3A_1337 : memref<1024xf32, #tpu.memory_space<vmem>>) target(%dma_start3A_1335 : memref<1024xf32, #tpu.memory_space<hbm>>) target_semaphore(%arg16 : memref<!tpu.dma_semaphore, #tpu.memory_space<semaphore_mem>>)
      %mul3A_1338 = arith.constant 1024 : i32
      %mul3A_1339 = arith.muli %select_n3A_1304, %mul3A_1338 : i32
      %dma_start3A_1340 = arith.constant 3 : i32
      %dma_start3A_1341 = arith.constant 15360 : i32
      %dma_start3A_1342 = tpu.memref_slice %arg7[%dma_start3A_1341] : memref<40960xf32, #tpu.memory_space<vmem>> -> memref<1024xf32, #tpu.memory_space<vmem>>
      %dma_start3A_1343 = tpu.memref_slice %arg4[%select_n3A_1288, %dma_start3A_1340, %mul3A_1339] : memref<50x4x131072xf32, #tpu.memory_space<hbm>> -> memref<1x1x1024xf32, #tpu.memory_space<hbm>>
      %dma_start3A_1344 = tpu.memref_squeeze %dma_start3A_1343 : memref<1x1x1024xf32, #tpu.memory_space<hbm>> -> memref<1024xf32, #tpu.memory_space<hbm>>
      %dma_start3A_1345 = tpu.memref_slice %arg4[%select_n3A_1288, %dma_start3A_1340, %mul3A_1339] : memref<50x4x131072xf32, #tpu.memory_space<hbm>> -> memref<1x1x1024xf32, #tpu.memory_space<hbm>>
      %dma_start3A_1346 = tpu.memref_squeeze %dma_start3A_1345 : memref<1x1x1024xf32, #tpu.memory_space<hbm>> -> memref<1024xf32, #tpu.memory_space<hbm>>
      %dma_start3A_1347 = arith.constant 15360 : i32
      %dma_start3A_1348 = tpu.memref_slice %arg7[%dma_start3A_1347] : memref<40960xf32, #tpu.memory_space<vmem>> -> memref<1024xf32, #tpu.memory_space<vmem>>
      tpu.enqueue_dma source(%dma_start3A_1348 : memref<1024xf32, #tpu.memory_space<vmem>>) target(%dma_start3A_1346 : memref<1024xf32, #tpu.memory_space<hbm>>) target_semaphore(%arg16 : memref<!tpu.dma_semaphore, #tpu.memory_space<semaphore_mem>>)
      %lt3A_1349 = arith.constant 19 : i32
      %lt3A_1350 = arith.cmpi slt, %scan3A_925, %lt3A_1349 : i32
      %convert_element_type3A_1351 = arith.extui %lt3A_1350 : i1 to i32
      %cond3A_1352 = arith.constant 0 : i32
      %cond3A_1353 = arith.cmpi ne, %convert_element_type3A_1351, %cond3A_1352 : i32
      scf.if %cond3A_1353 {
        %add3A_2002 = arith.constant 5 : i32
        %add3A_2003 = arith.addi %add3A_1141, %add3A_2002 : i32
        %mul3A_2004 = arith.constant 256 : i32
        %mul3A_2005 = arith.muli %add3A_2003, %mul3A_2004 : i32
        %dma_start3A_2006 = arith.constant 256 : i32
        %dma_start3A_2007 = arith.constant 0 : i32
        %dma_start3A_2008 = tpu.memref_slice %arg6[%dma_start3A_2006, %dma_start3A_2007] : memref<1280x32xf32, #tpu.memory_space<vmem>> -> memref<256x32xf32, #tpu.memory_space<vmem>>
        %dma_start3A_2009 = tpu.memref_slice %arg5[%mul3A_2005] : memref<25600xi32, #tpu.memory_space<vmem>> -> memref<256xi32, #tpu.memory_space<vmem>>
        %dma_start3A_2010 = arith.constant 0 : i32
        %dma_start3A_2011 = arith.constant 0 : i32
        %dma_start3A_2012 = tpu.memref_slice %arg3[%dma_start3A_2010, %dma_start3A_2011] : memref<1000000x32xf32, #tpu.memory_space<hbm>> -> memref<1000000x32xf32, #tpu.memory_space<hbm>>
        tpu.enqueue_indirect_dma source(%dma_start3A_2012 : memref<1000000x32xf32, #tpu.memory_space<hbm>>) target(%dma_start3A_2008 : memref<256x32xf32, #tpu.memory_space<vmem>>) offsets(%dma_start3A_2009 : memref<256xi32, #tpu.memory_space<vmem>>) semaphore(%arg9 : memref<!tpu.dma_semaphore, #tpu.memory_space<semaphore_mem>>)
      } else {
      }
      %mul3A_1354 = arith.constant 5 : i32
      %mul3A_1355 = arith.muli %scan3A_925, %mul3A_1354 : i32
      %add3A_1356 = arith.constant 2 : i32
      %add3A_1357 = arith.addi %mul3A_1355, %add3A_1356 : i32
      %mul3A_1358 = arith.constant 256 : i32
      %mul3A_1359 = arith.muli %add3A_1357, %mul3A_1358 : i32
      %dma_wait3A_1360 = arith.constant 512 : i32
      %dma_wait3A_1361 = arith.constant 0 : i32
      %dma_wait3A_1362 = tpu.memref_slice %arg6[%dma_wait3A_1360, %dma_wait3A_1361] : memref<1280x32xf32, #tpu.memory_space<vmem>> -> memref<256x32xf32, #tpu.memory_space<vmem>>
      %dma_wait3A_1363 = tpu.memref_slice %arg5[%mul3A_1359] : memref<25600xi32, #tpu.memory_space<vmem>> -> memref<256xi32, #tpu.memory_space<vmem>>
      %dma_wait3A_1364 = arith.constant 0 : i32
      %dma_wait3A_1365 = arith.constant 0 : i32
      %dma_wait3A_1366 = tpu.memref_slice %arg3[%dma_wait3A_1364, %dma_wait3A_1365] : memref<1000000x32xf32, #tpu.memory_space<hbm>> -> memref<1000000x32xf32, #tpu.memory_space<hbm>>
      tpu.wait_indirect_dma semaphore(%arg10 : memref<!tpu.dma_semaphore, #tpu.memory_space<semaphore_mem>>) src(%dma_wait3A_1366 : memref<1000000x32xf32, #tpu.memory_space<hbm>>) dst(%dma_wait3A_1362 : memref<256x32xf32, #tpu.memory_space<vmem>>)
      %gt3A_1367 = arith.constant 0 : i32
      %gt3A_1368 = arith.cmpi sgt, %scan3A_925, %gt3A_1367 : i32
      %convert_element_type3A_1369 = arith.extui %gt3A_1368 : i1 to i32
      %cond3A_1370 = arith.constant 0 : i32
      %cond3A_1371 = arith.cmpi ne, %convert_element_type3A_1369, %cond3A_1370 : i32
      scf.if %cond3A_1371 {
        %sub3A_2002 = arith.constant 5 : i32
        %sub3A_2003 = arith.subi %add3A_1357, %sub3A_2002 : i32
        %mul3A_2004 = arith.constant 2 : i32
        %mul3A_2005 = arith.muli %sub3A_2003, %mul3A_2004 : i32
        %add3A_2006 = arith.addi %mul3A_2, %mul3A_2005 : i32
        %add3A_2007 = arith.constant 0 : i32
        %add3A_2008 = arith.addi %add3A_2006, %add3A_2007 : i32
        %jit3A_2009 = arith.constant 128 : i32
        %div3A_2010 = arith.divsi %add3A_2008, %jit3A_2009 : i32
        %sign3A_2011 = arith.constant 0 : i32
        %sign3A_2012 = arith.cmpi sgt, %add3A_2008, %sign3A_2011 : i32
        %sign3A_2013 = arith.extui %sign3A_2012 : i1 to i32
        %sign3A_2014 = arith.constant 0 : i32
        %sign3A_2015 = arith.cmpi slt, %add3A_2008, %sign3A_2014 : i32
        %sign3A_2016 = arith.extui %sign3A_2015 : i1 to i32
        %sign3A_2017 = arith.subi %sign3A_2013, %sign3A_2016 : i32
        %sign3A_2018 = arith.constant 0 : i32
        %sign3A_2019 = arith.cmpi sgt, %jit3A_2009, %sign3A_2018 : i32
        %sign3A_2020 = arith.extui %sign3A_2019 : i1 to i32
        %sign3A_2021 = arith.constant 0 : i32
        %sign3A_2022 = arith.cmpi slt, %jit3A_2009, %sign3A_2021 : i32
        %sign3A_2023 = arith.extui %sign3A_2022 : i1 to i32
        %sign3A_2024 = arith.subi %sign3A_2020, %sign3A_2023 : i32
        %ne3A_2025 = arith.cmpi ne, %sign3A_2017, %sign3A_2024 : i32
        %rem3A_2026 = arith.remsi %add3A_2008, %jit3A_2009 : i32
        %ne3A_2027 = arith.constant 0 : i32
        %ne3A_2028 = arith.cmpi ne, %rem3A_2026, %ne3A_2027 : i32
        %and3A_2029 = arith.andi %ne3A_2025, %ne3A_2028 : i1
        %sub3A_2030 = arith.constant 1 : i32
        %sub3A_2031 = arith.subi %div3A_2010, %sub3A_2030 : i32
        %select_n3A_2032 = arith.select %and3A_2029, %sub3A_2031, %div3A_2010 : i32
        %jit3A_2033 = arith.constant 128 : i32
        %eq3A_2034 = arith.constant 0 : i32
        %eq3A_2035 = arith.cmpi eq, %jit3A_2033, %eq3A_2034 : i32
        %jit3A_2036 = arith.constant 1 : i32
        %select_n3A_2037 = arith.select %eq3A_2035, %jit3A_2036, %jit3A_2033 : i32
        %rem3A_2038 = arith.remsi %add3A_2008, %select_n3A_2037 : i32
        %ne3A_2039 = arith.constant 0 : i32
        %ne3A_2040 = arith.cmpi ne, %rem3A_2038, %ne3A_2039 : i32
        %lt3A_2041 = arith.constant 0 : i32
        %lt3A_2042 = arith.cmpi slt, %rem3A_2038, %lt3A_2041 : i32
        %lt3A_2043 = arith.constant 0 : i32
        %lt3A_2044 = arith.cmpi slt, %select_n3A_2037, %lt3A_2043 : i32
        %ne3A_2045 = arith.xori %lt3A_2042, %lt3A_2044 : i1
        %and3A_2046 = arith.andi %ne3A_2045, %ne3A_2040 : i1
        %add3A_2047 = arith.addi %rem3A_2038, %select_n3A_2037 : i32
        %select_n3A_2048 = arith.select %and3A_2046, %add3A_2047, %rem3A_2038 : i32
        %mul3A_2049 = arith.constant 1024 : i32
        %mul3A_2050 = arith.muli %select_n3A_2048, %mul3A_2049 : i32
        %dma_wait3A_2051 = arith.constant 0 : i32
        %dma_wait3A_2052 = arith.constant 16384 : i32
        %dma_wait3A_2053 = tpu.memref_slice %arg7[%dma_wait3A_2052] : memref<40960xf32, #tpu.memory_space<vmem>> -> memref<1024xf32, #tpu.memory_space<vmem>>
        %dma_wait3A_2054 = tpu.memref_slice %arg4[%select_n3A_2032, %dma_wait3A_2051, %mul3A_2050] : memref<50x4x131072xf32, #tpu.memory_space<hbm>> -> memref<1x1x1024xf32, #tpu.memory_space<hbm>>
        %dma_wait3A_2055 = tpu.memref_squeeze %dma_wait3A_2054 : memref<1x1x1024xf32, #tpu.memory_space<hbm>> -> memref<1024xf32, #tpu.memory_space<hbm>>
        %dma_wait3A_2056 = tpu.memref_slice %arg4[%select_n3A_2032, %dma_wait3A_2051, %mul3A_2050] : memref<50x4x131072xf32, #tpu.memory_space<hbm>> -> memref<1x1x1024xf32, #tpu.memory_space<hbm>>
        %dma_wait3A_2057 = tpu.memref_squeeze %dma_wait3A_2056 : memref<1x1x1024xf32, #tpu.memory_space<hbm>> -> memref<1024xf32, #tpu.memory_space<hbm>>
        %dma_wait3A_2058 = arith.constant 16384 : i32
        %dma_wait3A_2059 = tpu.memref_slice %arg7[%dma_wait3A_2058] : memref<40960xf32, #tpu.memory_space<vmem>> -> memref<1024xf32, #tpu.memory_space<vmem>>
        tpu.wait_dma2 semaphore(%arg17 : memref<!tpu.dma_semaphore, #tpu.memory_space<semaphore_mem>>) src(%dma_wait3A_2059 : memref<1024xf32, #tpu.memory_space<vmem>>) dst(%dma_wait3A_2057 : memref<1024xf32, #tpu.memory_space<hbm>>)
        %mul3A_2060 = arith.constant 1024 : i32
        %mul3A_2061 = arith.muli %select_n3A_2048, %mul3A_2060 : i32
        %dma_wait3A_2062 = arith.constant 1 : i32
        %dma_wait3A_2063 = arith.constant 17408 : i32
        %dma_wait3A_2064 = tpu.memref_slice %arg7[%dma_wait3A_2063] : memref<40960xf32, #tpu.memory_space<vmem>> -> memref<1024xf32, #tpu.memory_space<vmem>>
        %dma_wait3A_2065 = tpu.memref_slice %arg4[%select_n3A_2032, %dma_wait3A_2062, %mul3A_2061] : memref<50x4x131072xf32, #tpu.memory_space<hbm>> -> memref<1x1x1024xf32, #tpu.memory_space<hbm>>
        %dma_wait3A_2066 = tpu.memref_squeeze %dma_wait3A_2065 : memref<1x1x1024xf32, #tpu.memory_space<hbm>> -> memref<1024xf32, #tpu.memory_space<hbm>>
        %dma_wait3A_2067 = tpu.memref_slice %arg4[%select_n3A_2032, %dma_wait3A_2062, %mul3A_2061] : memref<50x4x131072xf32, #tpu.memory_space<hbm>> -> memref<1x1x1024xf32, #tpu.memory_space<hbm>>
        %dma_wait3A_2068 = tpu.memref_squeeze %dma_wait3A_2067 : memref<1x1x1024xf32, #tpu.memory_space<hbm>> -> memref<1024xf32, #tpu.memory_space<hbm>>
        %dma_wait3A_2069 = arith.constant 17408 : i32
        %dma_wait3A_2070 = tpu.memref_slice %arg7[%dma_wait3A_2069] : memref<40960xf32, #tpu.memory_space<vmem>> -> memref<1024xf32, #tpu.memory_space<vmem>>
        tpu.wait_dma2 semaphore(%arg17 : memref<!tpu.dma_semaphore, #tpu.memory_space<semaphore_mem>>) src(%dma_wait3A_2070 : memref<1024xf32, #tpu.memory_space<vmem>>) dst(%dma_wait3A_2068 : memref<1024xf32, #tpu.memory_space<hbm>>)
        %mul3A_2071 = arith.constant 1024 : i32
        %mul3A_2072 = arith.muli %select_n3A_2048, %mul3A_2071 : i32
        %dma_wait3A_2073 = arith.constant 2 : i32
        %dma_wait3A_2074 = arith.constant 18432 : i32
        %dma_wait3A_2075 = tpu.memref_slice %arg7[%dma_wait3A_2074] : memref<40960xf32, #tpu.memory_space<vmem>> -> memref<1024xf32, #tpu.memory_space<vmem>>
        %dma_wait3A_2076 = tpu.memref_slice %arg4[%select_n3A_2032, %dma_wait3A_2073, %mul3A_2072] : memref<50x4x131072xf32, #tpu.memory_space<hbm>> -> memref<1x1x1024xf32, #tpu.memory_space<hbm>>
        %dma_wait3A_2077 = tpu.memref_squeeze %dma_wait3A_2076 : memref<1x1x1024xf32, #tpu.memory_space<hbm>> -> memref<1024xf32, #tpu.memory_space<hbm>>
        %dma_wait3A_2078 = tpu.memref_slice %arg4[%select_n3A_2032, %dma_wait3A_2073, %mul3A_2072] : memref<50x4x131072xf32, #tpu.memory_space<hbm>> -> memref<1x1x1024xf32, #tpu.memory_space<hbm>>
        %dma_wait3A_2079 = tpu.memref_squeeze %dma_wait3A_2078 : memref<1x1x1024xf32, #tpu.memory_space<hbm>> -> memref<1024xf32, #tpu.memory_space<hbm>>
        %dma_wait3A_2080 = arith.constant 18432 : i32
        %dma_wait3A_2081 = tpu.memref_slice %arg7[%dma_wait3A_2080] : memref<40960xf32, #tpu.memory_space<vmem>> -> memref<1024xf32, #tpu.memory_space<vmem>>
        tpu.wait_dma2 semaphore(%arg17 : memref<!tpu.dma_semaphore, #tpu.memory_space<semaphore_mem>>) src(%dma_wait3A_2081 : memref<1024xf32, #tpu.memory_space<vmem>>) dst(%dma_wait3A_2079 : memref<1024xf32, #tpu.memory_space<hbm>>)
        %mul3A_2082 = arith.constant 1024 : i32
        %mul3A_2083 = arith.muli %select_n3A_2048, %mul3A_2082 : i32
        %dma_wait3A_2084 = arith.constant 3 : i32
        %dma_wait3A_2085 = arith.constant 19456 : i32
        %dma_wait3A_2086 = tpu.memref_slice %arg7[%dma_wait3A_2085] : memref<40960xf32, #tpu.memory_space<vmem>> -> memref<1024xf32, #tpu.memory_space<vmem>>
        %dma_wait3A_2087 = tpu.memref_slice %arg4[%select_n3A_2032, %dma_wait3A_2084, %mul3A_2083] : memref<50x4x131072xf32, #tpu.memory_space<hbm>> -> memref<1x1x1024xf32, #tpu.memory_space<hbm>>
        %dma_wait3A_2088 = tpu.memref_squeeze %dma_wait3A_2087 : memref<1x1x1024xf32, #tpu.memory_space<hbm>> -> memref<1024xf32, #tpu.memory_space<hbm>>
        %dma_wait3A_2089 = tpu.memref_slice %arg4[%select_n3A_2032, %dma_wait3A_2084, %mul3A_2083] : memref<50x4x131072xf32, #tpu.memory_space<hbm>> -> memref<1x1x1024xf32, #tpu.memory_space<hbm>>
        %dma_wait3A_2090 = tpu.memref_squeeze %dma_wait3A_2089 : memref<1x1x1024xf32, #tpu.memory_space<hbm>> -> memref<1024xf32, #tpu.memory_space<hbm>>
        %dma_wait3A_2091 = arith.constant 19456 : i32
        %dma_wait3A_2092 = tpu.memref_slice %arg7[%dma_wait3A_2091] : memref<40960xf32, #tpu.memory_space<vmem>> -> memref<1024xf32, #tpu.memory_space<vmem>>
        tpu.wait_dma2 semaphore(%arg17 : memref<!tpu.dma_semaphore, #tpu.memory_space<semaphore_mem>>) src(%dma_wait3A_2092 : memref<1024xf32, #tpu.memory_space<vmem>>) dst(%dma_wait3A_2090 : memref<1024xf32, #tpu.memory_space<hbm>>)
        %sub3A_2093 = arith.constant 5 : i32
        %sub3A_2094 = arith.subi %add3A_1357, %sub3A_2093 : i32
        %mul3A_2095 = arith.constant 2 : i32
        %mul3A_2096 = arith.muli %sub3A_2094, %mul3A_2095 : i32
        %add3A_2097 = arith.addi %mul3A_2, %mul3A_2096 : i32
        %add3A_2098 = arith.constant 1 : i32
        %add3A_2099 = arith.addi %add3A_2097, %add3A_2098 : i32
        %jit3A_2100 = arith.constant 128 : i32
        %div3A_2101 = arith.divsi %add3A_2099, %jit3A_2100 : i32
        %sign3A_2102 = arith.constant 0 : i32
        %sign3A_2103 = arith.cmpi sgt, %add3A_2099, %sign3A_2102 : i32
        %sign3A_2104 = arith.extui %sign3A_2103 : i1 to i32
        %sign3A_2105 = arith.constant 0 : i32
        %sign3A_2106 = arith.cmpi slt, %add3A_2099, %sign3A_2105 : i32
        %sign3A_2107 = arith.extui %sign3A_2106 : i1 to i32
        %sign3A_2108 = arith.subi %sign3A_2104, %sign3A_2107 : i32
        %sign3A_2109 = arith.constant 0 : i32
        %sign3A_2110 = arith.cmpi sgt, %jit3A_2100, %sign3A_2109 : i32
        %sign3A_2111 = arith.extui %sign3A_2110 : i1 to i32
        %sign3A_2112 = arith.constant 0 : i32
        %sign3A_2113 = arith.cmpi slt, %jit3A_2100, %sign3A_2112 : i32
        %sign3A_2114 = arith.extui %sign3A_2113 : i1 to i32
        %sign3A_2115 = arith.subi %sign3A_2111, %sign3A_2114 : i32
        %ne3A_2116 = arith.cmpi ne, %sign3A_2108, %sign3A_2115 : i32
        %rem3A_2117 = arith.remsi %add3A_2099, %jit3A_2100 : i32
        %ne3A_2118 = arith.constant 0 : i32
        %ne3A_2119 = arith.cmpi ne, %rem3A_2117, %ne3A_2118 : i32
        %and3A_2120 = arith.andi %ne3A_2116, %ne3A_2119 : i1
        %sub3A_2121 = arith.constant 1 : i32
        %sub3A_2122 = arith.subi %div3A_2101, %sub3A_2121 : i32
        %select_n3A_2123 = arith.select %and3A_2120, %sub3A_2122, %div3A_2101 : i32
        %jit3A_2124 = arith.constant 128 : i32
        %eq3A_2125 = arith.constant 0 : i32
        %eq3A_2126 = arith.cmpi eq, %jit3A_2124, %eq3A_2125 : i32
        %jit3A_2127 = arith.constant 1 : i32
        %select_n3A_2128 = arith.select %eq3A_2126, %jit3A_2127, %jit3A_2124 : i32
        %rem3A_2129 = arith.remsi %add3A_2099, %select_n3A_2128 : i32
        %ne3A_2130 = arith.constant 0 : i32
        %ne3A_2131 = arith.cmpi ne, %rem3A_2129, %ne3A_2130 : i32
        %lt3A_2132 = arith.constant 0 : i32
        %lt3A_2133 = arith.cmpi slt, %rem3A_2129, %lt3A_2132 : i32
        %lt3A_2134 = arith.constant 0 : i32
        %lt3A_2135 = arith.cmpi slt, %select_n3A_2128, %lt3A_2134 : i32
        %ne3A_2136 = arith.xori %lt3A_2133, %lt3A_2135 : i1
        %and3A_2137 = arith.andi %ne3A_2136, %ne3A_2131 : i1
        %add3A_2138 = arith.addi %rem3A_2129, %select_n3A_2128 : i32
        %select_n3A_2139 = arith.select %and3A_2137, %add3A_2138, %rem3A_2129 : i32
        %mul3A_2140 = arith.constant 1024 : i32
        %mul3A_2141 = arith.muli %select_n3A_2139, %mul3A_2140 : i32
        %dma_wait3A_2142 = arith.constant 0 : i32
        %dma_wait3A_2143 = arith.constant 20480 : i32
        %dma_wait3A_2144 = tpu.memref_slice %arg7[%dma_wait3A_2143] : memref<40960xf32, #tpu.memory_space<vmem>> -> memref<1024xf32, #tpu.memory_space<vmem>>
        %dma_wait3A_2145 = tpu.memref_slice %arg4[%select_n3A_2123, %dma_wait3A_2142, %mul3A_2141] : memref<50x4x131072xf32, #tpu.memory_space<hbm>> -> memref<1x1x1024xf32, #tpu.memory_space<hbm>>
        %dma_wait3A_2146 = tpu.memref_squeeze %dma_wait3A_2145 : memref<1x1x1024xf32, #tpu.memory_space<hbm>> -> memref<1024xf32, #tpu.memory_space<hbm>>
        %dma_wait3A_2147 = tpu.memref_slice %arg4[%select_n3A_2123, %dma_wait3A_2142, %mul3A_2141] : memref<50x4x131072xf32, #tpu.memory_space<hbm>> -> memref<1x1x1024xf32, #tpu.memory_space<hbm>>
        %dma_wait3A_2148 = tpu.memref_squeeze %dma_wait3A_2147 : memref<1x1x1024xf32, #tpu.memory_space<hbm>> -> memref<1024xf32, #tpu.memory_space<hbm>>
        %dma_wait3A_2149 = arith.constant 20480 : i32
        %dma_wait3A_2150 = tpu.memref_slice %arg7[%dma_wait3A_2149] : memref<40960xf32, #tpu.memory_space<vmem>> -> memref<1024xf32, #tpu.memory_space<vmem>>
        tpu.wait_dma2 semaphore(%arg18 : memref<!tpu.dma_semaphore, #tpu.memory_space<semaphore_mem>>) src(%dma_wait3A_2150 : memref<1024xf32, #tpu.memory_space<vmem>>) dst(%dma_wait3A_2148 : memref<1024xf32, #tpu.memory_space<hbm>>)
        %mul3A_2151 = arith.constant 1024 : i32
        %mul3A_2152 = arith.muli %select_n3A_2139, %mul3A_2151 : i32
        %dma_wait3A_2153 = arith.constant 1 : i32
        %dma_wait3A_2154 = arith.constant 21504 : i32
        %dma_wait3A_2155 = tpu.memref_slice %arg7[%dma_wait3A_2154] : memref<40960xf32, #tpu.memory_space<vmem>> -> memref<1024xf32, #tpu.memory_space<vmem>>
        %dma_wait3A_2156 = tpu.memref_slice %arg4[%select_n3A_2123, %dma_wait3A_2153, %mul3A_2152] : memref<50x4x131072xf32, #tpu.memory_space<hbm>> -> memref<1x1x1024xf32, #tpu.memory_space<hbm>>
        %dma_wait3A_2157 = tpu.memref_squeeze %dma_wait3A_2156 : memref<1x1x1024xf32, #tpu.memory_space<hbm>> -> memref<1024xf32, #tpu.memory_space<hbm>>
        %dma_wait3A_2158 = tpu.memref_slice %arg4[%select_n3A_2123, %dma_wait3A_2153, %mul3A_2152] : memref<50x4x131072xf32, #tpu.memory_space<hbm>> -> memref<1x1x1024xf32, #tpu.memory_space<hbm>>
        %dma_wait3A_2159 = tpu.memref_squeeze %dma_wait3A_2158 : memref<1x1x1024xf32, #tpu.memory_space<hbm>> -> memref<1024xf32, #tpu.memory_space<hbm>>
        %dma_wait3A_2160 = arith.constant 21504 : i32
        %dma_wait3A_2161 = tpu.memref_slice %arg7[%dma_wait3A_2160] : memref<40960xf32, #tpu.memory_space<vmem>> -> memref<1024xf32, #tpu.memory_space<vmem>>
        tpu.wait_dma2 semaphore(%arg18 : memref<!tpu.dma_semaphore, #tpu.memory_space<semaphore_mem>>) src(%dma_wait3A_2161 : memref<1024xf32, #tpu.memory_space<vmem>>) dst(%dma_wait3A_2159 : memref<1024xf32, #tpu.memory_space<hbm>>)
        %mul3A_2162 = arith.constant 1024 : i32
        %mul3A_2163 = arith.muli %select_n3A_2139, %mul3A_2162 : i32
        %dma_wait3A_2164 = arith.constant 2 : i32
        %dma_wait3A_2165 = arith.constant 22528 : i32
        %dma_wait3A_2166 = tpu.memref_slice %arg7[%dma_wait3A_2165] : memref<40960xf32, #tpu.memory_space<vmem>> -> memref<1024xf32, #tpu.memory_space<vmem>>
        %dma_wait3A_2167 = tpu.memref_slice %arg4[%select_n3A_2123, %dma_wait3A_2164, %mul3A_2163] : memref<50x4x131072xf32, #tpu.memory_space<hbm>> -> memref<1x1x1024xf32, #tpu.memory_space<hbm>>
        %dma_wait3A_2168 = tpu.memref_squeeze %dma_wait3A_2167 : memref<1x1x1024xf32, #tpu.memory_space<hbm>> -> memref<1024xf32, #tpu.memory_space<hbm>>
        %dma_wait3A_2169 = tpu.memref_slice %arg4[%select_n3A_2123, %dma_wait3A_2164, %mul3A_2163] : memref<50x4x131072xf32, #tpu.memory_space<hbm>> -> memref<1x1x1024xf32, #tpu.memory_space<hbm>>
        %dma_wait3A_2170 = tpu.memref_squeeze %dma_wait3A_2169 : memref<1x1x1024xf32, #tpu.memory_space<hbm>> -> memref<1024xf32, #tpu.memory_space<hbm>>
        %dma_wait3A_2171 = arith.constant 22528 : i32
        %dma_wait3A_2172 = tpu.memref_slice %arg7[%dma_wait3A_2171] : memref<40960xf32, #tpu.memory_space<vmem>> -> memref<1024xf32, #tpu.memory_space<vmem>>
        tpu.wait_dma2 semaphore(%arg18 : memref<!tpu.dma_semaphore, #tpu.memory_space<semaphore_mem>>) src(%dma_wait3A_2172 : memref<1024xf32, #tpu.memory_space<vmem>>) dst(%dma_wait3A_2170 : memref<1024xf32, #tpu.memory_space<hbm>>)
        %mul3A_2173 = arith.constant 1024 : i32
        %mul3A_2174 = arith.muli %select_n3A_2139, %mul3A_2173 : i32
        %dma_wait3A_2175 = arith.constant 3 : i32
        %dma_wait3A_2176 = arith.constant 23552 : i32
        %dma_wait3A_2177 = tpu.memref_slice %arg7[%dma_wait3A_2176] : memref<40960xf32, #tpu.memory_space<vmem>> -> memref<1024xf32, #tpu.memory_space<vmem>>
        %dma_wait3A_2178 = tpu.memref_slice %arg4[%select_n3A_2123, %dma_wait3A_2175, %mul3A_2174] : memref<50x4x131072xf32, #tpu.memory_space<hbm>> -> memref<1x1x1024xf32, #tpu.memory_space<hbm>>
        %dma_wait3A_2179 = tpu.memref_squeeze %dma_wait3A_2178 : memref<1x1x1024xf32, #tpu.memory_space<hbm>> -> memref<1024xf32, #tpu.memory_space<hbm>>
        %dma_wait3A_2180 = tpu.memref_slice %arg4[%select_n3A_2123, %dma_wait3A_2175, %mul3A_2174] : memref<50x4x131072xf32, #tpu.memory_space<hbm>> -> memref<1x1x1024xf32, #tpu.memory_space<hbm>>
        %dma_wait3A_2181 = tpu.memref_squeeze %dma_wait3A_2180 : memref<1x1x1024xf32, #tpu.memory_space<hbm>> -> memref<1024xf32, #tpu.memory_space<hbm>>
        %dma_wait3A_2182 = arith.constant 23552 : i32
        %dma_wait3A_2183 = tpu.memref_slice %arg7[%dma_wait3A_2182] : memref<40960xf32, #tpu.memory_space<vmem>> -> memref<1024xf32, #tpu.memory_space<vmem>>
        tpu.wait_dma2 semaphore(%arg18 : memref<!tpu.dma_semaphore, #tpu.memory_space<semaphore_mem>>) src(%dma_wait3A_2183 : memref<1024xf32, #tpu.memory_space<vmem>>) dst(%dma_wait3A_2181 : memref<1024xf32, #tpu.memory_space<hbm>>)
      } else {
      }
      %add3A_1372 = arith.constant 16384 : i32
      %add3A_1373 = vector.broadcast %add3A_1372 : i32 to vector<16xi32>
      %add3A_1374 = arith.addi %mul3A_9, %add3A_1373 : vector<16xi32>
      %add3A_1375 = arith.constant 2048 : i32
      %add3A_1376 = vector.broadcast %add3A_1375 : i32 to vector<16xi32>
      %add3A_1377 = arith.addi %add3A_1374, %add3A_1376 : vector<16xi32>
      %add3A_1378 = arith.constant 20480 : i32
      %add3A_1379 = vector.broadcast %add3A_1378 : i32 to vector<16xi32>
      %add3A_1380 = arith.addi %mul3A_9, %add3A_1379 : vector<16xi32>
      %add3A_1381 = arith.constant 2048 : i32
      %add3A_1382 = vector.broadcast %add3A_1381 : i32 to vector<16xi32>
      %add3A_1383 = arith.addi %add3A_1380, %add3A_1382 : vector<16xi32>
      %parallel_loop3A_1384 = arith.constant 0 : i32
      %parallel_loop3A_1385 = arith.constant 128 : i32
      %parallel_loop3A_1386 = arith.constant 1 : i32
      scf.for %parallel_loop3A_2002 = %parallel_loop3A_1384 to %parallel_loop3A_1385 step %parallel_loop3A_1386  : i32 {
        %parallel_loop3A_2003 = arith.constant 512 : i32
        %parallel_loop3A_2004 = arith.addi %parallel_loop3A_2003, %parallel_loop3A_2002 : i32
        %parallel_loop3A_2005 = arith.index_cast %parallel_loop3A_2004 : i32 to index
        %parallel_loop3A_2006 = arith.constant 0 : index
        %parallel_loop3A_2007 = tpu.vector_load %arg6[%parallel_loop3A_2005, %parallel_loop3A_2006] {strides = array<i32>} : memref<1280x32xf32, #tpu.memory_space<vmem>>, vector<16xf32>,
        %parallel_loop3A_2008 = arith.constant 512 : i32
        %parallel_loop3A_2009 = arith.addi %parallel_loop3A_2008, %parallel_loop3A_2002 : i32
        %parallel_loop3A_2010 = arith.index_cast %parallel_loop3A_2009 : i32 to index
        %parallel_loop3A_2011 = arith.constant 16 : index
        %parallel_loop3A_2012 = tpu.vector_load %arg6[%parallel_loop3A_2010, %parallel_loop3A_2011] {strides = array<i32>} : memref<1280x32xf32, #tpu.memory_space<vmem>>, vector<16xf32>,
        %parallel_loop3A_2013 = arith.constant 640 : i32
        %parallel_loop3A_2014 = arith.addi %parallel_loop3A_2013, %parallel_loop3A_2002 : i32
        %parallel_loop3A_2015 = arith.index_cast %parallel_loop3A_2014 : i32 to index
        %parallel_loop3A_2016 = arith.constant 0 : index
        %parallel_loop3A_2017 = tpu.vector_load %arg6[%parallel_loop3A_2015, %parallel_loop3A_2016] {strides = array<i32>} : memref<1280x32xf32, #tpu.memory_space<vmem>>, vector<16xf32>,
        %parallel_loop3A_2018 = arith.constant 640 : i32
        %parallel_loop3A_2019 = arith.addi %parallel_loop3A_2018, %parallel_loop3A_2002 : i32
        %parallel_loop3A_2020 = arith.index_cast %parallel_loop3A_2019 : i32 to index
        %parallel_loop3A_2021 = arith.constant 16 : index
        %parallel_loop3A_2022 = tpu.vector_load %arg6[%parallel_loop3A_2020, %parallel_loop3A_2021] {strides = array<i32>} : memref<1280x32xf32, #tpu.memory_space<vmem>>, vector<16xf32>,
        %parallel_loop3A_2023 = vector.broadcast %parallel_loop3A_2002 : i32 to vector<16xi32>
        %parallel_loop3A_2024 = arith.addi %add3A_1374, %parallel_loop3A_2023 : vector<16xi32>
        tpu.vector_store_idx %arg7[%parallel_loop3A_2024], %parallel_loop3A_2007 : memref<40960xf32, #tpu.memory_space<vmem>>[vector<16xi32>], vector<16xf32>,
        %parallel_loop3A_2025 = vector.broadcast %parallel_loop3A_2002 : i32 to vector<16xi32>
        %parallel_loop3A_2026 = arith.addi %add3A_1377, %parallel_loop3A_2025 : vector<16xi32>
        tpu.vector_store_idx %arg7[%parallel_loop3A_2026], %parallel_loop3A_2012 : memref<40960xf32, #tpu.memory_space<vmem>>[vector<16xi32>], vector<16xf32>,
        %parallel_loop3A_2027 = vector.broadcast %parallel_loop3A_2002 : i32 to vector<16xi32>
        %parallel_loop3A_2028 = arith.addi %add3A_1380, %parallel_loop3A_2027 : vector<16xi32>
        tpu.vector_store_idx %arg7[%parallel_loop3A_2028], %parallel_loop3A_2017 : memref<40960xf32, #tpu.memory_space<vmem>>[vector<16xi32>], vector<16xf32>,
        %parallel_loop3A_2029 = vector.broadcast %parallel_loop3A_2002 : i32 to vector<16xi32>
        %parallel_loop3A_2030 = arith.addi %add3A_1383, %parallel_loop3A_2029 : vector<16xi32>
        tpu.vector_store_idx %arg7[%parallel_loop3A_2030], %parallel_loop3A_2022 : memref<40960xf32, #tpu.memory_space<vmem>>[vector<16xi32>], vector<16xf32>,
      } {sc.loop_unroll_factor = 8 : i64, sc.parallel_access}
      %mul3A_1387 = arith.constant 2 : i32
      %mul3A_1388 = arith.muli %add3A_1357, %mul3A_1387 : i32
      %add3A_1389 = arith.addi %mul3A_2, %mul3A_1388 : i32
      %add3A_1390 = arith.constant 0 : i32
      %add3A_1391 = arith.addi %add3A_1389, %add3A_1390 : i32
      %jit3A_1392 = arith.constant 128 : i32
      %div3A_1393 = arith.divsi %add3A_1391, %jit3A_1392 : i32
      %sign3A_1394 = arith.constant 0 : i32
      %sign3A_1395 = arith.cmpi sgt, %add3A_1391, %sign3A_1394 : i32
      %sign3A_1396 = arith.extui %sign3A_1395 : i1 to i32
      %sign3A_1397 = arith.constant 0 : i32
      %sign3A_1398 = arith.cmpi slt, %add3A_1391, %sign3A_1397 : i32
      %sign3A_1399 = arith.extui %sign3A_1398 : i1 to i32
      %sign3A_1400 = arith.subi %sign3A_1396, %sign3A_1399 : i32
      %sign3A_1401 = arith.constant 0 : i32
      %sign3A_1402 = arith.cmpi sgt, %jit3A_1392, %sign3A_1401 : i32
      %sign3A_1403 = arith.extui %sign3A_1402 : i1 to i32
      %sign3A_1404 = arith.constant 0 : i32
      %sign3A_1405 = arith.cmpi slt, %jit3A_1392, %sign3A_1404 : i32
      %sign3A_1406 = arith.extui %sign3A_1405 : i1 to i32
      %sign3A_1407 = arith.subi %sign3A_1403, %sign3A_1406 : i32
      %ne3A_1408 = arith.cmpi ne, %sign3A_1400, %sign3A_1407 : i32
      %rem3A_1409 = arith.remsi %add3A_1391, %jit3A_1392 : i32
      %ne3A_1410 = arith.constant 0 : i32
      %ne3A_1411 = arith.cmpi ne, %rem3A_1409, %ne3A_1410 : i32
      %and3A_1412 = arith.andi %ne3A_1408, %ne3A_1411 : i1
      %sub3A_1413 = arith.constant 1 : i32
      %sub3A_1414 = arith.subi %div3A_1393, %sub3A_1413 : i32
      %select_n3A_1415 = arith.select %and3A_1412, %sub3A_1414, %div3A_1393 : i32
      %jit3A_1416 = arith.constant 128 : i32
      %eq3A_1417 = arith.constant 0 : i32
      %eq3A_1418 = arith.cmpi eq, %jit3A_1416, %eq3A_1417 : i32
      %jit3A_1419 = arith.constant 1 : i32
      %select_n3A_1420 = arith.select %eq3A_1418, %jit3A_1419, %jit3A_1416 : i32
      %rem3A_1421 = arith.remsi %add3A_1391, %select_n3A_1420 : i32
      %ne3A_1422 = arith.constant 0 : i32
      %ne3A_1423 = arith.cmpi ne, %rem3A_1421, %ne3A_1422 : i32
      %lt3A_1424 = arith.constant 0 : i32
      %lt3A_1425 = arith.cmpi slt, %rem3A_1421, %lt3A_1424 : i32
      %lt3A_1426 = arith.constant 0 : i32
      %lt3A_1427 = arith.cmpi slt, %select_n3A_1420, %lt3A_1426 : i32
      %ne3A_1428 = arith.xori %lt3A_1425, %lt3A_1427 : i1
      %and3A_1429 = arith.andi %ne3A_1428, %ne3A_1423 : i1
      %add3A_1430 = arith.addi %rem3A_1421, %select_n3A_1420 : i32
      %select_n3A_1431 = arith.select %and3A_1429, %add3A_1430, %rem3A_1421 : i32
      %mul3A_1432 = arith.constant 1024 : i32
      %mul3A_1433 = arith.muli %select_n3A_1431, %mul3A_1432 : i32
      %dma_start3A_1434 = arith.constant 0 : i32
      %dma_start3A_1435 = arith.constant 16384 : i32
      %dma_start3A_1436 = tpu.memref_slice %arg7[%dma_start3A_1435] : memref<40960xf32, #tpu.memory_space<vmem>> -> memref<1024xf32, #tpu.memory_space<vmem>>
      %dma_start3A_1437 = tpu.memref_slice %arg4[%select_n3A_1415, %dma_start3A_1434, %mul3A_1433] : memref<50x4x131072xf32, #tpu.memory_space<hbm>> -> memref<1x1x1024xf32, #tpu.memory_space<hbm>>
      %dma_start3A_1438 = tpu.memref_squeeze %dma_start3A_1437 : memref<1x1x1024xf32, #tpu.memory_space<hbm>> -> memref<1024xf32, #tpu.memory_space<hbm>>
      %dma_start3A_1439 = tpu.memref_slice %arg4[%select_n3A_1415, %dma_start3A_1434, %mul3A_1433] : memref<50x4x131072xf32, #tpu.memory_space<hbm>> -> memref<1x1x1024xf32, #tpu.memory_space<hbm>>
      %dma_start3A_1440 = tpu.memref_squeeze %dma_start3A_1439 : memref<1x1x1024xf32, #tpu.memory_space<hbm>> -> memref<1024xf32, #tpu.memory_space<hbm>>
      %dma_start3A_1441 = arith.constant 16384 : i32
      %dma_start3A_1442 = tpu.memref_slice %arg7[%dma_start3A_1441] : memref<40960xf32, #tpu.memory_space<vmem>> -> memref<1024xf32, #tpu.memory_space<vmem>>
      tpu.enqueue_dma source(%dma_start3A_1442 : memref<1024xf32, #tpu.memory_space<vmem>>) target(%dma_start3A_1440 : memref<1024xf32, #tpu.memory_space<hbm>>) target_semaphore(%arg17 : memref<!tpu.dma_semaphore, #tpu.memory_space<semaphore_mem>>)
      %mul3A_1443 = arith.constant 1024 : i32
      %mul3A_1444 = arith.muli %select_n3A_1431, %mul3A_1443 : i32
      %dma_start3A_1445 = arith.constant 1 : i32
      %dma_start3A_1446 = arith.constant 17408 : i32
      %dma_start3A_1447 = tpu.memref_slice %arg7[%dma_start3A_1446] : memref<40960xf32, #tpu.memory_space<vmem>> -> memref<1024xf32, #tpu.memory_space<vmem>>
      %dma_start3A_1448 = tpu.memref_slice %arg4[%select_n3A_1415, %dma_start3A_1445, %mul3A_1444] : memref<50x4x131072xf32, #tpu.memory_space<hbm>> -> memref<1x1x1024xf32, #tpu.memory_space<hbm>>
      %dma_start3A_1449 = tpu.memref_squeeze %dma_start3A_1448 : memref<1x1x1024xf32, #tpu.memory_space<hbm>> -> memref<1024xf32, #tpu.memory_space<hbm>>
      %dma_start3A_1450 = tpu.memref_slice %arg4[%select_n3A_1415, %dma_start3A_1445, %mul3A_1444] : memref<50x4x131072xf32, #tpu.memory_space<hbm>> -> memref<1x1x1024xf32, #tpu.memory_space<hbm>>
      %dma_start3A_1451 = tpu.memref_squeeze %dma_start3A_1450 : memref<1x1x1024xf32, #tpu.memory_space<hbm>> -> memref<1024xf32, #tpu.memory_space<hbm>>
      %dma_start3A_1452 = arith.constant 17408 : i32
      %dma_start3A_1453 = tpu.memref_slice %arg7[%dma_start3A_1452] : memref<40960xf32, #tpu.memory_space<vmem>> -> memref<1024xf32, #tpu.memory_space<vmem>>
      tpu.enqueue_dma source(%dma_start3A_1453 : memref<1024xf32, #tpu.memory_space<vmem>>) target(%dma_start3A_1451 : memref<1024xf32, #tpu.memory_space<hbm>>) target_semaphore(%arg17 : memref<!tpu.dma_semaphore, #tpu.memory_space<semaphore_mem>>)
      %mul3A_1454 = arith.constant 1024 : i32
      %mul3A_1455 = arith.muli %select_n3A_1431, %mul3A_1454 : i32
      %dma_start3A_1456 = arith.constant 2 : i32
      %dma_start3A_1457 = arith.constant 18432 : i32
      %dma_start3A_1458 = tpu.memref_slice %arg7[%dma_start3A_1457] : memref<40960xf32, #tpu.memory_space<vmem>> -> memref<1024xf32, #tpu.memory_space<vmem>>
      %dma_start3A_1459 = tpu.memref_slice %arg4[%select_n3A_1415, %dma_start3A_1456, %mul3A_1455] : memref<50x4x131072xf32, #tpu.memory_space<hbm>> -> memref<1x1x1024xf32, #tpu.memory_space<hbm>>
      %dma_start3A_1460 = tpu.memref_squeeze %dma_start3A_1459 : memref<1x1x1024xf32, #tpu.memory_space<hbm>> -> memref<1024xf32, #tpu.memory_space<hbm>>
      %dma_start3A_1461 = tpu.memref_slice %arg4[%select_n3A_1415, %dma_start3A_1456, %mul3A_1455] : memref<50x4x131072xf32, #tpu.memory_space<hbm>> -> memref<1x1x1024xf32, #tpu.memory_space<hbm>>
      %dma_start3A_1462 = tpu.memref_squeeze %dma_start3A_1461 : memref<1x1x1024xf32, #tpu.memory_space<hbm>> -> memref<1024xf32, #tpu.memory_space<hbm>>
      %dma_start3A_1463 = arith.constant 18432 : i32
      %dma_start3A_1464 = tpu.memref_slice %arg7[%dma_start3A_1463] : memref<40960xf32, #tpu.memory_space<vmem>> -> memref<1024xf32, #tpu.memory_space<vmem>>
      tpu.enqueue_dma source(%dma_start3A_1464 : memref<1024xf32, #tpu.memory_space<vmem>>) target(%dma_start3A_1462 : memref<1024xf32, #tpu.memory_space<hbm>>) target_semaphore(%arg17 : memref<!tpu.dma_semaphore, #tpu.memory_space<semaphore_mem>>)
      %mul3A_1465 = arith.constant 1024 : i32
      %mul3A_1466 = arith.muli %select_n3A_1431, %mul3A_1465 : i32
      %dma_start3A_1467 = arith.constant 3 : i32
      %dma_start3A_1468 = arith.constant 19456 : i32
      %dma_start3A_1469 = tpu.memref_slice %arg7[%dma_start3A_1468] : memref<40960xf32, #tpu.memory_space<vmem>> -> memref<1024xf32, #tpu.memory_space<vmem>>
      %dma_start3A_1470 = tpu.memref_slice %arg4[%select_n3A_1415, %dma_start3A_1467, %mul3A_1466] : memref<50x4x131072xf32, #tpu.memory_space<hbm>> -> memref<1x1x1024xf32, #tpu.memory_space<hbm>>
      %dma_start3A_1471 = tpu.memref_squeeze %dma_start3A_1470 : memref<1x1x1024xf32, #tpu.memory_space<hbm>> -> memref<1024xf32, #tpu.memory_space<hbm>>
      %dma_start3A_1472 = tpu.memref_slice %arg4[%select_n3A_1415, %dma_start3A_1467, %mul3A_1466] : memref<50x4x131072xf32, #tpu.memory_space<hbm>> -> memref<1x1x1024xf32, #tpu.memory_space<hbm>>
      %dma_start3A_1473 = tpu.memref_squeeze %dma_start3A_1472 : memref<1x1x1024xf32, #tpu.memory_space<hbm>> -> memref<1024xf32, #tpu.memory_space<hbm>>
      %dma_start3A_1474 = arith.constant 19456 : i32
      %dma_start3A_1475 = tpu.memref_slice %arg7[%dma_start3A_1474] : memref<40960xf32, #tpu.memory_space<vmem>> -> memref<1024xf32, #tpu.memory_space<vmem>>
      tpu.enqueue_dma source(%dma_start3A_1475 : memref<1024xf32, #tpu.memory_space<vmem>>) target(%dma_start3A_1473 : memref<1024xf32, #tpu.memory_space<hbm>>) target_semaphore(%arg17 : memref<!tpu.dma_semaphore, #tpu.memory_space<semaphore_mem>>)
      %mul3A_1476 = arith.constant 2 : i32
      %mul3A_1477 = arith.muli %add3A_1357, %mul3A_1476 : i32
      %add3A_1478 = arith.addi %mul3A_2, %mul3A_1477 : i32
      %add3A_1479 = arith.constant 1 : i32
      %add3A_1480 = arith.addi %add3A_1478, %add3A_1479 : i32
      %jit3A_1481 = arith.constant 128 : i32
      %div3A_1482 = arith.divsi %add3A_1480, %jit3A_1481 : i32
      %sign3A_1483 = arith.constant 0 : i32
      %sign3A_1484 = arith.cmpi sgt, %add3A_1480, %sign3A_1483 : i32
      %sign3A_1485 = arith.extui %sign3A_1484 : i1 to i32
      %sign3A_1486 = arith.constant 0 : i32
      %sign3A_1487 = arith.cmpi slt, %add3A_1480, %sign3A_1486 : i32
      %sign3A_1488 = arith.extui %sign3A_1487 : i1 to i32
      %sign3A_1489 = arith.subi %sign3A_1485, %sign3A_1488 : i32
      %sign3A_1490 = arith.constant 0 : i32
      %sign3A_1491 = arith.cmpi sgt, %jit3A_1481, %sign3A_1490 : i32
      %sign3A_1492 = arith.extui %sign3A_1491 : i1 to i32
      %sign3A_1493 = arith.constant 0 : i32
      %sign3A_1494 = arith.cmpi slt, %jit3A_1481, %sign3A_1493 : i32
      %sign3A_1495 = arith.extui %sign3A_1494 : i1 to i32
      %sign3A_1496 = arith.subi %sign3A_1492, %sign3A_1495 : i32
      %ne3A_1497 = arith.cmpi ne, %sign3A_1489, %sign3A_1496 : i32
      %rem3A_1498 = arith.remsi %add3A_1480, %jit3A_1481 : i32
      %ne3A_1499 = arith.constant 0 : i32
      %ne3A_1500 = arith.cmpi ne, %rem3A_1498, %ne3A_1499 : i32
      %and3A_1501 = arith.andi %ne3A_1497, %ne3A_1500 : i1
      %sub3A_1502 = arith.constant 1 : i32
      %sub3A_1503 = arith.subi %div3A_1482, %sub3A_1502 : i32
      %select_n3A_1504 = arith.select %and3A_1501, %sub3A_1503, %div3A_1482 : i32
      %jit3A_1505 = arith.constant 128 : i32
      %eq3A_1506 = arith.constant 0 : i32
      %eq3A_1507 = arith.cmpi eq, %jit3A_1505, %eq3A_1506 : i32
      %jit3A_1508 = arith.constant 1 : i32
      %select_n3A_1509 = arith.select %eq3A_1507, %jit3A_1508, %jit3A_1505 : i32
      %rem3A_1510 = arith.remsi %add3A_1480, %select_n3A_1509 : i32
      %ne3A_1511 = arith.constant 0 : i32
      %ne3A_1512 = arith.cmpi ne, %rem3A_1510, %ne3A_1511 : i32
      %lt3A_1513 = arith.constant 0 : i32
      %lt3A_1514 = arith.cmpi slt, %rem3A_1510, %lt3A_1513 : i32
      %lt3A_1515 = arith.constant 0 : i32
      %lt3A_1516 = arith.cmpi slt, %select_n3A_1509, %lt3A_1515 : i32
      %ne3A_1517 = arith.xori %lt3A_1514, %lt3A_1516 : i1
      %and3A_1518 = arith.andi %ne3A_1517, %ne3A_1512 : i1
      %add3A_1519 = arith.addi %rem3A_1510, %select_n3A_1509 : i32
      %select_n3A_1520 = arith.select %and3A_1518, %add3A_1519, %rem3A_1510 : i32
      %mul3A_1521 = arith.constant 1024 : i32
      %mul3A_1522 = arith.muli %select_n3A_1520, %mul3A_1521 : i32
      %dma_start3A_1523 = arith.constant 0 : i32
      %dma_start3A_1524 = arith.constant 20480 : i32
      %dma_start3A_1525 = tpu.memref_slice %arg7[%dma_start3A_1524] : memref<40960xf32, #tpu.memory_space<vmem>> -> memref<1024xf32, #tpu.memory_space<vmem>>
      %dma_start3A_1526 = tpu.memref_slice %arg4[%select_n3A_1504, %dma_start3A_1523, %mul3A_1522] : memref<50x4x131072xf32, #tpu.memory_space<hbm>> -> memref<1x1x1024xf32, #tpu.memory_space<hbm>>
      %dma_start3A_1527 = tpu.memref_squeeze %dma_start3A_1526 : memref<1x1x1024xf32, #tpu.memory_space<hbm>> -> memref<1024xf32, #tpu.memory_space<hbm>>
      %dma_start3A_1528 = tpu.memref_slice %arg4[%select_n3A_1504, %dma_start3A_1523, %mul3A_1522] : memref<50x4x131072xf32, #tpu.memory_space<hbm>> -> memref<1x1x1024xf32, #tpu.memory_space<hbm>>
      %dma_start3A_1529 = tpu.memref_squeeze %dma_start3A_1528 : memref<1x1x1024xf32, #tpu.memory_space<hbm>> -> memref<1024xf32, #tpu.memory_space<hbm>>
      %dma_start3A_1530 = arith.constant 20480 : i32
      %dma_start3A_1531 = tpu.memref_slice %arg7[%dma_start3A_1530] : memref<40960xf32, #tpu.memory_space<vmem>> -> memref<1024xf32, #tpu.memory_space<vmem>>
      tpu.enqueue_dma source(%dma_start3A_1531 : memref<1024xf32, #tpu.memory_space<vmem>>) target(%dma_start3A_1529 : memref<1024xf32, #tpu.memory_space<hbm>>) target_semaphore(%arg18 : memref<!tpu.dma_semaphore, #tpu.memory_space<semaphore_mem>>)
      %mul3A_1532 = arith.constant 1024 : i32
      %mul3A_1533 = arith.muli %select_n3A_1520, %mul3A_1532 : i32
      %dma_start3A_1534 = arith.constant 1 : i32
      %dma_start3A_1535 = arith.constant 21504 : i32
      %dma_start3A_1536 = tpu.memref_slice %arg7[%dma_start3A_1535] : memref<40960xf32, #tpu.memory_space<vmem>> -> memref<1024xf32, #tpu.memory_space<vmem>>
      %dma_start3A_1537 = tpu.memref_slice %arg4[%select_n3A_1504, %dma_start3A_1534, %mul3A_1533] : memref<50x4x131072xf32, #tpu.memory_space<hbm>> -> memref<1x1x1024xf32, #tpu.memory_space<hbm>>
      %dma_start3A_1538 = tpu.memref_squeeze %dma_start3A_1537 : memref<1x1x1024xf32, #tpu.memory_space<hbm>> -> memref<1024xf32, #tpu.memory_space<hbm>>
      %dma_start3A_1539 = tpu.memref_slice %arg4[%select_n3A_1504, %dma_start3A_1534, %mul3A_1533] : memref<50x4x131072xf32, #tpu.memory_space<hbm>> -> memref<1x1x1024xf32, #tpu.memory_space<hbm>>
      %dma_start3A_1540 = tpu.memref_squeeze %dma_start3A_1539 : memref<1x1x1024xf32, #tpu.memory_space<hbm>> -> memref<1024xf32, #tpu.memory_space<hbm>>
      %dma_start3A_1541 = arith.constant 21504 : i32
      %dma_start3A_1542 = tpu.memref_slice %arg7[%dma_start3A_1541] : memref<40960xf32, #tpu.memory_space<vmem>> -> memref<1024xf32, #tpu.memory_space<vmem>>
      tpu.enqueue_dma source(%dma_start3A_1542 : memref<1024xf32, #tpu.memory_space<vmem>>) target(%dma_start3A_1540 : memref<1024xf32, #tpu.memory_space<hbm>>) target_semaphore(%arg18 : memref<!tpu.dma_semaphore, #tpu.memory_space<semaphore_mem>>)
      %mul3A_1543 = arith.constant 1024 : i32
      %mul3A_1544 = arith.muli %select_n3A_1520, %mul3A_1543 : i32
      %dma_start3A_1545 = arith.constant 2 : i32
      %dma_start3A_1546 = arith.constant 22528 : i32
      %dma_start3A_1547 = tpu.memref_slice %arg7[%dma_start3A_1546] : memref<40960xf32, #tpu.memory_space<vmem>> -> memref<1024xf32, #tpu.memory_space<vmem>>
      %dma_start3A_1548 = tpu.memref_slice %arg4[%select_n3A_1504, %dma_start3A_1545, %mul3A_1544] : memref<50x4x131072xf32, #tpu.memory_space<hbm>> -> memref<1x1x1024xf32, #tpu.memory_space<hbm>>
      %dma_start3A_1549 = tpu.memref_squeeze %dma_start3A_1548 : memref<1x1x1024xf32, #tpu.memory_space<hbm>> -> memref<1024xf32, #tpu.memory_space<hbm>>
      %dma_start3A_1550 = tpu.memref_slice %arg4[%select_n3A_1504, %dma_start3A_1545, %mul3A_1544] : memref<50x4x131072xf32, #tpu.memory_space<hbm>> -> memref<1x1x1024xf32, #tpu.memory_space<hbm>>
      %dma_start3A_1551 = tpu.memref_squeeze %dma_start3A_1550 : memref<1x1x1024xf32, #tpu.memory_space<hbm>> -> memref<1024xf32, #tpu.memory_space<hbm>>
      %dma_start3A_1552 = arith.constant 22528 : i32
      %dma_start3A_1553 = tpu.memref_slice %arg7[%dma_start3A_1552] : memref<40960xf32, #tpu.memory_space<vmem>> -> memref<1024xf32, #tpu.memory_space<vmem>>
      tpu.enqueue_dma source(%dma_start3A_1553 : memref<1024xf32, #tpu.memory_space<vmem>>) target(%dma_start3A_1551 : memref<1024xf32, #tpu.memory_space<hbm>>) target_semaphore(%arg18 : memref<!tpu.dma_semaphore, #tpu.memory_space<semaphore_mem>>)
      %mul3A_1554 = arith.constant 1024 : i32
      %mul3A_1555 = arith.muli %select_n3A_1520, %mul3A_1554 : i32
      %dma_start3A_1556 = arith.constant 3 : i32
      %dma_start3A_1557 = arith.constant 23552 : i32
      %dma_start3A_1558 = tpu.memref_slice %arg7[%dma_start3A_1557] : memref<40960xf32, #tpu.memory_space<vmem>> -> memref<1024xf32, #tpu.memory_space<vmem>>
      %dma_start3A_1559 = tpu.memref_slice %arg4[%select_n3A_1504, %dma_start3A_1556, %mul3A_1555] : memref<50x4x131072xf32, #tpu.memory_space<hbm>> -> memref<1x1x1024xf32, #tpu.memory_space<hbm>>
      %dma_start3A_1560 = tpu.memref_squeeze %dma_start3A_1559 : memref<1x1x1024xf32, #tpu.memory_space<hbm>> -> memref<1024xf32, #tpu.memory_space<hbm>>
      %dma_start3A_1561 = tpu.memref_slice %arg4[%select_n3A_1504, %dma_start3A_1556, %mul3A_1555] : memref<50x4x131072xf32, #tpu.memory_space<hbm>> -> memref<1x1x1024xf32, #tpu.memory_space<hbm>>
      %dma_start3A_1562 = tpu.memref_squeeze %dma_start3A_1561 : memref<1x1x1024xf32, #tpu.memory_space<hbm>> -> memref<1024xf32, #tpu.memory_space<hbm>>
      %dma_start3A_1563 = arith.constant 23552 : i32
      %dma_start3A_1564 = tpu.memref_slice %arg7[%dma_start3A_1563] : memref<40960xf32, #tpu.memory_space<vmem>> -> memref<1024xf32, #tpu.memory_space<vmem>>
      tpu.enqueue_dma source(%dma_start3A_1564 : memref<1024xf32, #tpu.memory_space<vmem>>) target(%dma_start3A_1562 : memref<1024xf32, #tpu.memory_space<hbm>>) target_semaphore(%arg18 : memref<!tpu.dma_semaphore, #tpu.memory_space<semaphore_mem>>)
      %lt3A_1565 = arith.constant 19 : i32
      %lt3A_1566 = arith.cmpi slt, %scan3A_925, %lt3A_1565 : i32
      %convert_element_type3A_1567 = arith.extui %lt3A_1566 : i1 to i32
      %cond3A_1568 = arith.constant 0 : i32
      %cond3A_1569 = arith.cmpi ne, %convert_element_type3A_1567, %cond3A_1568 : i32
      scf.if %cond3A_1569 {
        %add3A_2002 = arith.constant 5 : i32
        %add3A_2003 = arith.addi %add3A_1357, %add3A_2002 : i32
        %mul3A_2004 = arith.constant 256 : i32
        %mul3A_2005 = arith.muli %add3A_2003, %mul3A_2004 : i32
        %dma_start3A_2006 = arith.constant 512 : i32
        %dma_start3A_2007 = arith.constant 0 : i32
        %dma_start3A_2008 = tpu.memref_slice %arg6[%dma_start3A_2006, %dma_start3A_2007] : memref<1280x32xf32, #tpu.memory_space<vmem>> -> memref<256x32xf32, #tpu.memory_space<vmem>>
        %dma_start3A_2009 = tpu.memref_slice %arg5[%mul3A_2005] : memref<25600xi32, #tpu.memory_space<vmem>> -> memref<256xi32, #tpu.memory_space<vmem>>
        %dma_start3A_2010 = arith.constant 0 : i32
        %dma_start3A_2011 = arith.constant 0 : i32
        %dma_start3A_2012 = tpu.memref_slice %arg3[%dma_start3A_2010, %dma_start3A_2011] : memref<1000000x32xf32, #tpu.memory_space<hbm>> -> memref<1000000x32xf32, #tpu.memory_space<hbm>>
        tpu.enqueue_indirect_dma source(%dma_start3A_2012 : memref<1000000x32xf32, #tpu.memory_space<hbm>>) target(%dma_start3A_2008 : memref<256x32xf32, #tpu.memory_space<vmem>>) offsets(%dma_start3A_2009 : memref<256xi32, #tpu.memory_space<vmem>>) semaphore(%arg10 : memref<!tpu.dma_semaphore, #tpu.memory_space<semaphore_mem>>)
      } else {
      }
      %mul3A_1570 = arith.constant 5 : i32
      %mul3A_1571 = arith.muli %scan3A_925, %mul3A_1570 : i32
      %add3A_1572 = arith.constant 3 : i32
      %add3A_1573 = arith.addi %mul3A_1571, %add3A_1572 : i32
      %mul3A_1574 = arith.constant 256 : i32
      %mul3A_1575 = arith.muli %add3A_1573, %mul3A_1574 : i32
      %dma_wait3A_1576 = arith.constant 768 : i32
      %dma_wait3A_1577 = arith.constant 0 : i32
      %dma_wait3A_1578 = tpu.memref_slice %arg6[%dma_wait3A_1576, %dma_wait3A_1577] : memref<1280x32xf32, #tpu.memory_space<vmem>> -> memref<256x32xf32, #tpu.memory_space<vmem>>
      %dma_wait3A_1579 = tpu.memref_slice %arg5[%mul3A_1575] : memref<25600xi32, #tpu.memory_space<vmem>> -> memref<256xi32, #tpu.memory_space<vmem>>
      %dma_wait3A_1580 = arith.constant 0 : i32
      %dma_wait3A_1581 = arith.constant 0 : i32
      %dma_wait3A_1582 = tpu.memref_slice %arg3[%dma_wait3A_1580, %dma_wait3A_1581] : memref<1000000x32xf32, #tpu.memory_space<hbm>> -> memref<1000000x32xf32, #tpu.memory_space<hbm>>
      tpu.wait_indirect_dma semaphore(%arg11 : memref<!tpu.dma_semaphore, #tpu.memory_space<semaphore_mem>>) src(%dma_wait3A_1582 : memref<1000000x32xf32, #tpu.memory_space<hbm>>) dst(%dma_wait3A_1578 : memref<256x32xf32, #tpu.memory_space<vmem>>)
      %gt3A_1583 = arith.constant 0 : i32
      %gt3A_1584 = arith.cmpi sgt, %scan3A_925, %gt3A_1583 : i32
      %convert_element_type3A_1585 = arith.extui %gt3A_1584 : i1 to i32
      %cond3A_1586 = arith.constant 0 : i32
      %cond3A_1587 = arith.cmpi ne, %convert_element_type3A_1585, %cond3A_1586 : i32
      scf.if %cond3A_1587 {
        %sub3A_2002 = arith.constant 5 : i32
        %sub3A_2003 = arith.subi %add3A_1573, %sub3A_2002 : i32
        %mul3A_2004 = arith.constant 2 : i32
        %mul3A_2005 = arith.muli %sub3A_2003, %mul3A_2004 : i32
        %add3A_2006 = arith.addi %mul3A_2, %mul3A_2005 : i32
        %add3A_2007 = arith.constant 0 : i32
        %add3A_2008 = arith.addi %add3A_2006, %add3A_2007 : i32
        %jit3A_2009 = arith.constant 128 : i32
        %div3A_2010 = arith.divsi %add3A_2008, %jit3A_2009 : i32
        %sign3A_2011 = arith.constant 0 : i32
        %sign3A_2012 = arith.cmpi sgt, %add3A_2008, %sign3A_2011 : i32
        %sign3A_2013 = arith.extui %sign3A_2012 : i1 to i32
        %sign3A_2014 = arith.constant 0 : i32
        %sign3A_2015 = arith.cmpi slt, %add3A_2008, %sign3A_2014 : i32
        %sign3A_2016 = arith.extui %sign3A_2015 : i1 to i32
        %sign3A_2017 = arith.subi %sign3A_2013, %sign3A_2016 : i32
        %sign3A_2018 = arith.constant 0 : i32
        %sign3A_2019 = arith.cmpi sgt, %jit3A_2009, %sign3A_2018 : i32
        %sign3A_2020 = arith.extui %sign3A_2019 : i1 to i32
        %sign3A_2021 = arith.constant 0 : i32
        %sign3A_2022 = arith.cmpi slt, %jit3A_2009, %sign3A_2021 : i32
        %sign3A_2023 = arith.extui %sign3A_2022 : i1 to i32
        %sign3A_2024 = arith.subi %sign3A_2020, %sign3A_2023 : i32
        %ne3A_2025 = arith.cmpi ne, %sign3A_2017, %sign3A_2024 : i32
        %rem3A_2026 = arith.remsi %add3A_2008, %jit3A_2009 : i32
        %ne3A_2027 = arith.constant 0 : i32
        %ne3A_2028 = arith.cmpi ne, %rem3A_2026, %ne3A_2027 : i32
        %and3A_2029 = arith.andi %ne3A_2025, %ne3A_2028 : i1
        %sub3A_2030 = arith.constant 1 : i32
        %sub3A_2031 = arith.subi %div3A_2010, %sub3A_2030 : i32
        %select_n3A_2032 = arith.select %and3A_2029, %sub3A_2031, %div3A_2010 : i32
        %jit3A_2033 = arith.constant 128 : i32
        %eq3A_2034 = arith.constant 0 : i32
        %eq3A_2035 = arith.cmpi eq, %jit3A_2033, %eq3A_2034 : i32
        %jit3A_2036 = arith.constant 1 : i32
        %select_n3A_2037 = arith.select %eq3A_2035, %jit3A_2036, %jit3A_2033 : i32
        %rem3A_2038 = arith.remsi %add3A_2008, %select_n3A_2037 : i32
        %ne3A_2039 = arith.constant 0 : i32
        %ne3A_2040 = arith.cmpi ne, %rem3A_2038, %ne3A_2039 : i32
        %lt3A_2041 = arith.constant 0 : i32
        %lt3A_2042 = arith.cmpi slt, %rem3A_2038, %lt3A_2041 : i32
        %lt3A_2043 = arith.constant 0 : i32
        %lt3A_2044 = arith.cmpi slt, %select_n3A_2037, %lt3A_2043 : i32
        %ne3A_2045 = arith.xori %lt3A_2042, %lt3A_2044 : i1
        %and3A_2046 = arith.andi %ne3A_2045, %ne3A_2040 : i1
        %add3A_2047 = arith.addi %rem3A_2038, %select_n3A_2037 : i32
        %select_n3A_2048 = arith.select %and3A_2046, %add3A_2047, %rem3A_2038 : i32
        %mul3A_2049 = arith.constant 1024 : i32
        %mul3A_2050 = arith.muli %select_n3A_2048, %mul3A_2049 : i32
        %dma_wait3A_2051 = arith.constant 0 : i32
        %dma_wait3A_2052 = arith.constant 24576 : i32
        %dma_wait3A_2053 = tpu.memref_slice %arg7[%dma_wait3A_2052] : memref<40960xf32, #tpu.memory_space<vmem>> -> memref<1024xf32, #tpu.memory_space<vmem>>
        %dma_wait3A_2054 = tpu.memref_slice %arg4[%select_n3A_2032, %dma_wait3A_2051, %mul3A_2050] : memref<50x4x131072xf32, #tpu.memory_space<hbm>> -> memref<1x1x1024xf32, #tpu.memory_space<hbm>>
        %dma_wait3A_2055 = tpu.memref_squeeze %dma_wait3A_2054 : memref<1x1x1024xf32, #tpu.memory_space<hbm>> -> memref<1024xf32, #tpu.memory_space<hbm>>
        %dma_wait3A_2056 = tpu.memref_slice %arg4[%select_n3A_2032, %dma_wait3A_2051, %mul3A_2050] : memref<50x4x131072xf32, #tpu.memory_space<hbm>> -> memref<1x1x1024xf32, #tpu.memory_space<hbm>>
        %dma_wait3A_2057 = tpu.memref_squeeze %dma_wait3A_2056 : memref<1x1x1024xf32, #tpu.memory_space<hbm>> -> memref<1024xf32, #tpu.memory_space<hbm>>
        %dma_wait3A_2058 = arith.constant 24576 : i32
        %dma_wait3A_2059 = tpu.memref_slice %arg7[%dma_wait3A_2058] : memref<40960xf32, #tpu.memory_space<vmem>> -> memref<1024xf32, #tpu.memory_space<vmem>>
        tpu.wait_dma2 semaphore(%arg19 : memref<!tpu.dma_semaphore, #tpu.memory_space<semaphore_mem>>) src(%dma_wait3A_2059 : memref<1024xf32, #tpu.memory_space<vmem>>) dst(%dma_wait3A_2057 : memref<1024xf32, #tpu.memory_space<hbm>>)
        %mul3A_2060 = arith.constant 1024 : i32
        %mul3A_2061 = arith.muli %select_n3A_2048, %mul3A_2060 : i32
        %dma_wait3A_2062 = arith.constant 1 : i32
        %dma_wait3A_2063 = arith.constant 25600 : i32
        %dma_wait3A_2064 = tpu.memref_slice %arg7[%dma_wait3A_2063] : memref<40960xf32, #tpu.memory_space<vmem>> -> memref<1024xf32, #tpu.memory_space<vmem>>
        %dma_wait3A_2065 = tpu.memref_slice %arg4[%select_n3A_2032, %dma_wait3A_2062, %mul3A_2061] : memref<50x4x131072xf32, #tpu.memory_space<hbm>> -> memref<1x1x1024xf32, #tpu.memory_space<hbm>>
        %dma_wait3A_2066 = tpu.memref_squeeze %dma_wait3A_2065 : memref<1x1x1024xf32, #tpu.memory_space<hbm>> -> memref<1024xf32, #tpu.memory_space<hbm>>
        %dma_wait3A_2067 = tpu.memref_slice %arg4[%select_n3A_2032, %dma_wait3A_2062, %mul3A_2061] : memref<50x4x131072xf32, #tpu.memory_space<hbm>> -> memref<1x1x1024xf32, #tpu.memory_space<hbm>>
        %dma_wait3A_2068 = tpu.memref_squeeze %dma_wait3A_2067 : memref<1x1x1024xf32, #tpu.memory_space<hbm>> -> memref<1024xf32, #tpu.memory_space<hbm>>
        %dma_wait3A_2069 = arith.constant 25600 : i32
        %dma_wait3A_2070 = tpu.memref_slice %arg7[%dma_wait3A_2069] : memref<40960xf32, #tpu.memory_space<vmem>> -> memref<1024xf32, #tpu.memory_space<vmem>>
        tpu.wait_dma2 semaphore(%arg19 : memref<!tpu.dma_semaphore, #tpu.memory_space<semaphore_mem>>) src(%dma_wait3A_2070 : memref<1024xf32, #tpu.memory_space<vmem>>) dst(%dma_wait3A_2068 : memref<1024xf32, #tpu.memory_space<hbm>>)
        %mul3A_2071 = arith.constant 1024 : i32
        %mul3A_2072 = arith.muli %select_n3A_2048, %mul3A_2071 : i32
        %dma_wait3A_2073 = arith.constant 2 : i32
        %dma_wait3A_2074 = arith.constant 26624 : i32
        %dma_wait3A_2075 = tpu.memref_slice %arg7[%dma_wait3A_2074] : memref<40960xf32, #tpu.memory_space<vmem>> -> memref<1024xf32, #tpu.memory_space<vmem>>
        %dma_wait3A_2076 = tpu.memref_slice %arg4[%select_n3A_2032, %dma_wait3A_2073, %mul3A_2072] : memref<50x4x131072xf32, #tpu.memory_space<hbm>> -> memref<1x1x1024xf32, #tpu.memory_space<hbm>>
        %dma_wait3A_2077 = tpu.memref_squeeze %dma_wait3A_2076 : memref<1x1x1024xf32, #tpu.memory_space<hbm>> -> memref<1024xf32, #tpu.memory_space<hbm>>
        %dma_wait3A_2078 = tpu.memref_slice %arg4[%select_n3A_2032, %dma_wait3A_2073, %mul3A_2072] : memref<50x4x131072xf32, #tpu.memory_space<hbm>> -> memref<1x1x1024xf32, #tpu.memory_space<hbm>>
        %dma_wait3A_2079 = tpu.memref_squeeze %dma_wait3A_2078 : memref<1x1x1024xf32, #tpu.memory_space<hbm>> -> memref<1024xf32, #tpu.memory_space<hbm>>
        %dma_wait3A_2080 = arith.constant 26624 : i32
        %dma_wait3A_2081 = tpu.memref_slice %arg7[%dma_wait3A_2080] : memref<40960xf32, #tpu.memory_space<vmem>> -> memref<1024xf32, #tpu.memory_space<vmem>>
        tpu.wait_dma2 semaphore(%arg19 : memref<!tpu.dma_semaphore, #tpu.memory_space<semaphore_mem>>) src(%dma_wait3A_2081 : memref<1024xf32, #tpu.memory_space<vmem>>) dst(%dma_wait3A_2079 : memref<1024xf32, #tpu.memory_space<hbm>>)
        %mul3A_2082 = arith.constant 1024 : i32
        %mul3A_2083 = arith.muli %select_n3A_2048, %mul3A_2082 : i32
        %dma_wait3A_2084 = arith.constant 3 : i32
        %dma_wait3A_2085 = arith.constant 27648 : i32
        %dma_wait3A_2086 = tpu.memref_slice %arg7[%dma_wait3A_2085] : memref<40960xf32, #tpu.memory_space<vmem>> -> memref<1024xf32, #tpu.memory_space<vmem>>
        %dma_wait3A_2087 = tpu.memref_slice %arg4[%select_n3A_2032, %dma_wait3A_2084, %mul3A_2083] : memref<50x4x131072xf32, #tpu.memory_space<hbm>> -> memref<1x1x1024xf32, #tpu.memory_space<hbm>>
        %dma_wait3A_2088 = tpu.memref_squeeze %dma_wait3A_2087 : memref<1x1x1024xf32, #tpu.memory_space<hbm>> -> memref<1024xf32, #tpu.memory_space<hbm>>
        %dma_wait3A_2089 = tpu.memref_slice %arg4[%select_n3A_2032, %dma_wait3A_2084, %mul3A_2083] : memref<50x4x131072xf32, #tpu.memory_space<hbm>> -> memref<1x1x1024xf32, #tpu.memory_space<hbm>>
        %dma_wait3A_2090 = tpu.memref_squeeze %dma_wait3A_2089 : memref<1x1x1024xf32, #tpu.memory_space<hbm>> -> memref<1024xf32, #tpu.memory_space<hbm>>
        %dma_wait3A_2091 = arith.constant 27648 : i32
        %dma_wait3A_2092 = tpu.memref_slice %arg7[%dma_wait3A_2091] : memref<40960xf32, #tpu.memory_space<vmem>> -> memref<1024xf32, #tpu.memory_space<vmem>>
        tpu.wait_dma2 semaphore(%arg19 : memref<!tpu.dma_semaphore, #tpu.memory_space<semaphore_mem>>) src(%dma_wait3A_2092 : memref<1024xf32, #tpu.memory_space<vmem>>) dst(%dma_wait3A_2090 : memref<1024xf32, #tpu.memory_space<hbm>>)
        %sub3A_2093 = arith.constant 5 : i32
        %sub3A_2094 = arith.subi %add3A_1573, %sub3A_2093 : i32
        %mul3A_2095 = arith.constant 2 : i32
        %mul3A_2096 = arith.muli %sub3A_2094, %mul3A_2095 : i32
        %add3A_2097 = arith.addi %mul3A_2, %mul3A_2096 : i32
        %add3A_2098 = arith.constant 1 : i32
        %add3A_2099 = arith.addi %add3A_2097, %add3A_2098 : i32
        %jit3A_2100 = arith.constant 128 : i32
        %div3A_2101 = arith.divsi %add3A_2099, %jit3A_2100 : i32
        %sign3A_2102 = arith.constant 0 : i32
        %sign3A_2103 = arith.cmpi sgt, %add3A_2099, %sign3A_2102 : i32
        %sign3A_2104 = arith.extui %sign3A_2103 : i1 to i32
        %sign3A_2105 = arith.constant 0 : i32
        %sign3A_2106 = arith.cmpi slt, %add3A_2099, %sign3A_2105 : i32
        %sign3A_2107 = arith.extui %sign3A_2106 : i1 to i32
        %sign3A_2108 = arith.subi %sign3A_2104, %sign3A_2107 : i32
        %sign3A_2109 = arith.constant 0 : i32
        %sign3A_2110 = arith.cmpi sgt, %jit3A_2100, %sign3A_2109 : i32
        %sign3A_2111 = arith.extui %sign3A_2110 : i1 to i32
        %sign3A_2112 = arith.constant 0 : i32
        %sign3A_2113 = arith.cmpi slt, %jit3A_2100, %sign3A_2112 : i32
        %sign3A_2114 = arith.extui %sign3A_2113 : i1 to i32
        %sign3A_2115 = arith.subi %sign3A_2111, %sign3A_2114 : i32
        %ne3A_2116 = arith.cmpi ne, %sign3A_2108, %sign3A_2115 : i32
        %rem3A_2117 = arith.remsi %add3A_2099, %jit3A_2100 : i32
        %ne3A_2118 = arith.constant 0 : i32
        %ne3A_2119 = arith.cmpi ne, %rem3A_2117, %ne3A_2118 : i32
        %and3A_2120 = arith.andi %ne3A_2116, %ne3A_2119 : i1
        %sub3A_2121 = arith.constant 1 : i32
        %sub3A_2122 = arith.subi %div3A_2101, %sub3A_2121 : i32
        %select_n3A_2123 = arith.select %and3A_2120, %sub3A_2122, %div3A_2101 : i32
        %jit3A_2124 = arith.constant 128 : i32
        %eq3A_2125 = arith.constant 0 : i32
        %eq3A_2126 = arith.cmpi eq, %jit3A_2124, %eq3A_2125 : i32
        %jit3A_2127 = arith.constant 1 : i32
        %select_n3A_2128 = arith.select %eq3A_2126, %jit3A_2127, %jit3A_2124 : i32
        %rem3A_2129 = arith.remsi %add3A_2099, %select_n3A_2128 : i32
        %ne3A_2130 = arith.constant 0 : i32
        %ne3A_2131 = arith.cmpi ne, %rem3A_2129, %ne3A_2130 : i32
        %lt3A_2132 = arith.constant 0 : i32
        %lt3A_2133 = arith.cmpi slt, %rem3A_2129, %lt3A_2132 : i32
        %lt3A_2134 = arith.constant 0 : i32
        %lt3A_2135 = arith.cmpi slt, %select_n3A_2128, %lt3A_2134 : i32
        %ne3A_2136 = arith.xori %lt3A_2133, %lt3A_2135 : i1
        %and3A_2137 = arith.andi %ne3A_2136, %ne3A_2131 : i1
        %add3A_2138 = arith.addi %rem3A_2129, %select_n3A_2128 : i32
        %select_n3A_2139 = arith.select %and3A_2137, %add3A_2138, %rem3A_2129 : i32
        %mul3A_2140 = arith.constant 1024 : i32
        %mul3A_2141 = arith.muli %select_n3A_2139, %mul3A_2140 : i32
        %dma_wait3A_2142 = arith.constant 0 : i32
        %dma_wait3A_2143 = arith.constant 28672 : i32
        %dma_wait3A_2144 = tpu.memref_slice %arg7[%dma_wait3A_2143] : memref<40960xf32, #tpu.memory_space<vmem>> -> memref<1024xf32, #tpu.memory_space<vmem>>
        %dma_wait3A_2145 = tpu.memref_slice %arg4[%select_n3A_2123, %dma_wait3A_2142, %mul3A_2141] : memref<50x4x131072xf32, #tpu.memory_space<hbm>> -> memref<1x1x1024xf32, #tpu.memory_space<hbm>>
        %dma_wait3A_2146 = tpu.memref_squeeze %dma_wait3A_2145 : memref<1x1x1024xf32, #tpu.memory_space<hbm>> -> memref<1024xf32, #tpu.memory_space<hbm>>
        %dma_wait3A_2147 = tpu.memref_slice %arg4[%select_n3A_2123, %dma_wait3A_2142, %mul3A_2141] : memref<50x4x131072xf32, #tpu.memory_space<hbm>> -> memref<1x1x1024xf32, #tpu.memory_space<hbm>>
        %dma_wait3A_2148 = tpu.memref_squeeze %dma_wait3A_2147 : memref<1x1x1024xf32, #tpu.memory_space<hbm>> -> memref<1024xf32, #tpu.memory_space<hbm>>
        %dma_wait3A_2149 = arith.constant 28672 : i32
        %dma_wait3A_2150 = tpu.memref_slice %arg7[%dma_wait3A_2149] : memref<40960xf32, #tpu.memory_space<vmem>> -> memref<1024xf32, #tpu.memory_space<vmem>>
        tpu.wait_dma2 semaphore(%arg20 : memref<!tpu.dma_semaphore, #tpu.memory_space<semaphore_mem>>) src(%dma_wait3A_2150 : memref<1024xf32, #tpu.memory_space<vmem>>) dst(%dma_wait3A_2148 : memref<1024xf32, #tpu.memory_space<hbm>>)
        %mul3A_2151 = arith.constant 1024 : i32
        %mul3A_2152 = arith.muli %select_n3A_2139, %mul3A_2151 : i32
        %dma_wait3A_2153 = arith.constant 1 : i32
        %dma_wait3A_2154 = arith.constant 29696 : i32
        %dma_wait3A_2155 = tpu.memref_slice %arg7[%dma_wait3A_2154] : memref<40960xf32, #tpu.memory_space<vmem>> -> memref<1024xf32, #tpu.memory_space<vmem>>
        %dma_wait3A_2156 = tpu.memref_slice %arg4[%select_n3A_2123, %dma_wait3A_2153, %mul3A_2152] : memref<50x4x131072xf32, #tpu.memory_space<hbm>> -> memref<1x1x1024xf32, #tpu.memory_space<hbm>>
        %dma_wait3A_2157 = tpu.memref_squeeze %dma_wait3A_2156 : memref<1x1x1024xf32, #tpu.memory_space<hbm>> -> memref<1024xf32, #tpu.memory_space<hbm>>
        %dma_wait3A_2158 = tpu.memref_slice %arg4[%select_n3A_2123, %dma_wait3A_2153, %mul3A_2152] : memref<50x4x131072xf32, #tpu.memory_space<hbm>> -> memref<1x1x1024xf32, #tpu.memory_space<hbm>>
        %dma_wait3A_2159 = tpu.memref_squeeze %dma_wait3A_2158 : memref<1x1x1024xf32, #tpu.memory_space<hbm>> -> memref<1024xf32, #tpu.memory_space<hbm>>
        %dma_wait3A_2160 = arith.constant 29696 : i32
        %dma_wait3A_2161 = tpu.memref_slice %arg7[%dma_wait3A_2160] : memref<40960xf32, #tpu.memory_space<vmem>> -> memref<1024xf32, #tpu.memory_space<vmem>>
        tpu.wait_dma2 semaphore(%arg20 : memref<!tpu.dma_semaphore, #tpu.memory_space<semaphore_mem>>) src(%dma_wait3A_2161 : memref<1024xf32, #tpu.memory_space<vmem>>) dst(%dma_wait3A_2159 : memref<1024xf32, #tpu.memory_space<hbm>>)
        %mul3A_2162 = arith.constant 1024 : i32
        %mul3A_2163 = arith.muli %select_n3A_2139, %mul3A_2162 : i32
        %dma_wait3A_2164 = arith.constant 2 : i32
        %dma_wait3A_2165 = arith.constant 30720 : i32
        %dma_wait3A_2166 = tpu.memref_slice %arg7[%dma_wait3A_2165] : memref<40960xf32, #tpu.memory_space<vmem>> -> memref<1024xf32, #tpu.memory_space<vmem>>
        %dma_wait3A_2167 = tpu.memref_slice %arg4[%select_n3A_2123, %dma_wait3A_2164, %mul3A_2163] : memref<50x4x131072xf32, #tpu.memory_space<hbm>> -> memref<1x1x1024xf32, #tpu.memory_space<hbm>>
        %dma_wait3A_2168 = tpu.memref_squeeze %dma_wait3A_2167 : memref<1x1x1024xf32, #tpu.memory_space<hbm>> -> memref<1024xf32, #tpu.memory_space<hbm>>
        %dma_wait3A_2169 = tpu.memref_slice %arg4[%select_n3A_2123, %dma_wait3A_2164, %mul3A_2163] : memref<50x4x131072xf32, #tpu.memory_space<hbm>> -> memref<1x1x1024xf32, #tpu.memory_space<hbm>>
        %dma_wait3A_2170 = tpu.memref_squeeze %dma_wait3A_2169 : memref<1x1x1024xf32, #tpu.memory_space<hbm>> -> memref<1024xf32, #tpu.memory_space<hbm>>
        %dma_wait3A_2171 = arith.constant 30720 : i32
        %dma_wait3A_2172 = tpu.memref_slice %arg7[%dma_wait3A_2171] : memref<40960xf32, #tpu.memory_space<vmem>> -> memref<1024xf32, #tpu.memory_space<vmem>>
        tpu.wait_dma2 semaphore(%arg20 : memref<!tpu.dma_semaphore, #tpu.memory_space<semaphore_mem>>) src(%dma_wait3A_2172 : memref<1024xf32, #tpu.memory_space<vmem>>) dst(%dma_wait3A_2170 : memref<1024xf32, #tpu.memory_space<hbm>>)
        %mul3A_2173 = arith.constant 1024 : i32
        %mul3A_2174 = arith.muli %select_n3A_2139, %mul3A_2173 : i32
        %dma_wait3A_2175 = arith.constant 3 : i32
        %dma_wait3A_2176 = arith.constant 31744 : i32
        %dma_wait3A_2177 = tpu.memref_slice %arg7[%dma_wait3A_2176] : memref<40960xf32, #tpu.memory_space<vmem>> -> memref<1024xf32, #tpu.memory_space<vmem>>
        %dma_wait3A_2178 = tpu.memref_slice %arg4[%select_n3A_2123, %dma_wait3A_2175, %mul3A_2174] : memref<50x4x131072xf32, #tpu.memory_space<hbm>> -> memref<1x1x1024xf32, #tpu.memory_space<hbm>>
        %dma_wait3A_2179 = tpu.memref_squeeze %dma_wait3A_2178 : memref<1x1x1024xf32, #tpu.memory_space<hbm>> -> memref<1024xf32, #tpu.memory_space<hbm>>
        %dma_wait3A_2180 = tpu.memref_slice %arg4[%select_n3A_2123, %dma_wait3A_2175, %mul3A_2174] : memref<50x4x131072xf32, #tpu.memory_space<hbm>> -> memref<1x1x1024xf32, #tpu.memory_space<hbm>>
        %dma_wait3A_2181 = tpu.memref_squeeze %dma_wait3A_2180 : memref<1x1x1024xf32, #tpu.memory_space<hbm>> -> memref<1024xf32, #tpu.memory_space<hbm>>
        %dma_wait3A_2182 = arith.constant 31744 : i32
        %dma_wait3A_2183 = tpu.memref_slice %arg7[%dma_wait3A_2182] : memref<40960xf32, #tpu.memory_space<vmem>> -> memref<1024xf32, #tpu.memory_space<vmem>>
        tpu.wait_dma2 semaphore(%arg20 : memref<!tpu.dma_semaphore, #tpu.memory_space<semaphore_mem>>) src(%dma_wait3A_2183 : memref<1024xf32, #tpu.memory_space<vmem>>) dst(%dma_wait3A_2181 : memref<1024xf32, #tpu.memory_space<hbm>>)
      } else {
      }
      %add3A_1588 = arith.constant 24576 : i32
      %add3A_1589 = vector.broadcast %add3A_1588 : i32 to vector<16xi32>
      %add3A_1590 = arith.addi %mul3A_9, %add3A_1589 : vector<16xi32>
      %add3A_1591 = arith.constant 2048 : i32
      %add3A_1592 = vector.broadcast %add3A_1591 : i32 to vector<16xi32>
      %add3A_1593 = arith.addi %add3A_1590, %add3A_1592 : vector<16xi32>
      %add3A_1594 = arith.constant 28672 : i32
      %add3A_1595 = vector.broadcast %add3A_1594 : i32 to vector<16xi32>
      %add3A_1596 = arith.addi %mul3A_9, %add3A_1595 : vector<16xi32>
      %add3A_1597 = arith.constant 2048 : i32
      %add3A_1598 = vector.broadcast %add3A_1597 : i32 to vector<16xi32>
      %add3A_1599 = arith.addi %add3A_1596, %add3A_1598 : vector<16xi32>
      %parallel_loop3A_1600 = arith.constant 0 : i32
      %parallel_loop3A_1601 = arith.constant 128 : i32
      %parallel_loop3A_1602 = arith.constant 1 : i32
      scf.for %parallel_loop3A_2002 = %parallel_loop3A_1600 to %parallel_loop3A_1601 step %parallel_loop3A_1602  : i32 {
        %parallel_loop3A_2003 = arith.constant 768 : i32
        %parallel_loop3A_2004 = arith.addi %parallel_loop3A_2003, %parallel_loop3A_2002 : i32
        %parallel_loop3A_2005 = arith.index_cast %parallel_loop3A_2004 : i32 to index
        %parallel_loop3A_2006 = arith.constant 0 : index
        %parallel_loop3A_2007 = tpu.vector_load %arg6[%parallel_loop3A_2005, %parallel_loop3A_2006] {strides = array<i32>} : memref<1280x32xf32, #tpu.memory_space<vmem>>, vector<16xf32>,
        %parallel_loop3A_2008 = arith.constant 768 : i32
        %parallel_loop3A_2009 = arith.addi %parallel_loop3A_2008, %parallel_loop3A_2002 : i32
        %parallel_loop3A_2010 = arith.index_cast %parallel_loop3A_2009 : i32 to index
        %parallel_loop3A_2011 = arith.constant 16 : index
        %parallel_loop3A_2012 = tpu.vector_load %arg6[%parallel_loop3A_2010, %parallel_loop3A_2011] {strides = array<i32>} : memref<1280x32xf32, #tpu.memory_space<vmem>>, vector<16xf32>,
        %parallel_loop3A_2013 = arith.constant 896 : i32
        %parallel_loop3A_2014 = arith.addi %parallel_loop3A_2013, %parallel_loop3A_2002 : i32
        %parallel_loop3A_2015 = arith.index_cast %parallel_loop3A_2014 : i32 to index
        %parallel_loop3A_2016 = arith.constant 0 : index
        %parallel_loop3A_2017 = tpu.vector_load %arg6[%parallel_loop3A_2015, %parallel_loop3A_2016] {strides = array<i32>} : memref<1280x32xf32, #tpu.memory_space<vmem>>, vector<16xf32>,
        %parallel_loop3A_2018 = arith.constant 896 : i32
        %parallel_loop3A_2019 = arith.addi %parallel_loop3A_2018, %parallel_loop3A_2002 : i32
        %parallel_loop3A_2020 = arith.index_cast %parallel_loop3A_2019 : i32 to index
        %parallel_loop3A_2021 = arith.constant 16 : index
        %parallel_loop3A_2022 = tpu.vector_load %arg6[%parallel_loop3A_2020, %parallel_loop3A_2021] {strides = array<i32>} : memref<1280x32xf32, #tpu.memory_space<vmem>>, vector<16xf32>,
        %parallel_loop3A_2023 = vector.broadcast %parallel_loop3A_2002 : i32 to vector<16xi32>
        %parallel_loop3A_2024 = arith.addi %add3A_1590, %parallel_loop3A_2023 : vector<16xi32>
        tpu.vector_store_idx %arg7[%parallel_loop3A_2024], %parallel_loop3A_2007 : memref<40960xf32, #tpu.memory_space<vmem>>[vector<16xi32>], vector<16xf32>,
        %parallel_loop3A_2025 = vector.broadcast %parallel_loop3A_2002 : i32 to vector<16xi32>
        %parallel_loop3A_2026 = arith.addi %add3A_1593, %parallel_loop3A_2025 : vector<16xi32>
        tpu.vector_store_idx %arg7[%parallel_loop3A_2026], %parallel_loop3A_2012 : memref<40960xf32, #tpu.memory_space<vmem>>[vector<16xi32>], vector<16xf32>,
        %parallel_loop3A_2027 = vector.broadcast %parallel_loop3A_2002 : i32 to vector<16xi32>
        %parallel_loop3A_2028 = arith.addi %add3A_1596, %parallel_loop3A_2027 : vector<16xi32>
        tpu.vector_store_idx %arg7[%parallel_loop3A_2028], %parallel_loop3A_2017 : memref<40960xf32, #tpu.memory_space<vmem>>[vector<16xi32>], vector<16xf32>,
        %parallel_loop3A_2029 = vector.broadcast %parallel_loop3A_2002 : i32 to vector<16xi32>
        %parallel_loop3A_2030 = arith.addi %add3A_1599, %parallel_loop3A_2029 : vector<16xi32>
        tpu.vector_store_idx %arg7[%parallel_loop3A_2030], %parallel_loop3A_2022 : memref<40960xf32, #tpu.memory_space<vmem>>[vector<16xi32>], vector<16xf32>,
      } {sc.loop_unroll_factor = 8 : i64, sc.parallel_access}
      %mul3A_1603 = arith.constant 2 : i32
      %mul3A_1604 = arith.muli %add3A_1573, %mul3A_1603 : i32
      %add3A_1605 = arith.addi %mul3A_2, %mul3A_1604 : i32
      %add3A_1606 = arith.constant 0 : i32
      %add3A_1607 = arith.addi %add3A_1605, %add3A_1606 : i32
      %jit3A_1608 = arith.constant 128 : i32
      %div3A_1609 = arith.divsi %add3A_1607, %jit3A_1608 : i32
      %sign3A_1610 = arith.constant 0 : i32
      %sign3A_1611 = arith.cmpi sgt, %add3A_1607, %sign3A_1610 : i32
      %sign3A_1612 = arith.extui %sign3A_1611 : i1 to i32
      %sign3A_1613 = arith.constant 0 : i32
      %sign3A_1614 = arith.cmpi slt, %add3A_1607, %sign3A_1613 : i32
      %sign3A_1615 = arith.extui %sign3A_1614 : i1 to i32
      %sign3A_1616 = arith.subi %sign3A_1612, %sign3A_1615 : i32
      %sign3A_1617 = arith.constant 0 : i32
      %sign3A_1618 = arith.cmpi sgt, %jit3A_1608, %sign3A_1617 : i32
      %sign3A_1619 = arith.extui %sign3A_1618 : i1 to i32
      %sign3A_1620 = arith.constant 0 : i32
      %sign3A_1621 = arith.cmpi slt, %jit3A_1608, %sign3A_1620 : i32
      %sign3A_1622 = arith.extui %sign3A_1621 : i1 to i32
      %sign3A_1623 = arith.subi %sign3A_1619, %sign3A_1622 : i32
      %ne3A_1624 = arith.cmpi ne, %sign3A_1616, %sign3A_1623 : i32
      %rem3A_1625 = arith.remsi %add3A_1607, %jit3A_1608 : i32
      %ne3A_1626 = arith.constant 0 : i32
      %ne3A_1627 = arith.cmpi ne, %rem3A_1625, %ne3A_1626 : i32
      %and3A_1628 = arith.andi %ne3A_1624, %ne3A_1627 : i1
      %sub3A_1629 = arith.constant 1 : i32
      %sub3A_1630 = arith.subi %div3A_1609, %sub3A_1629 : i32
      %select_n3A_1631 = arith.select %and3A_1628, %sub3A_1630, %div3A_1609 : i32
      %jit3A_1632 = arith.constant 128 : i32
      %eq3A_1633 = arith.constant 0 : i32
      %eq3A_1634 = arith.cmpi eq, %jit3A_1632, %eq3A_1633 : i32
      %jit3A_1635 = arith.constant 1 : i32
      %select_n3A_1636 = arith.select %eq3A_1634, %jit3A_1635, %jit3A_1632 : i32
      %rem3A_1637 = arith.remsi %add3A_1607, %select_n3A_1636 : i32
      %ne3A_1638 = arith.constant 0 : i32
      %ne3A_1639 = arith.cmpi ne, %rem3A_1637, %ne3A_1638 : i32
      %lt3A_1640 = arith.constant 0 : i32
      %lt3A_1641 = arith.cmpi slt, %rem3A_1637, %lt3A_1640 : i32
      %lt3A_1642 = arith.constant 0 : i32
      %lt3A_1643 = arith.cmpi slt, %select_n3A_1636, %lt3A_1642 : i32
      %ne3A_1644 = arith.xori %lt3A_1641, %lt3A_1643 : i1
      %and3A_1645 = arith.andi %ne3A_1644, %ne3A_1639 : i1
      %add3A_1646 = arith.addi %rem3A_1637, %select_n3A_1636 : i32
      %select_n3A_1647 = arith.select %and3A_1645, %add3A_1646, %rem3A_1637 : i32
      %mul3A_1648 = arith.constant 1024 : i32
      %mul3A_1649 = arith.muli %select_n3A_1647, %mul3A_1648 : i32
      %dma_start3A_1650 = arith.constant 0 : i32
      %dma_start3A_1651 = arith.constant 24576 : i32
      %dma_start3A_1652 = tpu.memref_slice %arg7[%dma_start3A_1651] : memref<40960xf32, #tpu.memory_space<vmem>> -> memref<1024xf32, #tpu.memory_space<vmem>>
      %dma_start3A_1653 = tpu.memref_slice %arg4[%select_n3A_1631, %dma_start3A_1650, %mul3A_1649] : memref<50x4x131072xf32, #tpu.memory_space<hbm>> -> memref<1x1x1024xf32, #tpu.memory_space<hbm>>
      %dma_start3A_1654 = tpu.memref_squeeze %dma_start3A_1653 : memref<1x1x1024xf32, #tpu.memory_space<hbm>> -> memref<1024xf32, #tpu.memory_space<hbm>>
      %dma_start3A_1655 = tpu.memref_slice %arg4[%select_n3A_1631, %dma_start3A_1650, %mul3A_1649] : memref<50x4x131072xf32, #tpu.memory_space<hbm>> -> memref<1x1x1024xf32, #tpu.memory_space<hbm>>
      %dma_start3A_1656 = tpu.memref_squeeze %dma_start3A_1655 : memref<1x1x1024xf32, #tpu.memory_space<hbm>> -> memref<1024xf32, #tpu.memory_space<hbm>>
      %dma_start3A_1657 = arith.constant 24576 : i32
      %dma_start3A_1658 = tpu.memref_slice %arg7[%dma_start3A_1657] : memref<40960xf32, #tpu.memory_space<vmem>> -> memref<1024xf32, #tpu.memory_space<vmem>>
      tpu.enqueue_dma source(%dma_start3A_1658 : memref<1024xf32, #tpu.memory_space<vmem>>) target(%dma_start3A_1656 : memref<1024xf32, #tpu.memory_space<hbm>>) target_semaphore(%arg19 : memref<!tpu.dma_semaphore, #tpu.memory_space<semaphore_mem>>)
      %mul3A_1659 = arith.constant 1024 : i32
      %mul3A_1660 = arith.muli %select_n3A_1647, %mul3A_1659 : i32
      %dma_start3A_1661 = arith.constant 1 : i32
      %dma_start3A_1662 = arith.constant 25600 : i32
      %dma_start3A_1663 = tpu.memref_slice %arg7[%dma_start3A_1662] : memref<40960xf32, #tpu.memory_space<vmem>> -> memref<1024xf32, #tpu.memory_space<vmem>>
      %dma_start3A_1664 = tpu.memref_slice %arg4[%select_n3A_1631, %dma_start3A_1661, %mul3A_1660] : memref<50x4x131072xf32, #tpu.memory_space<hbm>> -> memref<1x1x1024xf32, #tpu.memory_space<hbm>>
      %dma_start3A_1665 = tpu.memref_squeeze %dma_start3A_1664 : memref<1x1x1024xf32, #tpu.memory_space<hbm>> -> memref<1024xf32, #tpu.memory_space<hbm>>
      %dma_start3A_1666 = tpu.memref_slice %arg4[%select_n3A_1631, %dma_start3A_1661, %mul3A_1660] : memref<50x4x131072xf32, #tpu.memory_space<hbm>> -> memref<1x1x1024xf32, #tpu.memory_space<hbm>>
      %dma_start3A_1667 = tpu.memref_squeeze %dma_start3A_1666 : memref<1x1x1024xf32, #tpu.memory_space<hbm>> -> memref<1024xf32, #tpu.memory_space<hbm>>
      %dma_start3A_1668 = arith.constant 25600 : i32
      %dma_start3A_1669 = tpu.memref_slice %arg7[%dma_start3A_1668] : memref<40960xf32, #tpu.memory_space<vmem>> -> memref<1024xf32, #tpu.memory_space<vmem>>
      tpu.enqueue_dma source(%dma_start3A_1669 : memref<1024xf32, #tpu.memory_space<vmem>>) target(%dma_start3A_1667 : memref<1024xf32, #tpu.memory_space<hbm>>) target_semaphore(%arg19 : memref<!tpu.dma_semaphore, #tpu.memory_space<semaphore_mem>>)
      %mul3A_1670 = arith.constant 1024 : i32
      %mul3A_1671 = arith.muli %select_n3A_1647, %mul3A_1670 : i32
      %dma_start3A_1672 = arith.constant 2 : i32
      %dma_start3A_1673 = arith.constant 26624 : i32
      %dma_start3A_1674 = tpu.memref_slice %arg7[%dma_start3A_1673] : memref<40960xf32, #tpu.memory_space<vmem>> -> memref<1024xf32, #tpu.memory_space<vmem>>
      %dma_start3A_1675 = tpu.memref_slice %arg4[%select_n3A_1631, %dma_start3A_1672, %mul3A_1671] : memref<50x4x131072xf32, #tpu.memory_space<hbm>> -> memref<1x1x1024xf32, #tpu.memory_space<hbm>>
      %dma_start3A_1676 = tpu.memref_squeeze %dma_start3A_1675 : memref<1x1x1024xf32, #tpu.memory_space<hbm>> -> memref<1024xf32, #tpu.memory_space<hbm>>
      %dma_start3A_1677 = tpu.memref_slice %arg4[%select_n3A_1631, %dma_start3A_1672, %mul3A_1671] : memref<50x4x131072xf32, #tpu.memory_space<hbm>> -> memref<1x1x1024xf32, #tpu.memory_space<hbm>>
      %dma_start3A_1678 = tpu.memref_squeeze %dma_start3A_1677 : memref<1x1x1024xf32, #tpu.memory_space<hbm>> -> memref<1024xf32, #tpu.memory_space<hbm>>
      %dma_start3A_1679 = arith.constant 26624 : i32
      %dma_start3A_1680 = tpu.memref_slice %arg7[%dma_start3A_1679] : memref<40960xf32, #tpu.memory_space<vmem>> -> memref<1024xf32, #tpu.memory_space<vmem>>
      tpu.enqueue_dma source(%dma_start3A_1680 : memref<1024xf32, #tpu.memory_space<vmem>>) target(%dma_start3A_1678 : memref<1024xf32, #tpu.memory_space<hbm>>) target_semaphore(%arg19 : memref<!tpu.dma_semaphore, #tpu.memory_space<semaphore_mem>>)
      %mul3A_1681 = arith.constant 1024 : i32
      %mul3A_1682 = arith.muli %select_n3A_1647, %mul3A_1681 : i32
      %dma_start3A_1683 = arith.constant 3 : i32
      %dma_start3A_1684 = arith.constant 27648 : i32
      %dma_start3A_1685 = tpu.memref_slice %arg7[%dma_start3A_1684] : memref<40960xf32, #tpu.memory_space<vmem>> -> memref<1024xf32, #tpu.memory_space<vmem>>
      %dma_start3A_1686 = tpu.memref_slice %arg4[%select_n3A_1631, %dma_start3A_1683, %mul3A_1682] : memref<50x4x131072xf32, #tpu.memory_space<hbm>> -> memref<1x1x1024xf32, #tpu.memory_space<hbm>>
      %dma_start3A_1687 = tpu.memref_squeeze %dma_start3A_1686 : memref<1x1x1024xf32, #tpu.memory_space<hbm>> -> memref<1024xf32, #tpu.memory_space<hbm>>
      %dma_start3A_1688 = tpu.memref_slice %arg4[%select_n3A_1631, %dma_start3A_1683, %mul3A_1682] : memref<50x4x131072xf32, #tpu.memory_space<hbm>> -> memref<1x1x1024xf32, #tpu.memory_space<hbm>>
      %dma_start3A_1689 = tpu.memref_squeeze %dma_start3A_1688 : memref<1x1x1024xf32, #tpu.memory_space<hbm>> -> memref<1024xf32, #tpu.memory_space<hbm>>
      %dma_start3A_1690 = arith.constant 27648 : i32
      %dma_start3A_1691 = tpu.memref_slice %arg7[%dma_start3A_1690] : memref<40960xf32, #tpu.memory_space<vmem>> -> memref<1024xf32, #tpu.memory_space<vmem>>
      tpu.enqueue_dma source(%dma_start3A_1691 : memref<1024xf32, #tpu.memory_space<vmem>>) target(%dma_start3A_1689 : memref<1024xf32, #tpu.memory_space<hbm>>) target_semaphore(%arg19 : memref<!tpu.dma_semaphore, #tpu.memory_space<semaphore_mem>>)
      %mul3A_1692 = arith.constant 2 : i32
      %mul3A_1693 = arith.muli %add3A_1573, %mul3A_1692 : i32
      %add3A_1694 = arith.addi %mul3A_2, %mul3A_1693 : i32
      %add3A_1695 = arith.constant 1 : i32
      %add3A_1696 = arith.addi %add3A_1694, %add3A_1695 : i32
      %jit3A_1697 = arith.constant 128 : i32
      %div3A_1698 = arith.divsi %add3A_1696, %jit3A_1697 : i32
      %sign3A_1699 = arith.constant 0 : i32
      %sign3A_1700 = arith.cmpi sgt, %add3A_1696, %sign3A_1699 : i32
      %sign3A_1701 = arith.extui %sign3A_1700 : i1 to i32
      %sign3A_1702 = arith.constant 0 : i32
      %sign3A_1703 = arith.cmpi slt, %add3A_1696, %sign3A_1702 : i32
      %sign3A_1704 = arith.extui %sign3A_1703 : i1 to i32
      %sign3A_1705 = arith.subi %sign3A_1701, %sign3A_1704 : i32
      %sign3A_1706 = arith.constant 0 : i32
      %sign3A_1707 = arith.cmpi sgt, %jit3A_1697, %sign3A_1706 : i32
      %sign3A_1708 = arith.extui %sign3A_1707 : i1 to i32
      %sign3A_1709 = arith.constant 0 : i32
      %sign3A_1710 = arith.cmpi slt, %jit3A_1697, %sign3A_1709 : i32
      %sign3A_1711 = arith.extui %sign3A_1710 : i1 to i32
      %sign3A_1712 = arith.subi %sign3A_1708, %sign3A_1711 : i32
      %ne3A_1713 = arith.cmpi ne, %sign3A_1705, %sign3A_1712 : i32
      %rem3A_1714 = arith.remsi %add3A_1696, %jit3A_1697 : i32
      %ne3A_1715 = arith.constant 0 : i32
      %ne3A_1716 = arith.cmpi ne, %rem3A_1714, %ne3A_1715 : i32
      %and3A_1717 = arith.andi %ne3A_1713, %ne3A_1716 : i1
      %sub3A_1718 = arith.constant 1 : i32
      %sub3A_1719 = arith.subi %div3A_1698, %sub3A_1718 : i32
      %select_n3A_1720 = arith.select %and3A_1717, %sub3A_1719, %div3A_1698 : i32
      %jit3A_1721 = arith.constant 128 : i32
      %eq3A_1722 = arith.constant 0 : i32
      %eq3A_1723 = arith.cmpi eq, %jit3A_1721, %eq3A_1722 : i32
      %jit3A_1724 = arith.constant 1 : i32
      %select_n3A_1725 = arith.select %eq3A_1723, %jit3A_1724, %jit3A_1721 : i32
      %rem3A_1726 = arith.remsi %add3A_1696, %select_n3A_1725 : i32
      %ne3A_1727 = arith.constant 0 : i32
      %ne3A_1728 = arith.cmpi ne, %rem3A_1726, %ne3A_1727 : i32
      %lt3A_1729 = arith.constant 0 : i32
      %lt3A_1730 = arith.cmpi slt, %rem3A_1726, %lt3A_1729 : i32
      %lt3A_1731 = arith.constant 0 : i32
      %lt3A_1732 = arith.cmpi slt, %select_n3A_1725, %lt3A_1731 : i32
      %ne3A_1733 = arith.xori %lt3A_1730, %lt3A_1732 : i1
      %and3A_1734 = arith.andi %ne3A_1733, %ne3A_1728 : i1
      %add3A_1735 = arith.addi %rem3A_1726, %select_n3A_1725 : i32
      %select_n3A_1736 = arith.select %and3A_1734, %add3A_1735, %rem3A_1726 : i32
      %mul3A_1737 = arith.constant 1024 : i32
      %mul3A_1738 = arith.muli %select_n3A_1736, %mul3A_1737 : i32
      %dma_start3A_1739 = arith.constant 0 : i32
      %dma_start3A_1740 = arith.constant 28672 : i32
      %dma_start3A_1741 = tpu.memref_slice %arg7[%dma_start3A_1740] : memref<40960xf32, #tpu.memory_space<vmem>> -> memref<1024xf32, #tpu.memory_space<vmem>>
      %dma_start3A_1742 = tpu.memref_slice %arg4[%select_n3A_1720, %dma_start3A_1739, %mul3A_1738] : memref<50x4x131072xf32, #tpu.memory_space<hbm>> -> memref<1x1x1024xf32, #tpu.memory_space<hbm>>
      %dma_start3A_1743 = tpu.memref_squeeze %dma_start3A_1742 : memref<1x1x1024xf32, #tpu.memory_space<hbm>> -> memref<1024xf32, #tpu.memory_space<hbm>>
      %dma_start3A_1744 = tpu.memref_slice %arg4[%select_n3A_1720, %dma_start3A_1739, %mul3A_1738] : memref<50x4x131072xf32, #tpu.memory_space<hbm>> -> memref<1x1x1024xf32, #tpu.memory_space<hbm>>
      %dma_start3A_1745 = tpu.memref_squeeze %dma_start3A_1744 : memref<1x1x1024xf32, #tpu.memory_space<hbm>> -> memref<1024xf32, #tpu.memory_space<hbm>>
      %dma_start3A_1746 = arith.constant 28672 : i32
      %dma_start3A_1747 = tpu.memref_slice %arg7[%dma_start3A_1746] : memref<40960xf32, #tpu.memory_space<vmem>> -> memref<1024xf32, #tpu.memory_space<vmem>>
      tpu.enqueue_dma source(%dma_start3A_1747 : memref<1024xf32, #tpu.memory_space<vmem>>) target(%dma_start3A_1745 : memref<1024xf32, #tpu.memory_space<hbm>>) target_semaphore(%arg20 : memref<!tpu.dma_semaphore, #tpu.memory_space<semaphore_mem>>)
      %mul3A_1748 = arith.constant 1024 : i32
      %mul3A_1749 = arith.muli %select_n3A_1736, %mul3A_1748 : i32
      %dma_start3A_1750 = arith.constant 1 : i32
      %dma_start3A_1751 = arith.constant 29696 : i32
      %dma_start3A_1752 = tpu.memref_slice %arg7[%dma_start3A_1751] : memref<40960xf32, #tpu.memory_space<vmem>> -> memref<1024xf32, #tpu.memory_space<vmem>>
      %dma_start3A_1753 = tpu.memref_slice %arg4[%select_n3A_1720, %dma_start3A_1750, %mul3A_1749] : memref<50x4x131072xf32, #tpu.memory_space<hbm>> -> memref<1x1x1024xf32, #tpu.memory_space<hbm>>
      %dma_start3A_1754 = tpu.memref_squeeze %dma_start3A_1753 : memref<1x1x1024xf32, #tpu.memory_space<hbm>> -> memref<1024xf32, #tpu.memory_space<hbm>>
      %dma_start3A_1755 = tpu.memref_slice %arg4[%select_n3A_1720, %dma_start3A_1750, %mul3A_1749] : memref<50x4x131072xf32, #tpu.memory_space<hbm>> -> memref<1x1x1024xf32, #tpu.memory_space<hbm>>
      %dma_start3A_1756 = tpu.memref_squeeze %dma_start3A_1755 : memref<1x1x1024xf32, #tpu.memory_space<hbm>> -> memref<1024xf32, #tpu.memory_space<hbm>>
      %dma_start3A_1757 = arith.constant 29696 : i32
      %dma_start3A_1758 = tpu.memref_slice %arg7[%dma_start3A_1757] : memref<40960xf32, #tpu.memory_space<vmem>> -> memref<1024xf32, #tpu.memory_space<vmem>>
      tpu.enqueue_dma source(%dma_start3A_1758 : memref<1024xf32, #tpu.memory_space<vmem>>) target(%dma_start3A_1756 : memref<1024xf32, #tpu.memory_space<hbm>>) target_semaphore(%arg20 : memref<!tpu.dma_semaphore, #tpu.memory_space<semaphore_mem>>)
      %mul3A_1759 = arith.constant 1024 : i32
      %mul3A_1760 = arith.muli %select_n3A_1736, %mul3A_1759 : i32
      %dma_start3A_1761 = arith.constant 2 : i32
      %dma_start3A_1762 = arith.constant 30720 : i32
      %dma_start3A_1763 = tpu.memref_slice %arg7[%dma_start3A_1762] : memref<40960xf32, #tpu.memory_space<vmem>> -> memref<1024xf32, #tpu.memory_space<vmem>>
      %dma_start3A_1764 = tpu.memref_slice %arg4[%select_n3A_1720, %dma_start3A_1761, %mul3A_1760] : memref<50x4x131072xf32, #tpu.memory_space<hbm>> -> memref<1x1x1024xf32, #tpu.memory_space<hbm>>
      %dma_start3A_1765 = tpu.memref_squeeze %dma_start3A_1764 : memref<1x1x1024xf32, #tpu.memory_space<hbm>> -> memref<1024xf32, #tpu.memory_space<hbm>>
      %dma_start3A_1766 = tpu.memref_slice %arg4[%select_n3A_1720, %dma_start3A_1761, %mul3A_1760] : memref<50x4x131072xf32, #tpu.memory_space<hbm>> -> memref<1x1x1024xf32, #tpu.memory_space<hbm>>
      %dma_start3A_1767 = tpu.memref_squeeze %dma_start3A_1766 : memref<1x1x1024xf32, #tpu.memory_space<hbm>> -> memref<1024xf32, #tpu.memory_space<hbm>>
      %dma_start3A_1768 = arith.constant 30720 : i32
      %dma_start3A_1769 = tpu.memref_slice %arg7[%dma_start3A_1768] : memref<40960xf32, #tpu.memory_space<vmem>> -> memref<1024xf32, #tpu.memory_space<vmem>>
      tpu.enqueue_dma source(%dma_start3A_1769 : memref<1024xf32, #tpu.memory_space<vmem>>) target(%dma_start3A_1767 : memref<1024xf32, #tpu.memory_space<hbm>>) target_semaphore(%arg20 : memref<!tpu.dma_semaphore, #tpu.memory_space<semaphore_mem>>)
      %mul3A_1770 = arith.constant 1024 : i32
      %mul3A_1771 = arith.muli %select_n3A_1736, %mul3A_1770 : i32
      %dma_start3A_1772 = arith.constant 3 : i32
      %dma_start3A_1773 = arith.constant 31744 : i32
      %dma_start3A_1774 = tpu.memref_slice %arg7[%dma_start3A_1773] : memref<40960xf32, #tpu.memory_space<vmem>> -> memref<1024xf32, #tpu.memory_space<vmem>>
      %dma_start3A_1775 = tpu.memref_slice %arg4[%select_n3A_1720, %dma_start3A_1772, %mul3A_1771] : memref<50x4x131072xf32, #tpu.memory_space<hbm>> -> memref<1x1x1024xf32, #tpu.memory_space<hbm>>
      %dma_start3A_1776 = tpu.memref_squeeze %dma_start3A_1775 : memref<1x1x1024xf32, #tpu.memory_space<hbm>> -> memref<1024xf32, #tpu.memory_space<hbm>>
      %dma_start3A_1777 = tpu.memref_slice %arg4[%select_n3A_1720, %dma_start3A_1772, %mul3A_1771] : memref<50x4x131072xf32, #tpu.memory_space<hbm>> -> memref<1x1x1024xf32, #tpu.memory_space<hbm>>
      %dma_start3A_1778 = tpu.memref_squeeze %dma_start3A_1777 : memref<1x1x1024xf32, #tpu.memory_space<hbm>> -> memref<1024xf32, #tpu.memory_space<hbm>>
      %dma_start3A_1779 = arith.constant 31744 : i32
      %dma_start3A_1780 = tpu.memref_slice %arg7[%dma_start3A_1779] : memref<40960xf32, #tpu.memory_space<vmem>> -> memref<1024xf32, #tpu.memory_space<vmem>>
      tpu.enqueue_dma source(%dma_start3A_1780 : memref<1024xf32, #tpu.memory_space<vmem>>) target(%dma_start3A_1778 : memref<1024xf32, #tpu.memory_space<hbm>>) target_semaphore(%arg20 : memref<!tpu.dma_semaphore, #tpu.memory_space<semaphore_mem>>)
      %lt3A_1781 = arith.constant 19 : i32
      %lt3A_1782 = arith.cmpi slt, %scan3A_925, %lt3A_1781 : i32
      %convert_element_type3A_1783 = arith.extui %lt3A_1782 : i1 to i32
      %cond3A_1784 = arith.constant 0 : i32
      %cond3A_1785 = arith.cmpi ne, %convert_element_type3A_1783, %cond3A_1784 : i32
      scf.if %cond3A_1785 {
        %add3A_2002 = arith.constant 5 : i32
        %add3A_2003 = arith.addi %add3A_1573, %add3A_2002 : i32
        %mul3A_2004 = arith.constant 256 : i32
        %mul3A_2005 = arith.muli %add3A_2003, %mul3A_2004 : i32
        %dma_start3A_2006 = arith.constant 768 : i32
        %dma_start3A_2007 = arith.constant 0 : i32
        %dma_start3A_2008 = tpu.memref_slice %arg6[%dma_start3A_2006, %dma_start3A_2007] : memref<1280x32xf32, #tpu.memory_space<vmem>> -> memref<256x32xf32, #tpu.memory_space<vmem>>
        %dma_start3A_2009 = tpu.memref_slice %arg5[%mul3A_2005] : memref<25600xi32, #tpu.memory_space<vmem>> -> memref<256xi32, #tpu.memory_space<vmem>>
        %dma_start3A_2010 = arith.constant 0 : i32
        %dma_start3A_2011 = arith.constant 0 : i32
        %dma_start3A_2012 = tpu.memref_slice %arg3[%dma_start3A_2010, %dma_start3A_2011] : memref<1000000x32xf32, #tpu.memory_space<hbm>> -> memref<1000000x32xf32, #tpu.memory_space<hbm>>
        tpu.enqueue_indirect_dma source(%dma_start3A_2012 : memref<1000000x32xf32, #tpu.memory_space<hbm>>) target(%dma_start3A_2008 : memref<256x32xf32, #tpu.memory_space<vmem>>) offsets(%dma_start3A_2009 : memref<256xi32, #tpu.memory_space<vmem>>) semaphore(%arg11 : memref<!tpu.dma_semaphore, #tpu.memory_space<semaphore_mem>>)
      } else {
      }
      %mul3A_1786 = arith.constant 5 : i32
      %mul3A_1787 = arith.muli %scan3A_925, %mul3A_1786 : i32
      %add3A_1788 = arith.constant 4 : i32
      %add3A_1789 = arith.addi %mul3A_1787, %add3A_1788 : i32
      %mul3A_1790 = arith.constant 256 : i32
      %mul3A_1791 = arith.muli %add3A_1789, %mul3A_1790 : i32
      %dma_wait3A_1792 = arith.constant 1024 : i32
      %dma_wait3A_1793 = arith.constant 0 : i32
      %dma_wait3A_1794 = tpu.memref_slice %arg6[%dma_wait3A_1792, %dma_wait3A_1793] : memref<1280x32xf32, #tpu.memory_space<vmem>> -> memref<256x32xf32, #tpu.memory_space<vmem>>
      %dma_wait3A_1795 = tpu.memref_slice %arg5[%mul3A_1791] : memref<25600xi32, #tpu.memory_space<vmem>> -> memref<256xi32, #tpu.memory_space<vmem>>
      %dma_wait3A_1796 = arith.constant 0 : i32
      %dma_wait3A_1797 = arith.constant 0 : i32
      %dma_wait3A_1798 = tpu.memref_slice %arg3[%dma_wait3A_1796, %dma_wait3A_1797] : memref<1000000x32xf32, #tpu.memory_space<hbm>> -> memref<1000000x32xf32, #tpu.memory_space<hbm>>
      tpu.wait_indirect_dma semaphore(%arg12 : memref<!tpu.dma_semaphore, #tpu.memory_space<semaphore_mem>>) src(%dma_wait3A_1798 : memref<1000000x32xf32, #tpu.memory_space<hbm>>) dst(%dma_wait3A_1794 : memref<256x32xf32, #tpu.memory_space<vmem>>)
      %gt3A_1799 = arith.constant 0 : i32
      %gt3A_1800 = arith.cmpi sgt, %scan3A_925, %gt3A_1799 : i32
      %convert_element_type3A_1801 = arith.extui %gt3A_1800 : i1 to i32
      %cond3A_1802 = arith.constant 0 : i32
      %cond3A_1803 = arith.cmpi ne, %convert_element_type3A_1801, %cond3A_1802 : i32
      scf.if %cond3A_1803 {
        %sub3A_2002 = arith.constant 5 : i32
        %sub3A_2003 = arith.subi %add3A_1789, %sub3A_2002 : i32
        %mul3A_2004 = arith.constant 2 : i32
        %mul3A_2005 = arith.muli %sub3A_2003, %mul3A_2004 : i32
        %add3A_2006 = arith.addi %mul3A_2, %mul3A_2005 : i32
        %add3A_2007 = arith.constant 0 : i32
        %add3A_2008 = arith.addi %add3A_2006, %add3A_2007 : i32
        %jit3A_2009 = arith.constant 128 : i32
        %div3A_2010 = arith.divsi %add3A_2008, %jit3A_2009 : i32
        %sign3A_2011 = arith.constant 0 : i32
        %sign3A_2012 = arith.cmpi sgt, %add3A_2008, %sign3A_2011 : i32
        %sign3A_2013 = arith.extui %sign3A_2012 : i1 to i32
        %sign3A_2014 = arith.constant 0 : i32
        %sign3A_2015 = arith.cmpi slt, %add3A_2008, %sign3A_2014 : i32
        %sign3A_2016 = arith.extui %sign3A_2015 : i1 to i32
        %sign3A_2017 = arith.subi %sign3A_2013, %sign3A_2016 : i32
        %sign3A_2018 = arith.constant 0 : i32
        %sign3A_2019 = arith.cmpi sgt, %jit3A_2009, %sign3A_2018 : i32
        %sign3A_2020 = arith.extui %sign3A_2019 : i1 to i32
        %sign3A_2021 = arith.constant 0 : i32
        %sign3A_2022 = arith.cmpi slt, %jit3A_2009, %sign3A_2021 : i32
        %sign3A_2023 = arith.extui %sign3A_2022 : i1 to i32
        %sign3A_2024 = arith.subi %sign3A_2020, %sign3A_2023 : i32
        %ne3A_2025 = arith.cmpi ne, %sign3A_2017, %sign3A_2024 : i32
        %rem3A_2026 = arith.remsi %add3A_2008, %jit3A_2009 : i32
        %ne3A_2027 = arith.constant 0 : i32
        %ne3A_2028 = arith.cmpi ne, %rem3A_2026, %ne3A_2027 : i32
        %and3A_2029 = arith.andi %ne3A_2025, %ne3A_2028 : i1
        %sub3A_2030 = arith.constant 1 : i32
        %sub3A_2031 = arith.subi %div3A_2010, %sub3A_2030 : i32
        %select_n3A_2032 = arith.select %and3A_2029, %sub3A_2031, %div3A_2010 : i32
        %jit3A_2033 = arith.constant 128 : i32
        %eq3A_2034 = arith.constant 0 : i32
        %eq3A_2035 = arith.cmpi eq, %jit3A_2033, %eq3A_2034 : i32
        %jit3A_2036 = arith.constant 1 : i32
        %select_n3A_2037 = arith.select %eq3A_2035, %jit3A_2036, %jit3A_2033 : i32
        %rem3A_2038 = arith.remsi %add3A_2008, %select_n3A_2037 : i32
        %ne3A_2039 = arith.constant 0 : i32
        %ne3A_2040 = arith.cmpi ne, %rem3A_2038, %ne3A_2039 : i32
        %lt3A_2041 = arith.constant 0 : i32
        %lt3A_2042 = arith.cmpi slt, %rem3A_2038, %lt3A_2041 : i32
        %lt3A_2043 = arith.constant 0 : i32
        %lt3A_2044 = arith.cmpi slt, %select_n3A_2037, %lt3A_2043 : i32
        %ne3A_2045 = arith.xori %lt3A_2042, %lt3A_2044 : i1
        %and3A_2046 = arith.andi %ne3A_2045, %ne3A_2040 : i1
        %add3A_2047 = arith.addi %rem3A_2038, %select_n3A_2037 : i32
        %select_n3A_2048 = arith.select %and3A_2046, %add3A_2047, %rem3A_2038 : i32
        %mul3A_2049 = arith.constant 1024 : i32
        %mul3A_2050 = arith.muli %select_n3A_2048, %mul3A_2049 : i32
        %dma_wait3A_2051 = arith.constant 0 : i32
        %dma_wait3A_2052 = arith.constant 32768 : i32
        %dma_wait3A_2053 = tpu.memref_slice %arg7[%dma_wait3A_2052] : memref<40960xf32, #tpu.memory_space<vmem>> -> memref<1024xf32, #tpu.memory_space<vmem>>
        %dma_wait3A_2054 = tpu.memref_slice %arg4[%select_n3A_2032, %dma_wait3A_2051, %mul3A_2050] : memref<50x4x131072xf32, #tpu.memory_space<hbm>> -> memref<1x1x1024xf32, #tpu.memory_space<hbm>>
        %dma_wait3A_2055 = tpu.memref_squeeze %dma_wait3A_2054 : memref<1x1x1024xf32, #tpu.memory_space<hbm>> -> memref<1024xf32, #tpu.memory_space<hbm>>
        %dma_wait3A_2056 = tpu.memref_slice %arg4[%select_n3A_2032, %dma_wait3A_2051, %mul3A_2050] : memref<50x4x131072xf32, #tpu.memory_space<hbm>> -> memref<1x1x1024xf32, #tpu.memory_space<hbm>>
        %dma_wait3A_2057 = tpu.memref_squeeze %dma_wait3A_2056 : memref<1x1x1024xf32, #tpu.memory_space<hbm>> -> memref<1024xf32, #tpu.memory_space<hbm>>
        %dma_wait3A_2058 = arith.constant 32768 : i32
        %dma_wait3A_2059 = tpu.memref_slice %arg7[%dma_wait3A_2058] : memref<40960xf32, #tpu.memory_space<vmem>> -> memref<1024xf32, #tpu.memory_space<vmem>>
        tpu.wait_dma2 semaphore(%arg21 : memref<!tpu.dma_semaphore, #tpu.memory_space<semaphore_mem>>) src(%dma_wait3A_2059 : memref<1024xf32, #tpu.memory_space<vmem>>) dst(%dma_wait3A_2057 : memref<1024xf32, #tpu.memory_space<hbm>>)
        %mul3A_2060 = arith.constant 1024 : i32
        %mul3A_2061 = arith.muli %select_n3A_2048, %mul3A_2060 : i32
        %dma_wait3A_2062 = arith.constant 1 : i32
        %dma_wait3A_2063 = arith.constant 33792 : i32
        %dma_wait3A_2064 = tpu.memref_slice %arg7[%dma_wait3A_2063] : memref<40960xf32, #tpu.memory_space<vmem>> -> memref<1024xf32, #tpu.memory_space<vmem>>
        %dma_wait3A_2065 = tpu.memref_slice %arg4[%select_n3A_2032, %dma_wait3A_2062, %mul3A_2061] : memref<50x4x131072xf32, #tpu.memory_space<hbm>> -> memref<1x1x1024xf32, #tpu.memory_space<hbm>>
        %dma_wait3A_2066 = tpu.memref_squeeze %dma_wait3A_2065 : memref<1x1x1024xf32, #tpu.memory_space<hbm>> -> memref<1024xf32, #tpu.memory_space<hbm>>
        %dma_wait3A_2067 = tpu.memref_slice %arg4[%select_n3A_2032, %dma_wait3A_2062, %mul3A_2061] : memref<50x4x131072xf32, #tpu.memory_space<hbm>> -> memref<1x1x1024xf32, #tpu.memory_space<hbm>>
        %dma_wait3A_2068 = tpu.memref_squeeze %dma_wait3A_2067 : memref<1x1x1024xf32, #tpu.memory_space<hbm>> -> memref<1024xf32, #tpu.memory_space<hbm>>
        %dma_wait3A_2069 = arith.constant 33792 : i32
        %dma_wait3A_2070 = tpu.memref_slice %arg7[%dma_wait3A_2069] : memref<40960xf32, #tpu.memory_space<vmem>> -> memref<1024xf32, #tpu.memory_space<vmem>>
        tpu.wait_dma2 semaphore(%arg21 : memref<!tpu.dma_semaphore, #tpu.memory_space<semaphore_mem>>) src(%dma_wait3A_2070 : memref<1024xf32, #tpu.memory_space<vmem>>) dst(%dma_wait3A_2068 : memref<1024xf32, #tpu.memory_space<hbm>>)
        %mul3A_2071 = arith.constant 1024 : i32
        %mul3A_2072 = arith.muli %select_n3A_2048, %mul3A_2071 : i32
        %dma_wait3A_2073 = arith.constant 2 : i32
        %dma_wait3A_2074 = arith.constant 34816 : i32
        %dma_wait3A_2075 = tpu.memref_slice %arg7[%dma_wait3A_2074] : memref<40960xf32, #tpu.memory_space<vmem>> -> memref<1024xf32, #tpu.memory_space<vmem>>
        %dma_wait3A_2076 = tpu.memref_slice %arg4[%select_n3A_2032, %dma_wait3A_2073, %mul3A_2072] : memref<50x4x131072xf32, #tpu.memory_space<hbm>> -> memref<1x1x1024xf32, #tpu.memory_space<hbm>>
        %dma_wait3A_2077 = tpu.memref_squeeze %dma_wait3A_2076 : memref<1x1x1024xf32, #tpu.memory_space<hbm>> -> memref<1024xf32, #tpu.memory_space<hbm>>
        %dma_wait3A_2078 = tpu.memref_slice %arg4[%select_n3A_2032, %dma_wait3A_2073, %mul3A_2072] : memref<50x4x131072xf32, #tpu.memory_space<hbm>> -> memref<1x1x1024xf32, #tpu.memory_space<hbm>>
        %dma_wait3A_2079 = tpu.memref_squeeze %dma_wait3A_2078 : memref<1x1x1024xf32, #tpu.memory_space<hbm>> -> memref<1024xf32, #tpu.memory_space<hbm>>
        %dma_wait3A_2080 = arith.constant 34816 : i32
        %dma_wait3A_2081 = tpu.memref_slice %arg7[%dma_wait3A_2080] : memref<40960xf32, #tpu.memory_space<vmem>> -> memref<1024xf32, #tpu.memory_space<vmem>>
        tpu.wait_dma2 semaphore(%arg21 : memref<!tpu.dma_semaphore, #tpu.memory_space<semaphore_mem>>) src(%dma_wait3A_2081 : memref<1024xf32, #tpu.memory_space<vmem>>) dst(%dma_wait3A_2079 : memref<1024xf32, #tpu.memory_space<hbm>>)
        %mul3A_2082 = arith.constant 1024 : i32
        %mul3A_2083 = arith.muli %select_n3A_2048, %mul3A_2082 : i32
        %dma_wait3A_2084 = arith.constant 3 : i32
        %dma_wait3A_2085 = arith.constant 35840 : i32
        %dma_wait3A_2086 = tpu.memref_slice %arg7[%dma_wait3A_2085] : memref<40960xf32, #tpu.memory_space<vmem>> -> memref<1024xf32, #tpu.memory_space<vmem>>
        %dma_wait3A_2087 = tpu.memref_slice %arg4[%select_n3A_2032, %dma_wait3A_2084, %mul3A_2083] : memref<50x4x131072xf32, #tpu.memory_space<hbm>> -> memref<1x1x1024xf32, #tpu.memory_space<hbm>>
        %dma_wait3A_2088 = tpu.memref_squeeze %dma_wait3A_2087 : memref<1x1x1024xf32, #tpu.memory_space<hbm>> -> memref<1024xf32, #tpu.memory_space<hbm>>
        %dma_wait3A_2089 = tpu.memref_slice %arg4[%select_n3A_2032, %dma_wait3A_2084, %mul3A_2083] : memref<50x4x131072xf32, #tpu.memory_space<hbm>> -> memref<1x1x1024xf32, #tpu.memory_space<hbm>>
        %dma_wait3A_2090 = tpu.memref_squeeze %dma_wait3A_2089 : memref<1x1x1024xf32, #tpu.memory_space<hbm>> -> memref<1024xf32, #tpu.memory_space<hbm>>
        %dma_wait3A_2091 = arith.constant 35840 : i32
        %dma_wait3A_2092 = tpu.memref_slice %arg7[%dma_wait3A_2091] : memref<40960xf32, #tpu.memory_space<vmem>> -> memref<1024xf32, #tpu.memory_space<vmem>>
        tpu.wait_dma2 semaphore(%arg21 : memref<!tpu.dma_semaphore, #tpu.memory_space<semaphore_mem>>) src(%dma_wait3A_2092 : memref<1024xf32, #tpu.memory_space<vmem>>) dst(%dma_wait3A_2090 : memref<1024xf32, #tpu.memory_space<hbm>>)
        %sub3A_2093 = arith.constant 5 : i32
        %sub3A_2094 = arith.subi %add3A_1789, %sub3A_2093 : i32
        %mul3A_2095 = arith.constant 2 : i32
        %mul3A_2096 = arith.muli %sub3A_2094, %mul3A_2095 : i32
        %add3A_2097 = arith.addi %mul3A_2, %mul3A_2096 : i32
        %add3A_2098 = arith.constant 1 : i32
        %add3A_2099 = arith.addi %add3A_2097, %add3A_2098 : i32
        %jit3A_2100 = arith.constant 128 : i32
        %div3A_2101 = arith.divsi %add3A_2099, %jit3A_2100 : i32
        %sign3A_2102 = arith.constant 0 : i32
        %sign3A_2103 = arith.cmpi sgt, %add3A_2099, %sign3A_2102 : i32
        %sign3A_2104 = arith.extui %sign3A_2103 : i1 to i32
        %sign3A_2105 = arith.constant 0 : i32
        %sign3A_2106 = arith.cmpi slt, %add3A_2099, %sign3A_2105 : i32
        %sign3A_2107 = arith.extui %sign3A_2106 : i1 to i32
        %sign3A_2108 = arith.subi %sign3A_2104, %sign3A_2107 : i32
        %sign3A_2109 = arith.constant 0 : i32
        %sign3A_2110 = arith.cmpi sgt, %jit3A_2100, %sign3A_2109 : i32
        %sign3A_2111 = arith.extui %sign3A_2110 : i1 to i32
        %sign3A_2112 = arith.constant 0 : i32
        %sign3A_2113 = arith.cmpi slt, %jit3A_2100, %sign3A_2112 : i32
        %sign3A_2114 = arith.extui %sign3A_2113 : i1 to i32
        %sign3A_2115 = arith.subi %sign3A_2111, %sign3A_2114 : i32
        %ne3A_2116 = arith.cmpi ne, %sign3A_2108, %sign3A_2115 : i32
        %rem3A_2117 = arith.remsi %add3A_2099, %jit3A_2100 : i32
        %ne3A_2118 = arith.constant 0 : i32
        %ne3A_2119 = arith.cmpi ne, %rem3A_2117, %ne3A_2118 : i32
        %and3A_2120 = arith.andi %ne3A_2116, %ne3A_2119 : i1
        %sub3A_2121 = arith.constant 1 : i32
        %sub3A_2122 = arith.subi %div3A_2101, %sub3A_2121 : i32
        %select_n3A_2123 = arith.select %and3A_2120, %sub3A_2122, %div3A_2101 : i32
        %jit3A_2124 = arith.constant 128 : i32
        %eq3A_2125 = arith.constant 0 : i32
        %eq3A_2126 = arith.cmpi eq, %jit3A_2124, %eq3A_2125 : i32
        %jit3A_2127 = arith.constant 1 : i32
        %select_n3A_2128 = arith.select %eq3A_2126, %jit3A_2127, %jit3A_2124 : i32
        %rem3A_2129 = arith.remsi %add3A_2099, %select_n3A_2128 : i32
        %ne3A_2130 = arith.constant 0 : i32
        %ne3A_2131 = arith.cmpi ne, %rem3A_2129, %ne3A_2130 : i32
        %lt3A_2132 = arith.constant 0 : i32
        %lt3A_2133 = arith.cmpi slt, %rem3A_2129, %lt3A_2132 : i32
        %lt3A_2134 = arith.constant 0 : i32
        %lt3A_2135 = arith.cmpi slt, %select_n3A_2128, %lt3A_2134 : i32
        %ne3A_2136 = arith.xori %lt3A_2133, %lt3A_2135 : i1
        %and3A_2137 = arith.andi %ne3A_2136, %ne3A_2131 : i1
        %add3A_2138 = arith.addi %rem3A_2129, %select_n3A_2128 : i32
        %select_n3A_2139 = arith.select %and3A_2137, %add3A_2138, %rem3A_2129 : i32
        %mul3A_2140 = arith.constant 1024 : i32
        %mul3A_2141 = arith.muli %select_n3A_2139, %mul3A_2140 : i32
        %dma_wait3A_2142 = arith.constant 0 : i32
        %dma_wait3A_2143 = arith.constant 36864 : i32
        %dma_wait3A_2144 = tpu.memref_slice %arg7[%dma_wait3A_2143] : memref<40960xf32, #tpu.memory_space<vmem>> -> memref<1024xf32, #tpu.memory_space<vmem>>
        %dma_wait3A_2145 = tpu.memref_slice %arg4[%select_n3A_2123, %dma_wait3A_2142, %mul3A_2141] : memref<50x4x131072xf32, #tpu.memory_space<hbm>> -> memref<1x1x1024xf32, #tpu.memory_space<hbm>>
        %dma_wait3A_2146 = tpu.memref_squeeze %dma_wait3A_2145 : memref<1x1x1024xf32, #tpu.memory_space<hbm>> -> memref<1024xf32, #tpu.memory_space<hbm>>
        %dma_wait3A_2147 = tpu.memref_slice %arg4[%select_n3A_2123, %dma_wait3A_2142, %mul3A_2141] : memref<50x4x131072xf32, #tpu.memory_space<hbm>> -> memref<1x1x1024xf32, #tpu.memory_space<hbm>>
        %dma_wait3A_2148 = tpu.memref_squeeze %dma_wait3A_2147 : memref<1x1x1024xf32, #tpu.memory_space<hbm>> -> memref<1024xf32, #tpu.memory_space<hbm>>
        %dma_wait3A_2149 = arith.constant 36864 : i32
        %dma_wait3A_2150 = tpu.memref_slice %arg7[%dma_wait3A_2149] : memref<40960xf32, #tpu.memory_space<vmem>> -> memref<1024xf32, #tpu.memory_space<vmem>>
        tpu.wait_dma2 semaphore(%arg22 : memref<!tpu.dma_semaphore, #tpu.memory_space<semaphore_mem>>) src(%dma_wait3A_2150 : memref<1024xf32, #tpu.memory_space<vmem>>) dst(%dma_wait3A_2148 : memref<1024xf32, #tpu.memory_space<hbm>>)
        %mul3A_2151 = arith.constant 1024 : i32
        %mul3A_2152 = arith.muli %select_n3A_2139, %mul3A_2151 : i32
        %dma_wait3A_2153 = arith.constant 1 : i32
        %dma_wait3A_2154 = arith.constant 37888 : i32
        %dma_wait3A_2155 = tpu.memref_slice %arg7[%dma_wait3A_2154] : memref<40960xf32, #tpu.memory_space<vmem>> -> memref<1024xf32, #tpu.memory_space<vmem>>
        %dma_wait3A_2156 = tpu.memref_slice %arg4[%select_n3A_2123, %dma_wait3A_2153, %mul3A_2152] : memref<50x4x131072xf32, #tpu.memory_space<hbm>> -> memref<1x1x1024xf32, #tpu.memory_space<hbm>>
        %dma_wait3A_2157 = tpu.memref_squeeze %dma_wait3A_2156 : memref<1x1x1024xf32, #tpu.memory_space<hbm>> -> memref<1024xf32, #tpu.memory_space<hbm>>
        %dma_wait3A_2158 = tpu.memref_slice %arg4[%select_n3A_2123, %dma_wait3A_2153, %mul3A_2152] : memref<50x4x131072xf32, #tpu.memory_space<hbm>> -> memref<1x1x1024xf32, #tpu.memory_space<hbm>>
        %dma_wait3A_2159 = tpu.memref_squeeze %dma_wait3A_2158 : memref<1x1x1024xf32, #tpu.memory_space<hbm>> -> memref<1024xf32, #tpu.memory_space<hbm>>
        %dma_wait3A_2160 = arith.constant 37888 : i32
        %dma_wait3A_2161 = tpu.memref_slice %arg7[%dma_wait3A_2160] : memref<40960xf32, #tpu.memory_space<vmem>> -> memref<1024xf32, #tpu.memory_space<vmem>>
        tpu.wait_dma2 semaphore(%arg22 : memref<!tpu.dma_semaphore, #tpu.memory_space<semaphore_mem>>) src(%dma_wait3A_2161 : memref<1024xf32, #tpu.memory_space<vmem>>) dst(%dma_wait3A_2159 : memref<1024xf32, #tpu.memory_space<hbm>>)
        %mul3A_2162 = arith.constant 1024 : i32
        %mul3A_2163 = arith.muli %select_n3A_2139, %mul3A_2162 : i32
        %dma_wait3A_2164 = arith.constant 2 : i32
        %dma_wait3A_2165 = arith.constant 38912 : i32
        %dma_wait3A_2166 = tpu.memref_slice %arg7[%dma_wait3A_2165] : memref<40960xf32, #tpu.memory_space<vmem>> -> memref<1024xf32, #tpu.memory_space<vmem>>
        %dma_wait3A_2167 = tpu.memref_slice %arg4[%select_n3A_2123, %dma_wait3A_2164, %mul3A_2163] : memref<50x4x131072xf32, #tpu.memory_space<hbm>> -> memref<1x1x1024xf32, #tpu.memory_space<hbm>>
        %dma_wait3A_2168 = tpu.memref_squeeze %dma_wait3A_2167 : memref<1x1x1024xf32, #tpu.memory_space<hbm>> -> memref<1024xf32, #tpu.memory_space<hbm>>
        %dma_wait3A_2169 = tpu.memref_slice %arg4[%select_n3A_2123, %dma_wait3A_2164, %mul3A_2163] : memref<50x4x131072xf32, #tpu.memory_space<hbm>> -> memref<1x1x1024xf32, #tpu.memory_space<hbm>>
        %dma_wait3A_2170 = tpu.memref_squeeze %dma_wait3A_2169 : memref<1x1x1024xf32, #tpu.memory_space<hbm>> -> memref<1024xf32, #tpu.memory_space<hbm>>
        %dma_wait3A_2171 = arith.constant 38912 : i32
        %dma_wait3A_2172 = tpu.memref_slice %arg7[%dma_wait3A_2171] : memref<40960xf32, #tpu.memory_space<vmem>> -> memref<1024xf32, #tpu.memory_space<vmem>>
        tpu.wait_dma2 semaphore(%arg22 : memref<!tpu.dma_semaphore, #tpu.memory_space<semaphore_mem>>) src(%dma_wait3A_2172 : memref<1024xf32, #tpu.memory_space<vmem>>) dst(%dma_wait3A_2170 : memref<1024xf32, #tpu.memory_space<hbm>>)
        %mul3A_2173 = arith.constant 1024 : i32
        %mul3A_2174 = arith.muli %select_n3A_2139, %mul3A_2173 : i32
        %dma_wait3A_2175 = arith.constant 3 : i32
        %dma_wait3A_2176 = arith.constant 39936 : i32
        %dma_wait3A_2177 = tpu.memref_slice %arg7[%dma_wait3A_2176] : memref<40960xf32, #tpu.memory_space<vmem>> -> memref<1024xf32, #tpu.memory_space<vmem>>
        %dma_wait3A_2178 = tpu.memref_slice %arg4[%select_n3A_2123, %dma_wait3A_2175, %mul3A_2174] : memref<50x4x131072xf32, #tpu.memory_space<hbm>> -> memref<1x1x1024xf32, #tpu.memory_space<hbm>>
        %dma_wait3A_2179 = tpu.memref_squeeze %dma_wait3A_2178 : memref<1x1x1024xf32, #tpu.memory_space<hbm>> -> memref<1024xf32, #tpu.memory_space<hbm>>
        %dma_wait3A_2180 = tpu.memref_slice %arg4[%select_n3A_2123, %dma_wait3A_2175, %mul3A_2174] : memref<50x4x131072xf32, #tpu.memory_space<hbm>> -> memref<1x1x1024xf32, #tpu.memory_space<hbm>>
        %dma_wait3A_2181 = tpu.memref_squeeze %dma_wait3A_2180 : memref<1x1x1024xf32, #tpu.memory_space<hbm>> -> memref<1024xf32, #tpu.memory_space<hbm>>
        %dma_wait3A_2182 = arith.constant 39936 : i32
        %dma_wait3A_2183 = tpu.memref_slice %arg7[%dma_wait3A_2182] : memref<40960xf32, #tpu.memory_space<vmem>> -> memref<1024xf32, #tpu.memory_space<vmem>>
        tpu.wait_dma2 semaphore(%arg22 : memref<!tpu.dma_semaphore, #tpu.memory_space<semaphore_mem>>) src(%dma_wait3A_2183 : memref<1024xf32, #tpu.memory_space<vmem>>) dst(%dma_wait3A_2181 : memref<1024xf32, #tpu.memory_space<hbm>>)
      } else {
      }
      %add3A_1804 = arith.constant 32768 : i32
      %add3A_1805 = vector.broadcast %add3A_1804 : i32 to vector<16xi32>
      %add3A_1806 = arith.addi %mul3A_9, %add3A_1805 : vector<16xi32>
      %add3A_1807 = arith.constant 2048 : i32
      %add3A_1808 = vector.broadcast %add3A_1807 : i32 to vector<16xi32>
      %add3A_1809 = arith.addi %add3A_1806, %add3A_1808 : vector<16xi32>
      %add3A_1810 = arith.constant 36864 : i32
      %add3A_1811 = vector.broadcast %add3A_1810 : i32 to vector<16xi32>
      %add3A_1812 = arith.addi %mul3A_9, %add3A_1811 : vector<16xi32>
      %add3A_1813 = arith.constant 2048 : i32
      %add3A_1814 = vector.broadcast %add3A_1813 : i32 to vector<16xi32>
      %add3A_1815 = arith.addi %add3A_1812, %add3A_1814 : vector<16xi32>
      %parallel_loop3A_1816 = arith.constant 0 : i32
      %parallel_loop3A_1817 = arith.constant 128 : i32
      %parallel_loop3A_1818 = arith.constant 1 : i32
      scf.for %parallel_loop3A_2002 = %parallel_loop3A_1816 to %parallel_loop3A_1817 step %parallel_loop3A_1818  : i32 {
        %parallel_loop3A_2003 = arith.constant 1024 : i32
        %parallel_loop3A_2004 = arith.addi %parallel_loop3A_2003, %parallel_loop3A_2002 : i32
        %parallel_loop3A_2005 = arith.index_cast %parallel_loop3A_2004 : i32 to index
        %parallel_loop3A_2006 = arith.constant 0 : index
        %parallel_loop3A_2007 = tpu.vector_load %arg6[%parallel_loop3A_2005, %parallel_loop3A_2006] {strides = array<i32>} : memref<1280x32xf32, #tpu.memory_space<vmem>>, vector<16xf32>,
        %parallel_loop3A_2008 = arith.constant 1024 : i32
        %parallel_loop3A_2009 = arith.addi %parallel_loop3A_2008, %parallel_loop3A_2002 : i32
        %parallel_loop3A_2010 = arith.index_cast %parallel_loop3A_2009 : i32 to index
        %parallel_loop3A_2011 = arith.constant 16 : index
        %parallel_loop3A_2012 = tpu.vector_load %arg6[%parallel_loop3A_2010, %parallel_loop3A_2011] {strides = array<i32>} : memref<1280x32xf32, #tpu.memory_space<vmem>>, vector<16xf32>,
        %parallel_loop3A_2013 = arith.constant 1152 : i32
        %parallel_loop3A_2014 = arith.addi %parallel_loop3A_2013, %parallel_loop3A_2002 : i32
        %parallel_loop3A_2015 = arith.index_cast %parallel_loop3A_2014 : i32 to index
        %parallel_loop3A_2016 = arith.constant 0 : index
        %parallel_loop3A_2017 = tpu.vector_load %arg6[%parallel_loop3A_2015, %parallel_loop3A_2016] {strides = array<i32>} : memref<1280x32xf32, #tpu.memory_space<vmem>>, vector<16xf32>,
        %parallel_loop3A_2018 = arith.constant 1152 : i32
        %parallel_loop3A_2019 = arith.addi %parallel_loop3A_2018, %parallel_loop3A_2002 : i32
        %parallel_loop3A_2020 = arith.index_cast %parallel_loop3A_2019 : i32 to index
        %parallel_loop3A_2021 = arith.constant 16 : index
        %parallel_loop3A_2022 = tpu.vector_load %arg6[%parallel_loop3A_2020, %parallel_loop3A_2021] {strides = array<i32>} : memref<1280x32xf32, #tpu.memory_space<vmem>>, vector<16xf32>,
        %parallel_loop3A_2023 = vector.broadcast %parallel_loop3A_2002 : i32 to vector<16xi32>
        %parallel_loop3A_2024 = arith.addi %add3A_1806, %parallel_loop3A_2023 : vector<16xi32>
        tpu.vector_store_idx %arg7[%parallel_loop3A_2024], %parallel_loop3A_2007 : memref<40960xf32, #tpu.memory_space<vmem>>[vector<16xi32>], vector<16xf32>,
        %parallel_loop3A_2025 = vector.broadcast %parallel_loop3A_2002 : i32 to vector<16xi32>
        %parallel_loop3A_2026 = arith.addi %add3A_1809, %parallel_loop3A_2025 : vector<16xi32>
        tpu.vector_store_idx %arg7[%parallel_loop3A_2026], %parallel_loop3A_2012 : memref<40960xf32, #tpu.memory_space<vmem>>[vector<16xi32>], vector<16xf32>,
        %parallel_loop3A_2027 = vector.broadcast %parallel_loop3A_2002 : i32 to vector<16xi32>
        %parallel_loop3A_2028 = arith.addi %add3A_1812, %parallel_loop3A_2027 : vector<16xi32>
        tpu.vector_store_idx %arg7[%parallel_loop3A_2028], %parallel_loop3A_2017 : memref<40960xf32, #tpu.memory_space<vmem>>[vector<16xi32>], vector<16xf32>,
        %parallel_loop3A_2029 = vector.broadcast %parallel_loop3A_2002 : i32 to vector<16xi32>
        %parallel_loop3A_2030 = arith.addi %add3A_1815, %parallel_loop3A_2029 : vector<16xi32>
        tpu.vector_store_idx %arg7[%parallel_loop3A_2030], %parallel_loop3A_2022 : memref<40960xf32, #tpu.memory_space<vmem>>[vector<16xi32>], vector<16xf32>,
      } {sc.loop_unroll_factor = 8 : i64, sc.parallel_access}
      %mul3A_1819 = arith.constant 2 : i32
      %mul3A_1820 = arith.muli %add3A_1789, %mul3A_1819 : i32
      %add3A_1821 = arith.addi %mul3A_2, %mul3A_1820 : i32
      %add3A_1822 = arith.constant 0 : i32
      %add3A_1823 = arith.addi %add3A_1821, %add3A_1822 : i32
      %jit3A_1824 = arith.constant 128 : i32
      %div3A_1825 = arith.divsi %add3A_1823, %jit3A_1824 : i32
      %sign3A_1826 = arith.constant 0 : i32
      %sign3A_1827 = arith.cmpi sgt, %add3A_1823, %sign3A_1826 : i32
      %sign3A_1828 = arith.extui %sign3A_1827 : i1 to i32
      %sign3A_1829 = arith.constant 0 : i32
      %sign3A_1830 = arith.cmpi slt, %add3A_1823, %sign3A_1829 : i32
      %sign3A_1831 = arith.extui %sign3A_1830 : i1 to i32
      %sign3A_1832 = arith.subi %sign3A_1828, %sign3A_1831 : i32
      %sign3A_1833 = arith.constant 0 : i32
      %sign3A_1834 = arith.cmpi sgt, %jit3A_1824, %sign3A_1833 : i32
      %sign3A_1835 = arith.extui %sign3A_1834 : i1 to i32
      %sign3A_1836 = arith.constant 0 : i32
      %sign3A_1837 = arith.cmpi slt, %jit3A_1824, %sign3A_1836 : i32
      %sign3A_1838 = arith.extui %sign3A_1837 : i1 to i32
      %sign3A_1839 = arith.subi %sign3A_1835, %sign3A_1838 : i32
      %ne3A_1840 = arith.cmpi ne, %sign3A_1832, %sign3A_1839 : i32
      %rem3A_1841 = arith.remsi %add3A_1823, %jit3A_1824 : i32
      %ne3A_1842 = arith.constant 0 : i32
      %ne3A_1843 = arith.cmpi ne, %rem3A_1841, %ne3A_1842 : i32
      %and3A_1844 = arith.andi %ne3A_1840, %ne3A_1843 : i1
      %sub3A_1845 = arith.constant 1 : i32
      %sub3A_1846 = arith.subi %div3A_1825, %sub3A_1845 : i32
      %select_n3A_1847 = arith.select %and3A_1844, %sub3A_1846, %div3A_1825 : i32
      %jit3A_1848 = arith.constant 128 : i32
      %eq3A_1849 = arith.constant 0 : i32
      %eq3A_1850 = arith.cmpi eq, %jit3A_1848, %eq3A_1849 : i32
      %jit3A_1851 = arith.constant 1 : i32
      %select_n3A_1852 = arith.select %eq3A_1850, %jit3A_1851, %jit3A_1848 : i32
      %rem3A_1853 = arith.remsi %add3A_1823, %select_n3A_1852 : i32
      %ne3A_1854 = arith.constant 0 : i32
      %ne3A_1855 = arith.cmpi ne, %rem3A_1853, %ne3A_1854 : i32
      %lt3A_1856 = arith.constant 0 : i32
      %lt3A_1857 = arith.cmpi slt, %rem3A_1853, %lt3A_1856 : i32
      %lt3A_1858 = arith.constant 0 : i32
      %lt3A_1859 = arith.cmpi slt, %select_n3A_1852, %lt3A_1858 : i32
      %ne3A_1860 = arith.xori %lt3A_1857, %lt3A_1859 : i1
      %and3A_1861 = arith.andi %ne3A_1860, %ne3A_1855 : i1
      %add3A_1862 = arith.addi %rem3A_1853, %select_n3A_1852 : i32
      %select_n3A_1863 = arith.select %and3A_1861, %add3A_1862, %rem3A_1853 : i32
      %mul3A_1864 = arith.constant 1024 : i32
      %mul3A_1865 = arith.muli %select_n3A_1863, %mul3A_1864 : i32
      %dma_start3A_1866 = arith.constant 0 : i32
      %dma_start3A_1867 = arith.constant 32768 : i32
      %dma_start3A_1868 = tpu.memref_slice %arg7[%dma_start3A_1867] : memref<40960xf32, #tpu.memory_space<vmem>> -> memref<1024xf32, #tpu.memory_space<vmem>>
      %dma_start3A_1869 = tpu.memref_slice %arg4[%select_n3A_1847, %dma_start3A_1866, %mul3A_1865] : memref<50x4x131072xf32, #tpu.memory_space<hbm>> -> memref<1x1x1024xf32, #tpu.memory_space<hbm>>
      %dma_start3A_1870 = tpu.memref_squeeze %dma_start3A_1869 : memref<1x1x1024xf32, #tpu.memory_space<hbm>> -> memref<1024xf32, #tpu.memory_space<hbm>>
      %dma_start3A_1871 = tpu.memref_slice %arg4[%select_n3A_1847, %dma_start3A_1866, %mul3A_1865] : memref<50x4x131072xf32, #tpu.memory_space<hbm>> -> memref<1x1x1024xf32, #tpu.memory_space<hbm>>
      %dma_start3A_1872 = tpu.memref_squeeze %dma_start3A_1871 : memref<1x1x1024xf32, #tpu.memory_space<hbm>> -> memref<1024xf32, #tpu.memory_space<hbm>>
      %dma_start3A_1873 = arith.constant 32768 : i32
      %dma_start3A_1874 = tpu.memref_slice %arg7[%dma_start3A_1873] : memref<40960xf32, #tpu.memory_space<vmem>> -> memref<1024xf32, #tpu.memory_space<vmem>>
      tpu.enqueue_dma source(%dma_start3A_1874 : memref<1024xf32, #tpu.memory_space<vmem>>) target(%dma_start3A_1872 : memref<1024xf32, #tpu.memory_space<hbm>>) target_semaphore(%arg21 : memref<!tpu.dma_semaphore, #tpu.memory_space<semaphore_mem>>)
      %mul3A_1875 = arith.constant 1024 : i32
      %mul3A_1876 = arith.muli %select_n3A_1863, %mul3A_1875 : i32
      %dma_start3A_1877 = arith.constant 1 : i32
      %dma_start3A_1878 = arith.constant 33792 : i32
      %dma_start3A_1879 = tpu.memref_slice %arg7[%dma_start3A_1878] : memref<40960xf32, #tpu.memory_space<vmem>> -> memref<1024xf32, #tpu.memory_space<vmem>>
      %dma_start3A_1880 = tpu.memref_slice %arg4[%select_n3A_1847, %dma_start3A_1877, %mul3A_1876] : memref<50x4x131072xf32, #tpu.memory_space<hbm>> -> memref<1x1x1024xf32, #tpu.memory_space<hbm>>
      %dma_start3A_1881 = tpu.memref_squeeze %dma_start3A_1880 : memref<1x1x1024xf32, #tpu.memory_space<hbm>> -> memref<1024xf32, #tpu.memory_space<hbm>>
      %dma_start3A_1882 = tpu.memref_slice %arg4[%select_n3A_1847, %dma_start3A_1877, %mul3A_1876] : memref<50x4x131072xf32, #tpu.memory_space<hbm>> -> memref<1x1x1024xf32, #tpu.memory_space<hbm>>
      %dma_start3A_1883 = tpu.memref_squeeze %dma_start3A_1882 : memref<1x1x1024xf32, #tpu.memory_space<hbm>> -> memref<1024xf32, #tpu.memory_space<hbm>>
      %dma_start3A_1884 = arith.constant 33792 : i32
      %dma_start3A_1885 = tpu.memref_slice %arg7[%dma_start3A_1884] : memref<40960xf32, #tpu.memory_space<vmem>> -> memref<1024xf32, #tpu.memory_space<vmem>>
      tpu.enqueue_dma source(%dma_start3A_1885 : memref<1024xf32, #tpu.memory_space<vmem>>) target(%dma_start3A_1883 : memref<1024xf32, #tpu.memory_space<hbm>>) target_semaphore(%arg21 : memref<!tpu.dma_semaphore, #tpu.memory_space<semaphore_mem>>)
      %mul3A_1886 = arith.constant 1024 : i32
      %mul3A_1887 = arith.muli %select_n3A_1863, %mul3A_1886 : i32
      %dma_start3A_1888 = arith.constant 2 : i32
      %dma_start3A_1889 = arith.constant 34816 : i32
      %dma_start3A_1890 = tpu.memref_slice %arg7[%dma_start3A_1889] : memref<40960xf32, #tpu.memory_space<vmem>> -> memref<1024xf32, #tpu.memory_space<vmem>>
      %dma_start3A_1891 = tpu.memref_slice %arg4[%select_n3A_1847, %dma_start3A_1888, %mul3A_1887] : memref<50x4x131072xf32, #tpu.memory_space<hbm>> -> memref<1x1x1024xf32, #tpu.memory_space<hbm>>
      %dma_start3A_1892 = tpu.memref_squeeze %dma_start3A_1891 : memref<1x1x1024xf32, #tpu.memory_space<hbm>> -> memref<1024xf32, #tpu.memory_space<hbm>>
      %dma_start3A_1893 = tpu.memref_slice %arg4[%select_n3A_1847, %dma_start3A_1888, %mul3A_1887] : memref<50x4x131072xf32, #tpu.memory_space<hbm>> -> memref<1x1x1024xf32, #tpu.memory_space<hbm>>
      %dma_start3A_1894 = tpu.memref_squeeze %dma_start3A_1893 : memref<1x1x1024xf32, #tpu.memory_space<hbm>> -> memref<1024xf32, #tpu.memory_space<hbm>>
      %dma_start3A_1895 = arith.constant 34816 : i32
      %dma_start3A_1896 = tpu.memref_slice %arg7[%dma_start3A_1895] : memref<40960xf32, #tpu.memory_space<vmem>> -> memref<1024xf32, #tpu.memory_space<vmem>>
      tpu.enqueue_dma source(%dma_start3A_1896 : memref<1024xf32, #tpu.memory_space<vmem>>) target(%dma_start3A_1894 : memref<1024xf32, #tpu.memory_space<hbm>>) target_semaphore(%arg21 : memref<!tpu.dma_semaphore, #tpu.memory_space<semaphore_mem>>)
      %mul3A_1897 = arith.constant 1024 : i32
      %mul3A_1898 = arith.muli %select_n3A_1863, %mul3A_1897 : i32
      %dma_start3A_1899 = arith.constant 3 : i32
      %dma_start3A_1900 = arith.constant 35840 : i32
      %dma_start3A_1901 = tpu.memref_slice %arg7[%dma_start3A_1900] : memref<40960xf32, #tpu.memory_space<vmem>> -> memref<1024xf32, #tpu.memory_space<vmem>>
      %dma_start3A_1902 = tpu.memref_slice %arg4[%select_n3A_1847, %dma_start3A_1899, %mul3A_1898] : memref<50x4x131072xf32, #tpu.memory_space<hbm>> -> memref<1x1x1024xf32, #tpu.memory_space<hbm>>
      %dma_start3A_1903 = tpu.memref_squeeze %dma_start3A_1902 : memref<1x1x1024xf32, #tpu.memory_space<hbm>> -> memref<1024xf32, #tpu.memory_space<hbm>>
      %dma_start3A_1904 = tpu.memref_slice %arg4[%select_n3A_1847, %dma_start3A_1899, %mul3A_1898] : memref<50x4x131072xf32, #tpu.memory_space<hbm>> -> memref<1x1x1024xf32, #tpu.memory_space<hbm>>
      %dma_start3A_1905 = tpu.memref_squeeze %dma_start3A_1904 : memref<1x1x1024xf32, #tpu.memory_space<hbm>> -> memref<1024xf32, #tpu.memory_space<hbm>>
      %dma_start3A_1906 = arith.constant 35840 : i32
      %dma_start3A_1907 = tpu.memref_slice %arg7[%dma_start3A_1906] : memref<40960xf32, #tpu.memory_space<vmem>> -> memref<1024xf32, #tpu.memory_space<vmem>>
      tpu.enqueue_dma source(%dma_start3A_1907 : memref<1024xf32, #tpu.memory_space<vmem>>) target(%dma_start3A_1905 : memref<1024xf32, #tpu.memory_space<hbm>>) target_semaphore(%arg21 : memref<!tpu.dma_semaphore, #tpu.memory_space<semaphore_mem>>)
      %mul3A_1908 = arith.constant 2 : i32
      %mul3A_1909 = arith.muli %add3A_1789, %mul3A_1908 : i32
      %add3A_1910 = arith.addi %mul3A_2, %mul3A_1909 : i32
      %add3A_1911 = arith.constant 1 : i32
      %add3A_1912 = arith.addi %add3A_1910, %add3A_1911 : i32
      %jit3A_1913 = arith.constant 128 : i32
      %div3A_1914 = arith.divsi %add3A_1912, %jit3A_1913 : i32
      %sign3A_1915 = arith.constant 0 : i32
      %sign3A_1916 = arith.cmpi sgt, %add3A_1912, %sign3A_1915 : i32
      %sign3A_1917 = arith.extui %sign3A_1916 : i1 to i32
      %sign3A_1918 = arith.constant 0 : i32
      %sign3A_1919 = arith.cmpi slt, %add3A_1912, %sign3A_1918 : i32
      %sign3A_1920 = arith.extui %sign3A_1919 : i1 to i32
      %sign3A_1921 = arith.subi %sign3A_1917, %sign3A_1920 : i32
      %sign3A_1922 = arith.constant 0 : i32
      %sign3A_1923 = arith.cmpi sgt, %jit3A_1913, %sign3A_1922 : i32
      %sign3A_1924 = arith.extui %sign3A_1923 : i1 to i32
      %sign3A_1925 = arith.constant 0 : i32
      %sign3A_1926 = arith.cmpi slt, %jit3A_1913, %sign3A_1925 : i32
      %sign3A_1927 = arith.extui %sign3A_1926 : i1 to i32
      %sign3A_1928 = arith.subi %sign3A_1924, %sign3A_1927 : i32
      %ne3A_1929 = arith.cmpi ne, %sign3A_1921, %sign3A_1928 : i32
      %rem3A_1930 = arith.remsi %add3A_1912, %jit3A_1913 : i32
      %ne3A_1931 = arith.constant 0 : i32
      %ne3A_1932 = arith.cmpi ne, %rem3A_1930, %ne3A_1931 : i32
      %and3A_1933 = arith.andi %ne3A_1929, %ne3A_1932 : i1
      %sub3A_1934 = arith.constant 1 : i32
      %sub3A_1935 = arith.subi %div3A_1914, %sub3A_1934 : i32
      %select_n3A_1936 = arith.select %and3A_1933, %sub3A_1935, %div3A_1914 : i32
      %jit3A_1937 = arith.constant 128 : i32
      %eq3A_1938 = arith.constant 0 : i32
      %eq3A_1939 = arith.cmpi eq, %jit3A_1937, %eq3A_1938 : i32
      %jit3A_1940 = arith.constant 1 : i32
      %select_n3A_1941 = arith.select %eq3A_1939, %jit3A_1940, %jit3A_1937 : i32
      %rem3A_1942 = arith.remsi %add3A_1912, %select_n3A_1941 : i32
      %ne3A_1943 = arith.constant 0 : i32
      %ne3A_1944 = arith.cmpi ne, %rem3A_1942, %ne3A_1943 : i32
      %lt3A_1945 = arith.constant 0 : i32
      %lt3A_1946 = arith.cmpi slt, %rem3A_1942, %lt3A_1945 : i32
      %lt3A_1947 = arith.constant 0 : i32
      %lt3A_1948 = arith.cmpi slt, %select_n3A_1941, %lt3A_1947 : i32
      %ne3A_1949 = arith.xori %lt3A_1946, %lt3A_1948 : i1
      %and3A_1950 = arith.andi %ne3A_1949, %ne3A_1944 : i1
      %add3A_1951 = arith.addi %rem3A_1942, %select_n3A_1941 : i32
      %select_n3A_1952 = arith.select %and3A_1950, %add3A_1951, %rem3A_1942 : i32
      %mul3A_1953 = arith.constant 1024 : i32
      %mul3A_1954 = arith.muli %select_n3A_1952, %mul3A_1953 : i32
      %dma_start3A_1955 = arith.constant 0 : i32
      %dma_start3A_1956 = arith.constant 36864 : i32
      %dma_start3A_1957 = tpu.memref_slice %arg7[%dma_start3A_1956] : memref<40960xf32, #tpu.memory_space<vmem>> -> memref<1024xf32, #tpu.memory_space<vmem>>
      %dma_start3A_1958 = tpu.memref_slice %arg4[%select_n3A_1936, %dma_start3A_1955, %mul3A_1954] : memref<50x4x131072xf32, #tpu.memory_space<hbm>> -> memref<1x1x1024xf32, #tpu.memory_space<hbm>>
      %dma_start3A_1959 = tpu.memref_squeeze %dma_start3A_1958 : memref<1x1x1024xf32, #tpu.memory_space<hbm>> -> memref<1024xf32, #tpu.memory_space<hbm>>
      %dma_start3A_1960 = tpu.memref_slice %arg4[%select_n3A_1936, %dma_start3A_1955, %mul3A_1954] : memref<50x4x131072xf32, #tpu.memory_space<hbm>> -> memref<1x1x1024xf32, #tpu.memory_space<hbm>>
      %dma_start3A_1961 = tpu.memref_squeeze %dma_start3A_1960 : memref<1x1x1024xf32, #tpu.memory_space<hbm>> -> memref<1024xf32, #tpu.memory_space<hbm>>
      %dma_start3A_1962 = arith.constant 36864 : i32
      %dma_start3A_1963 = tpu.memref_slice %arg7[%dma_start3A_1962] : memref<40960xf32, #tpu.memory_space<vmem>> -> memref<1024xf32, #tpu.memory_space<vmem>>
      tpu.enqueue_dma source(%dma_start3A_1963 : memref<1024xf32, #tpu.memory_space<vmem>>) target(%dma_start3A_1961 : memref<1024xf32, #tpu.memory_space<hbm>>) target_semaphore(%arg22 : memref<!tpu.dma_semaphore, #tpu.memory_space<semaphore_mem>>)
      %mul3A_1964 = arith.constant 1024 : i32
      %mul3A_1965 = arith.muli %select_n3A_1952, %mul3A_1964 : i32
      %dma_start3A_1966 = arith.constant 1 : i32
      %dma_start3A_1967 = arith.constant 37888 : i32
      %dma_start3A_1968 = tpu.memref_slice %arg7[%dma_start3A_1967] : memref<40960xf32, #tpu.memory_space<vmem>> -> memref<1024xf32, #tpu.memory_space<vmem>>
      %dma_start3A_1969 = tpu.memref_slice %arg4[%select_n3A_1936, %dma_start3A_1966, %mul3A_1965] : memref<50x4x131072xf32, #tpu.memory_space<hbm>> -> memref<1x1x1024xf32, #tpu.memory_space<hbm>>
      %dma_start3A_1970 = tpu.memref_squeeze %dma_start3A_1969 : memref<1x1x1024xf32, #tpu.memory_space<hbm>> -> memref<1024xf32, #tpu.memory_space<hbm>>
      %dma_start3A_1971 = tpu.memref_slice %arg4[%select_n3A_1936, %dma_start3A_1966, %mul3A_1965] : memref<50x4x131072xf32, #tpu.memory_space<hbm>> -> memref<1x1x1024xf32, #tpu.memory_space<hbm>>
      %dma_start3A_1972 = tpu.memref_squeeze %dma_start3A_1971 : memref<1x1x1024xf32, #tpu.memory_space<hbm>> -> memref<1024xf32, #tpu.memory_space<hbm>>
      %dma_start3A_1973 = arith.constant 37888 : i32
      %dma_start3A_1974 = tpu.memref_slice %arg7[%dma_start3A_1973] : memref<40960xf32, #tpu.memory_space<vmem>> -> memref<1024xf32, #tpu.memory_space<vmem>>
      tpu.enqueue_dma source(%dma_start3A_1974 : memref<1024xf32, #tpu.memory_space<vmem>>) target(%dma_start3A_1972 : memref<1024xf32, #tpu.memory_space<hbm>>) target_semaphore(%arg22 : memref<!tpu.dma_semaphore, #tpu.memory_space<semaphore_mem>>)
      %mul3A_1975 = arith.constant 1024 : i32
      %mul3A_1976 = arith.muli %select_n3A_1952, %mul3A_1975 : i32
      %dma_start3A_1977 = arith.constant 2 : i32
      %dma_start3A_1978 = arith.constant 38912 : i32
      %dma_start3A_1979 = tpu.memref_slice %arg7[%dma_start3A_1978] : memref<40960xf32, #tpu.memory_space<vmem>> -> memref<1024xf32, #tpu.memory_space<vmem>>
      %dma_start3A_1980 = tpu.memref_slice %arg4[%select_n3A_1936, %dma_start3A_1977, %mul3A_1976] : memref<50x4x131072xf32, #tpu.memory_space<hbm>> -> memref<1x1x1024xf32, #tpu.memory_space<hbm>>
      %dma_start3A_1981 = tpu.memref_squeeze %dma_start3A_1980 : memref<1x1x1024xf32, #tpu.memory_space<hbm>> -> memref<1024xf32, #tpu.memory_space<hbm>>
      %dma_start3A_1982 = tpu.memref_slice %arg4[%select_n3A_1936, %dma_start3A_1977, %mul3A_1976] : memref<50x4x131072xf32, #tpu.memory_space<hbm>> -> memref<1x1x1024xf32, #tpu.memory_space<hbm>>
      %dma_start3A_1983 = tpu.memref_squeeze %dma_start3A_1982 : memref<1x1x1024xf32, #tpu.memory_space<hbm>> -> memref<1024xf32, #tpu.memory_space<hbm>>
      %dma_start3A_1984 = arith.constant 38912 : i32
      %dma_start3A_1985 = tpu.memref_slice %arg7[%dma_start3A_1984] : memref<40960xf32, #tpu.memory_space<vmem>> -> memref<1024xf32, #tpu.memory_space<vmem>>
      tpu.enqueue_dma source(%dma_start3A_1985 : memref<1024xf32, #tpu.memory_space<vmem>>) target(%dma_start3A_1983 : memref<1024xf32, #tpu.memory_space<hbm>>) target_semaphore(%arg22 : memref<!tpu.dma_semaphore, #tpu.memory_space<semaphore_mem>>)
      %mul3A_1986 = arith.constant 1024 : i32
      %mul3A_1987 = arith.muli %select_n3A_1952, %mul3A_1986 : i32
      %dma_start3A_1988 = arith.constant 3 : i32
      %dma_start3A_1989 = arith.constant 39936 : i32
      %dma_start3A_1990 = tpu.memref_slice %arg7[%dma_start3A_1989] : memref<40960xf32, #tpu.memory_space<vmem>> -> memref<1024xf32, #tpu.memory_space<vmem>>
      %dma_start3A_1991 = tpu.memref_slice %arg4[%select_n3A_1936, %dma_start3A_1988, %mul3A_1987] : memref<50x4x131072xf32, #tpu.memory_space<hbm>> -> memref<1x1x1024xf32, #tpu.memory_space<hbm>>
      %dma_start3A_1992 = tpu.memref_squeeze %dma_start3A_1991 : memref<1x1x1024xf32, #tpu.memory_space<hbm>> -> memref<1024xf32, #tpu.memory_space<hbm>>
      %dma_start3A_1993 = tpu.memref_slice %arg4[%select_n3A_1936, %dma_start3A_1988, %mul3A_1987] : memref<50x4x131072xf32, #tpu.memory_space<hbm>> -> memref<1x1x1024xf32, #tpu.memory_space<hbm>>
      %dma_start3A_1994 = tpu.memref_squeeze %dma_start3A_1993 : memref<1x1x1024xf32, #tpu.memory_space<hbm>> -> memref<1024xf32, #tpu.memory_space<hbm>>
      %dma_start3A_1995 = arith.constant 39936 : i32
      %dma_start3A_1996 = tpu.memref_slice %arg7[%dma_start3A_1995] : memref<40960xf32, #tpu.memory_space<vmem>> -> memref<1024xf32, #tpu.memory_space<vmem>>
      tpu.enqueue_dma source(%dma_start3A_1996 : memref<1024xf32, #tpu.memory_space<vmem>>) target(%dma_start3A_1994 : memref<1024xf32, #tpu.memory_space<hbm>>) target_semaphore(%arg22 : memref<!tpu.dma_semaphore, #tpu.memory_space<semaphore_mem>>)
      %lt3A_1997 = arith.constant 19 : i32
      %lt3A_1998 = arith.cmpi slt, %scan3A_925, %lt3A_1997 : i32
      %convert_element_type3A_1999 = arith.extui %lt3A_1998 : i1 to i32
      %cond3A_2000 = arith.constant 0 : i32
      %cond3A_2001 = arith.cmpi ne, %convert_element_type3A_1999, %cond3A_2000 : i32
      scf.if %cond3A_2001 {
        %add3A_2002 = arith.constant 5 : i32
        %add3A_2003 = arith.addi %add3A_1789, %add3A_2002 : i32
        %mul3A_2004 = arith.constant 256 : i32
        %mul3A_2005 = arith.muli %add3A_2003, %mul3A_2004 : i32
        %dma_start3A_2006 = arith.constant 1024 : i32
        %dma_start3A_2007 = arith.constant 0 : i32
        %dma_start3A_2008 = tpu.memref_slice %arg6[%dma_start3A_2006, %dma_start3A_2007] : memref<1280x32xf32, #tpu.memory_space<vmem>> -> memref<256x32xf32, #tpu.memory_space<vmem>>
        %dma_start3A_2009 = tpu.memref_slice %arg5[%mul3A_2005] : memref<25600xi32, #tpu.memory_space<vmem>> -> memref<256xi32, #tpu.memory_space<vmem>>
        %dma_start3A_2010 = arith.constant 0 : i32
        %dma_start3A_2011 = arith.constant 0 : i32
        %dma_start3A_2012 = tpu.memref_slice %arg3[%dma_start3A_2010, %dma_start3A_2011] : memref<1000000x32xf32, #tpu.memory_space<hbm>> -> memref<1000000x32xf32, #tpu.memory_space<hbm>>
        tpu.enqueue_indirect_dma source(%dma_start3A_2012 : memref<1000000x32xf32, #tpu.memory_space<hbm>>) target(%dma_start3A_2008 : memref<256x32xf32, #tpu.memory_space<vmem>>) offsets(%dma_start3A_2009 : memref<256xi32, #tpu.memory_space<vmem>>) semaphore(%arg12 : memref<!tpu.dma_semaphore, #tpu.memory_space<semaphore_mem>>)
      } else {
      }
    }
    %scan3A_54 = arith.constant 20 : i32
    %add3A_55 = arith.constant 190 : i32
    %add3A_56 = arith.addi %mul3A_2, %add3A_55 : i32
    %add3A_57 = arith.constant 0 : i32
    %add3A_58 = arith.addi %add3A_56, %add3A_57 : i32
    %jit3A = arith.constant 128 : i32
    %div3A = arith.divsi %add3A_58, %jit3A : i32
    %sign3A = arith.constant 0 : i32
    %sign3A_59 = arith.cmpi sgt, %add3A_58, %sign3A : i32
    %sign3A_60 = arith.extui %sign3A_59 : i1 to i32
    %sign3A_61 = arith.constant 0 : i32
    %sign3A_62 = arith.cmpi slt, %add3A_58, %sign3A_61 : i32
    %sign3A_63 = arith.extui %sign3A_62 : i1 to i32
    %sign3A_64 = arith.subi %sign3A_60, %sign3A_63 : i32
    %sign3A_65 = arith.constant 0 : i32
    %sign3A_66 = arith.cmpi sgt, %jit3A, %sign3A_65 : i32
    %sign3A_67 = arith.extui %sign3A_66 : i1 to i32
    %sign3A_68 = arith.constant 0 : i32
    %sign3A_69 = arith.cmpi slt, %jit3A, %sign3A_68 : i32
    %sign3A_70 = arith.extui %sign3A_69 : i1 to i32
    %sign3A_71 = arith.subi %sign3A_67, %sign3A_70 : i32
    %ne3A = arith.cmpi ne, %sign3A_64, %sign3A_71 : i32
    %rem3A = arith.remsi %add3A_58, %jit3A : i32
    %ne3A_72 = arith.constant 0 : i32
    %ne3A_73 = arith.cmpi ne, %rem3A, %ne3A_72 : i32
    %and3A = arith.andi %ne3A, %ne3A_73 : i1
    %sub3A = arith.constant 1 : i32
    %sub3A_74 = arith.subi %div3A, %sub3A : i32
    %select_n3A = arith.select %and3A, %sub3A_74, %div3A : i32
    %jit3A_75 = arith.constant 128 : i32
    %eq3A = arith.constant 0 : i32
    %eq3A_76 = arith.cmpi eq, %jit3A_75, %eq3A : i32
    %jit3A_77 = arith.constant 1 : i32
    %select_n3A_78 = arith.select %eq3A_76, %jit3A_77, %jit3A_75 : i32
    %rem3A_79 = arith.remsi %add3A_58, %select_n3A_78 : i32
    %ne3A_80 = arith.constant 0 : i32
    %ne3A_81 = arith.cmpi ne, %rem3A_79, %ne3A_80 : i32
    %lt3A = arith.constant 0 : i32
    %lt3A_82 = arith.cmpi slt, %rem3A_79, %lt3A : i32
    %lt3A_83 = arith.constant 0 : i32
    %lt3A_84 = arith.cmpi slt, %select_n3A_78, %lt3A_83 : i32
    %ne3A_85 = arith.xori %lt3A_82, %lt3A_84 : i1
    %and3A_86 = arith.andi %ne3A_85, %ne3A_81 : i1
    %add3A_87 = arith.addi %rem3A_79, %select_n3A_78 : i32
    %select_n3A_88 = arith.select %and3A_86, %add3A_87, %rem3A_79 : i32
    %mul3A_89 = arith.constant 1024 : i32
    %mul3A_90 = arith.muli %select_n3A_88, %mul3A_89 : i32
    %dma_wait3A_91 = arith.constant 0 : i32
    %dma_wait3A_92 = arith.constant 0 : i32
    %dma_wait3A_93 = tpu.memref_slice %arg7[%dma_wait3A_92] : memref<40960xf32, #tpu.memory_space<vmem>> -> memref<1024xf32, #tpu.memory_space<vmem>>
    %dma_wait3A_94 = tpu.memref_slice %arg4[%select_n3A, %dma_wait3A_91, %mul3A_90] : memref<50x4x131072xf32, #tpu.memory_space<hbm>> -> memref<1x1x1024xf32, #tpu.memory_space<hbm>>
    %dma_wait3A_95 = tpu.memref_squeeze %dma_wait3A_94 : memref<1x1x1024xf32, #tpu.memory_space<hbm>> -> memref<1024xf32, #tpu.memory_space<hbm>>
    %dma_wait3A_96 = tpu.memref_slice %arg4[%select_n3A, %dma_wait3A_91, %mul3A_90] : memref<50x4x131072xf32, #tpu.memory_space<hbm>> -> memref<1x1x1024xf32, #tpu.memory_space<hbm>>
    %dma_wait3A_97 = tpu.memref_squeeze %dma_wait3A_96 : memref<1x1x1024xf32, #tpu.memory_space<hbm>> -> memref<1024xf32, #tpu.memory_space<hbm>>
    %dma_wait3A_98 = arith.constant 0 : i32
    %dma_wait3A_99 = tpu.memref_slice %arg7[%dma_wait3A_98] : memref<40960xf32, #tpu.memory_space<vmem>> -> memref<1024xf32, #tpu.memory_space<vmem>>
    tpu.wait_dma2 semaphore(%arg13 : memref<!tpu.dma_semaphore, #tpu.memory_space<semaphore_mem>>) src(%dma_wait3A_99 : memref<1024xf32, #tpu.memory_space<vmem>>) dst(%dma_wait3A_97 : memref<1024xf32, #tpu.memory_space<hbm>>)
    %mul3A_100 = arith.constant 1024 : i32
    %mul3A_101 = arith.muli %select_n3A_88, %mul3A_100 : i32
    %dma_wait3A_102 = arith.constant 1 : i32
    %dma_wait3A_103 = arith.constant 1024 : i32
    %dma_wait3A_104 = tpu.memref_slice %arg7[%dma_wait3A_103] : memref<40960xf32, #tpu.memory_space<vmem>> -> memref<1024xf32, #tpu.memory_space<vmem>>
    %dma_wait3A_105 = tpu.memref_slice %arg4[%select_n3A, %dma_wait3A_102, %mul3A_101] : memref<50x4x131072xf32, #tpu.memory_space<hbm>> -> memref<1x1x1024xf32, #tpu.memory_space<hbm>>
    %dma_wait3A_106 = tpu.memref_squeeze %dma_wait3A_105 : memref<1x1x1024xf32, #tpu.memory_space<hbm>> -> memref<1024xf32, #tpu.memory_space<hbm>>
    %dma_wait3A_107 = tpu.memref_slice %arg4[%select_n3A, %dma_wait3A_102, %mul3A_101] : memref<50x4x131072xf32, #tpu.memory_space<hbm>> -> memref<1x1x1024xf32, #tpu.memory_space<hbm>>
    %dma_wait3A_108 = tpu.memref_squeeze %dma_wait3A_107 : memref<1x1x1024xf32, #tpu.memory_space<hbm>> -> memref<1024xf32, #tpu.memory_space<hbm>>
    %dma_wait3A_109 = arith.constant 1024 : i32
    %dma_wait3A_110 = tpu.memref_slice %arg7[%dma_wait3A_109] : memref<40960xf32, #tpu.memory_space<vmem>> -> memref<1024xf32, #tpu.memory_space<vmem>>
    tpu.wait_dma2 semaphore(%arg13 : memref<!tpu.dma_semaphore, #tpu.memory_space<semaphore_mem>>) src(%dma_wait3A_110 : memref<1024xf32, #tpu.memory_space<vmem>>) dst(%dma_wait3A_108 : memref<1024xf32, #tpu.memory_space<hbm>>)
    %mul3A_111 = arith.constant 1024 : i32
    %mul3A_112 = arith.muli %select_n3A_88, %mul3A_111 : i32
    %dma_wait3A_113 = arith.constant 2 : i32
    %dma_wait3A_114 = arith.constant 2048 : i32
    %dma_wait3A_115 = tpu.memref_slice %arg7[%dma_wait3A_114] : memref<40960xf32, #tpu.memory_space<vmem>> -> memref<1024xf32, #tpu.memory_space<vmem>>
    %dma_wait3A_116 = tpu.memref_slice %arg4[%select_n3A, %dma_wait3A_113, %mul3A_112] : memref<50x4x131072xf32, #tpu.memory_space<hbm>> -> memref<1x1x1024xf32, #tpu.memory_space<hbm>>
    %dma_wait3A_117 = tpu.memref_squeeze %dma_wait3A_116 : memref<1x1x1024xf32, #tpu.memory_space<hbm>> -> memref<1024xf32, #tpu.memory_space<hbm>>
    %dma_wait3A_118 = tpu.memref_slice %arg4[%select_n3A, %dma_wait3A_113, %mul3A_112] : memref<50x4x131072xf32, #tpu.memory_space<hbm>> -> memref<1x1x1024xf32, #tpu.memory_space<hbm>>
    %dma_wait3A_119 = tpu.memref_squeeze %dma_wait3A_118 : memref<1x1x1024xf32, #tpu.memory_space<hbm>> -> memref<1024xf32, #tpu.memory_space<hbm>>
    %dma_wait3A_120 = arith.constant 2048 : i32
    %dma_wait3A_121 = tpu.memref_slice %arg7[%dma_wait3A_120] : memref<40960xf32, #tpu.memory_space<vmem>> -> memref<1024xf32, #tpu.memory_space<vmem>>
    tpu.wait_dma2 semaphore(%arg13 : memref<!tpu.dma_semaphore, #tpu.memory_space<semaphore_mem>>) src(%dma_wait3A_121 : memref<1024xf32, #tpu.memory_space<vmem>>) dst(%dma_wait3A_119 : memref<1024xf32, #tpu.memory_space<hbm>>)
    %mul3A_122 = arith.constant 1024 : i32
    %mul3A_123 = arith.muli %select_n3A_88, %mul3A_122 : i32
    %dma_wait3A_124 = arith.constant 3 : i32
    %dma_wait3A_125 = arith.constant 3072 : i32
    %dma_wait3A_126 = tpu.memref_slice %arg7[%dma_wait3A_125] : memref<40960xf32, #tpu.memory_space<vmem>> -> memref<1024xf32, #tpu.memory_space<vmem>>
    %dma_wait3A_127 = tpu.memref_slice %arg4[%select_n3A, %dma_wait3A_124, %mul3A_123] : memref<50x4x131072xf32, #tpu.memory_space<hbm>> -> memref<1x1x1024xf32, #tpu.memory_space<hbm>>
    %dma_wait3A_128 = tpu.memref_squeeze %dma_wait3A_127 : memref<1x1x1024xf32, #tpu.memory_space<hbm>> -> memref<1024xf32, #tpu.memory_space<hbm>>
    %dma_wait3A_129 = tpu.memref_slice %arg4[%select_n3A, %dma_wait3A_124, %mul3A_123] : memref<50x4x131072xf32, #tpu.memory_space<hbm>> -> memref<1x1x1024xf32, #tpu.memory_space<hbm>>
    %dma_wait3A_130 = tpu.memref_squeeze %dma_wait3A_129 : memref<1x1x1024xf32, #tpu.memory_space<hbm>> -> memref<1024xf32, #tpu.memory_space<hbm>>
    %dma_wait3A_131 = arith.constant 3072 : i32
    %dma_wait3A_132 = tpu.memref_slice %arg7[%dma_wait3A_131] : memref<40960xf32, #tpu.memory_space<vmem>> -> memref<1024xf32, #tpu.memory_space<vmem>>
    tpu.wait_dma2 semaphore(%arg13 : memref<!tpu.dma_semaphore, #tpu.memory_space<semaphore_mem>>) src(%dma_wait3A_132 : memref<1024xf32, #tpu.memory_space<vmem>>) dst(%dma_wait3A_130 : memref<1024xf32, #tpu.memory_space<hbm>>)
    %add3A_133 = arith.constant 190 : i32
    %add3A_134 = arith.addi %mul3A_2, %add3A_133 : i32
    %add3A_135 = arith.constant 1 : i32
    %add3A_136 = arith.addi %add3A_134, %add3A_135 : i32
    %jit3A_137 = arith.constant 128 : i32
    %div3A_138 = arith.divsi %add3A_136, %jit3A_137 : i32
    %sign3A_139 = arith.constant 0 : i32
    %sign3A_140 = arith.cmpi sgt, %add3A_136, %sign3A_139 : i32
    %sign3A_141 = arith.extui %sign3A_140 : i1 to i32
    %sign3A_142 = arith.constant 0 : i32
    %sign3A_143 = arith.cmpi slt, %add3A_136, %sign3A_142 : i32
    %sign3A_144 = arith.extui %sign3A_143 : i1 to i32
    %sign3A_145 = arith.subi %sign3A_141, %sign3A_144 : i32
    %sign3A_146 = arith.constant 0 : i32
    %sign3A_147 = arith.cmpi sgt, %jit3A_137, %sign3A_146 : i32
    %sign3A_148 = arith.extui %sign3A_147 : i1 to i32
    %sign3A_149 = arith.constant 0 : i32
    %sign3A_150 = arith.cmpi slt, %jit3A_137, %sign3A_149 : i32
    %sign3A_151 = arith.extui %sign3A_150 : i1 to i32
    %sign3A_152 = arith.subi %sign3A_148, %sign3A_151 : i32
    %ne3A_153 = arith.cmpi ne, %sign3A_145, %sign3A_152 : i32
    %rem3A_154 = arith.remsi %add3A_136, %jit3A_137 : i32
    %ne3A_155 = arith.constant 0 : i32
    %ne3A_156 = arith.cmpi ne, %rem3A_154, %ne3A_155 : i32
    %and3A_157 = arith.andi %ne3A_153, %ne3A_156 : i1
    %sub3A_158 = arith.constant 1 : i32
    %sub3A_159 = arith.subi %div3A_138, %sub3A_158 : i32
    %select_n3A_160 = arith.select %and3A_157, %sub3A_159, %div3A_138 : i32
    %jit3A_161 = arith.constant 128 : i32
    %eq3A_162 = arith.constant 0 : i32
    %eq3A_163 = arith.cmpi eq, %jit3A_161, %eq3A_162 : i32
    %jit3A_164 = arith.constant 1 : i32
    %select_n3A_165 = arith.select %eq3A_163, %jit3A_164, %jit3A_161 : i32
    %rem3A_166 = arith.remsi %add3A_136, %select_n3A_165 : i32
    %ne3A_167 = arith.constant 0 : i32
    %ne3A_168 = arith.cmpi ne, %rem3A_166, %ne3A_167 : i32
    %lt3A_169 = arith.constant 0 : i32
    %lt3A_170 = arith.cmpi slt, %rem3A_166, %lt3A_169 : i32
    %lt3A_171 = arith.constant 0 : i32
    %lt3A_172 = arith.cmpi slt, %select_n3A_165, %lt3A_171 : i32
    %ne3A_173 = arith.xori %lt3A_170, %lt3A_172 : i1
    %and3A_174 = arith.andi %ne3A_173, %ne3A_168 : i1
    %add3A_175 = arith.addi %rem3A_166, %select_n3A_165 : i32
    %select_n3A_176 = arith.select %and3A_174, %add3A_175, %rem3A_166 : i32
    %mul3A_177 = arith.constant 1024 : i32
    %mul3A_178 = arith.muli %select_n3A_176, %mul3A_177 : i32
    %dma_wait3A_179 = arith.constant 0 : i32
    %dma_wait3A_180 = arith.constant 4096 : i32
    %dma_wait3A_181 = tpu.memref_slice %arg7[%dma_wait3A_180] : memref<40960xf32, #tpu.memory_space<vmem>> -> memref<1024xf32, #tpu.memory_space<vmem>>
    %dma_wait3A_182 = tpu.memref_slice %arg4[%select_n3A_160, %dma_wait3A_179, %mul3A_178] : memref<50x4x131072xf32, #tpu.memory_space<hbm>> -> memref<1x1x1024xf32, #tpu.memory_space<hbm>>
    %dma_wait3A_183 = tpu.memref_squeeze %dma_wait3A_182 : memref<1x1x1024xf32, #tpu.memory_space<hbm>> -> memref<1024xf32, #tpu.memory_space<hbm>>
    %dma_wait3A_184 = tpu.memref_slice %arg4[%select_n3A_160, %dma_wait3A_179, %mul3A_178] : memref<50x4x131072xf32, #tpu.memory_space<hbm>> -> memref<1x1x1024xf32, #tpu.memory_space<hbm>>
    %dma_wait3A_185 = tpu.memref_squeeze %dma_wait3A_184 : memref<1x1x1024xf32, #tpu.memory_space<hbm>> -> memref<1024xf32, #tpu.memory_space<hbm>>
    %dma_wait3A_186 = arith.constant 4096 : i32
    %dma_wait3A_187 = tpu.memref_slice %arg7[%dma_wait3A_186] : memref<40960xf32, #tpu.memory_space<vmem>> -> memref<1024xf32, #tpu.memory_space<vmem>>
    tpu.wait_dma2 semaphore(%arg14 : memref<!tpu.dma_semaphore, #tpu.memory_space<semaphore_mem>>) src(%dma_wait3A_187 : memref<1024xf32, #tpu.memory_space<vmem>>) dst(%dma_wait3A_185 : memref<1024xf32, #tpu.memory_space<hbm>>)
    %mul3A_188 = arith.constant 1024 : i32
    %mul3A_189 = arith.muli %select_n3A_176, %mul3A_188 : i32
    %dma_wait3A_190 = arith.constant 1 : i32
    %dma_wait3A_191 = arith.constant 5120 : i32
    %dma_wait3A_192 = tpu.memref_slice %arg7[%dma_wait3A_191] : memref<40960xf32, #tpu.memory_space<vmem>> -> memref<1024xf32, #tpu.memory_space<vmem>>
    %dma_wait3A_193 = tpu.memref_slice %arg4[%select_n3A_160, %dma_wait3A_190, %mul3A_189] : memref<50x4x131072xf32, #tpu.memory_space<hbm>> -> memref<1x1x1024xf32, #tpu.memory_space<hbm>>
    %dma_wait3A_194 = tpu.memref_squeeze %dma_wait3A_193 : memref<1x1x1024xf32, #tpu.memory_space<hbm>> -> memref<1024xf32, #tpu.memory_space<hbm>>
    %dma_wait3A_195 = tpu.memref_slice %arg4[%select_n3A_160, %dma_wait3A_190, %mul3A_189] : memref<50x4x131072xf32, #tpu.memory_space<hbm>> -> memref<1x1x1024xf32, #tpu.memory_space<hbm>>
    %dma_wait3A_196 = tpu.memref_squeeze %dma_wait3A_195 : memref<1x1x1024xf32, #tpu.memory_space<hbm>> -> memref<1024xf32, #tpu.memory_space<hbm>>
    %dma_wait3A_197 = arith.constant 5120 : i32
    %dma_wait3A_198 = tpu.memref_slice %arg7[%dma_wait3A_197] : memref<40960xf32, #tpu.memory_space<vmem>> -> memref<1024xf32, #tpu.memory_space<vmem>>
    tpu.wait_dma2 semaphore(%arg14 : memref<!tpu.dma_semaphore, #tpu.memory_space<semaphore_mem>>) src(%dma_wait3A_198 : memref<1024xf32, #tpu.memory_space<vmem>>) dst(%dma_wait3A_196 : memref<1024xf32, #tpu.memory_space<hbm>>)
    %mul3A_199 = arith.constant 1024 : i32
    %mul3A_200 = arith.muli %select_n3A_176, %mul3A_199 : i32
    %dma_wait3A_201 = arith.constant 2 : i32
    %dma_wait3A_202 = arith.constant 6144 : i32
    %dma_wait3A_203 = tpu.memref_slice %arg7[%dma_wait3A_202] : memref<40960xf32, #tpu.memory_space<vmem>> -> memref<1024xf32, #tpu.memory_space<vmem>>
    %dma_wait3A_204 = tpu.memref_slice %arg4[%select_n3A_160, %dma_wait3A_201, %mul3A_200] : memref<50x4x131072xf32, #tpu.memory_space<hbm>> -> memref<1x1x1024xf32, #tpu.memory_space<hbm>>
    %dma_wait3A_205 = tpu.memref_squeeze %dma_wait3A_204 : memref<1x1x1024xf32, #tpu.memory_space<hbm>> -> memref<1024xf32, #tpu.memory_space<hbm>>
    %dma_wait3A_206 = tpu.memref_slice %arg4[%select_n3A_160, %dma_wait3A_201, %mul3A_200] : memref<50x4x131072xf32, #tpu.memory_space<hbm>> -> memref<1x1x1024xf32, #tpu.memory_space<hbm>>
    %dma_wait3A_207 = tpu.memref_squeeze %dma_wait3A_206 : memref<1x1x1024xf32, #tpu.memory_space<hbm>> -> memref<1024xf32, #tpu.memory_space<hbm>>
    %dma_wait3A_208 = arith.constant 6144 : i32
    %dma_wait3A_209 = tpu.memref_slice %arg7[%dma_wait3A_208] : memref<40960xf32, #tpu.memory_space<vmem>> -> memref<1024xf32, #tpu.memory_space<vmem>>
    tpu.wait_dma2 semaphore(%arg14 : memref<!tpu.dma_semaphore, #tpu.memory_space<semaphore_mem>>) src(%dma_wait3A_209 : memref<1024xf32, #tpu.memory_space<vmem>>) dst(%dma_wait3A_207 : memref<1024xf32, #tpu.memory_space<hbm>>)
    %mul3A_210 = arith.constant 1024 : i32
    %mul3A_211 = arith.muli %select_n3A_176, %mul3A_210 : i32
    %dma_wait3A_212 = arith.constant 3 : i32
    %dma_wait3A_213 = arith.constant 7168 : i32
    %dma_wait3A_214 = tpu.memref_slice %arg7[%dma_wait3A_213] : memref<40960xf32, #tpu.memory_space<vmem>> -> memref<1024xf32, #tpu.memory_space<vmem>>
    %dma_wait3A_215 = tpu.memref_slice %arg4[%select_n3A_160, %dma_wait3A_212, %mul3A_211] : memref<50x4x131072xf32, #tpu.memory_space<hbm>> -> memref<1x1x1024xf32, #tpu.memory_space<hbm>>
    %dma_wait3A_216 = tpu.memref_squeeze %dma_wait3A_215 : memref<1x1x1024xf32, #tpu.memory_space<hbm>> -> memref<1024xf32, #tpu.memory_space<hbm>>
    %dma_wait3A_217 = tpu.memref_slice %arg4[%select_n3A_160, %dma_wait3A_212, %mul3A_211] : memref<50x4x131072xf32, #tpu.memory_space<hbm>> -> memref<1x1x1024xf32, #tpu.memory_space<hbm>>
    %dma_wait3A_218 = tpu.memref_squeeze %dma_wait3A_217 : memref<1x1x1024xf32, #tpu.memory_space<hbm>> -> memref<1024xf32, #tpu.memory_space<hbm>>
    %dma_wait3A_219 = arith.constant 7168 : i32
    %dma_wait3A_220 = tpu.memref_slice %arg7[%dma_wait3A_219] : memref<40960xf32, #tpu.memory_space<vmem>> -> memref<1024xf32, #tpu.memory_space<vmem>>
    tpu.wait_dma2 semaphore(%arg14 : memref<!tpu.dma_semaphore, #tpu.memory_space<semaphore_mem>>) src(%dma_wait3A_220 : memref<1024xf32, #tpu.memory_space<vmem>>) dst(%dma_wait3A_218 : memref<1024xf32, #tpu.memory_space<hbm>>)
    %add3A_221 = arith.constant 192 : i32
    %add3A_222 = arith.addi %mul3A_2, %add3A_221 : i32
    %add3A_223 = arith.constant 0 : i32
    %add3A_224 = arith.addi %add3A_222, %add3A_223 : i32
    %jit3A_225 = arith.constant 128 : i32
    %div3A_226 = arith.divsi %add3A_224, %jit3A_225 : i32
    %sign3A_227 = arith.constant 0 : i32
    %sign3A_228 = arith.cmpi sgt, %add3A_224, %sign3A_227 : i32
    %sign3A_229 = arith.extui %sign3A_228 : i1 to i32
    %sign3A_230 = arith.constant 0 : i32
    %sign3A_231 = arith.cmpi slt, %add3A_224, %sign3A_230 : i32
    %sign3A_232 = arith.extui %sign3A_231 : i1 to i32
    %sign3A_233 = arith.subi %sign3A_229, %sign3A_232 : i32
    %sign3A_234 = arith.constant 0 : i32
    %sign3A_235 = arith.cmpi sgt, %jit3A_225, %sign3A_234 : i32
    %sign3A_236 = arith.extui %sign3A_235 : i1 to i32
    %sign3A_237 = arith.constant 0 : i32
    %sign3A_238 = arith.cmpi slt, %jit3A_225, %sign3A_237 : i32
    %sign3A_239 = arith.extui %sign3A_238 : i1 to i32
    %sign3A_240 = arith.subi %sign3A_236, %sign3A_239 : i32
    %ne3A_241 = arith.cmpi ne, %sign3A_233, %sign3A_240 : i32
    %rem3A_242 = arith.remsi %add3A_224, %jit3A_225 : i32
    %ne3A_243 = arith.constant 0 : i32
    %ne3A_244 = arith.cmpi ne, %rem3A_242, %ne3A_243 : i32
    %and3A_245 = arith.andi %ne3A_241, %ne3A_244 : i1
    %sub3A_246 = arith.constant 1 : i32
    %sub3A_247 = arith.subi %div3A_226, %sub3A_246 : i32
    %select_n3A_248 = arith.select %and3A_245, %sub3A_247, %div3A_226 : i32
    %jit3A_249 = arith.constant 128 : i32
    %eq3A_250 = arith.constant 0 : i32
    %eq3A_251 = arith.cmpi eq, %jit3A_249, %eq3A_250 : i32
    %jit3A_252 = arith.constant 1 : i32
    %select_n3A_253 = arith.select %eq3A_251, %jit3A_252, %jit3A_249 : i32
    %rem3A_254 = arith.remsi %add3A_224, %select_n3A_253 : i32
    %ne3A_255 = arith.constant 0 : i32
    %ne3A_256 = arith.cmpi ne, %rem3A_254, %ne3A_255 : i32
    %lt3A_257 = arith.constant 0 : i32
    %lt3A_258 = arith.cmpi slt, %rem3A_254, %lt3A_257 : i32
    %lt3A_259 = arith.constant 0 : i32
    %lt3A_260 = arith.cmpi slt, %select_n3A_253, %lt3A_259 : i32
    %ne3A_261 = arith.xori %lt3A_258, %lt3A_260 : i1
    %and3A_262 = arith.andi %ne3A_261, %ne3A_256 : i1
    %add3A_263 = arith.addi %rem3A_254, %select_n3A_253 : i32
    %select_n3A_264 = arith.select %and3A_262, %add3A_263, %rem3A_254 : i32
    %mul3A_265 = arith.constant 1024 : i32
    %mul3A_266 = arith.muli %select_n3A_264, %mul3A_265 : i32
    %dma_wait3A_267 = arith.constant 0 : i32
    %dma_wait3A_268 = arith.constant 8192 : i32
    %dma_wait3A_269 = tpu.memref_slice %arg7[%dma_wait3A_268] : memref<40960xf32, #tpu.memory_space<vmem>> -> memref<1024xf32, #tpu.memory_space<vmem>>
    %dma_wait3A_270 = tpu.memref_slice %arg4[%select_n3A_248, %dma_wait3A_267, %mul3A_266] : memref<50x4x131072xf32, #tpu.memory_space<hbm>> -> memref<1x1x1024xf32, #tpu.memory_space<hbm>>
    %dma_wait3A_271 = tpu.memref_squeeze %dma_wait3A_270 : memref<1x1x1024xf32, #tpu.memory_space<hbm>> -> memref<1024xf32, #tpu.memory_space<hbm>>
    %dma_wait3A_272 = tpu.memref_slice %arg4[%select_n3A_248, %dma_wait3A_267, %mul3A_266] : memref<50x4x131072xf32, #tpu.memory_space<hbm>> -> memref<1x1x1024xf32, #tpu.memory_space<hbm>>
    %dma_wait3A_273 = tpu.memref_squeeze %dma_wait3A_272 : memref<1x1x1024xf32, #tpu.memory_space<hbm>> -> memref<1024xf32, #tpu.memory_space<hbm>>
    %dma_wait3A_274 = arith.constant 8192 : i32
    %dma_wait3A_275 = tpu.memref_slice %arg7[%dma_wait3A_274] : memref<40960xf32, #tpu.memory_space<vmem>> -> memref<1024xf32, #tpu.memory_space<vmem>>
    tpu.wait_dma2 semaphore(%arg15 : memref<!tpu.dma_semaphore, #tpu.memory_space<semaphore_mem>>) src(%dma_wait3A_275 : memref<1024xf32, #tpu.memory_space<vmem>>) dst(%dma_wait3A_273 : memref<1024xf32, #tpu.memory_space<hbm>>)
    %mul3A_276 = arith.constant 1024 : i32
    %mul3A_277 = arith.muli %select_n3A_264, %mul3A_276 : i32
    %dma_wait3A_278 = arith.constant 1 : i32
    %dma_wait3A_279 = arith.constant 9216 : i32
    %dma_wait3A_280 = tpu.memref_slice %arg7[%dma_wait3A_279] : memref<40960xf32, #tpu.memory_space<vmem>> -> memref<1024xf32, #tpu.memory_space<vmem>>
    %dma_wait3A_281 = tpu.memref_slice %arg4[%select_n3A_248, %dma_wait3A_278, %mul3A_277] : memref<50x4x131072xf32, #tpu.memory_space<hbm>> -> memref<1x1x1024xf32, #tpu.memory_space<hbm>>
    %dma_wait3A_282 = tpu.memref_squeeze %dma_wait3A_281 : memref<1x1x1024xf32, #tpu.memory_space<hbm>> -> memref<1024xf32, #tpu.memory_space<hbm>>
    %dma_wait3A_283 = tpu.memref_slice %arg4[%select_n3A_248, %dma_wait3A_278, %mul3A_277] : memref<50x4x131072xf32, #tpu.memory_space<hbm>> -> memref<1x1x1024xf32, #tpu.memory_space<hbm>>
    %dma_wait3A_284 = tpu.memref_squeeze %dma_wait3A_283 : memref<1x1x1024xf32, #tpu.memory_space<hbm>> -> memref<1024xf32, #tpu.memory_space<hbm>>
    %dma_wait3A_285 = arith.constant 9216 : i32
    %dma_wait3A_286 = tpu.memref_slice %arg7[%dma_wait3A_285] : memref<40960xf32, #tpu.memory_space<vmem>> -> memref<1024xf32, #tpu.memory_space<vmem>>
    tpu.wait_dma2 semaphore(%arg15 : memref<!tpu.dma_semaphore, #tpu.memory_space<semaphore_mem>>) src(%dma_wait3A_286 : memref<1024xf32, #tpu.memory_space<vmem>>) dst(%dma_wait3A_284 : memref<1024xf32, #tpu.memory_space<hbm>>)
    %mul3A_287 = arith.constant 1024 : i32
    %mul3A_288 = arith.muli %select_n3A_264, %mul3A_287 : i32
    %dma_wait3A_289 = arith.constant 2 : i32
    %dma_wait3A_290 = arith.constant 10240 : i32
    %dma_wait3A_291 = tpu.memref_slice %arg7[%dma_wait3A_290] : memref<40960xf32, #tpu.memory_space<vmem>> -> memref<1024xf32, #tpu.memory_space<vmem>>
    %dma_wait3A_292 = tpu.memref_slice %arg4[%select_n3A_248, %dma_wait3A_289, %mul3A_288] : memref<50x4x131072xf32, #tpu.memory_space<hbm>> -> memref<1x1x1024xf32, #tpu.memory_space<hbm>>
    %dma_wait3A_293 = tpu.memref_squeeze %dma_wait3A_292 : memref<1x1x1024xf32, #tpu.memory_space<hbm>> -> memref<1024xf32, #tpu.memory_space<hbm>>
    %dma_wait3A_294 = tpu.memref_slice %arg4[%select_n3A_248, %dma_wait3A_289, %mul3A_288] : memref<50x4x131072xf32, #tpu.memory_space<hbm>> -> memref<1x1x1024xf32, #tpu.memory_space<hbm>>
    %dma_wait3A_295 = tpu.memref_squeeze %dma_wait3A_294 : memref<1x1x1024xf32, #tpu.memory_space<hbm>> -> memref<1024xf32, #tpu.memory_space<hbm>>
    %dma_wait3A_296 = arith.constant 10240 : i32
    %dma_wait3A_297 = tpu.memref_slice %arg7[%dma_wait3A_296] : memref<40960xf32, #tpu.memory_space<vmem>> -> memref<1024xf32, #tpu.memory_space<vmem>>
    tpu.wait_dma2 semaphore(%arg15 : memref<!tpu.dma_semaphore, #tpu.memory_space<semaphore_mem>>) src(%dma_wait3A_297 : memref<1024xf32, #tpu.memory_space<vmem>>) dst(%dma_wait3A_295 : memref<1024xf32, #tpu.memory_space<hbm>>)
    %mul3A_298 = arith.constant 1024 : i32
    %mul3A_299 = arith.muli %select_n3A_264, %mul3A_298 : i32
    %dma_wait3A_300 = arith.constant 3 : i32
    %dma_wait3A_301 = arith.constant 11264 : i32
    %dma_wait3A_302 = tpu.memref_slice %arg7[%dma_wait3A_301] : memref<40960xf32, #tpu.memory_space<vmem>> -> memref<1024xf32, #tpu.memory_space<vmem>>
    %dma_wait3A_303 = tpu.memref_slice %arg4[%select_n3A_248, %dma_wait3A_300, %mul3A_299] : memref<50x4x131072xf32, #tpu.memory_space<hbm>> -> memref<1x1x1024xf32, #tpu.memory_space<hbm>>
    %dma_wait3A_304 = tpu.memref_squeeze %dma_wait3A_303 : memref<1x1x1024xf32, #tpu.memory_space<hbm>> -> memref<1024xf32, #tpu.memory_space<hbm>>
    %dma_wait3A_305 = tpu.memref_slice %arg4[%select_n3A_248, %dma_wait3A_300, %mul3A_299] : memref<50x4x131072xf32, #tpu.memory_space<hbm>> -> memref<1x1x1024xf32, #tpu.memory_space<hbm>>
    %dma_wait3A_306 = tpu.memref_squeeze %dma_wait3A_305 : memref<1x1x1024xf32, #tpu.memory_space<hbm>> -> memref<1024xf32, #tpu.memory_space<hbm>>
    %dma_wait3A_307 = arith.constant 11264 : i32
    %dma_wait3A_308 = tpu.memref_slice %arg7[%dma_wait3A_307] : memref<40960xf32, #tpu.memory_space<vmem>> -> memref<1024xf32, #tpu.memory_space<vmem>>
    tpu.wait_dma2 semaphore(%arg15 : memref<!tpu.dma_semaphore, #tpu.memory_space<semaphore_mem>>) src(%dma_wait3A_308 : memref<1024xf32, #tpu.memory_space<vmem>>) dst(%dma_wait3A_306 : memref<1024xf32, #tpu.memory_space<hbm>>)
    %add3A_309 = arith.constant 192 : i32
    %add3A_310 = arith.addi %mul3A_2, %add3A_309 : i32
    %add3A_311 = arith.constant 1 : i32
    %add3A_312 = arith.addi %add3A_310, %add3A_311 : i32
    %jit3A_313 = arith.constant 128 : i32
    %div3A_314 = arith.divsi %add3A_312, %jit3A_313 : i32
    %sign3A_315 = arith.constant 0 : i32
    %sign3A_316 = arith.cmpi sgt, %add3A_312, %sign3A_315 : i32
    %sign3A_317 = arith.extui %sign3A_316 : i1 to i32
    %sign3A_318 = arith.constant 0 : i32
    %sign3A_319 = arith.cmpi slt, %add3A_312, %sign3A_318 : i32
    %sign3A_320 = arith.extui %sign3A_319 : i1 to i32
    %sign3A_321 = arith.subi %sign3A_317, %sign3A_320 : i32
    %sign3A_322 = arith.constant 0 : i32
    %sign3A_323 = arith.cmpi sgt, %jit3A_313, %sign3A_322 : i32
    %sign3A_324 = arith.extui %sign3A_323 : i1 to i32
    %sign3A_325 = arith.constant 0 : i32
    %sign3A_326 = arith.cmpi slt, %jit3A_313, %sign3A_325 : i32
    %sign3A_327 = arith.extui %sign3A_326 : i1 to i32
    %sign3A_328 = arith.subi %sign3A_324, %sign3A_327 : i32
    %ne3A_329 = arith.cmpi ne, %sign3A_321, %sign3A_328 : i32
    %rem3A_330 = arith.remsi %add3A_312, %jit3A_313 : i32
    %ne3A_331 = arith.constant 0 : i32
    %ne3A_332 = arith.cmpi ne, %rem3A_330, %ne3A_331 : i32
    %and3A_333 = arith.andi %ne3A_329, %ne3A_332 : i1
    %sub3A_334 = arith.constant 1 : i32
    %sub3A_335 = arith.subi %div3A_314, %sub3A_334 : i32
    %select_n3A_336 = arith.select %and3A_333, %sub3A_335, %div3A_314 : i32
    %jit3A_337 = arith.constant 128 : i32
    %eq3A_338 = arith.constant 0 : i32
    %eq3A_339 = arith.cmpi eq, %jit3A_337, %eq3A_338 : i32
    %jit3A_340 = arith.constant 1 : i32
    %select_n3A_341 = arith.select %eq3A_339, %jit3A_340, %jit3A_337 : i32
    %rem3A_342 = arith.remsi %add3A_312, %select_n3A_341 : i32
    %ne3A_343 = arith.constant 0 : i32
    %ne3A_344 = arith.cmpi ne, %rem3A_342, %ne3A_343 : i32
    %lt3A_345 = arith.constant 0 : i32
    %lt3A_346 = arith.cmpi slt, %rem3A_342, %lt3A_345 : i32
    %lt3A_347 = arith.constant 0 : i32
    %lt3A_348 = arith.cmpi slt, %select_n3A_341, %lt3A_347 : i32
    %ne3A_349 = arith.xori %lt3A_346, %lt3A_348 : i1
    %and3A_350 = arith.andi %ne3A_349, %ne3A_344 : i1
    %add3A_351 = arith.addi %rem3A_342, %select_n3A_341 : i32
    %select_n3A_352 = arith.select %and3A_350, %add3A_351, %rem3A_342 : i32
    %mul3A_353 = arith.constant 1024 : i32
    %mul3A_354 = arith.muli %select_n3A_352, %mul3A_353 : i32
    %dma_wait3A_355 = arith.constant 0 : i32
    %dma_wait3A_356 = arith.constant 12288 : i32
    %dma_wait3A_357 = tpu.memref_slice %arg7[%dma_wait3A_356] : memref<40960xf32, #tpu.memory_space<vmem>> -> memref<1024xf32, #tpu.memory_space<vmem>>
    %dma_wait3A_358 = tpu.memref_slice %arg4[%select_n3A_336, %dma_wait3A_355, %mul3A_354] : memref<50x4x131072xf32, #tpu.memory_space<hbm>> -> memref<1x1x1024xf32, #tpu.memory_space<hbm>>
    %dma_wait3A_359 = tpu.memref_squeeze %dma_wait3A_358 : memref<1x1x1024xf32, #tpu.memory_space<hbm>> -> memref<1024xf32, #tpu.memory_space<hbm>>
    %dma_wait3A_360 = tpu.memref_slice %arg4[%select_n3A_336, %dma_wait3A_355, %mul3A_354] : memref<50x4x131072xf32, #tpu.memory_space<hbm>> -> memref<1x1x1024xf32, #tpu.memory_space<hbm>>
    %dma_wait3A_361 = tpu.memref_squeeze %dma_wait3A_360 : memref<1x1x1024xf32, #tpu.memory_space<hbm>> -> memref<1024xf32, #tpu.memory_space<hbm>>
    %dma_wait3A_362 = arith.constant 12288 : i32
    %dma_wait3A_363 = tpu.memref_slice %arg7[%dma_wait3A_362] : memref<40960xf32, #tpu.memory_space<vmem>> -> memref<1024xf32, #tpu.memory_space<vmem>>
    tpu.wait_dma2 semaphore(%arg16 : memref<!tpu.dma_semaphore, #tpu.memory_space<semaphore_mem>>) src(%dma_wait3A_363 : memref<1024xf32, #tpu.memory_space<vmem>>) dst(%dma_wait3A_361 : memref<1024xf32, #tpu.memory_space<hbm>>)
    %mul3A_364 = arith.constant 1024 : i32
    %mul3A_365 = arith.muli %select_n3A_352, %mul3A_364 : i32
    %dma_wait3A_366 = arith.constant 1 : i32
    %dma_wait3A_367 = arith.constant 13312 : i32
    %dma_wait3A_368 = tpu.memref_slice %arg7[%dma_wait3A_367] : memref<40960xf32, #tpu.memory_space<vmem>> -> memref<1024xf32, #tpu.memory_space<vmem>>
    %dma_wait3A_369 = tpu.memref_slice %arg4[%select_n3A_336, %dma_wait3A_366, %mul3A_365] : memref<50x4x131072xf32, #tpu.memory_space<hbm>> -> memref<1x1x1024xf32, #tpu.memory_space<hbm>>
    %dma_wait3A_370 = tpu.memref_squeeze %dma_wait3A_369 : memref<1x1x1024xf32, #tpu.memory_space<hbm>> -> memref<1024xf32, #tpu.memory_space<hbm>>
    %dma_wait3A_371 = tpu.memref_slice %arg4[%select_n3A_336, %dma_wait3A_366, %mul3A_365] : memref<50x4x131072xf32, #tpu.memory_space<hbm>> -> memref<1x1x1024xf32, #tpu.memory_space<hbm>>
    %dma_wait3A_372 = tpu.memref_squeeze %dma_wait3A_371 : memref<1x1x1024xf32, #tpu.memory_space<hbm>> -> memref<1024xf32, #tpu.memory_space<hbm>>
    %dma_wait3A_373 = arith.constant 13312 : i32
    %dma_wait3A_374 = tpu.memref_slice %arg7[%dma_wait3A_373] : memref<40960xf32, #tpu.memory_space<vmem>> -> memref<1024xf32, #tpu.memory_space<vmem>>
    tpu.wait_dma2 semaphore(%arg16 : memref<!tpu.dma_semaphore, #tpu.memory_space<semaphore_mem>>) src(%dma_wait3A_374 : memref<1024xf32, #tpu.memory_space<vmem>>) dst(%dma_wait3A_372 : memref<1024xf32, #tpu.memory_space<hbm>>)
    %mul3A_375 = arith.constant 1024 : i32
    %mul3A_376 = arith.muli %select_n3A_352, %mul3A_375 : i32
    %dma_wait3A_377 = arith.constant 2 : i32
    %dma_wait3A_378 = arith.constant 14336 : i32
    %dma_wait3A_379 = tpu.memref_slice %arg7[%dma_wait3A_378] : memref<40960xf32, #tpu.memory_space<vmem>> -> memref<1024xf32, #tpu.memory_space<vmem>>
    %dma_wait3A_380 = tpu.memref_slice %arg4[%select_n3A_336, %dma_wait3A_377, %mul3A_376] : memref<50x4x131072xf32, #tpu.memory_space<hbm>> -> memref<1x1x1024xf32, #tpu.memory_space<hbm>>
    %dma_wait3A_381 = tpu.memref_squeeze %dma_wait3A_380 : memref<1x1x1024xf32, #tpu.memory_space<hbm>> -> memref<1024xf32, #tpu.memory_space<hbm>>
    %dma_wait3A_382 = tpu.memref_slice %arg4[%select_n3A_336, %dma_wait3A_377, %mul3A_376] : memref<50x4x131072xf32, #tpu.memory_space<hbm>> -> memref<1x1x1024xf32, #tpu.memory_space<hbm>>
    %dma_wait3A_383 = tpu.memref_squeeze %dma_wait3A_382 : memref<1x1x1024xf32, #tpu.memory_space<hbm>> -> memref<1024xf32, #tpu.memory_space<hbm>>
    %dma_wait3A_384 = arith.constant 14336 : i32
    %dma_wait3A_385 = tpu.memref_slice %arg7[%dma_wait3A_384] : memref<40960xf32, #tpu.memory_space<vmem>> -> memref<1024xf32, #tpu.memory_space<vmem>>
    tpu.wait_dma2 semaphore(%arg16 : memref<!tpu.dma_semaphore, #tpu.memory_space<semaphore_mem>>) src(%dma_wait3A_385 : memref<1024xf32, #tpu.memory_space<vmem>>) dst(%dma_wait3A_383 : memref<1024xf32, #tpu.memory_space<hbm>>)
    %mul3A_386 = arith.constant 1024 : i32
    %mul3A_387 = arith.muli %select_n3A_352, %mul3A_386 : i32
    %dma_wait3A_388 = arith.constant 3 : i32
    %dma_wait3A_389 = arith.constant 15360 : i32
    %dma_wait3A_390 = tpu.memref_slice %arg7[%dma_wait3A_389] : memref<40960xf32, #tpu.memory_space<vmem>> -> memref<1024xf32, #tpu.memory_space<vmem>>
    %dma_wait3A_391 = tpu.memref_slice %arg4[%select_n3A_336, %dma_wait3A_388, %mul3A_387] : memref<50x4x131072xf32, #tpu.memory_space<hbm>> -> memref<1x1x1024xf32, #tpu.memory_space<hbm>>
    %dma_wait3A_392 = tpu.memref_squeeze %dma_wait3A_391 : memref<1x1x1024xf32, #tpu.memory_space<hbm>> -> memref<1024xf32, #tpu.memory_space<hbm>>
    %dma_wait3A_393 = tpu.memref_slice %arg4[%select_n3A_336, %dma_wait3A_388, %mul3A_387] : memref<50x4x131072xf32, #tpu.memory_space<hbm>> -> memref<1x1x1024xf32, #tpu.memory_space<hbm>>
    %dma_wait3A_394 = tpu.memref_squeeze %dma_wait3A_393 : memref<1x1x1024xf32, #tpu.memory_space<hbm>> -> memref<1024xf32, #tpu.memory_space<hbm>>
    %dma_wait3A_395 = arith.constant 15360 : i32
    %dma_wait3A_396 = tpu.memref_slice %arg7[%dma_wait3A_395] : memref<40960xf32, #tpu.memory_space<vmem>> -> memref<1024xf32, #tpu.memory_space<vmem>>
    tpu.wait_dma2 semaphore(%arg16 : memref<!tpu.dma_semaphore, #tpu.memory_space<semaphore_mem>>) src(%dma_wait3A_396 : memref<1024xf32, #tpu.memory_space<vmem>>) dst(%dma_wait3A_394 : memref<1024xf32, #tpu.memory_space<hbm>>)
    %add3A_397 = arith.constant 194 : i32
    %add3A_398 = arith.addi %mul3A_2, %add3A_397 : i32
    %add3A_399 = arith.constant 0 : i32
    %add3A_400 = arith.addi %add3A_398, %add3A_399 : i32
    %jit3A_401 = arith.constant 128 : i32
    %div3A_402 = arith.divsi %add3A_400, %jit3A_401 : i32
    %sign3A_403 = arith.constant 0 : i32
    %sign3A_404 = arith.cmpi sgt, %add3A_400, %sign3A_403 : i32
    %sign3A_405 = arith.extui %sign3A_404 : i1 to i32
    %sign3A_406 = arith.constant 0 : i32
    %sign3A_407 = arith.cmpi slt, %add3A_400, %sign3A_406 : i32
    %sign3A_408 = arith.extui %sign3A_407 : i1 to i32
    %sign3A_409 = arith.subi %sign3A_405, %sign3A_408 : i32
    %sign3A_410 = arith.constant 0 : i32
    %sign3A_411 = arith.cmpi sgt, %jit3A_401, %sign3A_410 : i32
    %sign3A_412 = arith.extui %sign3A_411 : i1 to i32
    %sign3A_413 = arith.constant 0 : i32
    %sign3A_414 = arith.cmpi slt, %jit3A_401, %sign3A_413 : i32
    %sign3A_415 = arith.extui %sign3A_414 : i1 to i32
    %sign3A_416 = arith.subi %sign3A_412, %sign3A_415 : i32
    %ne3A_417 = arith.cmpi ne, %sign3A_409, %sign3A_416 : i32
    %rem3A_418 = arith.remsi %add3A_400, %jit3A_401 : i32
    %ne3A_419 = arith.constant 0 : i32
    %ne3A_420 = arith.cmpi ne, %rem3A_418, %ne3A_419 : i32
    %and3A_421 = arith.andi %ne3A_417, %ne3A_420 : i1
    %sub3A_422 = arith.constant 1 : i32
    %sub3A_423 = arith.subi %div3A_402, %sub3A_422 : i32
    %select_n3A_424 = arith.select %and3A_421, %sub3A_423, %div3A_402 : i32
    %jit3A_425 = arith.constant 128 : i32
    %eq3A_426 = arith.constant 0 : i32
    %eq3A_427 = arith.cmpi eq, %jit3A_425, %eq3A_426 : i32
    %jit3A_428 = arith.constant 1 : i32
    %select_n3A_429 = arith.select %eq3A_427, %jit3A_428, %jit3A_425 : i32
    %rem3A_430 = arith.remsi %add3A_400, %select_n3A_429 : i32
    %ne3A_431 = arith.constant 0 : i32
    %ne3A_432 = arith.cmpi ne, %rem3A_430, %ne3A_431 : i32
    %lt3A_433 = arith.constant 0 : i32
    %lt3A_434 = arith.cmpi slt, %rem3A_430, %lt3A_433 : i32
    %lt3A_435 = arith.constant 0 : i32
    %lt3A_436 = arith.cmpi slt, %select_n3A_429, %lt3A_435 : i32
    %ne3A_437 = arith.xori %lt3A_434, %lt3A_436 : i1
    %and3A_438 = arith.andi %ne3A_437, %ne3A_432 : i1
    %add3A_439 = arith.addi %rem3A_430, %select_n3A_429 : i32
    %select_n3A_440 = arith.select %and3A_438, %add3A_439, %rem3A_430 : i32
    %mul3A_441 = arith.constant 1024 : i32
    %mul3A_442 = arith.muli %select_n3A_440, %mul3A_441 : i32
    %dma_wait3A_443 = arith.constant 0 : i32
    %dma_wait3A_444 = arith.constant 16384 : i32
    %dma_wait3A_445 = tpu.memref_slice %arg7[%dma_wait3A_444] : memref<40960xf32, #tpu.memory_space<vmem>> -> memref<1024xf32, #tpu.memory_space<vmem>>
    %dma_wait3A_446 = tpu.memref_slice %arg4[%select_n3A_424, %dma_wait3A_443, %mul3A_442] : memref<50x4x131072xf32, #tpu.memory_space<hbm>> -> memref<1x1x1024xf32, #tpu.memory_space<hbm>>
    %dma_wait3A_447 = tpu.memref_squeeze %dma_wait3A_446 : memref<1x1x1024xf32, #tpu.memory_space<hbm>> -> memref<1024xf32, #tpu.memory_space<hbm>>
    %dma_wait3A_448 = tpu.memref_slice %arg4[%select_n3A_424, %dma_wait3A_443, %mul3A_442] : memref<50x4x131072xf32, #tpu.memory_space<hbm>> -> memref<1x1x1024xf32, #tpu.memory_space<hbm>>
    %dma_wait3A_449 = tpu.memref_squeeze %dma_wait3A_448 : memref<1x1x1024xf32, #tpu.memory_space<hbm>> -> memref<1024xf32, #tpu.memory_space<hbm>>
    %dma_wait3A_450 = arith.constant 16384 : i32
    %dma_wait3A_451 = tpu.memref_slice %arg7[%dma_wait3A_450] : memref<40960xf32, #tpu.memory_space<vmem>> -> memref<1024xf32, #tpu.memory_space<vmem>>
    tpu.wait_dma2 semaphore(%arg17 : memref<!tpu.dma_semaphore, #tpu.memory_space<semaphore_mem>>) src(%dma_wait3A_451 : memref<1024xf32, #tpu.memory_space<vmem>>) dst(%dma_wait3A_449 : memref<1024xf32, #tpu.memory_space<hbm>>)
    %mul3A_452 = arith.constant 1024 : i32
    %mul3A_453 = arith.muli %select_n3A_440, %mul3A_452 : i32
    %dma_wait3A_454 = arith.constant 1 : i32
    %dma_wait3A_455 = arith.constant 17408 : i32
    %dma_wait3A_456 = tpu.memref_slice %arg7[%dma_wait3A_455] : memref<40960xf32, #tpu.memory_space<vmem>> -> memref<1024xf32, #tpu.memory_space<vmem>>
    %dma_wait3A_457 = tpu.memref_slice %arg4[%select_n3A_424, %dma_wait3A_454, %mul3A_453] : memref<50x4x131072xf32, #tpu.memory_space<hbm>> -> memref<1x1x1024xf32, #tpu.memory_space<hbm>>
    %dma_wait3A_458 = tpu.memref_squeeze %dma_wait3A_457 : memref<1x1x1024xf32, #tpu.memory_space<hbm>> -> memref<1024xf32, #tpu.memory_space<hbm>>
    %dma_wait3A_459 = tpu.memref_slice %arg4[%select_n3A_424, %dma_wait3A_454, %mul3A_453] : memref<50x4x131072xf32, #tpu.memory_space<hbm>> -> memref<1x1x1024xf32, #tpu.memory_space<hbm>>
    %dma_wait3A_460 = tpu.memref_squeeze %dma_wait3A_459 : memref<1x1x1024xf32, #tpu.memory_space<hbm>> -> memref<1024xf32, #tpu.memory_space<hbm>>
    %dma_wait3A_461 = arith.constant 17408 : i32
    %dma_wait3A_462 = tpu.memref_slice %arg7[%dma_wait3A_461] : memref<40960xf32, #tpu.memory_space<vmem>> -> memref<1024xf32, #tpu.memory_space<vmem>>
    tpu.wait_dma2 semaphore(%arg17 : memref<!tpu.dma_semaphore, #tpu.memory_space<semaphore_mem>>) src(%dma_wait3A_462 : memref<1024xf32, #tpu.memory_space<vmem>>) dst(%dma_wait3A_460 : memref<1024xf32, #tpu.memory_space<hbm>>)
    %mul3A_463 = arith.constant 1024 : i32
    %mul3A_464 = arith.muli %select_n3A_440, %mul3A_463 : i32
    %dma_wait3A_465 = arith.constant 2 : i32
    %dma_wait3A_466 = arith.constant 18432 : i32
    %dma_wait3A_467 = tpu.memref_slice %arg7[%dma_wait3A_466] : memref<40960xf32, #tpu.memory_space<vmem>> -> memref<1024xf32, #tpu.memory_space<vmem>>
    %dma_wait3A_468 = tpu.memref_slice %arg4[%select_n3A_424, %dma_wait3A_465, %mul3A_464] : memref<50x4x131072xf32, #tpu.memory_space<hbm>> -> memref<1x1x1024xf32, #tpu.memory_space<hbm>>
    %dma_wait3A_469 = tpu.memref_squeeze %dma_wait3A_468 : memref<1x1x1024xf32, #tpu.memory_space<hbm>> -> memref<1024xf32, #tpu.memory_space<hbm>>
    %dma_wait3A_470 = tpu.memref_slice %arg4[%select_n3A_424, %dma_wait3A_465, %mul3A_464] : memref<50x4x131072xf32, #tpu.memory_space<hbm>> -> memref<1x1x1024xf32, #tpu.memory_space<hbm>>
    %dma_wait3A_471 = tpu.memref_squeeze %dma_wait3A_470 : memref<1x1x1024xf32, #tpu.memory_space<hbm>> -> memref<1024xf32, #tpu.memory_space<hbm>>
    %dma_wait3A_472 = arith.constant 18432 : i32
    %dma_wait3A_473 = tpu.memref_slice %arg7[%dma_wait3A_472] : memref<40960xf32, #tpu.memory_space<vmem>> -> memref<1024xf32, #tpu.memory_space<vmem>>
    tpu.wait_dma2 semaphore(%arg17 : memref<!tpu.dma_semaphore, #tpu.memory_space<semaphore_mem>>) src(%dma_wait3A_473 : memref<1024xf32, #tpu.memory_space<vmem>>) dst(%dma_wait3A_471 : memref<1024xf32, #tpu.memory_space<hbm>>)
    %mul3A_474 = arith.constant 1024 : i32
    %mul3A_475 = arith.muli %select_n3A_440, %mul3A_474 : i32
    %dma_wait3A_476 = arith.constant 3 : i32
    %dma_wait3A_477 = arith.constant 19456 : i32
    %dma_wait3A_478 = tpu.memref_slice %arg7[%dma_wait3A_477] : memref<40960xf32, #tpu.memory_space<vmem>> -> memref<1024xf32, #tpu.memory_space<vmem>>
    %dma_wait3A_479 = tpu.memref_slice %arg4[%select_n3A_424, %dma_wait3A_476, %mul3A_475] : memref<50x4x131072xf32, #tpu.memory_space<hbm>> -> memref<1x1x1024xf32, #tpu.memory_space<hbm>>
    %dma_wait3A_480 = tpu.memref_squeeze %dma_wait3A_479 : memref<1x1x1024xf32, #tpu.memory_space<hbm>> -> memref<1024xf32, #tpu.memory_space<hbm>>
    %dma_wait3A_481 = tpu.memref_slice %arg4[%select_n3A_424, %dma_wait3A_476, %mul3A_475] : memref<50x4x131072xf32, #tpu.memory_space<hbm>> -> memref<1x1x1024xf32, #tpu.memory_space<hbm>>
    %dma_wait3A_482 = tpu.memref_squeeze %dma_wait3A_481 : memref<1x1x1024xf32, #tpu.memory_space<hbm>> -> memref<1024xf32, #tpu.memory_space<hbm>>
    %dma_wait3A_483 = arith.constant 19456 : i32
    %dma_wait3A_484 = tpu.memref_slice %arg7[%dma_wait3A_483] : memref<40960xf32, #tpu.memory_space<vmem>> -> memref<1024xf32, #tpu.memory_space<vmem>>
    tpu.wait_dma2 semaphore(%arg17 : memref<!tpu.dma_semaphore, #tpu.memory_space<semaphore_mem>>) src(%dma_wait3A_484 : memref<1024xf32, #tpu.memory_space<vmem>>) dst(%dma_wait3A_482 : memref<1024xf32, #tpu.memory_space<hbm>>)
    %add3A_485 = arith.constant 194 : i32
    %add3A_486 = arith.addi %mul3A_2, %add3A_485 : i32
    %add3A_487 = arith.constant 1 : i32
    %add3A_488 = arith.addi %add3A_486, %add3A_487 : i32
    %jit3A_489 = arith.constant 128 : i32
    %div3A_490 = arith.divsi %add3A_488, %jit3A_489 : i32
    %sign3A_491 = arith.constant 0 : i32
    %sign3A_492 = arith.cmpi sgt, %add3A_488, %sign3A_491 : i32
    %sign3A_493 = arith.extui %sign3A_492 : i1 to i32
    %sign3A_494 = arith.constant 0 : i32
    %sign3A_495 = arith.cmpi slt, %add3A_488, %sign3A_494 : i32
    %sign3A_496 = arith.extui %sign3A_495 : i1 to i32
    %sign3A_497 = arith.subi %sign3A_493, %sign3A_496 : i32
    %sign3A_498 = arith.constant 0 : i32
    %sign3A_499 = arith.cmpi sgt, %jit3A_489, %sign3A_498 : i32
    %sign3A_500 = arith.extui %sign3A_499 : i1 to i32
    %sign3A_501 = arith.constant 0 : i32
    %sign3A_502 = arith.cmpi slt, %jit3A_489, %sign3A_501 : i32
    %sign3A_503 = arith.extui %sign3A_502 : i1 to i32
    %sign3A_504 = arith.subi %sign3A_500, %sign3A_503 : i32
    %ne3A_505 = arith.cmpi ne, %sign3A_497, %sign3A_504 : i32
    %rem3A_506 = arith.remsi %add3A_488, %jit3A_489 : i32
    %ne3A_507 = arith.constant 0 : i32
    %ne3A_508 = arith.cmpi ne, %rem3A_506, %ne3A_507 : i32
    %and3A_509 = arith.andi %ne3A_505, %ne3A_508 : i1
    %sub3A_510 = arith.constant 1 : i32
    %sub3A_511 = arith.subi %div3A_490, %sub3A_510 : i32
    %select_n3A_512 = arith.select %and3A_509, %sub3A_511, %div3A_490 : i32
    %jit3A_513 = arith.constant 128 : i32
    %eq3A_514 = arith.constant 0 : i32
    %eq3A_515 = arith.cmpi eq, %jit3A_513, %eq3A_514 : i32
    %jit3A_516 = arith.constant 1 : i32
    %select_n3A_517 = arith.select %eq3A_515, %jit3A_516, %jit3A_513 : i32
    %rem3A_518 = arith.remsi %add3A_488, %select_n3A_517 : i32
    %ne3A_519 = arith.constant 0 : i32
    %ne3A_520 = arith.cmpi ne, %rem3A_518, %ne3A_519 : i32
    %lt3A_521 = arith.constant 0 : i32
    %lt3A_522 = arith.cmpi slt, %rem3A_518, %lt3A_521 : i32
    %lt3A_523 = arith.constant 0 : i32
    %lt3A_524 = arith.cmpi slt, %select_n3A_517, %lt3A_523 : i32
    %ne3A_525 = arith.xori %lt3A_522, %lt3A_524 : i1
    %and3A_526 = arith.andi %ne3A_525, %ne3A_520 : i1
    %add3A_527 = arith.addi %rem3A_518, %select_n3A_517 : i32
    %select_n3A_528 = arith.select %and3A_526, %add3A_527, %rem3A_518 : i32
    %mul3A_529 = arith.constant 1024 : i32
    %mul3A_530 = arith.muli %select_n3A_528, %mul3A_529 : i32
    %dma_wait3A_531 = arith.constant 0 : i32
    %dma_wait3A_532 = arith.constant 20480 : i32
    %dma_wait3A_533 = tpu.memref_slice %arg7[%dma_wait3A_532] : memref<40960xf32, #tpu.memory_space<vmem>> -> memref<1024xf32, #tpu.memory_space<vmem>>
    %dma_wait3A_534 = tpu.memref_slice %arg4[%select_n3A_512, %dma_wait3A_531, %mul3A_530] : memref<50x4x131072xf32, #tpu.memory_space<hbm>> -> memref<1x1x1024xf32, #tpu.memory_space<hbm>>
    %dma_wait3A_535 = tpu.memref_squeeze %dma_wait3A_534 : memref<1x1x1024xf32, #tpu.memory_space<hbm>> -> memref<1024xf32, #tpu.memory_space<hbm>>
    %dma_wait3A_536 = tpu.memref_slice %arg4[%select_n3A_512, %dma_wait3A_531, %mul3A_530] : memref<50x4x131072xf32, #tpu.memory_space<hbm>> -> memref<1x1x1024xf32, #tpu.memory_space<hbm>>
    %dma_wait3A_537 = tpu.memref_squeeze %dma_wait3A_536 : memref<1x1x1024xf32, #tpu.memory_space<hbm>> -> memref<1024xf32, #tpu.memory_space<hbm>>
    %dma_wait3A_538 = arith.constant 20480 : i32
    %dma_wait3A_539 = tpu.memref_slice %arg7[%dma_wait3A_538] : memref<40960xf32, #tpu.memory_space<vmem>> -> memref<1024xf32, #tpu.memory_space<vmem>>
    tpu.wait_dma2 semaphore(%arg18 : memref<!tpu.dma_semaphore, #tpu.memory_space<semaphore_mem>>) src(%dma_wait3A_539 : memref<1024xf32, #tpu.memory_space<vmem>>) dst(%dma_wait3A_537 : memref<1024xf32, #tpu.memory_space<hbm>>)
    %mul3A_540 = arith.constant 1024 : i32
    %mul3A_541 = arith.muli %select_n3A_528, %mul3A_540 : i32
    %dma_wait3A_542 = arith.constant 1 : i32
    %dma_wait3A_543 = arith.constant 21504 : i32
    %dma_wait3A_544 = tpu.memref_slice %arg7[%dma_wait3A_543] : memref<40960xf32, #tpu.memory_space<vmem>> -> memref<1024xf32, #tpu.memory_space<vmem>>
    %dma_wait3A_545 = tpu.memref_slice %arg4[%select_n3A_512, %dma_wait3A_542, %mul3A_541] : memref<50x4x131072xf32, #tpu.memory_space<hbm>> -> memref<1x1x1024xf32, #tpu.memory_space<hbm>>
    %dma_wait3A_546 = tpu.memref_squeeze %dma_wait3A_545 : memref<1x1x1024xf32, #tpu.memory_space<hbm>> -> memref<1024xf32, #tpu.memory_space<hbm>>
    %dma_wait3A_547 = tpu.memref_slice %arg4[%select_n3A_512, %dma_wait3A_542, %mul3A_541] : memref<50x4x131072xf32, #tpu.memory_space<hbm>> -> memref<1x1x1024xf32, #tpu.memory_space<hbm>>
    %dma_wait3A_548 = tpu.memref_squeeze %dma_wait3A_547 : memref<1x1x1024xf32, #tpu.memory_space<hbm>> -> memref<1024xf32, #tpu.memory_space<hbm>>
    %dma_wait3A_549 = arith.constant 21504 : i32
    %dma_wait3A_550 = tpu.memref_slice %arg7[%dma_wait3A_549] : memref<40960xf32, #tpu.memory_space<vmem>> -> memref<1024xf32, #tpu.memory_space<vmem>>
    tpu.wait_dma2 semaphore(%arg18 : memref<!tpu.dma_semaphore, #tpu.memory_space<semaphore_mem>>) src(%dma_wait3A_550 : memref<1024xf32, #tpu.memory_space<vmem>>) dst(%dma_wait3A_548 : memref<1024xf32, #tpu.memory_space<hbm>>)
    %mul3A_551 = arith.constant 1024 : i32
    %mul3A_552 = arith.muli %select_n3A_528, %mul3A_551 : i32
    %dma_wait3A_553 = arith.constant 2 : i32
    %dma_wait3A_554 = arith.constant 22528 : i32
    %dma_wait3A_555 = tpu.memref_slice %arg7[%dma_wait3A_554] : memref<40960xf32, #tpu.memory_space<vmem>> -> memref<1024xf32, #tpu.memory_space<vmem>>
    %dma_wait3A_556 = tpu.memref_slice %arg4[%select_n3A_512, %dma_wait3A_553, %mul3A_552] : memref<50x4x131072xf32, #tpu.memory_space<hbm>> -> memref<1x1x1024xf32, #tpu.memory_space<hbm>>
    %dma_wait3A_557 = tpu.memref_squeeze %dma_wait3A_556 : memref<1x1x1024xf32, #tpu.memory_space<hbm>> -> memref<1024xf32, #tpu.memory_space<hbm>>
    %dma_wait3A_558 = tpu.memref_slice %arg4[%select_n3A_512, %dma_wait3A_553, %mul3A_552] : memref<50x4x131072xf32, #tpu.memory_space<hbm>> -> memref<1x1x1024xf32, #tpu.memory_space<hbm>>
    %dma_wait3A_559 = tpu.memref_squeeze %dma_wait3A_558 : memref<1x1x1024xf32, #tpu.memory_space<hbm>> -> memref<1024xf32, #tpu.memory_space<hbm>>
    %dma_wait3A_560 = arith.constant 22528 : i32
    %dma_wait3A_561 = tpu.memref_slice %arg7[%dma_wait3A_560] : memref<40960xf32, #tpu.memory_space<vmem>> -> memref<1024xf32, #tpu.memory_space<vmem>>
    tpu.wait_dma2 semaphore(%arg18 : memref<!tpu.dma_semaphore, #tpu.memory_space<semaphore_mem>>) src(%dma_wait3A_561 : memref<1024xf32, #tpu.memory_space<vmem>>) dst(%dma_wait3A_559 : memref<1024xf32, #tpu.memory_space<hbm>>)
    %mul3A_562 = arith.constant 1024 : i32
    %mul3A_563 = arith.muli %select_n3A_528, %mul3A_562 : i32
    %dma_wait3A_564 = arith.constant 3 : i32
    %dma_wait3A_565 = arith.constant 23552 : i32
    %dma_wait3A_566 = tpu.memref_slice %arg7[%dma_wait3A_565] : memref<40960xf32, #tpu.memory_space<vmem>> -> memref<1024xf32, #tpu.memory_space<vmem>>
    %dma_wait3A_567 = tpu.memref_slice %arg4[%select_n3A_512, %dma_wait3A_564, %mul3A_563] : memref<50x4x131072xf32, #tpu.memory_space<hbm>> -> memref<1x1x1024xf32, #tpu.memory_space<hbm>>
    %dma_wait3A_568 = tpu.memref_squeeze %dma_wait3A_567 : memref<1x1x1024xf32, #tpu.memory_space<hbm>> -> memref<1024xf32, #tpu.memory_space<hbm>>
    %dma_wait3A_569 = tpu.memref_slice %arg4[%select_n3A_512, %dma_wait3A_564, %mul3A_563] : memref<50x4x131072xf32, #tpu.memory_space<hbm>> -> memref<1x1x1024xf32, #tpu.memory_space<hbm>>
    %dma_wait3A_570 = tpu.memref_squeeze %dma_wait3A_569 : memref<1x1x1024xf32, #tpu.memory_space<hbm>> -> memref<1024xf32, #tpu.memory_space<hbm>>
    %dma_wait3A_571 = arith.constant 23552 : i32
    %dma_wait3A_572 = tpu.memref_slice %arg7[%dma_wait3A_571] : memref<40960xf32, #tpu.memory_space<vmem>> -> memref<1024xf32, #tpu.memory_space<vmem>>
    tpu.wait_dma2 semaphore(%arg18 : memref<!tpu.dma_semaphore, #tpu.memory_space<semaphore_mem>>) src(%dma_wait3A_572 : memref<1024xf32, #tpu.memory_space<vmem>>) dst(%dma_wait3A_570 : memref<1024xf32, #tpu.memory_space<hbm>>)
    %add3A_573 = arith.constant 196 : i32
    %add3A_574 = arith.addi %mul3A_2, %add3A_573 : i32
    %add3A_575 = arith.constant 0 : i32
    %add3A_576 = arith.addi %add3A_574, %add3A_575 : i32
    %jit3A_577 = arith.constant 128 : i32
    %div3A_578 = arith.divsi %add3A_576, %jit3A_577 : i32
    %sign3A_579 = arith.constant 0 : i32
    %sign3A_580 = arith.cmpi sgt, %add3A_576, %sign3A_579 : i32
    %sign3A_581 = arith.extui %sign3A_580 : i1 to i32
    %sign3A_582 = arith.constant 0 : i32
    %sign3A_583 = arith.cmpi slt, %add3A_576, %sign3A_582 : i32
    %sign3A_584 = arith.extui %sign3A_583 : i1 to i32
    %sign3A_585 = arith.subi %sign3A_581, %sign3A_584 : i32
    %sign3A_586 = arith.constant 0 : i32
    %sign3A_587 = arith.cmpi sgt, %jit3A_577, %sign3A_586 : i32
    %sign3A_588 = arith.extui %sign3A_587 : i1 to i32
    %sign3A_589 = arith.constant 0 : i32
    %sign3A_590 = arith.cmpi slt, %jit3A_577, %sign3A_589 : i32
    %sign3A_591 = arith.extui %sign3A_590 : i1 to i32
    %sign3A_592 = arith.subi %sign3A_588, %sign3A_591 : i32
    %ne3A_593 = arith.cmpi ne, %sign3A_585, %sign3A_592 : i32
    %rem3A_594 = arith.remsi %add3A_576, %jit3A_577 : i32
    %ne3A_595 = arith.constant 0 : i32
    %ne3A_596 = arith.cmpi ne, %rem3A_594, %ne3A_595 : i32
    %and3A_597 = arith.andi %ne3A_593, %ne3A_596 : i1
    %sub3A_598 = arith.constant 1 : i32
    %sub3A_599 = arith.subi %div3A_578, %sub3A_598 : i32
    %select_n3A_600 = arith.select %and3A_597, %sub3A_599, %div3A_578 : i32
    %jit3A_601 = arith.constant 128 : i32
    %eq3A_602 = arith.constant 0 : i32
    %eq3A_603 = arith.cmpi eq, %jit3A_601, %eq3A_602 : i32
    %jit3A_604 = arith.constant 1 : i32
    %select_n3A_605 = arith.select %eq3A_603, %jit3A_604, %jit3A_601 : i32
    %rem3A_606 = arith.remsi %add3A_576, %select_n3A_605 : i32
    %ne3A_607 = arith.constant 0 : i32
    %ne3A_608 = arith.cmpi ne, %rem3A_606, %ne3A_607 : i32
    %lt3A_609 = arith.constant 0 : i32
    %lt3A_610 = arith.cmpi slt, %rem3A_606, %lt3A_609 : i32
    %lt3A_611 = arith.constant 0 : i32
    %lt3A_612 = arith.cmpi slt, %select_n3A_605, %lt3A_611 : i32
    %ne3A_613 = arith.xori %lt3A_610, %lt3A_612 : i1
    %and3A_614 = arith.andi %ne3A_613, %ne3A_608 : i1
    %add3A_615 = arith.addi %rem3A_606, %select_n3A_605 : i32
    %select_n3A_616 = arith.select %and3A_614, %add3A_615, %rem3A_606 : i32
    %mul3A_617 = arith.constant 1024 : i32
    %mul3A_618 = arith.muli %select_n3A_616, %mul3A_617 : i32
    %dma_wait3A_619 = arith.constant 0 : i32
    %dma_wait3A_620 = arith.constant 24576 : i32
    %dma_wait3A_621 = tpu.memref_slice %arg7[%dma_wait3A_620] : memref<40960xf32, #tpu.memory_space<vmem>> -> memref<1024xf32, #tpu.memory_space<vmem>>
    %dma_wait3A_622 = tpu.memref_slice %arg4[%select_n3A_600, %dma_wait3A_619, %mul3A_618] : memref<50x4x131072xf32, #tpu.memory_space<hbm>> -> memref<1x1x1024xf32, #tpu.memory_space<hbm>>
    %dma_wait3A_623 = tpu.memref_squeeze %dma_wait3A_622 : memref<1x1x1024xf32, #tpu.memory_space<hbm>> -> memref<1024xf32, #tpu.memory_space<hbm>>
    %dma_wait3A_624 = tpu.memref_slice %arg4[%select_n3A_600, %dma_wait3A_619, %mul3A_618] : memref<50x4x131072xf32, #tpu.memory_space<hbm>> -> memref<1x1x1024xf32, #tpu.memory_space<hbm>>
    %dma_wait3A_625 = tpu.memref_squeeze %dma_wait3A_624 : memref<1x1x1024xf32, #tpu.memory_space<hbm>> -> memref<1024xf32, #tpu.memory_space<hbm>>
    %dma_wait3A_626 = arith.constant 24576 : i32
    %dma_wait3A_627 = tpu.memref_slice %arg7[%dma_wait3A_626] : memref<40960xf32, #tpu.memory_space<vmem>> -> memref<1024xf32, #tpu.memory_space<vmem>>
    tpu.wait_dma2 semaphore(%arg19 : memref<!tpu.dma_semaphore, #tpu.memory_space<semaphore_mem>>) src(%dma_wait3A_627 : memref<1024xf32, #tpu.memory_space<vmem>>) dst(%dma_wait3A_625 : memref<1024xf32, #tpu.memory_space<hbm>>)
    %mul3A_628 = arith.constant 1024 : i32
    %mul3A_629 = arith.muli %select_n3A_616, %mul3A_628 : i32
    %dma_wait3A_630 = arith.constant 1 : i32
    %dma_wait3A_631 = arith.constant 25600 : i32
    %dma_wait3A_632 = tpu.memref_slice %arg7[%dma_wait3A_631] : memref<40960xf32, #tpu.memory_space<vmem>> -> memref<1024xf32, #tpu.memory_space<vmem>>
    %dma_wait3A_633 = tpu.memref_slice %arg4[%select_n3A_600, %dma_wait3A_630, %mul3A_629] : memref<50x4x131072xf32, #tpu.memory_space<hbm>> -> memref<1x1x1024xf32, #tpu.memory_space<hbm>>
    %dma_wait3A_634 = tpu.memref_squeeze %dma_wait3A_633 : memref<1x1x1024xf32, #tpu.memory_space<hbm>> -> memref<1024xf32, #tpu.memory_space<hbm>>
    %dma_wait3A_635 = tpu.memref_slice %arg4[%select_n3A_600, %dma_wait3A_630, %mul3A_629] : memref<50x4x131072xf32, #tpu.memory_space<hbm>> -> memref<1x1x1024xf32, #tpu.memory_space<hbm>>
    %dma_wait3A_636 = tpu.memref_squeeze %dma_wait3A_635 : memref<1x1x1024xf32, #tpu.memory_space<hbm>> -> memref<1024xf32, #tpu.memory_space<hbm>>
    %dma_wait3A_637 = arith.constant 25600 : i32
    %dma_wait3A_638 = tpu.memref_slice %arg7[%dma_wait3A_637] : memref<40960xf32, #tpu.memory_space<vmem>> -> memref<1024xf32, #tpu.memory_space<vmem>>
    tpu.wait_dma2 semaphore(%arg19 : memref<!tpu.dma_semaphore, #tpu.memory_space<semaphore_mem>>) src(%dma_wait3A_638 : memref<1024xf32, #tpu.memory_space<vmem>>) dst(%dma_wait3A_636 : memref<1024xf32, #tpu.memory_space<hbm>>)
    %mul3A_639 = arith.constant 1024 : i32
    %mul3A_640 = arith.muli %select_n3A_616, %mul3A_639 : i32
    %dma_wait3A_641 = arith.constant 2 : i32
    %dma_wait3A_642 = arith.constant 26624 : i32
    %dma_wait3A_643 = tpu.memref_slice %arg7[%dma_wait3A_642] : memref<40960xf32, #tpu.memory_space<vmem>> -> memref<1024xf32, #tpu.memory_space<vmem>>
    %dma_wait3A_644 = tpu.memref_slice %arg4[%select_n3A_600, %dma_wait3A_641, %mul3A_640] : memref<50x4x131072xf32, #tpu.memory_space<hbm>> -> memref<1x1x1024xf32, #tpu.memory_space<hbm>>
    %dma_wait3A_645 = tpu.memref_squeeze %dma_wait3A_644 : memref<1x1x1024xf32, #tpu.memory_space<hbm>> -> memref<1024xf32, #tpu.memory_space<hbm>>
    %dma_wait3A_646 = tpu.memref_slice %arg4[%select_n3A_600, %dma_wait3A_641, %mul3A_640] : memref<50x4x131072xf32, #tpu.memory_space<hbm>> -> memref<1x1x1024xf32, #tpu.memory_space<hbm>>
    %dma_wait3A_647 = tpu.memref_squeeze %dma_wait3A_646 : memref<1x1x1024xf32, #tpu.memory_space<hbm>> -> memref<1024xf32, #tpu.memory_space<hbm>>
    %dma_wait3A_648 = arith.constant 26624 : i32
    %dma_wait3A_649 = tpu.memref_slice %arg7[%dma_wait3A_648] : memref<40960xf32, #tpu.memory_space<vmem>> -> memref<1024xf32, #tpu.memory_space<vmem>>
    tpu.wait_dma2 semaphore(%arg19 : memref<!tpu.dma_semaphore, #tpu.memory_space<semaphore_mem>>) src(%dma_wait3A_649 : memref<1024xf32, #tpu.memory_space<vmem>>) dst(%dma_wait3A_647 : memref<1024xf32, #tpu.memory_space<hbm>>)
    %mul3A_650 = arith.constant 1024 : i32
    %mul3A_651 = arith.muli %select_n3A_616, %mul3A_650 : i32
    %dma_wait3A_652 = arith.constant 3 : i32
    %dma_wait3A_653 = arith.constant 27648 : i32
    %dma_wait3A_654 = tpu.memref_slice %arg7[%dma_wait3A_653] : memref<40960xf32, #tpu.memory_space<vmem>> -> memref<1024xf32, #tpu.memory_space<vmem>>
    %dma_wait3A_655 = tpu.memref_slice %arg4[%select_n3A_600, %dma_wait3A_652, %mul3A_651] : memref<50x4x131072xf32, #tpu.memory_space<hbm>> -> memref<1x1x1024xf32, #tpu.memory_space<hbm>>
    %dma_wait3A_656 = tpu.memref_squeeze %dma_wait3A_655 : memref<1x1x1024xf32, #tpu.memory_space<hbm>> -> memref<1024xf32, #tpu.memory_space<hbm>>
    %dma_wait3A_657 = tpu.memref_slice %arg4[%select_n3A_600, %dma_wait3A_652, %mul3A_651] : memref<50x4x131072xf32, #tpu.memory_space<hbm>> -> memref<1x1x1024xf32, #tpu.memory_space<hbm>>
    %dma_wait3A_658 = tpu.memref_squeeze %dma_wait3A_657 : memref<1x1x1024xf32, #tpu.memory_space<hbm>> -> memref<1024xf32, #tpu.memory_space<hbm>>
    %dma_wait3A_659 = arith.constant 27648 : i32
    %dma_wait3A_660 = tpu.memref_slice %arg7[%dma_wait3A_659] : memref<40960xf32, #tpu.memory_space<vmem>> -> memref<1024xf32, #tpu.memory_space<vmem>>
    tpu.wait_dma2 semaphore(%arg19 : memref<!tpu.dma_semaphore, #tpu.memory_space<semaphore_mem>>) src(%dma_wait3A_660 : memref<1024xf32, #tpu.memory_space<vmem>>) dst(%dma_wait3A_658 : memref<1024xf32, #tpu.memory_space<hbm>>)
    %add3A_661 = arith.constant 196 : i32
    %add3A_662 = arith.addi %mul3A_2, %add3A_661 : i32
    %add3A_663 = arith.constant 1 : i32
    %add3A_664 = arith.addi %add3A_662, %add3A_663 : i32
    %jit3A_665 = arith.constant 128 : i32
    %div3A_666 = arith.divsi %add3A_664, %jit3A_665 : i32
    %sign3A_667 = arith.constant 0 : i32
    %sign3A_668 = arith.cmpi sgt, %add3A_664, %sign3A_667 : i32
    %sign3A_669 = arith.extui %sign3A_668 : i1 to i32
    %sign3A_670 = arith.constant 0 : i32
    %sign3A_671 = arith.cmpi slt, %add3A_664, %sign3A_670 : i32
    %sign3A_672 = arith.extui %sign3A_671 : i1 to i32
    %sign3A_673 = arith.subi %sign3A_669, %sign3A_672 : i32
    %sign3A_674 = arith.constant 0 : i32
    %sign3A_675 = arith.cmpi sgt, %jit3A_665, %sign3A_674 : i32
    %sign3A_676 = arith.extui %sign3A_675 : i1 to i32
    %sign3A_677 = arith.constant 0 : i32
    %sign3A_678 = arith.cmpi slt, %jit3A_665, %sign3A_677 : i32
    %sign3A_679 = arith.extui %sign3A_678 : i1 to i32
    %sign3A_680 = arith.subi %sign3A_676, %sign3A_679 : i32
    %ne3A_681 = arith.cmpi ne, %sign3A_673, %sign3A_680 : i32
    %rem3A_682 = arith.remsi %add3A_664, %jit3A_665 : i32
    %ne3A_683 = arith.constant 0 : i32
    %ne3A_684 = arith.cmpi ne, %rem3A_682, %ne3A_683 : i32
    %and3A_685 = arith.andi %ne3A_681, %ne3A_684 : i1
    %sub3A_686 = arith.constant 1 : i32
    %sub3A_687 = arith.subi %div3A_666, %sub3A_686 : i32
    %select_n3A_688 = arith.select %and3A_685, %sub3A_687, %div3A_666 : i32
    %jit3A_689 = arith.constant 128 : i32
    %eq3A_690 = arith.constant 0 : i32
    %eq3A_691 = arith.cmpi eq, %jit3A_689, %eq3A_690 : i32
    %jit3A_692 = arith.constant 1 : i32
    %select_n3A_693 = arith.select %eq3A_691, %jit3A_692, %jit3A_689 : i32
    %rem3A_694 = arith.remsi %add3A_664, %select_n3A_693 : i32
    %ne3A_695 = arith.constant 0 : i32
    %ne3A_696 = arith.cmpi ne, %rem3A_694, %ne3A_695 : i32
    %lt3A_697 = arith.constant 0 : i32
    %lt3A_698 = arith.cmpi slt, %rem3A_694, %lt3A_697 : i32
    %lt3A_699 = arith.constant 0 : i32
    %lt3A_700 = arith.cmpi slt, %select_n3A_693, %lt3A_699 : i32
    %ne3A_701 = arith.xori %lt3A_698, %lt3A_700 : i1
    %and3A_702 = arith.andi %ne3A_701, %ne3A_696 : i1
    %add3A_703 = arith.addi %rem3A_694, %select_n3A_693 : i32
    %select_n3A_704 = arith.select %and3A_702, %add3A_703, %rem3A_694 : i32
    %mul3A_705 = arith.constant 1024 : i32
    %mul3A_706 = arith.muli %select_n3A_704, %mul3A_705 : i32
    %dma_wait3A_707 = arith.constant 0 : i32
    %dma_wait3A_708 = arith.constant 28672 : i32
    %dma_wait3A_709 = tpu.memref_slice %arg7[%dma_wait3A_708] : memref<40960xf32, #tpu.memory_space<vmem>> -> memref<1024xf32, #tpu.memory_space<vmem>>
    %dma_wait3A_710 = tpu.memref_slice %arg4[%select_n3A_688, %dma_wait3A_707, %mul3A_706] : memref<50x4x131072xf32, #tpu.memory_space<hbm>> -> memref<1x1x1024xf32, #tpu.memory_space<hbm>>
    %dma_wait3A_711 = tpu.memref_squeeze %dma_wait3A_710 : memref<1x1x1024xf32, #tpu.memory_space<hbm>> -> memref<1024xf32, #tpu.memory_space<hbm>>
    %dma_wait3A_712 = tpu.memref_slice %arg4[%select_n3A_688, %dma_wait3A_707, %mul3A_706] : memref<50x4x131072xf32, #tpu.memory_space<hbm>> -> memref<1x1x1024xf32, #tpu.memory_space<hbm>>
    %dma_wait3A_713 = tpu.memref_squeeze %dma_wait3A_712 : memref<1x1x1024xf32, #tpu.memory_space<hbm>> -> memref<1024xf32, #tpu.memory_space<hbm>>
    %dma_wait3A_714 = arith.constant 28672 : i32
    %dma_wait3A_715 = tpu.memref_slice %arg7[%dma_wait3A_714] : memref<40960xf32, #tpu.memory_space<vmem>> -> memref<1024xf32, #tpu.memory_space<vmem>>
    tpu.wait_dma2 semaphore(%arg20 : memref<!tpu.dma_semaphore, #tpu.memory_space<semaphore_mem>>) src(%dma_wait3A_715 : memref<1024xf32, #tpu.memory_space<vmem>>) dst(%dma_wait3A_713 : memref<1024xf32, #tpu.memory_space<hbm>>)
    %mul3A_716 = arith.constant 1024 : i32
    %mul3A_717 = arith.muli %select_n3A_704, %mul3A_716 : i32
    %dma_wait3A_718 = arith.constant 1 : i32
    %dma_wait3A_719 = arith.constant 29696 : i32
    %dma_wait3A_720 = tpu.memref_slice %arg7[%dma_wait3A_719] : memref<40960xf32, #tpu.memory_space<vmem>> -> memref<1024xf32, #tpu.memory_space<vmem>>
    %dma_wait3A_721 = tpu.memref_slice %arg4[%select_n3A_688, %dma_wait3A_718, %mul3A_717] : memref<50x4x131072xf32, #tpu.memory_space<hbm>> -> memref<1x1x1024xf32, #tpu.memory_space<hbm>>
    %dma_wait3A_722 = tpu.memref_squeeze %dma_wait3A_721 : memref<1x1x1024xf32, #tpu.memory_space<hbm>> -> memref<1024xf32, #tpu.memory_space<hbm>>
    %dma_wait3A_723 = tpu.memref_slice %arg4[%select_n3A_688, %dma_wait3A_718, %mul3A_717] : memref<50x4x131072xf32, #tpu.memory_space<hbm>> -> memref<1x1x1024xf32, #tpu.memory_space<hbm>>
    %dma_wait3A_724 = tpu.memref_squeeze %dma_wait3A_723 : memref<1x1x1024xf32, #tpu.memory_space<hbm>> -> memref<1024xf32, #tpu.memory_space<hbm>>
    %dma_wait3A_725 = arith.constant 29696 : i32
    %dma_wait3A_726 = tpu.memref_slice %arg7[%dma_wait3A_725] : memref<40960xf32, #tpu.memory_space<vmem>> -> memref<1024xf32, #tpu.memory_space<vmem>>
    tpu.wait_dma2 semaphore(%arg20 : memref<!tpu.dma_semaphore, #tpu.memory_space<semaphore_mem>>) src(%dma_wait3A_726 : memref<1024xf32, #tpu.memory_space<vmem>>) dst(%dma_wait3A_724 : memref<1024xf32, #tpu.memory_space<hbm>>)
    %mul3A_727 = arith.constant 1024 : i32
    %mul3A_728 = arith.muli %select_n3A_704, %mul3A_727 : i32
    %dma_wait3A_729 = arith.constant 2 : i32
    %dma_wait3A_730 = arith.constant 30720 : i32
    %dma_wait3A_731 = tpu.memref_slice %arg7[%dma_wait3A_730] : memref<40960xf32, #tpu.memory_space<vmem>> -> memref<1024xf32, #tpu.memory_space<vmem>>
    %dma_wait3A_732 = tpu.memref_slice %arg4[%select_n3A_688, %dma_wait3A_729, %mul3A_728] : memref<50x4x131072xf32, #tpu.memory_space<hbm>> -> memref<1x1x1024xf32, #tpu.memory_space<hbm>>
    %dma_wait3A_733 = tpu.memref_squeeze %dma_wait3A_732 : memref<1x1x1024xf32, #tpu.memory_space<hbm>> -> memref<1024xf32, #tpu.memory_space<hbm>>
    %dma_wait3A_734 = tpu.memref_slice %arg4[%select_n3A_688, %dma_wait3A_729, %mul3A_728] : memref<50x4x131072xf32, #tpu.memory_space<hbm>> -> memref<1x1x1024xf32, #tpu.memory_space<hbm>>
    %dma_wait3A_735 = tpu.memref_squeeze %dma_wait3A_734 : memref<1x1x1024xf32, #tpu.memory_space<hbm>> -> memref<1024xf32, #tpu.memory_space<hbm>>
    %dma_wait3A_736 = arith.constant 30720 : i32
    %dma_wait3A_737 = tpu.memref_slice %arg7[%dma_wait3A_736] : memref<40960xf32, #tpu.memory_space<vmem>> -> memref<1024xf32, #tpu.memory_space<vmem>>
    tpu.wait_dma2 semaphore(%arg20 : memref<!tpu.dma_semaphore, #tpu.memory_space<semaphore_mem>>) src(%dma_wait3A_737 : memref<1024xf32, #tpu.memory_space<vmem>>) dst(%dma_wait3A_735 : memref<1024xf32, #tpu.memory_space<hbm>>)
    %mul3A_738 = arith.constant 1024 : i32
    %mul3A_739 = arith.muli %select_n3A_704, %mul3A_738 : i32
    %dma_wait3A_740 = arith.constant 3 : i32
    %dma_wait3A_741 = arith.constant 31744 : i32
    %dma_wait3A_742 = tpu.memref_slice %arg7[%dma_wait3A_741] : memref<40960xf32, #tpu.memory_space<vmem>> -> memref<1024xf32, #tpu.memory_space<vmem>>
    %dma_wait3A_743 = tpu.memref_slice %arg4[%select_n3A_688, %dma_wait3A_740, %mul3A_739] : memref<50x4x131072xf32, #tpu.memory_space<hbm>> -> memref<1x1x1024xf32, #tpu.memory_space<hbm>>
    %dma_wait3A_744 = tpu.memref_squeeze %dma_wait3A_743 : memref<1x1x1024xf32, #tpu.memory_space<hbm>> -> memref<1024xf32, #tpu.memory_space<hbm>>
    %dma_wait3A_745 = tpu.memref_slice %arg4[%select_n3A_688, %dma_wait3A_740, %mul3A_739] : memref<50x4x131072xf32, #tpu.memory_space<hbm>> -> memref<1x1x1024xf32, #tpu.memory_space<hbm>>
    %dma_wait3A_746 = tpu.memref_squeeze %dma_wait3A_745 : memref<1x1x1024xf32, #tpu.memory_space<hbm>> -> memref<1024xf32, #tpu.memory_space<hbm>>
    %dma_wait3A_747 = arith.constant 31744 : i32
    %dma_wait3A_748 = tpu.memref_slice %arg7[%dma_wait3A_747] : memref<40960xf32, #tpu.memory_space<vmem>> -> memref<1024xf32, #tpu.memory_space<vmem>>
    tpu.wait_dma2 semaphore(%arg20 : memref<!tpu.dma_semaphore, #tpu.memory_space<semaphore_mem>>) src(%dma_wait3A_748 : memref<1024xf32, #tpu.memory_space<vmem>>) dst(%dma_wait3A_746 : memref<1024xf32, #tpu.memory_space<hbm>>)
    %add3A_749 = arith.constant 198 : i32
    %add3A_750 = arith.addi %mul3A_2, %add3A_749 : i32
    %add3A_751 = arith.constant 0 : i32
    %add3A_752 = arith.addi %add3A_750, %add3A_751 : i32
    %jit3A_753 = arith.constant 128 : i32
    %div3A_754 = arith.divsi %add3A_752, %jit3A_753 : i32
    %sign3A_755 = arith.constant 0 : i32
    %sign3A_756 = arith.cmpi sgt, %add3A_752, %sign3A_755 : i32
    %sign3A_757 = arith.extui %sign3A_756 : i1 to i32
    %sign3A_758 = arith.constant 0 : i32
    %sign3A_759 = arith.cmpi slt, %add3A_752, %sign3A_758 : i32
    %sign3A_760 = arith.extui %sign3A_759 : i1 to i32
    %sign3A_761 = arith.subi %sign3A_757, %sign3A_760 : i32
    %sign3A_762 = arith.constant 0 : i32
    %sign3A_763 = arith.cmpi sgt, %jit3A_753, %sign3A_762 : i32
    %sign3A_764 = arith.extui %sign3A_763 : i1 to i32
    %sign3A_765 = arith.constant 0 : i32
    %sign3A_766 = arith.cmpi slt, %jit3A_753, %sign3A_765 : i32
    %sign3A_767 = arith.extui %sign3A_766 : i1 to i32
    %sign3A_768 = arith.subi %sign3A_764, %sign3A_767 : i32
    %ne3A_769 = arith.cmpi ne, %sign3A_761, %sign3A_768 : i32
    %rem3A_770 = arith.remsi %add3A_752, %jit3A_753 : i32
    %ne3A_771 = arith.constant 0 : i32
    %ne3A_772 = arith.cmpi ne, %rem3A_770, %ne3A_771 : i32
    %and3A_773 = arith.andi %ne3A_769, %ne3A_772 : i1
    %sub3A_774 = arith.constant 1 : i32
    %sub3A_775 = arith.subi %div3A_754, %sub3A_774 : i32
    %select_n3A_776 = arith.select %and3A_773, %sub3A_775, %div3A_754 : i32
    %jit3A_777 = arith.constant 128 : i32
    %eq3A_778 = arith.constant 0 : i32
    %eq3A_779 = arith.cmpi eq, %jit3A_777, %eq3A_778 : i32
    %jit3A_780 = arith.constant 1 : i32
    %select_n3A_781 = arith.select %eq3A_779, %jit3A_780, %jit3A_777 : i32
    %rem3A_782 = arith.remsi %add3A_752, %select_n3A_781 : i32
    %ne3A_783 = arith.constant 0 : i32
    %ne3A_784 = arith.cmpi ne, %rem3A_782, %ne3A_783 : i32
    %lt3A_785 = arith.constant 0 : i32
    %lt3A_786 = arith.cmpi slt, %rem3A_782, %lt3A_785 : i32
    %lt3A_787 = arith.constant 0 : i32
    %lt3A_788 = arith.cmpi slt, %select_n3A_781, %lt3A_787 : i32
    %ne3A_789 = arith.xori %lt3A_786, %lt3A_788 : i1
    %and3A_790 = arith.andi %ne3A_789, %ne3A_784 : i1
    %add3A_791 = arith.addi %rem3A_782, %select_n3A_781 : i32
    %select_n3A_792 = arith.select %and3A_790, %add3A_791, %rem3A_782 : i32
    %mul3A_793 = arith.constant 1024 : i32
    %mul3A_794 = arith.muli %select_n3A_792, %mul3A_793 : i32
    %dma_wait3A_795 = arith.constant 0 : i32
    %dma_wait3A_796 = arith.constant 32768 : i32
    %dma_wait3A_797 = tpu.memref_slice %arg7[%dma_wait3A_796] : memref<40960xf32, #tpu.memory_space<vmem>> -> memref<1024xf32, #tpu.memory_space<vmem>>
    %dma_wait3A_798 = tpu.memref_slice %arg4[%select_n3A_776, %dma_wait3A_795, %mul3A_794] : memref<50x4x131072xf32, #tpu.memory_space<hbm>> -> memref<1x1x1024xf32, #tpu.memory_space<hbm>>
    %dma_wait3A_799 = tpu.memref_squeeze %dma_wait3A_798 : memref<1x1x1024xf32, #tpu.memory_space<hbm>> -> memref<1024xf32, #tpu.memory_space<hbm>>
    %dma_wait3A_800 = tpu.memref_slice %arg4[%select_n3A_776, %dma_wait3A_795, %mul3A_794] : memref<50x4x131072xf32, #tpu.memory_space<hbm>> -> memref<1x1x1024xf32, #tpu.memory_space<hbm>>
    %dma_wait3A_801 = tpu.memref_squeeze %dma_wait3A_800 : memref<1x1x1024xf32, #tpu.memory_space<hbm>> -> memref<1024xf32, #tpu.memory_space<hbm>>
    %dma_wait3A_802 = arith.constant 32768 : i32
    %dma_wait3A_803 = tpu.memref_slice %arg7[%dma_wait3A_802] : memref<40960xf32, #tpu.memory_space<vmem>> -> memref<1024xf32, #tpu.memory_space<vmem>>
    tpu.wait_dma2 semaphore(%arg21 : memref<!tpu.dma_semaphore, #tpu.memory_space<semaphore_mem>>) src(%dma_wait3A_803 : memref<1024xf32, #tpu.memory_space<vmem>>) dst(%dma_wait3A_801 : memref<1024xf32, #tpu.memory_space<hbm>>)
    %mul3A_804 = arith.constant 1024 : i32
    %mul3A_805 = arith.muli %select_n3A_792, %mul3A_804 : i32
    %dma_wait3A_806 = arith.constant 1 : i32
    %dma_wait3A_807 = arith.constant 33792 : i32
    %dma_wait3A_808 = tpu.memref_slice %arg7[%dma_wait3A_807] : memref<40960xf32, #tpu.memory_space<vmem>> -> memref<1024xf32, #tpu.memory_space<vmem>>
    %dma_wait3A_809 = tpu.memref_slice %arg4[%select_n3A_776, %dma_wait3A_806, %mul3A_805] : memref<50x4x131072xf32, #tpu.memory_space<hbm>> -> memref<1x1x1024xf32, #tpu.memory_space<hbm>>
    %dma_wait3A_810 = tpu.memref_squeeze %dma_wait3A_809 : memref<1x1x1024xf32, #tpu.memory_space<hbm>> -> memref<1024xf32, #tpu.memory_space<hbm>>
    %dma_wait3A_811 = tpu.memref_slice %arg4[%select_n3A_776, %dma_wait3A_806, %mul3A_805] : memref<50x4x131072xf32, #tpu.memory_space<hbm>> -> memref<1x1x1024xf32, #tpu.memory_space<hbm>>
    %dma_wait3A_812 = tpu.memref_squeeze %dma_wait3A_811 : memref<1x1x1024xf32, #tpu.memory_space<hbm>> -> memref<1024xf32, #tpu.memory_space<hbm>>
    %dma_wait3A_813 = arith.constant 33792 : i32
    %dma_wait3A_814 = tpu.memref_slice %arg7[%dma_wait3A_813] : memref<40960xf32, #tpu.memory_space<vmem>> -> memref<1024xf32, #tpu.memory_space<vmem>>
    tpu.wait_dma2 semaphore(%arg21 : memref<!tpu.dma_semaphore, #tpu.memory_space<semaphore_mem>>) src(%dma_wait3A_814 : memref<1024xf32, #tpu.memory_space<vmem>>) dst(%dma_wait3A_812 : memref<1024xf32, #tpu.memory_space<hbm>>)
    %mul3A_815 = arith.constant 1024 : i32
    %mul3A_816 = arith.muli %select_n3A_792, %mul3A_815 : i32
    %dma_wait3A_817 = arith.constant 2 : i32
    %dma_wait3A_818 = arith.constant 34816 : i32
    %dma_wait3A_819 = tpu.memref_slice %arg7[%dma_wait3A_818] : memref<40960xf32, #tpu.memory_space<vmem>> -> memref<1024xf32, #tpu.memory_space<vmem>>
    %dma_wait3A_820 = tpu.memref_slice %arg4[%select_n3A_776, %dma_wait3A_817, %mul3A_816] : memref<50x4x131072xf32, #tpu.memory_space<hbm>> -> memref<1x1x1024xf32, #tpu.memory_space<hbm>>
    %dma_wait3A_821 = tpu.memref_squeeze %dma_wait3A_820 : memref<1x1x1024xf32, #tpu.memory_space<hbm>> -> memref<1024xf32, #tpu.memory_space<hbm>>
    %dma_wait3A_822 = tpu.memref_slice %arg4[%select_n3A_776, %dma_wait3A_817, %mul3A_816] : memref<50x4x131072xf32, #tpu.memory_space<hbm>> -> memref<1x1x1024xf32, #tpu.memory_space<hbm>>
    %dma_wait3A_823 = tpu.memref_squeeze %dma_wait3A_822 : memref<1x1x1024xf32, #tpu.memory_space<hbm>> -> memref<1024xf32, #tpu.memory_space<hbm>>
    %dma_wait3A_824 = arith.constant 34816 : i32
    %dma_wait3A_825 = tpu.memref_slice %arg7[%dma_wait3A_824] : memref<40960xf32, #tpu.memory_space<vmem>> -> memref<1024xf32, #tpu.memory_space<vmem>>
    tpu.wait_dma2 semaphore(%arg21 : memref<!tpu.dma_semaphore, #tpu.memory_space<semaphore_mem>>) src(%dma_wait3A_825 : memref<1024xf32, #tpu.memory_space<vmem>>) dst(%dma_wait3A_823 : memref<1024xf32, #tpu.memory_space<hbm>>)
    %mul3A_826 = arith.constant 1024 : i32
    %mul3A_827 = arith.muli %select_n3A_792, %mul3A_826 : i32
    %dma_wait3A_828 = arith.constant 3 : i32
    %dma_wait3A_829 = arith.constant 35840 : i32
    %dma_wait3A_830 = tpu.memref_slice %arg7[%dma_wait3A_829] : memref<40960xf32, #tpu.memory_space<vmem>> -> memref<1024xf32, #tpu.memory_space<vmem>>
    %dma_wait3A_831 = tpu.memref_slice %arg4[%select_n3A_776, %dma_wait3A_828, %mul3A_827] : memref<50x4x131072xf32, #tpu.memory_space<hbm>> -> memref<1x1x1024xf32, #tpu.memory_space<hbm>>
    %dma_wait3A_832 = tpu.memref_squeeze %dma_wait3A_831 : memref<1x1x1024xf32, #tpu.memory_space<hbm>> -> memref<1024xf32, #tpu.memory_space<hbm>>
    %dma_wait3A_833 = tpu.memref_slice %arg4[%select_n3A_776, %dma_wait3A_828, %mul3A_827] : memref<50x4x131072xf32, #tpu.memory_space<hbm>> -> memref<1x1x1024xf32, #tpu.memory_space<hbm>>
    %dma_wait3A_834 = tpu.memref_squeeze %dma_wait3A_833 : memref<1x1x1024xf32, #tpu.memory_space<hbm>> -> memref<1024xf32, #tpu.memory_space<hbm>>
    %dma_wait3A_835 = arith.constant 35840 : i32
    %dma_wait3A_836 = tpu.memref_slice %arg7[%dma_wait3A_835] : memref<40960xf32, #tpu.memory_space<vmem>> -> memref<1024xf32, #tpu.memory_space<vmem>>
    tpu.wait_dma2 semaphore(%arg21 : memref<!tpu.dma_semaphore, #tpu.memory_space<semaphore_mem>>) src(%dma_wait3A_836 : memref<1024xf32, #tpu.memory_space<vmem>>) dst(%dma_wait3A_834 : memref<1024xf32, #tpu.memory_space<hbm>>)
    %add3A_837 = arith.constant 198 : i32
    %add3A_838 = arith.addi %mul3A_2, %add3A_837 : i32
    %add3A_839 = arith.constant 1 : i32
    %add3A_840 = arith.addi %add3A_838, %add3A_839 : i32
    %jit3A_841 = arith.constant 128 : i32
    %div3A_842 = arith.divsi %add3A_840, %jit3A_841 : i32
    %sign3A_843 = arith.constant 0 : i32
    %sign3A_844 = arith.cmpi sgt, %add3A_840, %sign3A_843 : i32
    %sign3A_845 = arith.extui %sign3A_844 : i1 to i32
    %sign3A_846 = arith.constant 0 : i32
    %sign3A_847 = arith.cmpi slt, %add3A_840, %sign3A_846 : i32
    %sign3A_848 = arith.extui %sign3A_847 : i1 to i32
    %sign3A_849 = arith.subi %sign3A_845, %sign3A_848 : i32
    %sign3A_850 = arith.constant 0 : i32
    %sign3A_851 = arith.cmpi sgt, %jit3A_841, %sign3A_850 : i32
    %sign3A_852 = arith.extui %sign3A_851 : i1 to i32
    %sign3A_853 = arith.constant 0 : i32
    %sign3A_854 = arith.cmpi slt, %jit3A_841, %sign3A_853 : i32
    %sign3A_855 = arith.extui %sign3A_854 : i1 to i32
    %sign3A_856 = arith.subi %sign3A_852, %sign3A_855 : i32
    %ne3A_857 = arith.cmpi ne, %sign3A_849, %sign3A_856 : i32
    %rem3A_858 = arith.remsi %add3A_840, %jit3A_841 : i32
    %ne3A_859 = arith.constant 0 : i32
    %ne3A_860 = arith.cmpi ne, %rem3A_858, %ne3A_859 : i32
    %and3A_861 = arith.andi %ne3A_857, %ne3A_860 : i1
    %sub3A_862 = arith.constant 1 : i32
    %sub3A_863 = arith.subi %div3A_842, %sub3A_862 : i32
    %select_n3A_864 = arith.select %and3A_861, %sub3A_863, %div3A_842 : i32
    %jit3A_865 = arith.constant 128 : i32
    %eq3A_866 = arith.constant 0 : i32
    %eq3A_867 = arith.cmpi eq, %jit3A_865, %eq3A_866 : i32
    %jit3A_868 = arith.constant 1 : i32
    %select_n3A_869 = arith.select %eq3A_867, %jit3A_868, %jit3A_865 : i32
    %rem3A_870 = arith.remsi %add3A_840, %select_n3A_869 : i32
    %ne3A_871 = arith.constant 0 : i32
    %ne3A_872 = arith.cmpi ne, %rem3A_870, %ne3A_871 : i32
    %lt3A_873 = arith.constant 0 : i32
    %lt3A_874 = arith.cmpi slt, %rem3A_870, %lt3A_873 : i32
    %lt3A_875 = arith.constant 0 : i32
    %lt3A_876 = arith.cmpi slt, %select_n3A_869, %lt3A_875 : i32
    %ne3A_877 = arith.xori %lt3A_874, %lt3A_876 : i1
    %and3A_878 = arith.andi %ne3A_877, %ne3A_872 : i1
    %add3A_879 = arith.addi %rem3A_870, %select_n3A_869 : i32
    %select_n3A_880 = arith.select %and3A_878, %add3A_879, %rem3A_870 : i32
    %mul3A_881 = arith.constant 1024 : i32
    %mul3A_882 = arith.muli %select_n3A_880, %mul3A_881 : i32
    %dma_wait3A_883 = arith.constant 0 : i32
    %dma_wait3A_884 = arith.constant 36864 : i32
    %dma_wait3A_885 = tpu.memref_slice %arg7[%dma_wait3A_884] : memref<40960xf32, #tpu.memory_space<vmem>> -> memref<1024xf32, #tpu.memory_space<vmem>>
    %dma_wait3A_886 = tpu.memref_slice %arg4[%select_n3A_864, %dma_wait3A_883, %mul3A_882] : memref<50x4x131072xf32, #tpu.memory_space<hbm>> -> memref<1x1x1024xf32, #tpu.memory_space<hbm>>
    %dma_wait3A_887 = tpu.memref_squeeze %dma_wait3A_886 : memref<1x1x1024xf32, #tpu.memory_space<hbm>> -> memref<1024xf32, #tpu.memory_space<hbm>>
    %dma_wait3A_888 = tpu.memref_slice %arg4[%select_n3A_864, %dma_wait3A_883, %mul3A_882] : memref<50x4x131072xf32, #tpu.memory_space<hbm>> -> memref<1x1x1024xf32, #tpu.memory_space<hbm>>
    %dma_wait3A_889 = tpu.memref_squeeze %dma_wait3A_888 : memref<1x1x1024xf32, #tpu.memory_space<hbm>> -> memref<1024xf32, #tpu.memory_space<hbm>>
    %dma_wait3A_890 = arith.constant 36864 : i32
    %dma_wait3A_891 = tpu.memref_slice %arg7[%dma_wait3A_890] : memref<40960xf32, #tpu.memory_space<vmem>> -> memref<1024xf32, #tpu.memory_space<vmem>>
    tpu.wait_dma2 semaphore(%arg22 : memref<!tpu.dma_semaphore, #tpu.memory_space<semaphore_mem>>) src(%dma_wait3A_891 : memref<1024xf32, #tpu.memory_space<vmem>>) dst(%dma_wait3A_889 : memref<1024xf32, #tpu.memory_space<hbm>>)
    %mul3A_892 = arith.constant 1024 : i32
    %mul3A_893 = arith.muli %select_n3A_880, %mul3A_892 : i32
    %dma_wait3A_894 = arith.constant 1 : i32
    %dma_wait3A_895 = arith.constant 37888 : i32
    %dma_wait3A_896 = tpu.memref_slice %arg7[%dma_wait3A_895] : memref<40960xf32, #tpu.memory_space<vmem>> -> memref<1024xf32, #tpu.memory_space<vmem>>
    %dma_wait3A_897 = tpu.memref_slice %arg4[%select_n3A_864, %dma_wait3A_894, %mul3A_893] : memref<50x4x131072xf32, #tpu.memory_space<hbm>> -> memref<1x1x1024xf32, #tpu.memory_space<hbm>>
    %dma_wait3A_898 = tpu.memref_squeeze %dma_wait3A_897 : memref<1x1x1024xf32, #tpu.memory_space<hbm>> -> memref<1024xf32, #tpu.memory_space<hbm>>
    %dma_wait3A_899 = tpu.memref_slice %arg4[%select_n3A_864, %dma_wait3A_894, %mul3A_893] : memref<50x4x131072xf32, #tpu.memory_space<hbm>> -> memref<1x1x1024xf32, #tpu.memory_space<hbm>>
    %dma_wait3A_900 = tpu.memref_squeeze %dma_wait3A_899 : memref<1x1x1024xf32, #tpu.memory_space<hbm>> -> memref<1024xf32, #tpu.memory_space<hbm>>
    %dma_wait3A_901 = arith.constant 37888 : i32
    %dma_wait3A_902 = tpu.memref_slice %arg7[%dma_wait3A_901] : memref<40960xf32, #tpu.memory_space<vmem>> -> memref<1024xf32, #tpu.memory_space<vmem>>
    tpu.wait_dma2 semaphore(%arg22 : memref<!tpu.dma_semaphore, #tpu.memory_space<semaphore_mem>>) src(%dma_wait3A_902 : memref<1024xf32, #tpu.memory_space<vmem>>) dst(%dma_wait3A_900 : memref<1024xf32, #tpu.memory_space<hbm>>)
    %mul3A_903 = arith.constant 1024 : i32
    %mul3A_904 = arith.muli %select_n3A_880, %mul3A_903 : i32
    %dma_wait3A_905 = arith.constant 2 : i32
    %dma_wait3A_906 = arith.constant 38912 : i32
    %dma_wait3A_907 = tpu.memref_slice %arg7[%dma_wait3A_906] : memref<40960xf32, #tpu.memory_space<vmem>> -> memref<1024xf32, #tpu.memory_space<vmem>>
    %dma_wait3A_908 = tpu.memref_slice %arg4[%select_n3A_864, %dma_wait3A_905, %mul3A_904] : memref<50x4x131072xf32, #tpu.memory_space<hbm>> -> memref<1x1x1024xf32, #tpu.memory_space<hbm>>
    %dma_wait3A_909 = tpu.memref_squeeze %dma_wait3A_908 : memref<1x1x1024xf32, #tpu.memory_space<hbm>> -> memref<1024xf32, #tpu.memory_space<hbm>>
    %dma_wait3A_910 = tpu.memref_slice %arg4[%select_n3A_864, %dma_wait3A_905, %mul3A_904] : memref<50x4x131072xf32, #tpu.memory_space<hbm>> -> memref<1x1x1024xf32, #tpu.memory_space<hbm>>
    %dma_wait3A_911 = tpu.memref_squeeze %dma_wait3A_910 : memref<1x1x1024xf32, #tpu.memory_space<hbm>> -> memref<1024xf32, #tpu.memory_space<hbm>>
    %dma_wait3A_912 = arith.constant 38912 : i32
    %dma_wait3A_913 = tpu.memref_slice %arg7[%dma_wait3A_912] : memref<40960xf32, #tpu.memory_space<vmem>> -> memref<1024xf32, #tpu.memory_space<vmem>>
    tpu.wait_dma2 semaphore(%arg22 : memref<!tpu.dma_semaphore, #tpu.memory_space<semaphore_mem>>) src(%dma_wait3A_913 : memref<1024xf32, #tpu.memory_space<vmem>>) dst(%dma_wait3A_911 : memref<1024xf32, #tpu.memory_space<hbm>>)
    %mul3A_914 = arith.constant 1024 : i32
    %mul3A_915 = arith.muli %select_n3A_880, %mul3A_914 : i32
    %dma_wait3A_916 = arith.constant 3 : i32
    %dma_wait3A_917 = arith.constant 39936 : i32
    %dma_wait3A_918 = tpu.memref_slice %arg7[%dma_wait3A_917] : memref<40960xf32, #tpu.memory_space<vmem>> -> memref<1024xf32, #tpu.memory_space<vmem>>
    %dma_wait3A_919 = tpu.memref_slice %arg4[%select_n3A_864, %dma_wait3A_916, %mul3A_915] : memref<50x4x131072xf32, #tpu.memory_space<hbm>> -> memref<1x1x1024xf32, #tpu.memory_space<hbm>>
    %dma_wait3A_920 = tpu.memref_squeeze %dma_wait3A_919 : memref<1x1x1024xf32, #tpu.memory_space<hbm>> -> memref<1024xf32, #tpu.memory_space<hbm>>
    %dma_wait3A_921 = tpu.memref_slice %arg4[%select_n3A_864, %dma_wait3A_916, %mul3A_915] : memref<50x4x131072xf32, #tpu.memory_space<hbm>> -> memref<1x1x1024xf32, #tpu.memory_space<hbm>>
    %dma_wait3A_922 = tpu.memref_squeeze %dma_wait3A_921 : memref<1x1x1024xf32, #tpu.memory_space<hbm>> -> memref<1024xf32, #tpu.memory_space<hbm>>
    %dma_wait3A_923 = arith.constant 39936 : i32
    %dma_wait3A_924 = tpu.memref_slice %arg7[%dma_wait3A_923] : memref<40960xf32, #tpu.memory_space<vmem>> -> memref<1024xf32, #tpu.memory_space<vmem>>
    tpu.wait_dma2 semaphore(%arg22 : memref<!tpu.dma_semaphore, #tpu.memory_space<semaphore_mem>>) src(%dma_wait3A_924 : memref<1024xf32, #tpu.memory_space<vmem>>) dst(%dma_wait3A_922 : memref<1024xf32, #tpu.memory_space<hbm>>)
    return
  }
}

</mosaic_0001>

<sc_bundles>
// kernel: kernel.3.cloned.1.call-start
scs
__scs_entry_jumppad:
0x0: {  	(pc) =	sbr.rel $0x88, $3  }
0x1: {  	(tag) =	ssettag $0x0;
	lr =	simm.s32 $0x1  }
0x2: {  	[smem:$0x3F9F] =	sst lr;
	_ =	strace $0xD0000000  }
0x3: {  	_ = 	snop  }
0x4: {  	_ = 	snop  }
0x5: {  	_ = 	snop  }
0x6: {  	_ = 	snop  }
0x7: {  	_ = 	snop  }
__scs_overlays_trampoline_lowered:
0x8: {  	[smem:$0x3FAE] =	sst s0  }
0x9: {  	[smem:$0x3FAF] =	sst s1  }
0xa: {  	[smem:$0x3FB0] =	sst s2  }
0xb: {  	[smem:$0x3FB1] =	sst s3  }
0xc: {  	[smem:$0x3FB2] =	sst s4  }
0xd: {  	[smem:$0x3FB3] =	sst s5  }
0xe: {  	[smem:$0x3FB4] =	sst s6  }
0xf: {  	[smem:$0x3FB5] =	sst s7  }
0x10: {  	[smem:$0x3FB6] =	sst s8  }
0x11: {  	[smem:$0x3FB7] =	sst s9;
	s0 =	simm.s32 @!p0 $0x0  }
0x12: {  	s1 =	sld [smem:$0x3F9D];
	s0 =	simm.s32 @p0 $0x1  }
0x13: {  	[smem:$0x3FB8] =	sst s0;
	s0 =	simm.s32 @!p1 $0x0  }
0x14: {  	s2 =	sld [smem:$0x3F9C];
	s0 =	simm.s32 @p1 $0x1  }
0x15: {  	[smem:$0x3FB9] =	sst s0;
	s0 =	simm.s32 @!p2 $0x0  }
0x16: {  	s3 =	sld [smem:$0x3FDB];
	s0 =	simm.s32 @p2 $0x1  }
0x17: {  	s4 =	simm.s32 $0x1BF5;
	[smem:$0x3FBB] =	sst s0  }
0x18: {  	s0 =	sld [smem:$0x3F9E];
	_ =	swait.ge [sflag:s4], $0x0  }
0x19: {  	s7 =	sld [smem:$0x3F9F]  }
0x1a: {  	s8 =	sadd.s32 $0xFFFFE003, lr  }
0x1b: {  	s9 =	sadd.s32 $0xFFFFFEF7, lr;
	s5 =	simm.s32 $0xFFFFFFFF;
	p2 =	slt.u32 s8, $0xFFFFF086  }
0x1c: {  	p1 =	slt.u32 s9, $0xF7A;
	s5 =	simm.s32 @!p2 $0x0  }
0x1d: {  	s5 =	simm.s32 @p1 $0x1;
	p0 =	seq.s32 s7, s2  }
0x1e: {  	s7 =	smul.u32 @!p0 $0xF7A, s2;
	p2 =	seq.s32 @!p0 s5, $0x0  }
0x1f: {  	s9 =	smul.u32 $0xF7A, s1;
	s8 =	simm.s32 @!p0 $0x1BF5;
	p2 =	por !p2, p0  }
0x20: {  	[sflag:s8] =	ssyncset.s32 @!p0 $0xFFFFF086;
	s6 =	sadd.s32 @!p0 s3, s7;
	s7 =	simm.s32 @!p0 $0x108  }
0x21: {  	s3 =	sadd.s32 s3, s9;
	s6 =	sadd.s32 @!p0 $0x88, s6;
	s7 =	simm.s32 @p2 $0x1082  }
0x22: {  	[simem:s7], [sflag:s8] =	dma.local @!p0 [hbm:s6], $0xF7A  }
0x23: {  	s9 =	sor.u32 $0xD0000000, s2;
	s6 =	simm.s32 $0x108;
	_ =	swait.ge @!p0 [sflag:s8], $0x0  }
0x24: {  	s3 =	sadd.s32 $0x88, s3;
	s6 =	simm.s32 @!p1 $0x1082;
	[sflag:s4] =	ssyncset.s32 $0xFFFFF086  }
0x25: {  	[simem:s6], [sflag:s4] =	dma.local [hbm:s3], $0xF7A  }
0x26: {  	[smem:$0x3F9F] =	sst s1;
	(tag) =	ssettag s2;
	_ =	strace s9  }
0x27: {  	s1 =	sld [smem:$0x3FAF]  }
0x28: {  	s2 =	sld [smem:$0x3FB0]  }
0x29: {  	s4 =	sld [smem:$0x3FB2]  }
0x2a: {  	p0 =	seq.s32 s5, $0x0;
	s5 =	sld [smem:$0x3FB3]  }
0x2b: {  	s6 =	sld [smem:$0x3FB4]  }
0x2c: {  	s7 =	sld [smem:$0x3FB5]  }
0x2d: {  	s3 =	simm.s32 $0x108;
	s8 =	sld [smem:$0x3FB6]  }
0x2e: {  	s3 =	simm.s32 @!p0 $0x1082;
	s9 =	sld [smem:$0x3FB7]  }
0x2f: {  	lr =	sadd.s32 s0, s3;
	s0 =	sld [smem:$0x3FAE]  }
0x30: {  	s3 =	sld [smem:$0x3FB1]  }
0x31: {  	[smem:$0x3FBA] =	sst s10  }
0x32: {  	s10 =	sld [smem:$0x3FB8];
	_ =	sdelay $0x3  }
0x33: {  	p0 =	seq.s32 s10, $0x1;
	s10 =	sld [smem:$0x3FBA];
	_ =	sdelay $0x3  }
0x34: {  	[smem:$0x3FBA] =	sst s10  }
0x35: {  	s10 =	sld [smem:$0x3FB9];
	_ =	sdelay $0x3  }
0x36: {  	p1 =	seq.s32 s10, $0x1;
	s10 =	sld [smem:$0x3FBA];
	_ =	sdelay $0x3  }
0x37: {  	[smem:$0x3FBA] =	sst s10  }
0x38: {  	s10 =	sld [smem:$0x3FBB]  }
0x39: {  	_ = 	snop;
	(pc) =	sbr.ind lr, $3  }
0x3a: {  	_ = 	snop  }
0x3b: {  	_ = 	snop  }
0x3c: {  	p2 =	seq.s32 s10, $0x1;
	s10 =	sld [smem:$0x3FBA]  }
0x3d: {  	_ =	shalt  }
0x3e: {  	_ =	shalt  }
0x3f: {  	_ =	shalt  }
0x40: {  	_ =	shalt  }
0x41: {  	_ =	shalt  }
0x42: {  	_ =	shalt  }
0x43: {  	_ =	shalt  }
0x44: {  	_ =	shalt  }
0x45: {  	_ =	shalt  }
0x46: {  	_ =	shalt  }
0x47: {  	_ =	shalt  }
0x48: {  	_ =	shalt  }
0x49: {  	_ =	shalt  }
0x4a: {  	_ =	shalt  }
0x4b: {  	_ =	shalt  }
0x4c: {  	_ =	shalt  }
0x4d: {  	_ =	shalt  }
0x4e: {  	_ =	shalt  }
0x4f: {  	_ =	shalt  }
0x50: {  	_ =	shalt  }
0x51: {  	_ =	shalt  }
0x52: {  	_ =	shalt  }
0x53: {  	_ =	shalt  }
0x54: {  	_ =	shalt  }
0x55: {  	_ =	shalt  }
0x56: {  	_ =	shalt  }
0x57: {  	_ =	shalt  }
0x58: {  	_ =	shalt  }
0x59: {  	_ =	shalt  }
0x5a: {  	_ =	shalt  }
0x5b: {  	_ =	shalt  }
0x5c: {  	_ =	shalt  }
0x5d: {  	_ =	shalt  }
0x5e: {  	_ =	shalt  }
0x5f: {  	_ =	shalt  }
0x60: {  	_ =	shalt  }
0x61: {  	_ =	shalt  }
0x62: {  	_ =	shalt  }
0x63: {  	_ =	shalt  }
0x64: {  	_ =	shalt  }
0x65: {  	_ =	shalt  }
0x66: {  	_ =	shalt  }
0x67: {  	_ =	shalt  }
0x68: {  	_ =	shalt  }
0x69: {  	_ =	shalt  }
0x6a: {  	_ =	shalt  }
0x6b: {  	_ =	shalt  }
0x6c: {  	_ =	shalt  }
0x6d: {  	_ =	shalt  }
0x6e: {  	_ =	shalt  }
0x6f: {  	_ =	shalt  }
0x70: {  	_ =	shalt  }
0x71: {  	_ =	shalt  }
0x72: {  	_ =	shalt  }
0x73: {  	_ =	shalt  }
0x74: {  	_ =	shalt  }
0x75: {  	_ =	shalt  }
0x76: {  	_ =	shalt  }
0x77: {  	_ =	shalt  }
0x78: {  	_ =	shalt  }
0x79: {  	_ =	shalt  }
0x7a: {  	_ =	shalt  }
0x7b: {  	_ =	shalt  }
0x7c: {  	_ =	shalt  }
0x7d: {  	_ =	shalt  }
0x7e: {  	_ =	shalt  }
0x7f: {  	_ =	shalt  }
0x80: {  	_ =	shalt  }
0x81: {  	_ =	shalt  }
0x82: {  	_ =	shalt  }
0x83: {  	_ =	shalt  }
0x84: {  	_ =	shalt  }
0x85: {  	_ =	shalt  }
0x86: {  	_ =	shalt  }
0x87: {  	_ =	shalt  }
.Lfunc_end0:
.L_simem_size_0:
called_computation_lowered:
.L_overlay_start_0:
0x88: {  	s2 =	sld [smem:$0x3FD9]  }
0x89: {  	s3 =	sld [smem:$0x3FFE];
	_ =	sdelay $0x1  }
0x8a: {  	s1 =	srdreg.scid  }
0x8b: {  	s0 =	sand.u32 $0x1, s1  }
0x8c: {  	s17 =	sshll.u32 s0, $0xA;
	s2 =	sadd.s32 s3, s2  }
0x8d: {  	s2 =	sadd.s32 s2, s17  }
0x8e: {  	[smem:$0x3FC6] =	sst s2  }
0x8f: {  	_ = 	snop  }
0x90: {  	s2 =	sld [smem:$0x3FD0];
	(tm) =	ssettm $0x1  }
0x91: {  	s18 =	sld [smem:$0x3FFB];
	_ =	sdelay $0x3  }
0x92: {  	_ =	strace s18  }
0x93: {  	s3 =	sld [smem:$0x3FFC];
	_ =	sdelay $0x3  }
0x94: {  	_ =	strace s3  }
0x95: {  	s3 =	sld [smem:$0x3FFD];
	_ =	sdelay $0x3  }
0x96: {  	_ =	strace s3  }
0x97: {  	_ =	strace $0x8FFFFFFF  }
0x98: {  	s19 =	sld [smem:$0x3FDB];
	_ =	sdelay $0x1  }
0x99: {  	s4 =	simm.s32 $_scs_section_size  }
0x9a: {  	s5 =	simm.s32 $_size__tile_overlayer_lowered;
	s6 =	simm.s32 $_tile_overlayer_lowered  }
0x9b: {  	s22 =	simm.s32 $0x1BFF;
	s21 =	sshll.u32 s6, $0x1;
	s3 =	sadd.s32 s4, s19  }
0x9c: {  	s7 =	simm.s32 $0x0;
	s20 =	sshll.u32 s5, $0x1;
	s5 =	sadd.s32 s21, s3  }
0x9d: {  	[timem:s7], [sflag:s22] =	dma.local [hbm:s5], s20  }
0x9e: {  	_ =	swait.ge [sflag:s22], s20  }
0x9f: {  	s4 =	ssub.s32 $0x0, s20;
	[sflag:s22] =	ssyncset.done $0x0  }
0xa0: {  	[sflag:s22] =	ssyncadd.s32 s4;
	_ =	sdelay $0x1  }
0xa1: {  	s23 =	simm.s32 $0x1B8B  }
0xa2: {  	_ =	swait.ge [sflag:s23], $0x1  }
0xa3: {  	[sflag:s23] =	ssyncset.done $0x0  }
0xa4: {  	s25 =	simm.s32 $0x1B8E;
	s24 =	sld [smem:$0x3FFE];
	[sflag:s23] =	ssyncadd.s32 $0xFFFFFFFF  }
0xa5: {  	s26 =	simm.s32 $execute0_lowered;
	[smem:$0x3FD2] =	sst s25  }
0xa6: {  	s5 =	sshll.u32 s26, $0x1;
	_ =	strace $0x80000046;
	[dreg:$0x1] =	wrdreg $0xFFFFFFFF  }
0xa7: {  	s28 =	simm.s32 $_size_execute0_lowered;
	s3 =	sadd.s32 s3, s5;
	[dreg:$0x0] =	wrdreg $0x0  }
0xa8: {  	s5 =	sshll.u32 s28, $0x1;
	[dreg:$0x2] =	wrdreg s3  }
0xa9: {  	[dreg:$0x3] =	wrdreg s5  }
0xaa: {  	[dreg:$0x4] =	wrdreg $0xC0  }
0xab: {  	_ =	task [dreg:s7], $0x5FFFF  }
0xac: {  	[dreg:$0x1] =	wrdreg $0xFFFFFFFF  }
0xad: {  	[dreg:$0x0] =	wrdreg $0x60  }
0xae: {  	[dreg:$0x2] =	wrdreg s24  }
0xaf: {  	[dreg:$0x3] =	wrdreg s2  }
0xb0: {  	[dreg:$0x4] =	wrdreg $0x9  }
0xb1: {  	_ =	task.clear_ibuf [dreg:s7], $0x5FFFF;
	_ =	strace $0x90000046  }
0xb2: {  	s29 =	simm.s32 $0x9;
	_ =	strace $0x80000048  }
0xb3: {  	_ =	swait.ge [sflag:s29], $0x1  }
0xb4: {  	[sflag:s29] =	ssyncadd.s32 $0xFFFFFFFF  }
0xb5: {  	_ =	strace $0x90000048  }
0xb6: {  	_ =	sfence  }
0xb7: {  	s30 =	sld [smem:$0x0];
	_ =	sdelay $0x2  }
0xb8: {  	s31 =	sshll.u32 s1, $0xD;
	s1 =	sshrl.u32 s1, $0x2  }
0xb9: {  	s3 =	sand.u32 $0x4000, s31;
	s1 =	sadd.s32 s1, s30  }
0xba: {  	s0 =	sor.u32 s3, s0;
	s1 =	sshll.u32 s1, $0x11  }
0xbb: {  	s0 =	sor.u32 s1, s0  }
0xbc: {  	s0 =	sadd.s32 $0x8F2B, s0  }
0xbd: {  	[sflag:s0] =	ssyncadd.remote.s32 $0x1  }
0xbe: {  	_ =	sfence.sel $0xFFFF  }
0xbf: {  	[dreg:$0x0] =	wrdreg $0xFFFFFFFF;
	(pc) =	sbr.abs _section_cstart, $3  }
0xc0: {  	[dreg:$0x1] =	wrdreg $0xFFFFFFFF  }
0xc1: {  	_ =	task.clear_ibuf [dreg:s7], $0x2FFFF;
	_ =	strace $0x9FFFFFFF  }
0xc2: {  	(tm) =	ssettm $0x7FFFFFFF  }
0xc3: {  	_ =	shalt  }
tec
execute0_lowered:
.L_overlay_start_1:
0x0: {  	(tag) =	ssettag $0x1  }
0x1: {  	s0 =	srdreg.scid;
	s2 =	stileid.u32  }
0x2: {  	s1 =	rddreg [dreg:$0x0];
	s16 =	simm.s32 $0x100;
	s21 =	simm.s32 $0x2  }
0x3: {  	s23 =	simm.s32 $0x8;
	s29 =	simm.s32 $0x3;
	s30 =	simm.s32 $0xA  }
0x4: {  	s31 =	simm.s32 $0xB;
	s22 =	simm.s32 $0x4;
	s28 =	simm.s32 $0xD  }
0x5: {  	s19 =	simm.s32 $0xF;
	s0 =	sand.u32 $0x1, s0;
	s3 =	sshll.u32 s2, $0x1  }
0x6: {  	s11 =	simm.s32 $0x0;
	s2 =	rddreg [dreg:$0x1];
	s5 =	sor.u32 s0, s3  }
0x7: {  	v0 =	vlaneseq.u32;
	s3 =	simm.s32 $0x0;
	s0 =	ssub.s32 $0x2, s0;
	s8 =	sadd.s32 $0x8000, s2  }
0x8: {  	v0 =	vmul.u32 $0x80, v0;
	s9 =	sadd.s32 $0xC000, s2;
	s4 =	smul.u32 $0xC80, s5;
	[smem:$0x7FF] =	sst s3  }
0x9: {  	s7 =	sshrl.u32 s0, $0x1;
	s5 =	smul.u32 $0xC8, s5;
	_ =	strace $0x80000047  }
0xa: {  	v1 =	vor.u32 $0x800, v0;
	s0 =	ssub.s32 s0, s7;
	s7 =	sadd.s32 $0x4000, s2;
	s6 =	sadd.s32 s4, s1  }
0xb: {  	v2 =	vor.u32 $0x1000, v0;
	v3 =	vor.u32 $0x1800, v0;
	v4 =	vor.u32 $0x2000, v0;
	s4 =	sadd.s32 $0xF42A00, s1;
	s25 =	sor.u32 $0x2, s5;
	s26 =	sor.u32 $0x4, s5  }
.Ltmp0:
0xc: {  	v5 =	vor.u32 $0x2800, v0;
	v6 =	vor.u32 $0x3000, v0;
	v7 =	vor.u32 $0x3800, v0;
	s12 =	sor.u32 $0x6, s5;
	[dreg:$0x4] =	wrdreg s25;
	(pc) =	sbr.rel .LBB2_1-.Ltmp0, $4  }
0xd: {  	v8 =	vor.u32 $0x4000, v0;
	v9 =	vor.u32 $0x4800, v0;
	v10 =	vor.u32 $0x5000, v0;
	s13 =	sadd.s32 $0x8, s5;
	s0 =	smax.u32 s0, $0x1;
	[dreg:$0x5] =	wrdreg s26  }
0xe: {  	v11 =	vor.u32 $0x5800, v0;
	v12 =	vor.u32 $0x6000, v0;
	v13 =	vor.u32 $0x6800, v0;
	s1 =	simm.s32 $0x5;
	s24 =	sadd.s32 $0x600, s6;
	[dreg:$0x6] =	wrdreg s0  }
0xf: {  	v14 =	vor.u32 $0x7000, v0;
	v15 =	vor.u32 $0x7800, v0;
	v16 =	vor.u32 $0x8000, v0;
	s25 =	simm.s32 $0x1;
	s26 =	simm.s32 $0x10400;
	s6 =	simm.s32 $0x9  }
0x10: {  	v17 =	vor.u32 $0x8800, v0;
	v18 =	vor.u32 $0x9000, v0;
	v19 =	vor.u32 $0x9800, v0;
	s0 =	simm.s32 $0xE;
	[dreg:$0x3] =	wrdreg s24;
	s24 =	simm.s32 $0xC  }
.LBB2_30:
0x11: {  	s10 =	simm.s32 $0x6  }
0x12: {  	_ =	swait.ge [sflag:s10], $0x400  }
0x13: {  	[sflag:s10] =	ssyncset.done $0x0  }
0x14: {  	[sflag:s10] =	ssyncadd.s32 $0xFFFFFC00  }
0x15: {  	_ =	swait.ge [sflag:s10], $0x400  }
0x16: {  	[sflag:s10] =	ssyncset.done $0x0  }
0x17: {  	[sflag:s10] =	ssyncadd.s32 $0xFFFFFC00  }
0x18: {  	_ =	swait.ge [sflag:s10], $0x400  }
0x19: {  	[sflag:s10] =	ssyncset.done $0x0  }
0x1a: {  	[sflag:s10] =	ssyncadd.s32 $0xFFFFFC00  }
0x1b: {  	_ =	swait.ge [sflag:s10], $0x400  }
0x1c: {  	[sflag:s10] =	ssyncset.done $0x0  }
0x1d: {  	s18 =	simm.s32 $0x7;
	[sflag:s10] =	ssyncadd.s32 $0xFFFFFC00  }
0x1e: {  	_ =	swait.ge [sflag:s18], $0x400  }
0x1f: {  	[sflag:s18] =	ssyncset.done $0x0  }
0x20: {  	[sflag:s18] =	ssyncadd.s32 $0xFFFFFC00  }
0x21: {  	_ =	swait.ge [sflag:s18], $0x400  }
0x22: {  	[sflag:s18] =	ssyncset.done $0x0  }
0x23: {  	[sflag:s18] =	ssyncadd.s32 $0xFFFFFC00  }
0x24: {  	_ =	swait.ge [sflag:s18], $0x400  }
0x25: {  	[sflag:s18] =	ssyncset.done $0x0  }
0x26: {  	[sflag:s18] =	ssyncadd.s32 $0xFFFFFC00  }
0x27: {  	_ =	swait.ge [sflag:s18], $0x400  }
0x28: {  	[sflag:s18] =	ssyncset.done $0x0  }
0x29: {  	[sflag:s18] =	ssyncadd.s32 $0xFFFFFC00  }
0x2a: {  	_ =	swait.ge [sflag:s23], $0x400  }
0x2b: {  	[sflag:s23] =	ssyncset.done $0x0  }
0x2c: {  	[sflag:s23] =	ssyncadd.s32 $0xFFFFFC00  }
0x2d: {  	_ =	swait.ge [sflag:s23], $0x400  }
0x2e: {  	[sflag:s23] =	ssyncset.done $0x0  }
0x2f: {  	[sflag:s23] =	ssyncadd.s32 $0xFFFFFC00  }
0x30: {  	_ =	swait.ge [sflag:s23], $0x400  }
0x31: {  	[sflag:s23] =	ssyncset.done $0x0  }
0x32: {  	[sflag:s23] =	ssyncadd.s32 $0xFFFFFC00  }
0x33: {  	_ =	swait.ge [sflag:s23], $0x400  }
0x34: {  	[sflag:s23] =	ssyncset.done $0x0  }
0x35: {  	[sflag:s23] =	ssyncadd.s32 $0xFFFFFC00  }
0x36: {  	_ =	swait.ge [sflag:s6], $0x400  }
0x37: {  	[sflag:s6] =	ssyncset.done $0x0  }
0x38: {  	[sflag:s6] =	ssyncadd.s32 $0xFFFFFC00  }
0x39: {  	_ =	swait.ge [sflag:s6], $0x400  }
0x3a: {  	[sflag:s6] =	ssyncset.done $0x0  }
0x3b: {  	[sflag:s6] =	ssyncadd.s32 $0xFFFFFC00  }
0x3c: {  	_ =	swait.ge [sflag:s6], $0x400  }
0x3d: {  	[sflag:s6] =	ssyncset.done $0x0  }
0x3e: {  	[sflag:s6] =	ssyncadd.s32 $0xFFFFFC00  }
0x3f: {  	_ =	swait.ge [sflag:s6], $0x400  }
0x40: {  	[sflag:s6] =	ssyncset.done $0x0  }
0x41: {  	[sflag:s6] =	ssyncadd.s32 $0xFFFFFC00  }
0x42: {  	_ =	swait.ge [sflag:s30], $0x400  }
0x43: {  	[sflag:s30] =	ssyncset.done $0x0  }
0x44: {  	[sflag:s30] =	ssyncadd.s32 $0xFFFFFC00  }
0x45: {  	_ =	swait.ge [sflag:s30], $0x400  }
0x46: {  	[sflag:s30] =	ssyncset.done $0x0  }
0x47: {  	[sflag:s30] =	ssyncadd.s32 $0xFFFFFC00  }
0x48: {  	_ =	swait.ge [sflag:s30], $0x400  }
0x49: {  	[sflag:s30] =	ssyncset.done $0x0  }
0x4a: {  	[sflag:s30] =	ssyncadd.s32 $0xFFFFFC00  }
0x4b: {  	_ =	swait.ge [sflag:s30], $0x400  }
0x4c: {  	[sflag:s30] =	ssyncset.done $0x0  }
0x4d: {  	[sflag:s30] =	ssyncadd.s32 $0xFFFFFC00  }
0x4e: {  	_ =	swait.ge [sflag:s31], $0x400  }
0x4f: {  	[sflag:s31] =	ssyncset.done $0x0  }
0x50: {  	[sflag:s31] =	ssyncadd.s32 $0xFFFFFC00  }
0x51: {  	_ =	swait.ge [sflag:s31], $0x400  }
0x52: {  	[sflag:s31] =	ssyncset.done $0x0  }
0x53: {  	[sflag:s31] =	ssyncadd.s32 $0xFFFFFC00  }
0x54: {  	_ =	swait.ge [sflag:s31], $0x400  }
0x55: {  	[sflag:s31] =	ssyncset.done $0x0  }
0x56: {  	[sflag:s31] =	ssyncadd.s32 $0xFFFFFC00  }
0x57: {  	_ =	swait.ge [sflag:s31], $0x400  }
0x58: {  	[sflag:s31] =	ssyncset.done $0x0  }
0x59: {  	[sflag:s31] =	ssyncadd.s32 $0xFFFFFC00  }
0x5a: {  	_ =	swait.ge [sflag:s24], $0x400  }
0x5b: {  	[sflag:s24] =	ssyncset.done $0x0  }
0x5c: {  	[sflag:s24] =	ssyncadd.s32 $0xFFFFFC00  }
0x5d: {  	_ =	swait.ge [sflag:s24], $0x400  }
0x5e: {  	[sflag:s24] =	ssyncset.done $0x0  }
0x5f: {  	[sflag:s24] =	ssyncadd.s32 $0xFFFFFC00  }
0x60: {  	_ =	swait.ge [sflag:s24], $0x400  }
0x61: {  	[sflag:s24] =	ssyncset.done $0x0  }
0x62: {  	[sflag:s24] =	ssyncadd.s32 $0xFFFFFC00  }
0x63: {  	_ =	swait.ge [sflag:s24], $0x400  }
0x64: {  	[sflag:s24] =	ssyncset.done $0x0  }
0x65: {  	[sflag:s24] =	ssyncadd.s32 $0xFFFFFC00  }
0x66: {  	_ =	swait.ge [sflag:s28], $0x400  }
0x67: {  	[sflag:s28] =	ssyncset.done $0x0  }
0x68: {  	[sflag:s28] =	ssyncadd.s32 $0xFFFFFC00  }
0x69: {  	_ =	swait.ge [sflag:s28], $0x400  }
0x6a: {  	[sflag:s28] =	ssyncset.done $0x0  }
0x6b: {  	[sflag:s28] =	ssyncadd.s32 $0xFFFFFC00  }
0x6c: {  	_ =	swait.ge [sflag:s28], $0x400  }
0x6d: {  	[sflag:s28] =	ssyncset.done $0x0  }
0x6e: {  	[sflag:s28] =	ssyncadd.s32 $0xFFFFFC00  }
0x6f: {  	_ =	swait.ge [sflag:s28], $0x400  }
0x70: {  	[sflag:s28] =	ssyncset.done $0x0  }
0x71: {  	[sflag:s28] =	ssyncadd.s32 $0xFFFFFC00  }
0x72: {  	_ =	swait.ge [sflag:s0], $0x400  }
0x73: {  	[sflag:s0] =	ssyncset.done $0x0  }
0x74: {  	[sflag:s0] =	ssyncadd.s32 $0xFFFFFC00  }
0x75: {  	_ =	swait.ge [sflag:s0], $0x400  }
0x76: {  	[sflag:s0] =	ssyncset.done $0x0  }
0x77: {  	[sflag:s0] =	ssyncadd.s32 $0xFFFFFC00  }
0x78: {  	_ =	swait.ge [sflag:s0], $0x400  }
0x79: {  	[sflag:s0] =	ssyncset.done $0x0  }
0x7a: {  	[sflag:s0] =	ssyncadd.s32 $0xFFFFFC00  }
0x7b: {  	_ =	swait.ge [sflag:s0], $0x400  }
0x7c: {  	[sflag:s0] =	ssyncset.done $0x0  }
0x7d: {  	[sflag:s0] =	ssyncadd.s32 $0xFFFFFC00  }
0x7e: {  	_ =	swait.ge [sflag:s19], $0x400  }
0x7f: {  	[sflag:s19] =	ssyncset.done $0x0  }
0x80: {  	[sflag:s19] =	ssyncadd.s32 $0xFFFFFC00  }
0x81: {  	_ =	swait.ge [sflag:s19], $0x400  }
0x82: {  	[sflag:s19] =	ssyncset.done $0x0  }
0x83: {  	[sflag:s19] =	ssyncadd.s32 $0xFFFFFC00  }
0x84: {  	_ =	swait.ge [sflag:s19], $0x400  }
0x85: {  	[sflag:s19] =	ssyncset.done $0x0  }
0x86: {  	[sflag:s19] =	ssyncadd.s32 $0xFFFFFC00  }
0x87: {  	_ =	swait.ge [sflag:s19], $0x400  }
0x88: {  	s11 =	rddreg [dreg:$0x7]  }
0x89: {  	s20 =	rddreg [dreg:$0x6];
	s11 =	sadd.s32 $0x1, s11  }
0x8a: {  	p0 =	sne.s32 s11, s20  }
.Ltmp1:
0x8b: {  	_ = 	snop;
	(pc) =	sbr.rel @!p0 .LBB2_31-.Ltmp1, $3  }
0x8c: {  	_ =	sdelay $0x1  }
0x8d: {  	[sflag:s19] =	ssyncset.done $0x0  }
0x8e: {  	[sflag:s19] =	ssyncadd.s32 $0xFFFFFC00  }
.LBB2_1:
0x8f: {  	[dreg:$0x7] =	wrdreg s11  }
0x90: {  	s10 =	rddreg [dreg:$0x3];
	s17 =	simm.s32 $0x10  }
0x91: {  	[tilespmem:s3], [sflag:$0x10] =	stream.linear.gather [hbm4b:s10+s3], $0x6400, $0x38;
	[tilespmem:$0x1A400] =	vst v63  }
0x92: {  	_ =	swait.ge [sflag:s17], $0x6400  }
0x93: {  	[sflag:s17] =	ssyncset.done $0x0  }
0x94: {  	s18 =	simm.s32 $0x6400;
	[sflag:s17] =	ssyncadd.s32 $0xFFFF9C00  }
0x95: {  	[tilespmem:s18], [sflag:$0x1] =	stream.indirect.gather [hbm4b:s4+s16], $0x20, s3, s16, $0xb8;
	[tilespmem:$0x1A400] =	vst v63  }
0x96: {  	s20 =	simm.s32 $0x8400  }
0x97: {  	[tilespmem:s20], [sflag:$0x2] =	stream.indirect.gather [hbm4b:s4+s16], $0x20, s16, s16, $0xb8;
	[tilespmem:$0x1A400] =	vst v63  }
0x98: {  	s11 =	simm.s32 $0x200;
	s14 =	simm.s32 $0xA400  }
0x99: {  	[tilespmem:s14], [sflag:$0x3] =	stream.indirect.gather [hbm4b:s4+s16], $0x20, s11, s16, $0xb8;
	[tilespmem:$0x1A400] =	vst v63  }
0x9a: {  	s15 =	simm.s32 $0x300;
	s17 =	simm.s32 $0xC400  }
0x9b: {  	[tilespmem:s17], [sflag:$0x4] =	stream.indirect.gather [hbm4b:s4+s16], $0x20, s15, s16, $0xb8;
	[tilespmem:$0x1A400] =	vst v63  }
0x9c: {  	s18 =	simm.s32 $0x400;
	s20 =	simm.s32 $0xE400  }
0x9d: {  	[tilespmem:s20], [sflag:$0x5] =	stream.indirect.gather [hbm4b:s4+s16], $0x20, s18, s16, $0xb8;
	[tilespmem:$0x1A400] =	vst v63  }
0x9e: {  	s18 =	simm.s32 $0x0  }
.LBB2_2:
0x9f: {  	_ =	swait.ge [sflag:s25], $0x2000  }
0xa0: {  	p0 =	seq.s32 s18, $0x0;
	[sflag:s25] =	ssyncset.done $0x0  }
0xa1: {  	s10 =	simm.s32 @!p0 $0x6;
	[sflag:s25] =	ssyncadd.s32 $0xFFFFE000  }
0xa2: {  	_ =	swait.ge @!p0 [sflag:s10], $0x400  }
0xa3: {  	[sflag:s10] =	ssyncset.done @!p0 $0x0  }
0xa4: {  	[sflag:s10] =	ssyncadd.s32 @!p0 $0xFFFFFC00  }
0xa5: {  	_ =	swait.ge @!p0 [sflag:s10], $0x400  }
0xa6: {  	[sflag:s10] =	ssyncset.done @!p0 $0x0  }
0xa7: {  	[sflag:s10] =	ssyncadd.s32 @!p0 $0xFFFFFC00  }
0xa8: {  	_ =	swait.ge @!p0 [sflag:s10], $0x400  }
0xa9: {  	[sflag:s10] =	ssyncset.done @!p0 $0x0  }
0xaa: {  	[sflag:s10] =	ssyncadd.s32 @!p0 $0xFFFFFC00  }
0xab: {  	_ =	swait.ge @!p0 [sflag:s10], $0x400  }
0xac: {  	[sflag:s10] =	ssyncset.done @!p0 $0x0  }
0xad: {  	[sflag:s10] =	ssyncadd.s32 @!p0 $0xFFFFFC00;
	s10 =	simm.s32 @!p0 $0x7  }
0xae: {  	_ =	swait.ge @!p0 [sflag:s10], $0x400  }
0xaf: {  	[sflag:s10] =	ssyncset.done @!p0 $0x0  }
0xb0: {  	[sflag:s10] =	ssyncadd.s32 @!p0 $0xFFFFFC00  }
0xb1: {  	_ =	swait.ge @!p0 [sflag:s10], $0x400  }
0xb2: {  	[sflag:s10] =	ssyncset.done @!p0 $0x0  }
0xb3: {  	[sflag:s10] =	ssyncadd.s32 @!p0 $0xFFFFFC00  }
0xb4: {  	_ =	swait.ge @!p0 [sflag:s10], $0x400  }
0xb5: {  	[sflag:s10] =	ssyncset.done @!p0 $0x0  }
0xb6: {  	[sflag:s10] =	ssyncadd.s32 @!p0 $0xFFFFFC00  }
0xb7: {  	_ =	swait.ge @!p0 [sflag:s10], $0x400  }
0xb8: {  	[sflag:s10] =	ssyncset.done @!p0 $0x0  }
0xb9: {  	[sflag:s10] =	ssyncadd.s32 @!p0 $0xFFFFFC00;
	s10 =	simm.s32 $0x7400  }
0xba: {  	v23 =	vld [tilespmem:s10+$0xFFFFF0E0]  }
0xbb: {  	v24 =	vld [tilespmem:s10+$0xFFFFF0F0]  }
0xbc: {  	s11 =	simm.s32 $0x7;
	v25 =	vld [tilespmem:s10+$0xE0]  }
0xbd: {  	v26 =	vor.u32 s11, v0;
	v27 =	vld [tilespmem:s10+$0xF0]  }
0xbe: {  	v28 =	vor.u32 s11, v1;
	v22 =	vld [tilespmem:s10+$0xFFFFF010]  }
0xbf: {  	v29 =	vor.u32 s11, v2;
	v21 =	vld [tilespmem:s10+$0x0]  }
0xc0: {  	s15 =	simm.s32 $0x1;
	v30 =	vor.u32 s11, v3;
	v20 =	vld [tilespmem:s10+$0x10]  }
0xc1: {  	v32 =	vor.u32 s15, v0;
	v31 =	vld [tilespmem:s10+$0xFFFFF020]  }
0xc2: {  	[tilespmem:v26+s26+$0x0] =	vst.idx.msk $0xffff, v23;
	v23 =	vld [tilespmem:s10+$0xFFFFF030];
	v26 =	vor.u32 s15, v1  }
0xc3: {  	[tilespmem:v28+s26+$0x0] =	vst.idx.msk $0xffff, v24;
	v24 =	vld [tilespmem:s10+$0x20];
	v28 =	vor.u32 s15, v2  }
0xc4: {  	s17 =	simm.s32 $0x2;
	[tilespmem:v29+s26+$0x0] =	vst.idx.msk $0xffff, v25;
	v25 =	vld [tilespmem:s10+$0x30];
	v29 =	vor.u32 s15, v3  }
0xc5: {  	[tilespmem:v30+s26+$0x0] =	vst.idx.msk $0xffff, v27;
	v27 =	vld [tilespmem:s10+$0xFFFFF040];
	v30 =	vor.u32 s17, v0  }
0xc6: {  	v60 =	vor.u32 s17, v1;
	[tilespmem:v32+s26+$0x0] =	vst.idx.msk $0xffff, v31;
	v31 =	vld [tilespmem:s10+$0xFFFFF050]  }
0xc7: {  	[tilespmem:v26+s26+$0x0] =	vst.idx.msk $0xffff, v23;
	v23 =	vld [tilespmem:s10+$0x40];
	v26 =	vor.u32 s17, v2  }
0xc8: {  	s20 =	simm.s32 $0x3;
	[tilespmem:v28+s26+$0x0] =	vst.idx.msk $0xffff, v24;
	v24 =	vld [tilespmem:s10+$0x50];
	v28 =	vor.u32 s17, v3  }
0xc9: {  	[tilespmem:v29+s26+$0x0] =	vst.idx.msk $0xffff, v25;
	v25 =	vld [tilespmem:s10+$0xFFFFF060];
	v29 =	vor.u32 s20, v0  }
0xca: {  	[tilespmem:v30+s26+$0x0] =	vst.idx.msk $0xffff, v27;
	v27 =	vld [tilespmem:s10+$0xFFFFF070];
	v30 =	vor.u32 s20, v1  }
0xcb: {  	v61 =	vor.u32 s20, v2;
	[tilespmem:v60+s26+$0x0] =	vst.idx.msk $0xffff, v31;
	v31 =	vld [tilespmem:s10+$0x60]  }
0xcc: {  	s14 =	simm.s32 $0x4;
	[tilespmem:v26+s26+$0x0] =	vst.idx.msk $0xffff, v23;
	v23 =	vld [tilespmem:s10+$0x70];
	v26 =	vor.u32 s20, v3  }
0xcd: {  	[tilespmem:v28+s26+$0x0] =	vst.idx.msk $0xffff, v24;
	v24 =	vld [tilespmem:s10+$0xFFFFF080];
	v28 =	vor.u32 s14, v0  }
0xce: {  	[tilespmem:v29+s26+$0x0] =	vst.idx.msk $0xffff, v25;
	v25 =	vld [tilespmem:s10+$0xFFFFF090];
	v29 =	vor.u32 s14, v1  }
0xcf: {  	[tilespmem:v30+s26+$0x0] =	vst.idx.msk $0xffff, v27;
	v27 =	vld [tilespmem:s10+$0x80];
	v30 =	vor.u32 s14, v2  }
0xd0: {  	v62 =	vor.u32 s14, v3;
	s15 =	simm.s32 $0x5;
	[tilespmem:v61+s26+$0x0] =	vst.idx.msk $0xffff, v31;
	v31 =	vld [tilespmem:s10+$0x90]  }
0xd1: {  	[tilespmem:v26+s26+$0x0] =	vst.idx.msk $0xffff, v23;
	v23 =	vld [tilespmem:s10+$0xFFFFF0A0];
	v26 =	vor.u32 s15, v0  }
0xd2: {  	[tilespmem:v28+s26+$0x0] =	vst.idx.msk $0xffff, v24;
	v24 =	vld [tilespmem:s10+$0xFFFFF0B0];
	v28 =	vor.u32 s15, v1  }
0xd3: {  	[tilespmem:v29+s26+$0x0] =	vst.idx.msk $0xffff, v25;
	v25 =	vld [tilespmem:s10+$0xA0];
	v29 =	vor.u32 s15, v2  }
0xd4: {  	s17 =	simm.s32 $0x6;
	[tilespmem:v30+s26+$0x0] =	vst.idx.msk $0xffff, v27;
	v27 =	vld [tilespmem:s10+$0xB0];
	v30 =	vor.u32 s15, v3  }
0xd5: {  	v63 =	vor.u32 s17, v0;
	[tilespmem:v62+s26+$0x0] =	vst.idx.msk $0xffff, v31;
	v31 =	vld [tilespmem:s10+$0xFFFFF0C0]  }
0xd6: {  	v33 =	vld [tilespmem:s10+$0xFFFFF0D0];
	v34 =	vor.u32 s17, v1;
	[tilespmem:v26+s26+$0x0] =	vst.idx.msk $0xffff, v23  }
0xd7: {  	v35 =	vld [tilespmem:s10+$0xC0];
	v36 =	vor.u32 s17, v2;
	[tilespmem:v28+s26+$0x0] =	vst.idx.msk $0xffff, v24  }
0xd8: {  	s20 =	simm.s32 $0x0;
	v23 =	vld [tilespmem:s10+$0xD0];
	[tilespmem:v29+s26+$0x0] =	vst.idx.msk $0xffff, v25;
	v29 =	vor.u32 s17, v3  }
0xd9: {  	s14 =	simm.s32 $0x7500;
	v24 =	vld [tilespmem:s10+$0xFFFFF000];
	s10 =	simm.s32 $0xF;
	[tilespmem:v30+s26+$0x0] =	vst.idx.msk $0xffff, v27;
	v30 =	vor.u32 s20, v0  }
0xda: {  	v26 =	vld [tilespmem:s14+$0xFFFFF0E0];
	v32 =	vor.u32 s10, v0;
	[tilespmem:v63+s26+$0x0] =	vst.idx.msk $0xffff, v31  }
0xdb: {  	v27 =	vld [tilespmem:s14+$0xFFFFF0F0];
	v31 =	vor.u32 s10, v1;
	[tilespmem:v34+s26+$0x0] =	vst.idx.msk $0xffff, v33  }
0xdc: {  	s15 =	simm.s32 $0x8;
	v25 =	vld [tilespmem:s14+$0xE0];
	v28 =	vor.u32 s10, v2;
	s17 =	simm.s32 $0x10;
	[tilespmem:v36+s26+$0x0] =	vst.idx.msk $0xffff, v35  }
.LBB2_3:
0xdd: {  	p1 =	slt.u32 s17, $0x78;
	v33 =	vld [tilespmem:s14+$0xF0];
	v34 =	vor.u32 s10, v3;
	[tilespmem:v29+s26+$0x0] =	vst.idx.msk $0xffff, v23  }
0xde: {  	v23 =	vld [tilespmem:s14+$0xFFFFF010];
	[tilespmem:v30+s26+$0x0] =	vst.idx.msk $0xffff, v24;
	v24 =	vor.u32 s20, v1  }
0xdf: {  	v29 =	vld [tilespmem:s14+$0x0];
	[tilespmem:v32+s26+$0x0] =	vst.idx.msk $0xffff, v26;
	v26 =	vor.u32 s20, v2  }
0xe0: {  	s10 =	sadd.s32 $0x1, s15;
	v30 =	vld [tilespmem:s14+$0x10];
	[tilespmem:v31+s26+$0x0] =	vst.idx.msk $0xffff, v27;
	v27 =	vor.u32 s20, v3;
	s20 =	smov.u32 s15;
	s15 =	smov.u32 s17  }
0xe1: {  	v32 =	vor.u32 s10, v0;
	v31 =	vld [tilespmem:s14+$0xFFFFF020];
	[tilespmem:v28+s26+$0x0] =	vst.idx.msk $0xffff, v25  }
0xe2: {  	v28 =	vor.u32 s10, v1;
	v25 =	vld [tilespmem:s14+$0xFFFFF030];
	[tilespmem:v34+s26+$0x0] =	vst.idx.msk $0xffff, v33  }
0xe3: {  	v34 =	vor.u32 s10, v2;
	v33 =	vld [tilespmem:s14+$0x20];
	[tilespmem:v24+s26+$0x0] =	vst.idx.msk $0xffff, v22;
	v22 =	vmov v23  }
0xe4: {  	v24 =	vor.u32 s10, v3;
	s10 =	sadd.s32 $0x2, s20;
	v23 =	vld [tilespmem:s14+$0x30];
	[tilespmem:v26+s26+$0x0] =	vst.idx.msk $0xffff, v21;
	v21 =	vmov v29  }
0xe5: {  	v29 =	vor.u32 s10, v0;
	v26 =	vld [tilespmem:s14+$0xFFFFF040];
	[tilespmem:v27+s26+$0x0] =	vst.idx.msk $0xffff, v20;
	v20 =	vmov v30  }
0xe6: {  	v30 =	vor.u32 s10, v1;
	[tilespmem:v32+s26+$0x0] =	vst.idx.msk $0xffff, v31;
	v27 =	vld [tilespmem:s14+$0xFFFFF050]  }
0xe7: {  	[tilespmem:v28+s26+$0x0] =	vst.idx.msk $0xffff, v25;
	v25 =	vld [tilespmem:s14+$0x40];
	v28 =	vor.u32 s10, v2  }
0xe8: {  	v32 =	vor.u32 s10, v3;
	s10 =	sadd.s32 $0x3, s20;
	[tilespmem:v34+s26+$0x0] =	vst.idx.msk $0xffff, v33;
	v31 =	vld [tilespmem:s14+$0x50]  }
0xe9: {  	[tilespmem:v24+s26+$0x0] =	vst.idx.msk $0xffff, v23;
	v23 =	vld [tilespmem:s14+$0xFFFFF060];
	v24 =	vor.u32 s10, v0  }
0xea: {  	[tilespmem:v29+s26+$0x0] =	vst.idx.msk $0xffff, v26;
	v26 =	vld [tilespmem:s14+$0xFFFFF070];
	v29 =	vor.u32 s10, v1  }
0xeb: {  	[tilespmem:v30+s26+$0x0] =	vst.idx.msk $0xffff, v27;
	v27 =	vld [tilespmem:s14+$0x60];
	v30 =	vor.u32 s10, v2  }
0xec: {  	[tilespmem:v28+s26+$0x0] =	vst.idx.msk $0xffff, v25;
	v25 =	vld [tilespmem:s14+$0x70];
	v28 =	vor.u32 s10, v3;
	s10 =	sadd.s32 $0x4, s20  }
0xed: {  	[tilespmem:v32+s26+$0x0] =	vst.idx.msk $0xffff, v31;
	v31 =	vld [tilespmem:s14+$0xFFFFF080];
	v32 =	vor.u32 s10, v0  }
0xee: {  	[tilespmem:v24+s26+$0x0] =	vst.idx.msk $0xffff, v23;
	v23 =	vld [tilespmem:s14+$0xFFFFF090];
	v24 =	vor.u32 s10, v1  }
0xef: {  	[tilespmem:v29+s26+$0x0] =	vst.idx.msk $0xffff, v26;
	v26 =	vld [tilespmem:s14+$0x80];
	v29 =	vor.u32 s10, v2  }
0xf0: {  	[tilespmem:v30+s26+$0x0] =	vst.idx.msk $0xffff, v27;
	v27 =	vld [tilespmem:s14+$0x90];
	v30 =	vor.u32 s10, v3;
	s10 =	sadd.s32 $0x5, s20  }
0xf1: {  	[tilespmem:v28+s26+$0x0] =	vst.idx.msk $0xffff, v25;
	v25 =	vld [tilespmem:s14+$0xFFFFF0A0];
	v28 =	vor.u32 s10, v0  }
0xf2: {  	[tilespmem:v32+s26+$0x0] =	vst.idx.msk $0xffff, v31;
	v31 =	vld [tilespmem:s14+$0xFFFFF0B0];
	v32 =	vor.u32 s10, v1  }
0xf3: {  	[tilespmem:v24+s26+$0x0] =	vst.idx.msk $0xffff, v23;
	v23 =	vld [tilespmem:s14+$0xA0];
	v24 =	vor.u32 s10, v2  }
0xf4: {  	v33 =	vor.u32 s10, v3;
	s10 =	sadd.s32 $0x6, s20;
	[tilespmem:v29+s26+$0x0] =	vst.idx.msk $0xffff, v26;
	v26 =	vld [tilespmem:s14+$0xB0]  }
0xf5: {  	v34 =	vor.u32 s10, v0;
	[tilespmem:v30+s26+$0x0] =	vst.idx.msk $0xffff, v27;
	v27 =	vld [tilespmem:s14+$0xFFFFF0C0]  }
0xf6: {  	[tilespmem:v28+s26+$0x0] =	vst.idx.msk $0xffff, v25;
	v25 =	vld [tilespmem:s14+$0xFFFFF0D0];
	v28 =	vor.u32 s10, v1  }
0xf7: {  	v36 =	vor.u32 s10, v2;
	[tilespmem:v32+s26+$0x0] =	vst.idx.msk $0xffff, v31;
	v35 =	vld [tilespmem:s14+$0xC0]  }
.Ltmp2:
0xf8: {  	v29 =	vor.u32 s10, v3;
	[tilespmem:v24+s26+$0x0] =	vst.idx.msk $0xffff, v23;
	v23 =	vld [tilespmem:s14+$0xD0];
	(pc) =	sbr.rel @p1 .LBB2_3-.Ltmp2, $4  }
0xf9: {  	v30 =	vor.u32 s20, v0;
	s10 =	sadd.s32 $0x7, s17;
	v24 =	vld [tilespmem:s14+$0xFFFFF000];
	[tilespmem:v33+s26+$0x0] =	vst.idx.msk $0xffff, v26;
	s14 =	sadd.s32 $0x100, s14  }
0xfa: {  	v32 =	vor.u32 s10, v0;
	v26 =	vld [tilespmem:s14+$0xFFFFF0E0];
	[tilespmem:v34+s26+$0x0] =	vst.idx.msk $0xffff, v27  }
0xfb: {  	v31 =	vor.u32 s10, v1;
	v27 =	vld [tilespmem:s14+$0xFFFFF0F0];
	[tilespmem:v28+s26+$0x0] =	vst.idx.msk $0xffff, v25  }
0xfc: {  	s17 =	sadd.s32 $0x8, s17;
	v28 =	vor.u32 s10, v2;
	v25 =	vld [tilespmem:s14+$0xE0];
	[tilespmem:v36+s26+$0x0] =	vst.idx.msk $0xffff, v35  }
0xfd: {  	_ =	sdelay $0x2  }
0xfe: {  	v33 =	vld [tilespmem:s14+$0xF0]  }
0xff: {  	v34 =	vor.u32 s10, v3;
	[tilespmem:v29+s26+$0x0] =	vst.idx.msk $0xffff, v23;
	v45 =	vld [tilespmem:s14+$0xFFFFF020]  }
0x100: {  	v42 =	vor.u32 s20, v1;
	v47 =	vld [tilespmem:s14+$0xFFFFF030];
	[tilespmem:v30+s26+$0x0] =	vst.idx.msk $0xffff, v24  }
0x101: {  	v43 =	vor.u32 s20, v2;
	s17 =	sadd.s32 $0x1, s15;
	v49 =	vld [tilespmem:s14+$0x20];
	[tilespmem:v32+s26+$0x0] =	vst.idx.msk $0xffff, v26  }
0x102: {  	v51 =	vld [tilespmem:s14+$0x30];
	v46 =	vor.u32 s17, v0;
	[tilespmem:v31+s26+$0x0] =	vst.idx.msk $0xffff, v27  }
0x103: {  	v44 =	vor.u32 s20, v3;
	v53 =	vld [tilespmem:s14+$0xFFFFF040];
	[tilespmem:v28+s26+$0x0] =	vst.idx.msk $0xffff, v25  }
0x104: {  	s20 =	sadd.s32 $0x2, s15;
	v56 =	vld [tilespmem:s14+$0x40];
	v48 =	vor.u32 s17, v1;
	[tilespmem:v34+s26+$0x0] =	vst.idx.msk $0xffff, v33  }
0x105: {  	v58 =	vld [tilespmem:s14+$0x50];
	v54 =	vor.u32 s20, v0;
	[tilespmem:v42+s26+$0x0] =	vst.idx.msk $0xffff, v22  }
0x106: {  	v60 =	vld [tilespmem:s14+$0xFFFFF060];
	v50 =	vor.u32 s17, v2;
	[tilespmem:v43+s26+$0x0] =	vst.idx.msk $0xffff, v21  }
0x107: {  	v62 =	vld [tilespmem:s14+$0xFFFFF070];
	v52 =	vor.u32 s17, v3;
	[tilespmem:v46+s26+$0x0] =	vst.idx.msk $0xffff, v45  }
0x108: {  	v55 =	vor.u32 s20, v1;
	v57 =	vor.u32 s20, v2;
	v59 =	vor.u32 s20, v3;
	s20 =	sadd.s32 $0x5, s15;
	[tilespmem:v44+s26+$0x0] =	vst.idx.msk $0xffff, v20;
	v20 =	vld [tilespmem:s14+$0xFFFFF050]  }
0x109: {  	s11 =	sadd.s32 $0x3, s15;
	v42 =	vld [tilespmem:s14+$0xFFFFF0A0];
	v43 =	vor.u32 s20, v0;
	[tilespmem:v48+s26+$0x0] =	vst.idx.msk $0xffff, v47  }
0x10a: {  	v35 =	vld [tilespmem:s14+$0xFFFFF080];
	v61 =	vor.u32 s11, v0;
	[tilespmem:v54+s26+$0x0] =	vst.idx.msk $0xffff, v53  }
0x10b: {  	v45 =	vor.u32 s20, v1;
	v44 =	vld [tilespmem:s14+$0xFFFFF0B0];
	[tilespmem:v50+s26+$0x0] =	vst.idx.msk $0xffff, v49  }
0x10c: {  	v63 =	vor.u32 s11, v1;
	v46 =	vld [tilespmem:s14+$0xA0];
	[tilespmem:v52+s26+$0x0] =	vst.idx.msk $0xffff, v51  }
0x10d: {  	v32 =	vor.u32 s11, v2;
	[tilespmem:v55+s26+$0x0] =	vst.idx.msk $0xffff, v20;
	v20 =	vld [tilespmem:s14+$0x60]  }
0x10e: {  	s17 =	sadd.s32 $0x4, s15;
	v48 =	vld [tilespmem:s14+$0xB0];
	[tilespmem:v43+s26+$0x0] =	vst.idx.msk $0xffff, v42  }
0x10f: {  	v36 =	vor.u32 s17, v0;
	v33 =	vld [tilespmem:s14+$0x70];
	[tilespmem:v61+s26+$0x0] =	vst.idx.msk $0xffff, v60  }
0x110: {  	v37 =	vld [tilespmem:s14+$0xFFFFF090];
	v38 =	vor.u32 s17, v1;
	[tilespmem:v45+s26+$0x0] =	vst.idx.msk $0xffff, v44  }
0x111: {  	v39 =	vld [tilespmem:s14+$0x80];
	v40 =	vor.u32 s17, v2;
	[tilespmem:v63+s26+$0x0] =	vst.idx.msk $0xffff, v62  }
0x112: {  	v41 =	vor.u32 s17, v3;
	[tilespmem:v32+s26+$0x0] =	vst.idx.msk $0xffff, v20;
	v20 =	vld [tilespmem:s14+$0x90]  }
0x113: {  	[tilespmem:v57+s26+$0x0] =	vst.idx.msk $0xffff, v56  }
0x114: {  	v47 =	vor.u32 s20, v2;
	[tilespmem:v36+s26+$0x0] =	vst.idx.msk $0xffff, v35  }
0x115: {  	v49 =	vor.u32 s20, v3;
	[tilespmem:v38+s26+$0x0] =	vst.idx.msk $0xffff, v37  }
0x116: {  	v34 =	vor.u32 s11, v3;
	s11 =	sadd.s32 $0x6, s15;
	v53 =	vld [tilespmem:s14+$0xC0];
	[tilespmem:v40+s26+$0x0] =	vst.idx.msk $0xffff, v39  }
0x117: {  	v50 =	vor.u32 s11, v0;
	[tilespmem:v41+s26+$0x0] =	vst.idx.msk $0xffff, v20;
	v20 =	vld [tilespmem:s14+$0xFFFFF0C0]  }
0x118: {  	v57 =	vld [tilespmem:s14+$0xFFFFF000];
	[tilespmem:v59+s26+$0x0] =	vst.idx.msk $0xffff, v58;
	v58 =	vor.u32 s15, v0  }
0x119: {  	v51 =	vld [tilespmem:s14+$0xFFFFF0D0];
	v52 =	vor.u32 s11, v1;
	[tilespmem:v47+s26+$0x0] =	vst.idx.msk $0xffff, v46  }
0x11a: {  	v54 =	vor.u32 s11, v2;
	v55 =	vld [tilespmem:s14+$0xD0];
	[tilespmem:v49+s26+$0x0] =	vst.idx.msk $0xffff, v48  }
0x11b: {  	v60 =	vld [tilespmem:s14+$0x0];
	v56 =	vor.u32 s11, v3;
	[tilespmem:v34+s26+$0x0] =	vst.idx.msk $0xffff, v33  }
0x11c: {  	s20 =	smul.u32 $0xA, s18;
	v59 =	vld [tilespmem:s14+$0xFFFFF010];
	[tilespmem:v50+s26+$0x0] =	vst.idx.msk $0xffff, v20;
	v20 =	vor.u32 s15, v1  }
0x11d: {  	v61 =	vor.u32 s15, v2;
	v62 =	vld [tilespmem:s14+$0x10];
	[tilespmem:v58+s26+$0x0] =	vst.idx.msk $0xffff, v57  }
0x11e: {  	s17 =	sadd.s32 s5, s20;
	v63 =	vor.u32 s15, v3;
	[tilespmem:v52+s26+$0x0] =	vst.idx.msk $0xffff, v51  }
0x11f: {  	s10 =	sshll.u32 s17, $0xC;
	s11 =	sshll.u32 s17, $0xA;
	[tilespmem:v54+s26+$0x0] =	vst.idx.msk $0xffff, v53  }
0x120: {  	s10 =	sand.u32 $0x7FF80000, s10;
	s11 =	sand.u32 $0x1F800, s11;
	[tilespmem:v56+s26+$0x0] =	vst.idx.msk $0xffff, v55  }
0x121: {  	s10 =	sor.u32 s11, s10;
	[tilespmem:v20+s26+$0x0] =	vst.idx.msk $0xffff, v59  }
0x122: {  	s10 =	sshrl.u32 s10, $0x3;
	[tilespmem:v61+s26+$0x0] =	vst.idx.msk $0xffff, v60  }
0x123: {  	s14 =	sadd.s32 s2, s10;
	[tilespmem:v63+s26+$0x0] =	vst.idx.msk $0xffff, v62  }
0x124: {  	[hbm4b:s14+s3] =	stream.linear.scatter [tilespmem:s26], [sflag:$0x6], $0x400, $0x38;
	[tilespmem:$0x1A400] =	vst v63  }
0x125: {  	s17 =	simm.s32 $0x10800;
	s15 =	sadd.s32 s10, s7  }
0x126: {  	[hbm4b:s15+s3] =	stream.linear.scatter [tilespmem:s17], [sflag:$0x6], $0x400, $0x38;
	[tilespmem:$0x1A400] =	vst v63  }
0x127: {  	s15 =	sadd.s32 s10, s8;
	s17 =	simm.s32 $0x10C00  }
0x128: {  	[hbm4b:s15+s3] =	stream.linear.scatter [tilespmem:s17], [sflag:$0x6], $0x400, $0x38;
	[tilespmem:$0x1A400] =	vst v63  }
0x129: {  	s15 =	sadd.s32 s10, s9;
	s17 =	simm.s32 $0x11000;
	s10 =	sor.u32 $0x80, s10  }
0x12a: {  	[hbm4b:s15+s3] =	stream.linear.scatter [tilespmem:s17], [sflag:$0x6], $0x400, $0x38;
	[tilespmem:$0x1A400] =	vst v63  }
0x12b: {  	s15 =	sadd.s32 s2, s10;
	s17 =	simm.s32 $0x11400  }
0x12c: {  	[hbm4b:s15+s3] =	stream.linear.scatter [tilespmem:s17], [sflag:$0x7], $0x400, $0x38;
	[tilespmem:$0x1A400] =	vst v63  }
0x12d: {  	p1 =	sne.s32 s18, $0x13;
	s15 =	sadd.s32 s10, s7;
	s17 =	simm.s32 $0x11800  }
0x12e: {  	[hbm4b:s15+s3] =	stream.linear.scatter [tilespmem:s17], [sflag:$0x7], $0x400, $0x38;
	[tilespmem:$0x1A400] =	vst v63  }
.Ltmp3:
0x12f: {  	_ = 	snop;
	(pc) =	sbr.rel @p1 .LBB2_6-.Ltmp3, $4  }
0x130: {  	s14 =	sadd.s32 s10, s8;
	s15 =	simm.s32 $0x11C00  }
0x131: {  	[hbm4b:s14+s3] =	stream.linear.scatter [tilespmem:s15], [sflag:$0x7], $0x400, $0x38;
	[tilespmem:$0x1A400] =	vst v63  }
0x132: {  	s10 =	sadd.s32 s10, s9;
	s17 =	simm.s32 $0x12000  }
0x133: {  	[hbm4b:s10+s3] =	stream.linear.scatter [tilespmem:s17], [sflag:$0x7], $0x400, $0x38;
	[tilespmem:$0x1A400] =	vst v63  }
.Ltmp4:
0x134: {  	(pc) =	sbr.rel .LBB2_7-.Ltmp4, $4  }
0x135: {  	_ = 	snop  }
0x136: {  	_ =	swait.ge [sflag:s21], $0x2000  }
0x137: {  	[sflag:s21] =	ssyncset.done $0x0  }
0x138: {  	[sflag:s21] =	ssyncadd.s32 $0xFFFFE000  }
.LBB2_6:
0x139: {  	s10 =	smul.u32 $0x1400, s18;
	_ =	sdelay $0x1  }
0x13a: {  	s10 =	sshra.s32 s10, $0x2  }
.Ltmp5:
0x13b: {  	s11 =	simm.s32 $0x6400;
	s10 =	sadd.s32 $0x500, s10;
	(pc) =	sbr.rel @p0 .LBB2_8-.Ltmp5, $4  }
0x13c: {  	[tilespmem:s11], [sflag:$0x1] =	stream.indirect.gather [hbm4b:s4+s16], $0x20, s10, s16, $0xb8;
	[tilespmem:$0x1A400] =	vst v63  }
0x13d: {  	_ =	swait.ge [sflag:s21], $0x2000  }
0x13e: {  	[sflag:s21] =	ssyncset.done $0x0  }
0x13f: {  	[sflag:s21] =	ssyncadd.s32 $0xFFFFE000  }
.LBB2_7:
0x140: {  	_ =	swait.ge [sflag:s23], $0x400  }
0x141: {  	[sflag:s23] =	ssyncset.done $0x0  }
0x142: {  	[sflag:s23] =	ssyncadd.s32 $0xFFFFFC00  }
0x143: {  	_ =	swait.ge [sflag:s23], $0x400  }
0x144: {  	[sflag:s23] =	ssyncset.done $0x0  }
0x145: {  	[sflag:s23] =	ssyncadd.s32 $0xFFFFFC00  }
0x146: {  	_ =	swait.ge [sflag:s23], $0x400  }
0x147: {  	[sflag:s23] =	ssyncset.done $0x0  }
0x148: {  	[sflag:s23] =	ssyncadd.s32 $0xFFFFFC00  }
0x149: {  	_ =	swait.ge [sflag:s23], $0x400  }
0x14a: {  	[sflag:s23] =	ssyncset.done $0x0  }
0x14b: {  	[sflag:s23] =	ssyncadd.s32 $0xFFFFFC00  }
0x14c: {  	_ =	swait.ge [sflag:s6], $0x400  }
0x14d: {  	[sflag:s6] =	ssyncset.done $0x0  }
0x14e: {  	[sflag:s6] =	ssyncadd.s32 $0xFFFFFC00  }
0x14f: {  	_ =	swait.ge [sflag:s6], $0x400  }
0x150: {  	[sflag:s6] =	ssyncset.done $0x0  }
0x151: {  	[sflag:s6] =	ssyncadd.s32 $0xFFFFFC00  }
0x152: {  	_ =	swait.ge [sflag:s6], $0x400  }
0x153: {  	[sflag:s6] =	ssyncset.done $0x0  }
0x154: {  	[sflag:s6] =	ssyncadd.s32 $0xFFFFFC00  }
0x155: {  	_ =	swait.ge [sflag:s6], $0x400  }
0x156: {  	[sflag:s6] =	ssyncset.done $0x0  }
0x157: {  	[sflag:s6] =	ssyncadd.s32 $0xFFFFFC00  }
.LBB2_8:
0x158: {  	s10 =	simm.s32 $0x94F0  }
0x159: {  	v23 =	vld [tilespmem:s10+$0xFFFFEFF0]  }
0x15a: {  	v24 =	vld [tilespmem:s10+$0xFFFFF000]  }
0x15b: {  	s11 =	simm.s32 $0x7;
	v25 =	vld [tilespmem:s10+$0xFFFFFFF0]  }
0x15c: {  	v26 =	vor.u32 s11, v4;
	v27 =	vld [tilespmem:s10+$0x0]  }
0x15d: {  	v28 =	vor.u32 s11, v5;
	v22 =	vld [tilespmem:s10+$0xFFFFEF20]  }
0x15e: {  	v29 =	vor.u32 s11, v6;
	v21 =	vld [tilespmem:s10+$0xFFFFFF10]  }
0x15f: {  	s17 =	simm.s32 $0x1;
	v30 =	vor.u32 s11, v7;
	v20 =	vld [tilespmem:s10+$0xFFFFFF20]  }
0x160: {  	v31 =	vld [tilespmem:s10+$0xFFFFEF30];
	v32 =	vor.u32 s17, v4  }
0x161: {  	[tilespmem:v26+s26+$0x0] =	vst.idx.msk $0xffff, v23;
	v23 =	vld [tilespmem:s10+$0xFFFFEF40];
	v26 =	vor.u32 s17, v5  }
0x162: {  	[tilespmem:v28+s26+$0x0] =	vst.idx.msk $0xffff, v24;
	v24 =	vld [tilespmem:s10+$0xFFFFFF30];
	v28 =	vor.u32 s17, v6  }
0x163: {  	s14 =	simm.s32 $0x2;
	[tilespmem:v29+s26+$0x0] =	vst.idx.msk $0xffff, v25;
	v25 =	vld [tilespmem:s10+$0xFFFFFF40];
	v29 =	vor.u32 s17, v7  }
0x164: {  	[tilespmem:v30+s26+$0x0] =	vst.idx.msk $0xffff, v27;
	v27 =	vld [tilespmem:s10+$0xFFFFEF50];
	v30 =	vor.u32 s14, v4  }
0x165: {  	v60 =	vor.u32 s14, v5;
	[tilespmem:v32+s26+$0x0] =	vst.idx.msk $0xffff, v31;
	v31 =	vld [tilespmem:s10+$0xFFFFEF60]  }
0x166: {  	[tilespmem:v26+s26+$0x0] =	vst.idx.msk $0xffff, v23;
	v23 =	vld [tilespmem:s10+$0xFFFFFF50];
	v26 =	vor.u32 s14, v6  }
0x167: {  	s15 =	simm.s32 $0x3;
	[tilespmem:v28+s26+$0x0] =	vst.idx.msk $0xffff, v24;
	v24 =	vld [tilespmem:s10+$0xFFFFFF60];
	v28 =	vor.u32 s14, v7  }
0x168: {  	[tilespmem:v29+s26+$0x0] =	vst.idx.msk $0xffff, v25;
	v25 =	vld [tilespmem:s10+$0xFFFFEF70];
	v29 =	vor.u32 s15, v4  }
0x169: {  	[tilespmem:v30+s26+$0x0] =	vst.idx.msk $0xffff, v27;
	v27 =	vld [tilespmem:s10+$0xFFFFEF80];
	v30 =	vor.u32 s15, v5  }
0x16a: {  	v61 =	vor.u32 s15, v6;
	[tilespmem:v60+s26+$0x0] =	vst.idx.msk $0xffff, v31;
	v31 =	vld [tilespmem:s10+$0xFFFFFF70]  }
0x16b: {  	s17 =	simm.s32 $0x4;
	[tilespmem:v26+s26+$0x0] =	vst.idx.msk $0xffff, v23;
	v23 =	vld [tilespmem:s10+$0xFFFFFF80];
	v26 =	vor.u32 s15, v7  }
0x16c: {  	[tilespmem:v28+s26+$0x0] =	vst.idx.msk $0xffff, v24;
	v24 =	vld [tilespmem:s10+$0xFFFFEF90];
	v28 =	vor.u32 s17, v4  }
0x16d: {  	[tilespmem:v29+s26+$0x0] =	vst.idx.msk $0xffff, v25;
	v25 =	vld [tilespmem:s10+$0xFFFFEFA0];
	v29 =	vor.u32 s17, v5  }
0x16e: {  	[tilespmem:v30+s26+$0x0] =	vst.idx.msk $0xffff, v27;
	v27 =	vld [tilespmem:s10+$0xFFFFFF90];
	v30 =	vor.u32 s17, v6  }
0x16f: {  	v62 =	vor.u32 s17, v7;
	s14 =	simm.s32 $0x5;
	[tilespmem:v61+s26+$0x0] =	vst.idx.msk $0xffff, v31;
	v31 =	vld [tilespmem:s10+$0xFFFFFFA0]  }
0x170: {  	[tilespmem:v26+s26+$0x0] =	vst.idx.msk $0xffff, v23;
	v23 =	vld [tilespmem:s10+$0xFFFFEFB0];
	v26 =	vor.u32 s14, v4  }
0x171: {  	[tilespmem:v28+s26+$0x0] =	vst.idx.msk $0xffff, v24;
	v24 =	vld [tilespmem:s10+$0xFFFFEFC0];
	v28 =	vor.u32 s14, v5  }
0x172: {  	[tilespmem:v29+s26+$0x0] =	vst.idx.msk $0xffff, v25;
	v25 =	vld [tilespmem:s10+$0xFFFFFFB0];
	v29 =	vor.u32 s14, v6  }
0x173: {  	s15 =	simm.s32 $0x6;
	[tilespmem:v30+s26+$0x0] =	vst.idx.msk $0xffff, v27;
	v27 =	vld [tilespmem:s10+$0xFFFFFFC0];
	v30 =	vor.u32 s14, v7  }
0x174: {  	v63 =	vor.u32 s15, v4;
	[tilespmem:v62+s26+$0x0] =	vst.idx.msk $0xffff, v31;
	v31 =	vld [tilespmem:s10+$0xFFFFEFD0]  }
0x175: {  	v33 =	vld [tilespmem:s10+$0xFFFFEFE0];
	v34 =	vor.u32 s15, v5;
	[tilespmem:v26+s26+$0x0] =	vst.idx.msk $0xffff, v23  }
0x176: {  	v35 =	vld [tilespmem:s10+$0xFFFFFFD0];
	v36 =	vor.u32 s15, v6;
	[tilespmem:v28+s26+$0x0] =	vst.idx.msk $0xffff, v24  }
0x177: {  	s17 =	simm.s32 $0x0;
	v23 =	vld [tilespmem:s10+$0xFFFFFFE0];
	[tilespmem:v29+s26+$0x0] =	vst.idx.msk $0xffff, v25;
	v29 =	vor.u32 s15, v7  }
0x178: {  	s11 =	simm.s32 $0xF;
	s14 =	simm.s32 $0x95F0;
	v24 =	vld [tilespmem:s10+$0xFFFFEF10];
	[tilespmem:v30+s26+$0x0] =	vst.idx.msk $0xffff, v27;
	v30 =	vor.u32 s17, v4  }
0x179: {  	v32 =	vor.u32 s11, v4;
	v26 =	vld [tilespmem:s14+$0xFFFFEFF0];
	[tilespmem:v63+s26+$0x0] =	vst.idx.msk $0xffff, v31  }
0x17a: {  	v27 =	vld [tilespmem:s14+$0xFFFFF000];
	v31 =	vor.u32 s11, v5;
	[tilespmem:v34+s26+$0x0] =	vst.idx.msk $0xffff, v33  }
0x17b: {  	v28 =	vor.u32 s11, v6;
	s10 =	simm.s32 $0x10;
	s15 =	simm.s32 $0x8;
	v25 =	vld [tilespmem:s14+$0xFFFFFFF0];
	[tilespmem:v36+s26+$0x0] =	vst.idx.msk $0xffff, v35  }
.LBB2_9:
0x17c: {  	p2 =	slt.u32 s10, $0x78;
	v33 =	vld [tilespmem:s14+$0x0];
	v34 =	vor.u32 s11, v7;
	[tilespmem:v29+s26+$0x0] =	vst.idx.msk $0xffff, v23  }
0x17d: {  	v23 =	vld [tilespmem:s14+$0xFFFFEF20];
	[tilespmem:v30+s26+$0x0] =	vst.idx.msk $0xffff, v24;
	v24 =	vor.u32 s17, v5  }
0x17e: {  	v29 =	vld [tilespmem:s14+$0xFFFFFF10];
	[tilespmem:v32+s26+$0x0] =	vst.idx.msk $0xffff, v26;
	v26 =	vor.u32 s17, v6  }
0x17f: {  	s11 =	sadd.s32 $0x1, s15;
	v30 =	vld [tilespmem:s14+$0xFFFFFF20];
	[tilespmem:v31+s26+$0x0] =	vst.idx.msk $0xffff, v27;
	v27 =	vor.u32 s17, v7;
	s17 =	smov.u32 s15;
	s15 =	smov.u32 s10  }
0x180: {  	v32 =	vor.u32 s11, v4;
	v31 =	vld [tilespmem:s14+$0xFFFFEF30];
	[tilespmem:v28+s26+$0x0] =	vst.idx.msk $0xffff, v25  }
0x181: {  	v28 =	vor.u32 s11, v5;
	v25 =	vld [tilespmem:s14+$0xFFFFEF40];
	[tilespmem:v34+s26+$0x0] =	vst.idx.msk $0xffff, v33  }
0x182: {  	v34 =	vor.u32 s11, v6;
	v33 =	vld [tilespmem:s14+$0xFFFFFF30];
	[tilespmem:v24+s26+$0x0] =	vst.idx.msk $0xffff, v22;
	v22 =	vmov v23  }
0x183: {  	v24 =	vor.u32 s11, v7;
	s11 =	sadd.s32 $0x2, s17;
	v23 =	vld [tilespmem:s14+$0xFFFFFF40];
	[tilespmem:v26+s26+$0x0] =	vst.idx.msk $0xffff, v21;
	v21 =	vmov v29  }
0x184: {  	v29 =	vor.u32 s11, v4;
	v26 =	vld [tilespmem:s14+$0xFFFFEF50];
	[tilespmem:v27+s26+$0x0] =	vst.idx.msk $0xffff, v20;
	v20 =	vmov v30  }
0x185: {  	v30 =	vor.u32 s11, v5;
	[tilespmem:v32+s26+$0x0] =	vst.idx.msk $0xffff, v31;
	v27 =	vld [tilespmem:s14+$0xFFFFEF60]  }
0x186: {  	[tilespmem:v28+s26+$0x0] =	vst.idx.msk $0xffff, v25;
	v25 =	vld [tilespmem:s14+$0xFFFFFF50];
	v28 =	vor.u32 s11, v6  }
0x187: {  	v32 =	vor.u32 s11, v7;
	s11 =	sadd.s32 $0x3, s17;
	[tilespmem:v34+s26+$0x0] =	vst.idx.msk $0xffff, v33;
	v31 =	vld [tilespmem:s14+$0xFFFFFF60]  }
0x188: {  	[tilespmem:v24+s26+$0x0] =	vst.idx.msk $0xffff, v23;
	v23 =	vld [tilespmem:s14+$0xFFFFEF70];
	v24 =	vor.u32 s11, v4  }
0x189: {  	[tilespmem:v29+s26+$0x0] =	vst.idx.msk $0xffff, v26;
	v26 =	vld [tilespmem:s14+$0xFFFFEF80];
	v29 =	vor.u32 s11, v5  }
0x18a: {  	[tilespmem:v30+s26+$0x0] =	vst.idx.msk $0xffff, v27;
	v27 =	vld [tilespmem:s14+$0xFFFFFF70];
	v30 =	vor.u32 s11, v6  }
0x18b: {  	[tilespmem:v28+s26+$0x0] =	vst.idx.msk $0xffff, v25;
	v25 =	vld [tilespmem:s14+$0xFFFFFF80];
	v28 =	vor.u32 s11, v7;
	s11 =	sadd.s32 $0x4, s17  }
0x18c: {  	[tilespmem:v32+s26+$0x0] =	vst.idx.msk $0xffff, v31;
	v31 =	vld [tilespmem:s14+$0xFFFFEF90];
	v32 =	vor.u32 s11, v4  }
0x18d: {  	[tilespmem:v24+s26+$0x0] =	vst.idx.msk $0xffff, v23;
	v23 =	vld [tilespmem:s14+$0xFFFFEFA0];
	v24 =	vor.u32 s11, v5  }
0x18e: {  	[tilespmem:v29+s26+$0x0] =	vst.idx.msk $0xffff, v26;
	v26 =	vld [tilespmem:s14+$0xFFFFFF90];
	v29 =	vor.u32 s11, v6  }
0x18f: {  	[tilespmem:v30+s26+$0x0] =	vst.idx.msk $0xffff, v27;
	v27 =	vld [tilespmem:s14+$0xFFFFFFA0];
	v30 =	vor.u32 s11, v7;
	s11 =	sadd.s32 $0x5, s17  }
0x190: {  	[tilespmem:v28+s26+$0x0] =	vst.idx.msk $0xffff, v25;
	v25 =	vld [tilespmem:s14+$0xFFFFEFB0];
	v28 =	vor.u32 s11, v4  }
0x191: {  	[tilespmem:v32+s26+$0x0] =	vst.idx.msk $0xffff, v31;
	v31 =	vld [tilespmem:s14+$0xFFFFEFC0];
	v32 =	vor.u32 s11, v5  }
0x192: {  	[tilespmem:v24+s26+$0x0] =	vst.idx.msk $0xffff, v23;
	v23 =	vld [tilespmem:s14+$0xFFFFFFB0];
	v24 =	vor.u32 s11, v6  }
0x193: {  	v33 =	vor.u32 s11, v7;
	s11 =	sadd.s32 $0x6, s17;
	[tilespmem:v29+s26+$0x0] =	vst.idx.msk $0xffff, v26;
	v26 =	vld [tilespmem:s14+$0xFFFFFFC0]  }
0x194: {  	v34 =	vor.u32 s11, v4;
	[tilespmem:v30+s26+$0x0] =	vst.idx.msk $0xffff, v27;
	v27 =	vld [tilespmem:s14+$0xFFFFEFD0]  }
0x195: {  	[tilespmem:v28+s26+$0x0] =	vst.idx.msk $0xffff, v25;
	v25 =	vld [tilespmem:s14+$0xFFFFEFE0];
	v28 =	vor.u32 s11, v5  }
0x196: {  	v36 =	vor.u32 s11, v6;
	[tilespmem:v32+s26+$0x0] =	vst.idx.msk $0xffff, v31;
	v35 =	vld [tilespmem:s14+$0xFFFFFFD0]  }
.Ltmp6:
0x197: {  	v29 =	vor.u32 s11, v7;
	[tilespmem:v24+s26+$0x0] =	vst.idx.msk $0xffff, v23;
	v23 =	vld [tilespmem:s14+$0xFFFFFFE0];
	(pc) =	sbr.rel @p2 .LBB2_9-.Ltmp6, $4  }
0x198: {  	v30 =	vor.u32 s17, v4;
	s11 =	sadd.s32 $0x7, s10;
	v24 =	vld [tilespmem:s14+$0xFFFFEF10];
	[tilespmem:v33+s26+$0x0] =	vst.idx.msk $0xffff, v26;
	s14 =	sadd.s32 $0x100, s14  }
0x199: {  	v32 =	vor.u32 s11, v4;
	v26 =	vld [tilespmem:s14+$0xFFFFEFF0];
	[tilespmem:v34+s26+$0x0] =	vst.idx.msk $0xffff, v27  }
0x19a: {  	v31 =	vor.u32 s11, v5;
	v27 =	vld [tilespmem:s14+$0xFFFFF000];
	[tilespmem:v28+s26+$0x0] =	vst.idx.msk $0xffff, v25  }
0x19b: {  	s10 =	sadd.s32 $0x8, s10;
	v28 =	vor.u32 s11, v6;
	v25 =	vld [tilespmem:s14+$0xFFFFFFF0];
	[tilespmem:v36+s26+$0x0] =	vst.idx.msk $0xffff, v35  }
0x19c: {  	_ =	sdelay $0x1  }
0x19d: {  	v33 =	vld [tilespmem:s14+$0x0]  }
0x19e: {  	v45 =	vld [tilespmem:s14+$0xFFFFEF30]  }
0x19f: {  	v34 =	vor.u32 s11, v7;
	[tilespmem:v29+s26+$0x0] =	vst.idx.msk $0xffff, v23;
	v47 =	vld [tilespmem:s14+$0xFFFFEF40]  }
0x1a0: {  	v42 =	vor.u32 s17, v5;
	v49 =	vld [tilespmem:s14+$0xFFFFFF30];
	[tilespmem:v30+s26+$0x0] =	vst.idx.msk $0xffff, v24  }
0x1a1: {  	v43 =	vor.u32 s17, v6;
	s10 =	sadd.s32 $0x1, s15;
	v51 =	vld [tilespmem:s14+$0xFFFFFF40];
	[tilespmem:v32+s26+$0x0] =	vst.idx.msk $0xffff, v26  }
0x1a2: {  	v53 =	vld [tilespmem:s14+$0xFFFFEF50];
	v46 =	vor.u32 s10, v4;
	[tilespmem:v31+s26+$0x0] =	vst.idx.msk $0xffff, v27  }
0x1a3: {  	v44 =	vor.u32 s17, v7;
	v56 =	vld [tilespmem:s14+$0xFFFFFF50];
	[tilespmem:v28+s26+$0x0] =	vst.idx.msk $0xffff, v25  }
0x1a4: {  	s17 =	sadd.s32 $0x2, s15;
	v58 =	vld [tilespmem:s14+$0xFFFFFF60];
	v48 =	vor.u32 s10, v5;
	[tilespmem:v34+s26+$0x0] =	vst.idx.msk $0xffff, v33  }
0x1a5: {  	v60 =	vld [tilespmem:s14+$0xFFFFEF70];
	v54 =	vor.u32 s17, v4;
	[tilespmem:v42+s26+$0x0] =	vst.idx.msk $0xffff, v22  }
0x1a6: {  	s11 =	sadd.s32 $0x3, s15;
	v62 =	vld [tilespmem:s14+$0xFFFFEF80];
	v50 =	vor.u32 s10, v6;
	[tilespmem:v43+s26+$0x0] =	vst.idx.msk $0xffff, v21  }
0x1a7: {  	v52 =	vor.u32 s10, v7;
	v55 =	vor.u32 s17, v5;
	v61 =	vor.u32 s11, v4;
	[tilespmem:v46+s26+$0x0] =	vst.idx.msk $0xffff, v45  }
0x1a8: {  	v63 =	vor.u32 s11, v5;
	v32 =	vor.u32 s11, v6;
	v34 =	vor.u32 s11, v7;
	s11 =	sadd.s32 $0x5, s15;
	[tilespmem:v44+s26+$0x0] =	vst.idx.msk $0xffff, v20;
	v20 =	vld [tilespmem:s14+$0xFFFFEF60]  }
0x1a9: {  	v42 =	vld [tilespmem:s14+$0xFFFFEFB0];
	v43 =	vor.u32 s11, v4;
	[tilespmem:v48+s26+$0x0] =	vst.idx.msk $0xffff, v47  }
0x1aa: {  	v35 =	vld [tilespmem:s14+$0xFFFFEF90];
	[tilespmem:v54+s26+$0x0] =	vst.idx.msk $0xffff, v53  }
0x1ab: {  	v45 =	vor.u32 s11, v5;
	v44 =	vld [tilespmem:s14+$0xFFFFEFC0];
	[tilespmem:v50+s26+$0x0] =	vst.idx.msk $0xffff, v49  }
0x1ac: {  	v46 =	vld [tilespmem:s14+$0xFFFFFFB0];
	[tilespmem:v52+s26+$0x0] =	vst.idx.msk $0xffff, v51  }
0x1ad: {  	[tilespmem:v55+s26+$0x0] =	vst.idx.msk $0xffff, v20;
	v20 =	vld [tilespmem:s14+$0xFFFFFF70]  }
0x1ae: {  	v57 =	vor.u32 s17, v6;
	v59 =	vor.u32 s17, v7;
	s17 =	sadd.s32 $0x4, s15;
	v48 =	vld [tilespmem:s14+$0xFFFFFFC0];
	[tilespmem:v43+s26+$0x0] =	vst.idx.msk $0xffff, v42  }
0x1af: {  	v36 =	vor.u32 s17, v4;
	v33 =	vld [tilespmem:s14+$0xFFFFFF80];
	[tilespmem:v61+s26+$0x0] =	vst.idx.msk $0xffff, v60  }
0x1b0: {  	v37 =	vld [tilespmem:s14+$0xFFFFEFA0];
	v38 =	vor.u32 s17, v5;
	[tilespmem:v45+s26+$0x0] =	vst.idx.msk $0xffff, v44  }
0x1b1: {  	v39 =	vld [tilespmem:s14+$0xFFFFFF90];
	v40 =	vor.u32 s17, v6;
	[tilespmem:v63+s26+$0x0] =	vst.idx.msk $0xffff, v62  }
0x1b2: {  	v41 =	vor.u32 s17, v7;
	[tilespmem:v32+s26+$0x0] =	vst.idx.msk $0xffff, v20;
	v20 =	vld [tilespmem:s14+$0xFFFFFFA0]  }
0x1b3: {  	v47 =	vor.u32 s11, v6;
	[tilespmem:v57+s26+$0x0] =	vst.idx.msk $0xffff, v56  }
0x1b4: {  	[tilespmem:v36+s26+$0x0] =	vst.idx.msk $0xffff, v35  }
0x1b5: {  	v49 =	vor.u32 s11, v7;
	[tilespmem:v38+s26+$0x0] =	vst.idx.msk $0xffff, v37  }
0x1b6: {  	s17 =	sadd.s32 $0x6, s15;
	[tilespmem:v40+s26+$0x0] =	vst.idx.msk $0xffff, v39  }
0x1b7: {  	v50 =	vor.u32 s17, v4;
	[tilespmem:v41+s26+$0x0] =	vst.idx.msk $0xffff, v20;
	v20 =	vld [tilespmem:s14+$0xFFFFEFD0]  }
0x1b8: {  	v51 =	vld [tilespmem:s14+$0xFFFFEFE0];
	v52 =	vor.u32 s17, v5;
	[tilespmem:v47+s26+$0x0] =	vst.idx.msk $0xffff, v46  }
0x1b9: {  	v53 =	vld [tilespmem:s14+$0xFFFFFFD0];
	v54 =	vor.u32 s17, v6;
	[tilespmem:v59+s26+$0x0] =	vst.idx.msk $0xffff, v58  }
0x1ba: {  	[tilespmem:v49+s26+$0x0] =	vst.idx.msk $0xffff, v48  }
0x1bb: {  	[tilespmem:v34+s26+$0x0] =	vst.idx.msk $0xffff, v33  }
0x1bc: {  	v55 =	vld [tilespmem:s14+$0xFFFFFFE0];
	v56 =	vor.u32 s17, v7;
	[tilespmem:v50+s26+$0x0] =	vst.idx.msk $0xffff, v20  }
0x1bd: {  	v57 =	vld [tilespmem:s14+$0xFFFFEF10];
	v58 =	vor.u32 s15, v4;
	[tilespmem:v52+s26+$0x0] =	vst.idx.msk $0xffff, v51  }
0x1be: {  	v59 =	vld [tilespmem:s14+$0xFFFFEF20];
	v20 =	vor.u32 s15, v5;
	[tilespmem:v54+s26+$0x0] =	vst.idx.msk $0xffff, v53  }
0x1bf: {  	v60 =	vld [tilespmem:s14+$0xFFFFFF10];
	v61 =	vor.u32 s15, v6;
	s11 =	rddreg [dreg:$0x4]  }
0x1c0: {  	v62 =	vld [tilespmem:s14+$0xFFFFFF20];
	v63 =	vor.u32 s15, v7;
	s10 =	sadd.s32 s20, s11  }
0x1c1: {  	[tilespmem:v56+s26+$0x0] =	vst.idx.msk $0xffff, v55;
	s14 =	sshll.u32 s10, $0xA;
	s10 =	sshll.u32 s10, $0xC  }
0x1c2: {  	[tilespmem:v58+s26+$0x0] =	vst.idx.msk $0xffff, v57;
	s11 =	sand.u32 $0x1F800, s14;
	s10 =	sand.u32 $0x7FF80000, s10  }
0x1c3: {  	[tilespmem:v20+s26+$0x0] =	vst.idx.msk $0xffff, v59;
	s10 =	sor.u32 s11, s10  }
0x1c4: {  	[tilespmem:v61+s26+$0x0] =	vst.idx.msk $0xffff, v60;
	s10 =	sshrl.u32 s10, $0x3  }
0x1c5: {  	s17 =	simm.s32 $0x12400;
	[tilespmem:v63+s26+$0x0] =	vst.idx.msk $0xffff, v62;
	s15 =	sadd.s32 s2, s10  }
0x1c6: {  	[hbm4b:s15+s3] =	stream.linear.scatter [tilespmem:s17], [sflag:$0x8], $0x400, $0x38;
	[tilespmem:$0x1A400] =	vst v63  }
0x1c7: {  	s15 =	sadd.s32 s10, s7;
	s17 =	simm.s32 $0x12800  }
0x1c8: {  	[hbm4b:s15+s3] =	stream.linear.scatter [tilespmem:s17], [sflag:$0x8], $0x400, $0x38;
	[tilespmem:$0x1A400] =	vst v63  }
0x1c9: {  	s15 =	sadd.s32 s10, s8;
	s17 =	simm.s32 $0x12C00  }
0x1ca: {  	[hbm4b:s15+s3] =	stream.linear.scatter [tilespmem:s17], [sflag:$0x8], $0x400, $0x38;
	[tilespmem:$0x1A400] =	vst v63  }
0x1cb: {  	s15 =	sadd.s32 s10, s9;
	s17 =	simm.s32 $0x13000;
	s10 =	sor.u32 $0x80, s10  }
0x1cc: {  	[hbm4b:s15+s3] =	stream.linear.scatter [tilespmem:s17], [sflag:$0x8], $0x400, $0x38;
	[tilespmem:$0x1A400] =	vst v63  }
0x1cd: {  	s15 =	sadd.s32 s2, s10;
	s17 =	simm.s32 $0x13400  }
0x1ce: {  	[hbm4b:s15+s3] =	stream.linear.scatter [tilespmem:s17], [sflag:$0x9], $0x400, $0x38;
	[tilespmem:$0x1A400] =	vst v63  }
0x1cf: {  	s15 =	sadd.s32 s10, s7;
	s17 =	simm.s32 $0x13800  }
0x1d0: {  	[hbm4b:s15+s3] =	stream.linear.scatter [tilespmem:s17], [sflag:$0x9], $0x400, $0x38;
	[tilespmem:$0x1A400] =	vst v63  }
.Ltmp7:
0x1d1: {  	_ = 	snop;
	(pc) =	sbr.rel @p1 .LBB2_12-.Ltmp7, $4  }
0x1d2: {  	s14 =	sadd.s32 s10, s8;
	s15 =	simm.s32 $0x13C00  }
0x1d3: {  	[hbm4b:s14+s3] =	stream.linear.scatter [tilespmem:s15], [sflag:$0x9], $0x400, $0x38;
	[tilespmem:$0x1A400] =	vst v63  }
0x1d4: {  	s10 =	sadd.s32 s10, s9;
	s17 =	simm.s32 $0x14000  }
0x1d5: {  	[hbm4b:s10+s3] =	stream.linear.scatter [tilespmem:s17], [sflag:$0x9], $0x400, $0x38;
	[tilespmem:$0x1A400] =	vst v63  }
.Ltmp8:
0x1d6: {  	(pc) =	sbr.rel .LBB2_13-.Ltmp8, $4  }
0x1d7: {  	_ = 	snop  }
0x1d8: {  	_ =	swait.ge [sflag:s29], $0x2000  }
0x1d9: {  	[sflag:s29] =	ssyncset.done $0x0  }
0x1da: {  	[sflag:s29] =	ssyncadd.s32 $0xFFFFE000  }
.LBB2_12:
0x1db: {  	s10 =	smul.u32 $0x1400, s18;
	_ =	sdelay $0x1  }
0x1dc: {  	s10 =	sshra.s32 s10, $0x2  }
.Ltmp9:
0x1dd: {  	s11 =	simm.s32 $0x8400;
	s10 =	sadd.s32 $0x600, s10;
	(pc) =	sbr.rel @p0 .LBB2_14-.Ltmp9, $4  }
0x1de: {  	[tilespmem:s11], [sflag:$0x2] =	stream.indirect.gather [hbm4b:s4+s16], $0x20, s10, s16, $0xb8;
	[tilespmem:$0x1A400] =	vst v63  }
0x1df: {  	_ =	swait.ge [sflag:s29], $0x2000  }
0x1e0: {  	[sflag:s29] =	ssyncset.done $0x0  }
0x1e1: {  	[sflag:s29] =	ssyncadd.s32 $0xFFFFE000  }
.LBB2_13:
0x1e2: {  	_ =	swait.ge [sflag:s30], $0x400  }
0x1e3: {  	[sflag:s30] =	ssyncset.done $0x0  }
0x1e4: {  	[sflag:s30] =	ssyncadd.s32 $0xFFFFFC00  }
0x1e5: {  	_ =	swait.ge [sflag:s30], $0x400  }
0x1e6: {  	[sflag:s30] =	ssyncset.done $0x0  }
0x1e7: {  	[sflag:s30] =	ssyncadd.s32 $0xFFFFFC00  }
0x1e8: {  	_ =	swait.ge [sflag:s30], $0x400  }
0x1e9: {  	[sflag:s30] =	ssyncset.done $0x0  }
0x1ea: {  	[sflag:s30] =	ssyncadd.s32 $0xFFFFFC00  }
0x1eb: {  	_ =	swait.ge [sflag:s30], $0x400  }
0x1ec: {  	[sflag:s30] =	ssyncset.done $0x0  }
0x1ed: {  	[sflag:s30] =	ssyncadd.s32 $0xFFFFFC00  }
0x1ee: {  	_ =	swait.ge [sflag:s31], $0x400  }
0x1ef: {  	[sflag:s31] =	ssyncset.done $0x0  }
0x1f0: {  	[sflag:s31] =	ssyncadd.s32 $0xFFFFFC00  }
0x1f1: {  	_ =	swait.ge [sflag:s31], $0x400  }
0x1f2: {  	[sflag:s31] =	ssyncset.done $0x0  }
0x1f3: {  	[sflag:s31] =	ssyncadd.s32 $0xFFFFFC00  }
0x1f4: {  	_ =	swait.ge [sflag:s31], $0x400  }
0x1f5: {  	[sflag:s31] =	ssyncset.done $0x0  }
0x1f6: {  	[sflag:s31] =	ssyncadd.s32 $0xFFFFFC00  }
0x1f7: {  	_ =	swait.ge [sflag:s31], $0x400  }
0x1f8: {  	[sflag:s31] =	ssyncset.done $0x0  }
0x1f9: {  	[sflag:s31] =	ssyncadd.s32 $0xFFFFFC00  }
.LBB2_14:
0x1fa: {  	s10 =	simm.s32 $0xA400  }
0x1fb: {  	v23 =	vld [tilespmem:s10+$0xE0]  }
0x1fc: {  	v24 =	vld [tilespmem:s10+$0xF0]  }
0x1fd: {  	s11 =	simm.s32 $0x7;
	v25 =	vld [tilespmem:s10+$0x10E0]  }
0x1fe: {  	v26 =	vor.u32 s11, v8;
	v27 =	vld [tilespmem:s10+$0x10F0]  }
0x1ff: {  	v28 =	vor.u32 s11, v9;
	v22 =	vld [tilespmem:s10+$0x10]  }
0x200: {  	v29 =	vor.u32 s11, v10;
	v21 =	vld [tilespmem:s10+$0x1000]  }
0x201: {  	s17 =	simm.s32 $0x1;
	v30 =	vor.u32 s11, v11;
	v20 =	vld [tilespmem:s10+$0x1010]  }
0x202: {  	v31 =	vld [tilespmem:s10+$0x20];
	v32 =	vor.u32 s17, v8  }
0x203: {  	[tilespmem:v26+s26+$0x0] =	vst.idx.msk $0xffff, v23;
	v23 =	vld [tilespmem:s10+$0x30];
	v26 =	vor.u32 s17, v9  }
0x204: {  	[tilespmem:v28+s26+$0x0] =	vst.idx.msk $0xffff, v24;
	v24 =	vld [tilespmem:s10+$0x1020];
	v28 =	vor.u32 s17, v10  }
0x205: {  	s14 =	simm.s32 $0x2;
	[tilespmem:v29+s26+$0x0] =	vst.idx.msk $0xffff, v25;
	v25 =	vld [tilespmem:s10+$0x1030];
	v29 =	vor.u32 s17, v11  }
0x206: {  	[tilespmem:v30+s26+$0x0] =	vst.idx.msk $0xffff, v27;
	v27 =	vld [tilespmem:s10+$0x40];
	v30 =	vor.u32 s14, v8  }
0x207: {  	v60 =	vor.u32 s14, v9;
	[tilespmem:v32+s26+$0x0] =	vst.idx.msk $0xffff, v31;
	v31 =	vld [tilespmem:s10+$0x50]  }
0x208: {  	[tilespmem:v26+s26+$0x0] =	vst.idx.msk $0xffff, v23;
	v23 =	vld [tilespmem:s10+$0x1040];
	v26 =	vor.u32 s14, v10  }
0x209: {  	s15 =	simm.s32 $0x3;
	[tilespmem:v28+s26+$0x0] =	vst.idx.msk $0xffff, v24;
	v24 =	vld [tilespmem:s10+$0x1050];
	v28 =	vor.u32 s14, v11  }
0x20a: {  	[tilespmem:v29+s26+$0x0] =	vst.idx.msk $0xffff, v25;
	v25 =	vld [tilespmem:s10+$0x60];
	v29 =	vor.u32 s15, v8  }
0x20b: {  	[tilespmem:v30+s26+$0x0] =	vst.idx.msk $0xffff, v27;
	v27 =	vld [tilespmem:s10+$0x70];
	v30 =	vor.u32 s15, v9  }
0x20c: {  	v61 =	vor.u32 s15, v10;
	[tilespmem:v60+s26+$0x0] =	vst.idx.msk $0xffff, v31;
	v31 =	vld [tilespmem:s10+$0x1060]  }
0x20d: {  	s17 =	simm.s32 $0x4;
	[tilespmem:v26+s26+$0x0] =	vst.idx.msk $0xffff, v23;
	v23 =	vld [tilespmem:s10+$0x1070];
	v26 =	vor.u32 s15, v11  }
0x20e: {  	[tilespmem:v28+s26+$0x0] =	vst.idx.msk $0xffff, v24;
	v24 =	vld [tilespmem:s10+$0x80];
	v28 =	vor.u32 s17, v8  }
0x20f: {  	[tilespmem:v29+s26+$0x0] =	vst.idx.msk $0xffff, v25;
	v25 =	vld [tilespmem:s10+$0x90];
	v29 =	vor.u32 s17, v9  }
0x210: {  	[tilespmem:v30+s26+$0x0] =	vst.idx.msk $0xffff, v27;
	v27 =	vld [tilespmem:s10+$0x1080];
	v30 =	vor.u32 s17, v10  }
0x211: {  	v62 =	vor.u32 s17, v11;
	s14 =	simm.s32 $0x5;
	[tilespmem:v61+s26+$0x0] =	vst.idx.msk $0xffff, v31;
	v31 =	vld [tilespmem:s10+$0x1090]  }
0x212: {  	[tilespmem:v26+s26+$0x0] =	vst.idx.msk $0xffff, v23;
	v23 =	vld [tilespmem:s10+$0xA0];
	v26 =	vor.u32 s14, v8  }
0x213: {  	[tilespmem:v28+s26+$0x0] =	vst.idx.msk $0xffff, v24;
	v24 =	vld [tilespmem:s10+$0xB0];
	v28 =	vor.u32 s14, v9  }
0x214: {  	[tilespmem:v29+s26+$0x0] =	vst.idx.msk $0xffff, v25;
	v25 =	vld [tilespmem:s10+$0x10A0];
	v29 =	vor.u32 s14, v10  }
0x215: {  	s15 =	simm.s32 $0x6;
	[tilespmem:v30+s26+$0x0] =	vst.idx.msk $0xffff, v27;
	v27 =	vld [tilespmem:s10+$0x10B0];
	v30 =	vor.u32 s14, v11  }
0x216: {  	v63 =	vor.u32 s15, v8;
	[tilespmem:v62+s26+$0x0] =	vst.idx.msk $0xffff, v31;
	v31 =	vld [tilespmem:s10+$0xC0]  }
0x217: {  	v33 =	vld [tilespmem:s10+$0xD0];
	v34 =	vor.u32 s15, v9;
	[tilespmem:v26+s26+$0x0] =	vst.idx.msk $0xffff, v23  }
0x218: {  	v35 =	vld [tilespmem:s10+$0x10C0];
	v36 =	vor.u32 s15, v10;
	[tilespmem:v28+s26+$0x0] =	vst.idx.msk $0xffff, v24  }
0x219: {  	s17 =	simm.s32 $0x0;
	v23 =	vld [tilespmem:s10+$0x10D0];
	[tilespmem:v29+s26+$0x0] =	vst.idx.msk $0xffff, v25;
	v29 =	vor.u32 s15, v11  }
0x21a: {  	s11 =	simm.s32 $0xF;
	s14 =	simm.s32 $0xA500;
	v24 =	vld [tilespmem:s10+$0x0];
	[tilespmem:v30+s26+$0x0] =	vst.idx.msk $0xffff, v27;
	v30 =	vor.u32 s17, v8  }
0x21b: {  	v32 =	vor.u32 s11, v8;
	v26 =	vld [tilespmem:s14+$0xE0];
	[tilespmem:v63+s26+$0x0] =	vst.idx.msk $0xffff, v31  }
0x21c: {  	v27 =	vld [tilespmem:s14+$0xF0];
	v31 =	vor.u32 s11, v9;
	[tilespmem:v34+s26+$0x0] =	vst.idx.msk $0xffff, v33  }
0x21d: {  	v28 =	vor.u32 s11, v10;
	s10 =	simm.s32 $0x10;
	s15 =	simm.s32 $0x8;
	v25 =	vld [tilespmem:s14+$0x10E0];
	[tilespmem:v36+s26+$0x0] =	vst.idx.msk $0xffff, v35  }
.LBB2_15:
0x21e: {  	p2 =	slt.u32 s10, $0x78;
	v33 =	vld [tilespmem:s14+$0x10F0];
	v34 =	vor.u32 s11, v11;
	[tilespmem:v29+s26+$0x0] =	vst.idx.msk $0xffff, v23  }
0x21f: {  	v23 =	vld [tilespmem:s14+$0x10];
	[tilespmem:v30+s26+$0x0] =	vst.idx.msk $0xffff, v24;
	v24 =	vor.u32 s17, v9  }
0x220: {  	v29 =	vld [tilespmem:s14+$0x1000];
	[tilespmem:v32+s26+$0x0] =	vst.idx.msk $0xffff, v26;
	v26 =	vor.u32 s17, v10  }
0x221: {  	s11 =	sadd.s32 $0x1, s15;
	v30 =	vld [tilespmem:s14+$0x1010];
	[tilespmem:v31+s26+$0x0] =	vst.idx.msk $0xffff, v27;
	v27 =	vor.u32 s17, v11;
	s17 =	smov.u32 s15;
	s15 =	smov.u32 s10  }
0x222: {  	v32 =	vor.u32 s11, v8;
	v31 =	vld [tilespmem:s14+$0x20];
	[tilespmem:v28+s26+$0x0] =	vst.idx.msk $0xffff, v25  }
0x223: {  	v28 =	vor.u32 s11, v9;
	v25 =	vld [tilespmem:s14+$0x30];
	[tilespmem:v34+s26+$0x0] =	vst.idx.msk $0xffff, v33  }
0x224: {  	v34 =	vor.u32 s11, v10;
	v33 =	vld [tilespmem:s14+$0x1020];
	[tilespmem:v24+s26+$0x0] =	vst.idx.msk $0xffff, v22;
	v22 =	vmov v23  }
0x225: {  	v24 =	vor.u32 s11, v11;
	s11 =	sadd.s32 $0x2, s17;
	v23 =	vld [tilespmem:s14+$0x1030];
	[tilespmem:v26+s26+$0x0] =	vst.idx.msk $0xffff, v21;
	v21 =	vmov v29  }
0x226: {  	v29 =	vor.u32 s11, v8;
	v26 =	vld [tilespmem:s14+$0x40];
	[tilespmem:v27+s26+$0x0] =	vst.idx.msk $0xffff, v20;
	v20 =	vmov v30  }
0x227: {  	v30 =	vor.u32 s11, v9;
	[tilespmem:v32+s26+$0x0] =	vst.idx.msk $0xffff, v31;
	v27 =	vld [tilespmem:s14+$0x50]  }
0x228: {  	[tilespmem:v28+s26+$0x0] =	vst.idx.msk $0xffff, v25;
	v25 =	vld [tilespmem:s14+$0x1040];
	v28 =	vor.u32 s11, v10  }
0x229: {  	v32 =	vor.u32 s11, v11;
	s11 =	sadd.s32 $0x3, s17;
	[tilespmem:v34+s26+$0x0] =	vst.idx.msk $0xffff, v33;
	v31 =	vld [tilespmem:s14+$0x1050]  }
0x22a: {  	[tilespmem:v24+s26+$0x0] =	vst.idx.msk $0xffff, v23;
	v23 =	vld [tilespmem:s14+$0x60];
	v24 =	vor.u32 s11, v8  }
0x22b: {  	[tilespmem:v29+s26+$0x0] =	vst.idx.msk $0xffff, v26;
	v26 =	vld [tilespmem:s14+$0x70];
	v29 =	vor.u32 s11, v9  }
0x22c: {  	[tilespmem:v30+s26+$0x0] =	vst.idx.msk $0xffff, v27;
	v27 =	vld [tilespmem:s14+$0x1060];
	v30 =	vor.u32 s11, v10  }
0x22d: {  	[tilespmem:v28+s26+$0x0] =	vst.idx.msk $0xffff, v25;
	v25 =	vld [tilespmem:s14+$0x1070];
	v28 =	vor.u32 s11, v11;
	s11 =	sadd.s32 $0x4, s17  }
0x22e: {  	[tilespmem:v32+s26+$0x0] =	vst.idx.msk $0xffff, v31;
	v31 =	vld [tilespmem:s14+$0x80];
	v32 =	vor.u32 s11, v8  }
0x22f: {  	[tilespmem:v24+s26+$0x0] =	vst.idx.msk $0xffff, v23;
	v23 =	vld [tilespmem:s14+$0x90];
	v24 =	vor.u32 s11, v9  }
0x230: {  	[tilespmem:v29+s26+$0x0] =	vst.idx.msk $0xffff, v26;
	v26 =	vld [tilespmem:s14+$0x1080];
	v29 =	vor.u32 s11, v10  }
0x231: {  	[tilespmem:v30+s26+$0x0] =	vst.idx.msk $0xffff, v27;
	v27 =	vld [tilespmem:s14+$0x1090];
	v30 =	vor.u32 s11, v11;
	s11 =	sadd.s32 $0x5, s17  }
0x232: {  	[tilespmem:v28+s26+$0x0] =	vst.idx.msk $0xffff, v25;
	v25 =	vld [tilespmem:s14+$0xA0];
	v28 =	vor.u32 s11, v8  }
0x233: {  	[tilespmem:v32+s26+$0x0] =	vst.idx.msk $0xffff, v31;
	v31 =	vld [tilespmem:s14+$0xB0];
	v32 =	vor.u32 s11, v9  }
0x234: {  	[tilespmem:v24+s26+$0x0] =	vst.idx.msk $0xffff, v23;
	v23 =	vld [tilespmem:s14+$0x10A0];
	v24 =	vor.u32 s11, v10  }
0x235: {  	v33 =	vor.u32 s11, v11;
	s11 =	sadd.s32 $0x6, s17;
	[tilespmem:v29+s26+$0x0] =	vst.idx.msk $0xffff, v26;
	v26 =	vld [tilespmem:s14+$0x10B0]  }
0x236: {  	v34 =	vor.u32 s11, v8;
	[tilespmem:v30+s26+$0x0] =	vst.idx.msk $0xffff, v27;
	v27 =	vld [tilespmem:s14+$0xC0]  }
0x237: {  	[tilespmem:v28+s26+$0x0] =	vst.idx.msk $0xffff, v25;
	v25 =	vld [tilespmem:s14+$0xD0];
	v28 =	vor.u32 s11, v9  }
0x238: {  	v36 =	vor.u32 s11, v10;
	[tilespmem:v32+s26+$0x0] =	vst.idx.msk $0xffff, v31;
	v35 =	vld [tilespmem:s14+$0x10C0]  }
.Ltmp10:
0x239: {  	v29 =	vor.u32 s11, v11;
	[tilespmem:v24+s26+$0x0] =	vst.idx.msk $0xffff, v23;
	v23 =	vld [tilespmem:s14+$0x10D0];
	(pc) =	sbr.rel @p2 .LBB2_15-.Ltmp10, $4  }
0x23a: {  	v30 =	vor.u32 s17, v8;
	s11 =	sadd.s32 $0x7, s10;
	v24 =	vld [tilespmem:s14+$0x0];
	[tilespmem:v33+s26+$0x0] =	vst.idx.msk $0xffff, v26;
	s14 =	sadd.s32 $0x100, s14  }
0x23b: {  	v32 =	vor.u32 s11, v8;
	v26 =	vld [tilespmem:s14+$0xE0];
	[tilespmem:v34+s26+$0x0] =	vst.idx.msk $0xffff, v27  }
0x23c: {  	v31 =	vor.u32 s11, v9;
	v27 =	vld [tilespmem:s14+$0xF0];
	[tilespmem:v28+s26+$0x0] =	vst.idx.msk $0xffff, v25  }
0x23d: {  	s10 =	sadd.s32 $0x8, s10;
	v28 =	vor.u32 s11, v10;
	v25 =	vld [tilespmem:s14+$0x10E0];
	[tilespmem:v36+s26+$0x0] =	vst.idx.msk $0xffff, v35  }
0x23e: {  	_ =	sdelay $0x1  }
0x23f: {  	v33 =	vld [tilespmem:s14+$0x10F0]  }
0x240: {  	v45 =	vld [tilespmem:s14+$0x20]  }
0x241: {  	v34 =	vor.u32 s11, v11;
	[tilespmem:v29+s26+$0x0] =	vst.idx.msk $0xffff, v23;
	v47 =	vld [tilespmem:s14+$0x30]  }
0x242: {  	v42 =	vor.u32 s17, v9;
	v49 =	vld [tilespmem:s14+$0x1020];
	[tilespmem:v30+s26+$0x0] =	vst.idx.msk $0xffff, v24  }
0x243: {  	v43 =	vor.u32 s17, v10;
	s10 =	sadd.s32 $0x1, s15;
	v51 =	vld [tilespmem:s14+$0x1030];
	[tilespmem:v32+s26+$0x0] =	vst.idx.msk $0xffff, v26  }
0x244: {  	v53 =	vld [tilespmem:s14+$0x40];
	v46 =	vor.u32 s10, v8;
	[tilespmem:v31+s26+$0x0] =	vst.idx.msk $0xffff, v27  }
0x245: {  	v44 =	vor.u32 s17, v11;
	v56 =	vld [tilespmem:s14+$0x1040];
	[tilespmem:v28+s26+$0x0] =	vst.idx.msk $0xffff, v25  }
0x246: {  	s17 =	sadd.s32 $0x2, s15;
	v58 =	vld [tilespmem:s14+$0x1050];
	v48 =	vor.u32 s10, v9;
	[tilespmem:v34+s26+$0x0] =	vst.idx.msk $0xffff, v33  }
0x247: {  	v60 =	vld [tilespmem:s14+$0x60];
	v54 =	vor.u32 s17, v8;
	[tilespmem:v42+s26+$0x0] =	vst.idx.msk $0xffff, v22  }
0x248: {  	s11 =	sadd.s32 $0x3, s15;
	v62 =	vld [tilespmem:s14+$0x70];
	v50 =	vor.u32 s10, v10;
	[tilespmem:v43+s26+$0x0] =	vst.idx.msk $0xffff, v21  }
0x249: {  	v52 =	vor.u32 s10, v11;
	v55 =	vor.u32 s17, v9;
	v61 =	vor.u32 s11, v8;
	[tilespmem:v46+s26+$0x0] =	vst.idx.msk $0xffff, v45  }
0x24a: {  	v63 =	vor.u32 s11, v9;
	v32 =	vor.u32 s11, v10;
	v34 =	vor.u32 s11, v11;
	s11 =	sadd.s32 $0x5, s15;
	[tilespmem:v44+s26+$0x0] =	vst.idx.msk $0xffff, v20;
	v20 =	vld [tilespmem:s14+$0x50]  }
0x24b: {  	v42 =	vld [tilespmem:s14+$0xA0];
	v43 =	vor.u32 s11, v8;
	[tilespmem:v48+s26+$0x0] =	vst.idx.msk $0xffff, v47  }
0x24c: {  	v35 =	vld [tilespmem:s14+$0x80];
	[tilespmem:v54+s26+$0x0] =	vst.idx.msk $0xffff, v53  }
0x24d: {  	v45 =	vor.u32 s11, v9;
	v44 =	vld [tilespmem:s14+$0xB0];
	[tilespmem:v50+s26+$0x0] =	vst.idx.msk $0xffff, v49  }
0x24e: {  	v46 =	vld [tilespmem:s14+$0x10A0];
	[tilespmem:v52+s26+$0x0] =	vst.idx.msk $0xffff, v51  }
0x24f: {  	[tilespmem:v55+s26+$0x0] =	vst.idx.msk $0xffff, v20;
	v20 =	vld [tilespmem:s14+$0x1060]  }
0x250: {  	v57 =	vor.u32 s17, v10;
	v59 =	vor.u32 s17, v11;
	s17 =	sadd.s32 $0x4, s15;
	v48 =	vld [tilespmem:s14+$0x10B0];
	[tilespmem:v43+s26+$0x0] =	vst.idx.msk $0xffff, v42  }
0x251: {  	v36 =	vor.u32 s17, v8;
	v33 =	vld [tilespmem:s14+$0x1070];
	[tilespmem:v61+s26+$0x0] =	vst.idx.msk $0xffff, v60  }
0x252: {  	v37 =	vld [tilespmem:s14+$0x90];
	v38 =	vor.u32 s17, v9;
	[tilespmem:v45+s26+$0x0] =	vst.idx.msk $0xffff, v44  }
0x253: {  	v39 =	vld [tilespmem:s14+$0x1080];
	v40 =	vor.u32 s17, v10;
	[tilespmem:v63+s26+$0x0] =	vst.idx.msk $0xffff, v62  }
0x254: {  	v41 =	vor.u32 s17, v11;
	[tilespmem:v32+s26+$0x0] =	vst.idx.msk $0xffff, v20;
	v20 =	vld [tilespmem:s14+$0x1090]  }
0x255: {  	v47 =	vor.u32 s11, v10;
	[tilespmem:v57+s26+$0x0] =	vst.idx.msk $0xffff, v56  }
0x256: {  	[tilespmem:v36+s26+$0x0] =	vst.idx.msk $0xffff, v35  }
0x257: {  	v49 =	vor.u32 s11, v11;
	[tilespmem:v38+s26+$0x0] =	vst.idx.msk $0xffff, v37  }
0x258: {  	s17 =	sadd.s32 $0x6, s15;
	[tilespmem:v40+s26+$0x0] =	vst.idx.msk $0xffff, v39  }
0x259: {  	v50 =	vor.u32 s17, v8;
	[tilespmem:v41+s26+$0x0] =	vst.idx.msk $0xffff, v20;
	v20 =	vld [tilespmem:s14+$0xC0]  }
0x25a: {  	v51 =	vld [tilespmem:s14+$0xD0];
	v52 =	vor.u32 s17, v9;
	[tilespmem:v47+s26+$0x0] =	vst.idx.msk $0xffff, v46  }
0x25b: {  	v53 =	vld [tilespmem:s14+$0x10C0];
	v54 =	vor.u32 s17, v10;
	[tilespmem:v59+s26+$0x0] =	vst.idx.msk $0xffff, v58  }
0x25c: {  	[tilespmem:v49+s26+$0x0] =	vst.idx.msk $0xffff, v48  }
0x25d: {  	[tilespmem:v34+s26+$0x0] =	vst.idx.msk $0xffff, v33  }
0x25e: {  	v55 =	vld [tilespmem:s14+$0x10D0];
	v56 =	vor.u32 s17, v11;
	[tilespmem:v50+s26+$0x0] =	vst.idx.msk $0xffff, v20  }
0x25f: {  	v57 =	vld [tilespmem:s14+$0x0];
	v58 =	vor.u32 s15, v8;
	[tilespmem:v52+s26+$0x0] =	vst.idx.msk $0xffff, v51  }
0x260: {  	v59 =	vld [tilespmem:s14+$0x10];
	v20 =	vor.u32 s15, v9;
	[tilespmem:v54+s26+$0x0] =	vst.idx.msk $0xffff, v53  }
0x261: {  	v60 =	vld [tilespmem:s14+$0x1000];
	v61 =	vor.u32 s15, v10;
	s11 =	rddreg [dreg:$0x5]  }
0x262: {  	v62 =	vld [tilespmem:s14+$0x1010];
	v63 =	vor.u32 s15, v11;
	s10 =	sadd.s32 s20, s11  }
0x263: {  	[tilespmem:v56+s26+$0x0] =	vst.idx.msk $0xffff, v55;
	s14 =	sshll.u32 s10, $0xA;
	s10 =	sshll.u32 s10, $0xC  }
0x264: {  	[tilespmem:v58+s26+$0x0] =	vst.idx.msk $0xffff, v57;
	s11 =	sand.u32 $0x1F800, s14;
	s10 =	sand.u32 $0x7FF80000, s10  }
0x265: {  	[tilespmem:v20+s26+$0x0] =	vst.idx.msk $0xffff, v59;
	s10 =	sor.u32 s11, s10  }
0x266: {  	[tilespmem:v61+s26+$0x0] =	vst.idx.msk $0xffff, v60;
	s10 =	sshrl.u32 s10, $0x3  }
0x267: {  	s17 =	simm.s32 $0x14400;
	[tilespmem:v63+s26+$0x0] =	vst.idx.msk $0xffff, v62;
	s15 =	sadd.s32 s2, s10  }
0x268: {  	[hbm4b:s15+s3] =	stream.linear.scatter [tilespmem:s17], [sflag:$0xA], $0x400, $0x38;
	[tilespmem:$0x1A400] =	vst v63  }
0x269: {  	s15 =	sadd.s32 s10, s7;
	s17 =	simm.s32 $0x14800  }
0x26a: {  	[hbm4b:s15+s3] =	stream.linear.scatter [tilespmem:s17], [sflag:$0xA], $0x400, $0x38;
	[tilespmem:$0x1A400] =	vst v63  }
0x26b: {  	s15 =	sadd.s32 s10, s8;
	s17 =	simm.s32 $0x14C00  }
0x26c: {  	[hbm4b:s15+s3] =	stream.linear.scatter [tilespmem:s17], [sflag:$0xA], $0x400, $0x38;
	[tilespmem:$0x1A400] =	vst v63  }
0x26d: {  	s15 =	sadd.s32 s10, s9;
	s17 =	simm.s32 $0x15000;
	s10 =	sor.u32 $0x80, s10  }
0x26e: {  	[hbm4b:s15+s3] =	stream.linear.scatter [tilespmem:s17], [sflag:$0xA], $0x400, $0x38;
	[tilespmem:$0x1A400] =	vst v63  }
0x26f: {  	s15 =	sadd.s32 s2, s10;
	s17 =	simm.s32 $0x15400  }
0x270: {  	[hbm4b:s15+s3] =	stream.linear.scatter [tilespmem:s17], [sflag:$0xB], $0x400, $0x38;
	[tilespmem:$0x1A400] =	vst v63  }
0x271: {  	s15 =	sadd.s32 s10, s7;
	s17 =	simm.s32 $0x15800  }
0x272: {  	[hbm4b:s15+s3] =	stream.linear.scatter [tilespmem:s17], [sflag:$0xB], $0x400, $0x38;
	[tilespmem:$0x1A400] =	vst v63  }
.Ltmp11:
0x273: {  	_ = 	snop;
	(pc) =	sbr.rel @p1 .LBB2_18-.Ltmp11, $4  }
0x274: {  	s14 =	sadd.s32 s10, s8;
	s15 =	simm.s32 $0x15C00  }
0x275: {  	[hbm4b:s14+s3] =	stream.linear.scatter [tilespmem:s15], [sflag:$0xB], $0x400, $0x38;
	[tilespmem:$0x1A400] =	vst v63  }
0x276: {  	s10 =	sadd.s32 s10, s9;
	s17 =	simm.s32 $0x16000  }
0x277: {  	[hbm4b:s10+s3] =	stream.linear.scatter [tilespmem:s17], [sflag:$0xB], $0x400, $0x38;
	[tilespmem:$0x1A400] =	vst v63  }
.Ltmp12:
0x278: {  	(pc) =	sbr.rel .LBB2_19-.Ltmp12, $4  }
0x279: {  	_ = 	snop  }
0x27a: {  	_ =	swait.ge [sflag:s22], $0x2000  }
0x27b: {  	[sflag:s22] =	ssyncset.done $0x0  }
0x27c: {  	[sflag:s22] =	ssyncadd.s32 $0xFFFFE000  }
.LBB2_18:
0x27d: {  	s10 =	smul.u32 $0x1400, s18;
	_ =	sdelay $0x1  }
0x27e: {  	s10 =	sshra.s32 s10, $0x2  }
.Ltmp13:
0x27f: {  	s11 =	simm.s32 $0xA400;
	s10 =	sadd.s32 $0x700, s10;
	(pc) =	sbr.rel @p0 .LBB2_20-.Ltmp13, $4  }
0x280: {  	[tilespmem:s11], [sflag:$0x3] =	stream.indirect.gather [hbm4b:s4+s16], $0x20, s10, s16, $0xb8;
	[tilespmem:$0x1A400] =	vst v63  }
0x281: {  	_ =	swait.ge [sflag:s22], $0x2000  }
0x282: {  	[sflag:s22] =	ssyncset.done $0x0  }
0x283: {  	[sflag:s22] =	ssyncadd.s32 $0xFFFFE000  }
.LBB2_19:
0x284: {  	_ =	swait.ge [sflag:s24], $0x400  }
0x285: {  	[sflag:s24] =	ssyncset.done $0x0  }
0x286: {  	[sflag:s24] =	ssyncadd.s32 $0xFFFFFC00  }
0x287: {  	_ =	swait.ge [sflag:s24], $0x400  }
0x288: {  	[sflag:s24] =	ssyncset.done $0x0  }
0x289: {  	[sflag:s24] =	ssyncadd.s32 $0xFFFFFC00  }
0x28a: {  	_ =	swait.ge [sflag:s24], $0x400  }
0x28b: {  	[sflag:s24] =	ssyncset.done $0x0  }
0x28c: {  	[sflag:s24] =	ssyncadd.s32 $0xFFFFFC00  }
0x28d: {  	_ =	swait.ge [sflag:s24], $0x400  }
0x28e: {  	[sflag:s24] =	ssyncset.done $0x0  }
0x28f: {  	[sflag:s24] =	ssyncadd.s32 $0xFFFFFC00  }
0x290: {  	_ =	swait.ge [sflag:s28], $0x400  }
0x291: {  	[sflag:s28] =	ssyncset.done $0x0  }
0x292: {  	[sflag:s28] =	ssyncadd.s32 $0xFFFFFC00  }
0x293: {  	_ =	swait.ge [sflag:s28], $0x400  }
0x294: {  	[sflag:s28] =	ssyncset.done $0x0  }
0x295: {  	[sflag:s28] =	ssyncadd.s32 $0xFFFFFC00  }
0x296: {  	_ =	swait.ge [sflag:s28], $0x400  }
0x297: {  	[sflag:s28] =	ssyncset.done $0x0  }
0x298: {  	[sflag:s28] =	ssyncadd.s32 $0xFFFFFC00  }
0x299: {  	_ =	swait.ge [sflag:s28], $0x400  }
0x29a: {  	[sflag:s28] =	ssyncset.done $0x0  }
0x29b: {  	[sflag:s28] =	ssyncadd.s32 $0xFFFFFC00  }
.LBB2_20:
0x29c: {  	s10 =	simm.s32 $0xC400  }
0x29d: {  	v23 =	vld [tilespmem:s10+$0xE0]  }
0x29e: {  	v24 =	vld [tilespmem:s10+$0xF0]  }
0x29f: {  	s11 =	simm.s32 $0x7;
	v25 =	vld [tilespmem:s10+$0x10E0]  }
0x2a0: {  	v26 =	vor.u32 s11, v12;
	v27 =	vld [tilespmem:s10+$0x10F0]  }
0x2a1: {  	v28 =	vor.u32 s11, v13;
	v22 =	vld [tilespmem:s10+$0x10]  }
0x2a2: {  	v29 =	vor.u32 s11, v14;
	v21 =	vld [tilespmem:s10+$0x1000]  }
0x2a3: {  	s17 =	simm.s32 $0x1;
	v30 =	vor.u32 s11, v15;
	v20 =	vld [tilespmem:s10+$0x1010]  }
0x2a4: {  	v31 =	vld [tilespmem:s10+$0x20];
	v32 =	vor.u32 s17, v12  }
0x2a5: {  	[tilespmem:v26+s26+$0x0] =	vst.idx.msk $0xffff, v23;
	v23 =	vld [tilespmem:s10+$0x30];
	v26 =	vor.u32 s17, v13  }
0x2a6: {  	[tilespmem:v28+s26+$0x0] =	vst.idx.msk $0xffff, v24;
	v24 =	vld [tilespmem:s10+$0x1020];
	v28 =	vor.u32 s17, v14  }
0x2a7: {  	s14 =	simm.s32 $0x2;
	[tilespmem:v29+s26+$0x0] =	vst.idx.msk $0xffff, v25;
	v25 =	vld [tilespmem:s10+$0x1030];
	v29 =	vor.u32 s17, v15  }
0x2a8: {  	[tilespmem:v30+s26+$0x0] =	vst.idx.msk $0xffff, v27;
	v27 =	vld [tilespmem:s10+$0x40];
	v30 =	vor.u32 s14, v12  }
0x2a9: {  	v60 =	vor.u32 s14, v13;
	[tilespmem:v32+s26+$0x0] =	vst.idx.msk $0xffff, v31;
	v31 =	vld [tilespmem:s10+$0x50]  }
0x2aa: {  	[tilespmem:v26+s26+$0x0] =	vst.idx.msk $0xffff, v23;
	v23 =	vld [tilespmem:s10+$0x1040];
	v26 =	vor.u32 s14, v14  }
0x2ab: {  	s15 =	simm.s32 $0x3;
	[tilespmem:v28+s26+$0x0] =	vst.idx.msk $0xffff, v24;
	v24 =	vld [tilespmem:s10+$0x1050];
	v28 =	vor.u32 s14, v15  }
0x2ac: {  	[tilespmem:v29+s26+$0x0] =	vst.idx.msk $0xffff, v25;
	v25 =	vld [tilespmem:s10+$0x60];
	v29 =	vor.u32 s15, v12  }
0x2ad: {  	[tilespmem:v30+s26+$0x0] =	vst.idx.msk $0xffff, v27;
	v27 =	vld [tilespmem:s10+$0x70];
	v30 =	vor.u32 s15, v13  }
0x2ae: {  	v61 =	vor.u32 s15, v14;
	[tilespmem:v60+s26+$0x0] =	vst.idx.msk $0xffff, v31;
	v31 =	vld [tilespmem:s10+$0x1060]  }
0x2af: {  	s17 =	simm.s32 $0x4;
	[tilespmem:v26+s26+$0x0] =	vst.idx.msk $0xffff, v23;
	v23 =	vld [tilespmem:s10+$0x1070];
	v26 =	vor.u32 s15, v15  }
0x2b0: {  	[tilespmem:v28+s26+$0x0] =	vst.idx.msk $0xffff, v24;
	v24 =	vld [tilespmem:s10+$0x80];
	v28 =	vor.u32 s17, v12  }
0x2b1: {  	[tilespmem:v29+s26+$0x0] =	vst.idx.msk $0xffff, v25;
	v25 =	vld [tilespmem:s10+$0x90];
	v29 =	vor.u32 s17, v13  }
0x2b2: {  	[tilespmem:v30+s26+$0x0] =	vst.idx.msk $0xffff, v27;
	v27 =	vld [tilespmem:s10+$0x1080];
	v30 =	vor.u32 s17, v14  }
0x2b3: {  	v62 =	vor.u32 s17, v15;
	s14 =	simm.s32 $0x5;
	[tilespmem:v61+s26+$0x0] =	vst.idx.msk $0xffff, v31;
	v31 =	vld [tilespmem:s10+$0x1090]  }
0x2b4: {  	[tilespmem:v26+s26+$0x0] =	vst.idx.msk $0xffff, v23;
	v23 =	vld [tilespmem:s10+$0xA0];
	v26 =	vor.u32 s14, v12  }
0x2b5: {  	[tilespmem:v28+s26+$0x0] =	vst.idx.msk $0xffff, v24;
	v24 =	vld [tilespmem:s10+$0xB0];
	v28 =	vor.u32 s14, v13  }
0x2b6: {  	[tilespmem:v29+s26+$0x0] =	vst.idx.msk $0xffff, v25;
	v25 =	vld [tilespmem:s10+$0x10A0];
	v29 =	vor.u32 s14, v14  }
0x2b7: {  	s15 =	simm.s32 $0x6;
	[tilespmem:v30+s26+$0x0] =	vst.idx.msk $0xffff, v27;
	v27 =	vld [tilespmem:s10+$0x10B0];
	v30 =	vor.u32 s14, v15  }
0x2b8: {  	v63 =	vor.u32 s15, v12;
	[tilespmem:v62+s26+$0x0] =	vst.idx.msk $0xffff, v31;
	v31 =	vld [tilespmem:s10+$0xC0]  }
0x2b9: {  	v33 =	vld [tilespmem:s10+$0xD0];
	v34 =	vor.u32 s15, v13;
	[tilespmem:v26+s26+$0x0] =	vst.idx.msk $0xffff, v23  }
0x2ba: {  	v35 =	vld [tilespmem:s10+$0x10C0];
	v36 =	vor.u32 s15, v14;
	[tilespmem:v28+s26+$0x0] =	vst.idx.msk $0xffff, v24  }
0x2bb: {  	s17 =	simm.s32 $0x0;
	v23 =	vld [tilespmem:s10+$0x10D0];
	[tilespmem:v29+s26+$0x0] =	vst.idx.msk $0xffff, v25;
	v29 =	vor.u32 s15, v15  }
0x2bc: {  	s11 =	simm.s32 $0xF;
	s14 =	simm.s32 $0xC500;
	v24 =	vld [tilespmem:s10+$0x0];
	[tilespmem:v30+s26+$0x0] =	vst.idx.msk $0xffff, v27;
	v30 =	vor.u32 s17, v12  }
0x2bd: {  	v32 =	vor.u32 s11, v12;
	v26 =	vld [tilespmem:s14+$0xE0];
	[tilespmem:v63+s26+$0x0] =	vst.idx.msk $0xffff, v31  }
0x2be: {  	v27 =	vld [tilespmem:s14+$0xF0];
	v31 =	vor.u32 s11, v13;
	[tilespmem:v34+s26+$0x0] =	vst.idx.msk $0xffff, v33  }
0x2bf: {  	v28 =	vor.u32 s11, v14;
	s10 =	simm.s32 $0x10;
	s15 =	simm.s32 $0x8;
	v25 =	vld [tilespmem:s14+$0x10E0];
	[tilespmem:v36+s26+$0x0] =	vst.idx.msk $0xffff, v35  }
.LBB2_21:
0x2c0: {  	p2 =	slt.u32 s10, $0x78;
	v33 =	vld [tilespmem:s14+$0x10F0];
	v34 =	vor.u32 s11, v15;
	[tilespmem:v29+s26+$0x0] =	vst.idx.msk $0xffff, v23  }
0x2c1: {  	v23 =	vld [tilespmem:s14+$0x10];
	[tilespmem:v30+s26+$0x0] =	vst.idx.msk $0xffff, v24;
	v24 =	vor.u32 s17, v13  }
0x2c2: {  	v29 =	vld [tilespmem:s14+$0x1000];
	[tilespmem:v32+s26+$0x0] =	vst.idx.msk $0xffff, v26;
	v26 =	vor.u32 s17, v14  }
0x2c3: {  	s11 =	sadd.s32 $0x1, s15;
	v30 =	vld [tilespmem:s14+$0x1010];
	[tilespmem:v31+s26+$0x0] =	vst.idx.msk $0xffff, v27;
	v27 =	vor.u32 s17, v15;
	s17 =	smov.u32 s15;
	s15 =	smov.u32 s10  }
0x2c4: {  	v32 =	vor.u32 s11, v12;
	v31 =	vld [tilespmem:s14+$0x20];
	[tilespmem:v28+s26+$0x0] =	vst.idx.msk $0xffff, v25  }
0x2c5: {  	v28 =	vor.u32 s11, v13;
	v25 =	vld [tilespmem:s14+$0x30];
	[tilespmem:v34+s26+$0x0] =	vst.idx.msk $0xffff, v33  }
0x2c6: {  	v34 =	vor.u32 s11, v14;
	v33 =	vld [tilespmem:s14+$0x1020];
	[tilespmem:v24+s26+$0x0] =	vst.idx.msk $0xffff, v22;
	v22 =	vmov v23  }
0x2c7: {  	v24 =	vor.u32 s11, v15;
	s11 =	sadd.s32 $0x2, s17;
	v23 =	vld [tilespmem:s14+$0x1030];
	[tilespmem:v26+s26+$0x0] =	vst.idx.msk $0xffff, v21;
	v21 =	vmov v29  }
0x2c8: {  	v29 =	vor.u32 s11, v12;
	v26 =	vld [tilespmem:s14+$0x40];
	[tilespmem:v27+s26+$0x0] =	vst.idx.msk $0xffff, v20;
	v20 =	vmov v30  }
0x2c9: {  	v30 =	vor.u32 s11, v13;
	[tilespmem:v32+s26+$0x0] =	vst.idx.msk $0xffff, v31;
	v27 =	vld [tilespmem:s14+$0x50]  }
0x2ca: {  	[tilespmem:v28+s26+$0x0] =	vst.idx.msk $0xffff, v25;
	v25 =	vld [tilespmem:s14+$0x1040];
	v28 =	vor.u32 s11, v14  }
0x2cb: {  	v32 =	vor.u32 s11, v15;
	s11 =	sadd.s32 $0x3, s17;
	[tilespmem:v34+s26+$0x0] =	vst.idx.msk $0xffff, v33;
	v31 =	vld [tilespmem:s14+$0x1050]  }
0x2cc: {  	[tilespmem:v24+s26+$0x0] =	vst.idx.msk $0xffff, v23;
	v23 =	vld [tilespmem:s14+$0x60];
	v24 =	vor.u32 s11, v12  }
0x2cd: {  	[tilespmem:v29+s26+$0x0] =	vst.idx.msk $0xffff, v26;
	v26 =	vld [tilespmem:s14+$0x70];
	v29 =	vor.u32 s11, v13  }
0x2ce: {  	[tilespmem:v30+s26+$0x0] =	vst.idx.msk $0xffff, v27;
	v27 =	vld [tilespmem:s14+$0x1060];
	v30 =	vor.u32 s11, v14  }
0x2cf: {  	[tilespmem:v28+s26+$0x0] =	vst.idx.msk $0xffff, v25;
	v25 =	vld [tilespmem:s14+$0x1070];
	v28 =	vor.u32 s11, v15;
	s11 =	sadd.s32 $0x4, s17  }
0x2d0: {  	[tilespmem:v32+s26+$0x0] =	vst.idx.msk $0xffff, v31;
	v31 =	vld [tilespmem:s14+$0x80];
	v32 =	vor.u32 s11, v12  }
0x2d1: {  	[tilespmem:v24+s26+$0x0] =	vst.idx.msk $0xffff, v23;
	v23 =	vld [tilespmem:s14+$0x90];
	v24 =	vor.u32 s11, v13  }
0x2d2: {  	[tilespmem:v29+s26+$0x0] =	vst.idx.msk $0xffff, v26;
	v26 =	vld [tilespmem:s14+$0x1080];
	v29 =	vor.u32 s11, v14  }
0x2d3: {  	[tilespmem:v30+s26+$0x0] =	vst.idx.msk $0xffff, v27;
	v27 =	vld [tilespmem:s14+$0x1090];
	v30 =	vor.u32 s11, v15;
	s11 =	sadd.s32 $0x5, s17  }
0x2d4: {  	[tilespmem:v28+s26+$0x0] =	vst.idx.msk $0xffff, v25;
	v25 =	vld [tilespmem:s14+$0xA0];
	v28 =	vor.u32 s11, v12  }
0x2d5: {  	[tilespmem:v32+s26+$0x0] =	vst.idx.msk $0xffff, v31;
	v31 =	vld [tilespmem:s14+$0xB0];
	v32 =	vor.u32 s11, v13  }
0x2d6: {  	[tilespmem:v24+s26+$0x0] =	vst.idx.msk $0xffff, v23;
	v23 =	vld [tilespmem:s14+$0x10A0];
	v24 =	vor.u32 s11, v14  }
0x2d7: {  	v33 =	vor.u32 s11, v15;
	s11 =	sadd.s32 $0x6, s17;
	[tilespmem:v29+s26+$0x0] =	vst.idx.msk $0xffff, v26;
	v26 =	vld [tilespmem:s14+$0x10B0]  }
0x2d8: {  	v34 =	vor.u32 s11, v12;
	[tilespmem:v30+s26+$0x0] =	vst.idx.msk $0xffff, v27;
	v27 =	vld [tilespmem:s14+$0xC0]  }
0x2d9: {  	[tilespmem:v28+s26+$0x0] =	vst.idx.msk $0xffff, v25;
	v25 =	vld [tilespmem:s14+$0xD0];
	v28 =	vor.u32 s11, v13  }
0x2da: {  	v36 =	vor.u32 s11, v14;
	[tilespmem:v32+s26+$0x0] =	vst.idx.msk $0xffff, v31;
	v35 =	vld [tilespmem:s14+$0x10C0]  }
.Ltmp14:
0x2db: {  	v29 =	vor.u32 s11, v15;
	[tilespmem:v24+s26+$0x0] =	vst.idx.msk $0xffff, v23;
	v23 =	vld [tilespmem:s14+$0x10D0];
	(pc) =	sbr.rel @p2 .LBB2_21-.Ltmp14, $4  }
0x2dc: {  	v30 =	vor.u32 s17, v12;
	s11 =	sadd.s32 $0x7, s10;
	v24 =	vld [tilespmem:s14+$0x0];
	[tilespmem:v33+s26+$0x0] =	vst.idx.msk $0xffff, v26;
	s14 =	sadd.s32 $0x100, s14  }
0x2dd: {  	v32 =	vor.u32 s11, v12;
	v26 =	vld [tilespmem:s14+$0xE0];
	[tilespmem:v34+s26+$0x0] =	vst.idx.msk $0xffff, v27  }
0x2de: {  	v31 =	vor.u32 s11, v13;
	v27 =	vld [tilespmem:s14+$0xF0];
	[tilespmem:v28+s26+$0x0] =	vst.idx.msk $0xffff, v25  }
0x2df: {  	s10 =	sadd.s32 $0x8, s10;
	v28 =	vor.u32 s11, v14;
	v25 =	vld [tilespmem:s14+$0x10E0];
	[tilespmem:v36+s26+$0x0] =	vst.idx.msk $0xffff, v35  }
0x2e0: {  	_ =	sdelay $0x1  }
0x2e1: {  	v33 =	vld [tilespmem:s14+$0x10F0]  }
0x2e2: {  	v45 =	vld [tilespmem:s14+$0x20]  }
0x2e3: {  	v34 =	vor.u32 s11, v15;
	[tilespmem:v29+s26+$0x0] =	vst.idx.msk $0xffff, v23;
	v47 =	vld [tilespmem:s14+$0x30]  }
0x2e4: {  	v42 =	vor.u32 s17, v13;
	v49 =	vld [tilespmem:s14+$0x1020];
	[tilespmem:v30+s26+$0x0] =	vst.idx.msk $0xffff, v24  }
0x2e5: {  	v43 =	vor.u32 s17, v14;
	s10 =	sadd.s32 $0x1, s15;
	v51 =	vld [tilespmem:s14+$0x1030];
	[tilespmem:v32+s26+$0x0] =	vst.idx.msk $0xffff, v26  }
0x2e6: {  	v53 =	vld [tilespmem:s14+$0x40];
	v46 =	vor.u32 s10, v12;
	[tilespmem:v31+s26+$0x0] =	vst.idx.msk $0xffff, v27  }
0x2e7: {  	v44 =	vor.u32 s17, v15;
	v56 =	vld [tilespmem:s14+$0x1040];
	[tilespmem:v28+s26+$0x0] =	vst.idx.msk $0xffff, v25  }
0x2e8: {  	s17 =	sadd.s32 $0x2, s15;
	v58 =	vld [tilespmem:s14+$0x1050];
	v48 =	vor.u32 s10, v13;
	[tilespmem:v34+s26+$0x0] =	vst.idx.msk $0xffff, v33  }
0x2e9: {  	v60 =	vld [tilespmem:s14+$0x60];
	v54 =	vor.u32 s17, v12;
	[tilespmem:v42+s26+$0x0] =	vst.idx.msk $0xffff, v22  }
0x2ea: {  	s11 =	sadd.s32 $0x3, s15;
	v62 =	vld [tilespmem:s14+$0x70];
	v50 =	vor.u32 s10, v14;
	[tilespmem:v43+s26+$0x0] =	vst.idx.msk $0xffff, v21  }
0x2eb: {  	v52 =	vor.u32 s10, v15;
	v55 =	vor.u32 s17, v13;
	v61 =	vor.u32 s11, v12;
	[tilespmem:v46+s26+$0x0] =	vst.idx.msk $0xffff, v45  }
0x2ec: {  	v63 =	vor.u32 s11, v13;
	v32 =	vor.u32 s11, v14;
	v34 =	vor.u32 s11, v15;
	s11 =	sadd.s32 $0x5, s15;
	[tilespmem:v44+s26+$0x0] =	vst.idx.msk $0xffff, v20;
	v20 =	vld [tilespmem:s14+$0x50]  }
0x2ed: {  	v42 =	vld [tilespmem:s14+$0xA0];
	v43 =	vor.u32 s11, v12;
	[tilespmem:v48+s26+$0x0] =	vst.idx.msk $0xffff, v47  }
0x2ee: {  	v35 =	vld [tilespmem:s14+$0x80];
	[tilespmem:v54+s26+$0x0] =	vst.idx.msk $0xffff, v53  }
0x2ef: {  	v45 =	vor.u32 s11, v13;
	v44 =	vld [tilespmem:s14+$0xB0];
	[tilespmem:v50+s26+$0x0] =	vst.idx.msk $0xffff, v49  }
0x2f0: {  	v46 =	vld [tilespmem:s14+$0x10A0];
	[tilespmem:v52+s26+$0x0] =	vst.idx.msk $0xffff, v51  }
0x2f1: {  	[tilespmem:v55+s26+$0x0] =	vst.idx.msk $0xffff, v20;
	v20 =	vld [tilespmem:s14+$0x1060]  }
0x2f2: {  	v57 =	vor.u32 s17, v14;
	v59 =	vor.u32 s17, v15;
	s17 =	sadd.s32 $0x4, s15;
	v48 =	vld [tilespmem:s14+$0x10B0];
	[tilespmem:v43+s26+$0x0] =	vst.idx.msk $0xffff, v42  }
0x2f3: {  	v36 =	vor.u32 s17, v12;
	v33 =	vld [tilespmem:s14+$0x1070];
	[tilespmem:v61+s26+$0x0] =	vst.idx.msk $0xffff, v60  }
0x2f4: {  	v37 =	vld [tilespmem:s14+$0x90];
	v38 =	vor.u32 s17, v13;
	[tilespmem:v45+s26+$0x0] =	vst.idx.msk $0xffff, v44  }
0x2f5: {  	v39 =	vld [tilespmem:s14+$0x1080];
	v40 =	vor.u32 s17, v14;
	[tilespmem:v63+s26+$0x0] =	vst.idx.msk $0xffff, v62  }
0x2f6: {  	v41 =	vor.u32 s17, v15;
	[tilespmem:v32+s26+$0x0] =	vst.idx.msk $0xffff, v20;
	v20 =	vld [tilespmem:s14+$0x1090]  }
0x2f7: {  	[tilespmem:v57+s26+$0x0] =	vst.idx.msk $0xffff, v56  }
0x2f8: {  	v47 =	vor.u32 s11, v14;
	[tilespmem:v36+s26+$0x0] =	vst.idx.msk $0xffff, v35  }
0x2f9: {  	v49 =	vor.u32 s11, v15;
	[tilespmem:v38+s26+$0x0] =	vst.idx.msk $0xffff, v37  }
0x2fa: {  	s17 =	sadd.s32 $0x6, s15;
	v53 =	vld [tilespmem:s14+$0x10C0];
	[tilespmem:v40+s26+$0x0] =	vst.idx.msk $0xffff, v39  }
0x2fb: {  	v50 =	vor.u32 s17, v12;
	[tilespmem:v41+s26+$0x0] =	vst.idx.msk $0xffff, v20;
	v20 =	vld [tilespmem:s14+$0xC0]  }
0x2fc: {  	v57 =	vld [tilespmem:s14+$0x0];
	[tilespmem:v59+s26+$0x0] =	vst.idx.msk $0xffff, v58;
	v58 =	vor.u32 s15, v12  }
0x2fd: {  	v51 =	vld [tilespmem:s14+$0xD0];
	v52 =	vor.u32 s17, v13;
	[tilespmem:v47+s26+$0x0] =	vst.idx.msk $0xffff, v46  }
0x2fe: {  	v54 =	vor.u32 s17, v14;
	v55 =	vld [tilespmem:s14+$0x10D0];
	[tilespmem:v49+s26+$0x0] =	vst.idx.msk $0xffff, v48  }
0x2ff: {  	v60 =	vld [tilespmem:s14+$0x1000];
	v56 =	vor.u32 s17, v15;
	[tilespmem:v34+s26+$0x0] =	vst.idx.msk $0xffff, v33  }
0x300: {  	v59 =	vld [tilespmem:s14+$0x10];
	[tilespmem:v50+s26+$0x0] =	vst.idx.msk $0xffff, v20;
	v20 =	vor.u32 s15, v13  }
0x301: {  	v61 =	vor.u32 s15, v14;
	v62 =	vld [tilespmem:s14+$0x1010];
	[tilespmem:v58+s26+$0x0] =	vst.idx.msk $0xffff, v57  }
0x302: {  	s11 =	sadd.s32 s20, s12;
	v63 =	vor.u32 s15, v15;
	[tilespmem:v52+s26+$0x0] =	vst.idx.msk $0xffff, v51  }
0x303: {  	s10 =	sshll.u32 s11, $0xC;
	s14 =	sshll.u32 s11, $0xA;
	[tilespmem:v54+s26+$0x0] =	vst.idx.msk $0xffff, v53  }
0x304: {  	s10 =	sand.u32 $0x7FF80000, s10;
	s11 =	sand.u32 $0x1F800, s14;
	[tilespmem:v56+s26+$0x0] =	vst.idx.msk $0xffff, v55  }
0x305: {  	s10 =	sor.u32 s11, s10;
	[tilespmem:v20+s26+$0x0] =	vst.idx.msk $0xffff, v59  }
0x306: {  	s10 =	sshrl.u32 s10, $0x3;
	[tilespmem:v61+s26+$0x0] =	vst.idx.msk $0xffff, v60  }
0x307: {  	s17 =	simm.s32 $0x16400;
	s15 =	sadd.s32 s2, s10;
	[tilespmem:v63+s26+$0x0] =	vst.idx.msk $0xffff, v62  }
0x308: {  	[hbm4b:s15+s3] =	stream.linear.scatter [tilespmem:s17], [sflag:$0xC], $0x400, $0x38;
	[tilespmem:$0x1A400] =	vst v63  }
0x309: {  	s15 =	sadd.s32 s10, s7;
	s17 =	simm.s32 $0x16800  }
0x30a: {  	[hbm4b:s15+s3] =	stream.linear.scatter [tilespmem:s17], [sflag:$0xC], $0x400, $0x38;
	[tilespmem:$0x1A400] =	vst v63  }
0x30b: {  	s15 =	sadd.s32 s10, s8;
	s17 =	simm.s32 $0x16C00  }
0x30c: {  	[hbm4b:s15+s3] =	stream.linear.scatter [tilespmem:s17], [sflag:$0xC], $0x400, $0x38;
	[tilespmem:$0x1A400] =	vst v63  }
0x30d: {  	s15 =	sadd.s32 s10, s9;
	s17 =	simm.s32 $0x17000;
	s10 =	sor.u32 $0x80, s10  }
0x30e: {  	[hbm4b:s15+s3] =	stream.linear.scatter [tilespmem:s17], [sflag:$0xC], $0x400, $0x38;
	[tilespmem:$0x1A400] =	vst v63  }
0x30f: {  	s15 =	sadd.s32 s2, s10;
	s17 =	simm.s32 $0x17400  }
0x310: {  	[hbm4b:s15+s3] =	stream.linear.scatter [tilespmem:s17], [sflag:$0xD], $0x400, $0x38;
	[tilespmem:$0x1A400] =	vst v63  }
0x311: {  	s15 =	sadd.s32 s10, s7;
	s17 =	simm.s32 $0x17800  }
0x312: {  	[hbm4b:s15+s3] =	stream.linear.scatter [tilespmem:s17], [sflag:$0xD], $0x400, $0x38;
	[tilespmem:$0x1A400] =	vst v63  }
.Ltmp15:
0x313: {  	_ = 	snop;
	(pc) =	sbr.rel @p1 .LBB2_24-.Ltmp15, $4  }
0x314: {  	s14 =	sadd.s32 s10, s8;
	s15 =	simm.s32 $0x17C00  }
0x315: {  	[hbm4b:s14+s3] =	stream.linear.scatter [tilespmem:s15], [sflag:$0xD], $0x400, $0x38;
	[tilespmem:$0x1A400] =	vst v63  }
0x316: {  	s10 =	sadd.s32 s10, s9;
	s17 =	simm.s32 $0x18000  }
0x317: {  	[hbm4b:s10+s3] =	stream.linear.scatter [tilespmem:s17], [sflag:$0xD], $0x400, $0x38;
	[tilespmem:$0x1A400] =	vst v63  }
.Ltmp16:
0x318: {  	(pc) =	sbr.rel .LBB2_25-.Ltmp16, $4  }
0x319: {  	_ = 	snop  }
0x31a: {  	_ =	swait.ge [sflag:s1], $0x2000  }
0x31b: {  	[sflag:s1] =	ssyncset.done $0x0  }
0x31c: {  	[sflag:s1] =	ssyncadd.s32 $0xFFFFE000  }
.LBB2_24:
0x31d: {  	s10 =	smul.u32 $0x1400, s18;
	_ =	sdelay $0x1  }
0x31e: {  	s10 =	sshra.s32 s10, $0x2  }
.Ltmp17:
0x31f: {  	s11 =	simm.s32 $0xC400;
	s10 =	sadd.s32 $0x800, s10;
	(pc) =	sbr.rel @p0 .LBB2_26-.Ltmp17, $4  }
0x320: {  	[tilespmem:s11], [sflag:$0x4] =	stream.indirect.gather [hbm4b:s4+s16], $0x20, s10, s16, $0xb8;
	[tilespmem:$0x1A400] =	vst v63  }
0x321: {  	_ =	swait.ge [sflag:s1], $0x2000  }
0x322: {  	[sflag:s1] =	ssyncset.done $0x0  }
0x323: {  	[sflag:s1] =	ssyncadd.s32 $0xFFFFE000  }
.LBB2_25:
0x324: {  	_ =	swait.ge [sflag:s0], $0x400  }
0x325: {  	[sflag:s0] =	ssyncset.done $0x0  }
0x326: {  	[sflag:s0] =	ssyncadd.s32 $0xFFFFFC00  }
0x327: {  	_ =	swait.ge [sflag:s0], $0x400  }
0x328: {  	[sflag:s0] =	ssyncset.done $0x0  }
0x329: {  	[sflag:s0] =	ssyncadd.s32 $0xFFFFFC00  }
0x32a: {  	_ =	swait.ge [sflag:s0], $0x400  }
0x32b: {  	[sflag:s0] =	ssyncset.done $0x0  }
0x32c: {  	[sflag:s0] =	ssyncadd.s32 $0xFFFFFC00  }
0x32d: {  	_ =	swait.ge [sflag:s0], $0x400  }
0x32e: {  	[sflag:s0] =	ssyncset.done $0x0  }
0x32f: {  	[sflag:s0] =	ssyncadd.s32 $0xFFFFFC00  }
0x330: {  	_ =	swait.ge [sflag:s19], $0x400  }
0x331: {  	[sflag:s19] =	ssyncset.done $0x0  }
0x332: {  	[sflag:s19] =	ssyncadd.s32 $0xFFFFFC00  }
0x333: {  	_ =	swait.ge [sflag:s19], $0x400  }
0x334: {  	[sflag:s19] =	ssyncset.done $0x0  }
0x335: {  	[sflag:s19] =	ssyncadd.s32 $0xFFFFFC00  }
0x336: {  	_ =	swait.ge [sflag:s19], $0x400  }
0x337: {  	[sflag:s19] =	ssyncset.done $0x0  }
0x338: {  	[sflag:s19] =	ssyncadd.s32 $0xFFFFFC00  }
0x339: {  	_ =	swait.ge [sflag:s19], $0x400  }
0x33a: {  	[sflag:s19] =	ssyncset.done $0x0  }
0x33b: {  	[sflag:s19] =	ssyncadd.s32 $0xFFFFFC00  }
.LBB2_26:
0x33c: {  	s10 =	simm.s32 $0xE400  }
0x33d: {  	v23 =	vld [tilespmem:s10+$0xE0]  }
0x33e: {  	v24 =	vld [tilespmem:s10+$0xF0]  }
0x33f: {  	s11 =	simm.s32 $0x7;
	v25 =	vld [tilespmem:s10+$0x10E0]  }
0x340: {  	v26 =	vor.u32 s11, v16;
	v27 =	vld [tilespmem:s10+$0x10F0]  }
0x341: {  	v28 =	vor.u32 s11, v17;
	v22 =	vld [tilespmem:s10+$0x10]  }
0x342: {  	v29 =	vor.u32 s11, v18;
	v21 =	vld [tilespmem:s10+$0x1000]  }
0x343: {  	s17 =	simm.s32 $0x1;
	v30 =	vor.u32 s11, v19;
	v20 =	vld [tilespmem:s10+$0x1010]  }
0x344: {  	v31 =	vld [tilespmem:s10+$0x20];
	v32 =	vor.u32 s17, v16  }
0x345: {  	[tilespmem:v26+s26+$0x0] =	vst.idx.msk $0xffff, v23;
	v23 =	vld [tilespmem:s10+$0x30];
	v26 =	vor.u32 s17, v17  }
0x346: {  	[tilespmem:v28+s26+$0x0] =	vst.idx.msk $0xffff, v24;
	v24 =	vld [tilespmem:s10+$0x1020];
	v28 =	vor.u32 s17, v18  }
0x347: {  	s14 =	simm.s32 $0x2;
	[tilespmem:v29+s26+$0x0] =	vst.idx.msk $0xffff, v25;
	v25 =	vld [tilespmem:s10+$0x1030];
	v29 =	vor.u32 s17, v19  }
0x348: {  	[tilespmem:v30+s26+$0x0] =	vst.idx.msk $0xffff, v27;
	v27 =	vld [tilespmem:s10+$0x40];
	v30 =	vor.u32 s14, v16  }
0x349: {  	v60 =	vor.u32 s14, v17;
	[tilespmem:v32+s26+$0x0] =	vst.idx.msk $0xffff, v31;
	v31 =	vld [tilespmem:s10+$0x50]  }
0x34a: {  	[tilespmem:v26+s26+$0x0] =	vst.idx.msk $0xffff, v23;
	v23 =	vld [tilespmem:s10+$0x1040];
	v26 =	vor.u32 s14, v18  }
0x34b: {  	s15 =	simm.s32 $0x3;
	[tilespmem:v28+s26+$0x0] =	vst.idx.msk $0xffff, v24;
	v24 =	vld [tilespmem:s10+$0x1050];
	v28 =	vor.u32 s14, v19  }
0x34c: {  	[tilespmem:v29+s26+$0x0] =	vst.idx.msk $0xffff, v25;
	v25 =	vld [tilespmem:s10+$0x60];
	v29 =	vor.u32 s15, v16  }
0x34d: {  	[tilespmem:v30+s26+$0x0] =	vst.idx.msk $0xffff, v27;
	v27 =	vld [tilespmem:s10+$0x70];
	v30 =	vor.u32 s15, v17  }
0x34e: {  	v61 =	vor.u32 s15, v18;
	[tilespmem:v60+s26+$0x0] =	vst.idx.msk $0xffff, v31;
	v31 =	vld [tilespmem:s10+$0x1060]  }
0x34f: {  	s17 =	simm.s32 $0x4;
	[tilespmem:v26+s26+$0x0] =	vst.idx.msk $0xffff, v23;
	v23 =	vld [tilespmem:s10+$0x1070];
	v26 =	vor.u32 s15, v19  }
0x350: {  	[tilespmem:v28+s26+$0x0] =	vst.idx.msk $0xffff, v24;
	v24 =	vld [tilespmem:s10+$0x80];
	v28 =	vor.u32 s17, v16  }
0x351: {  	[tilespmem:v29+s26+$0x0] =	vst.idx.msk $0xffff, v25;
	v25 =	vld [tilespmem:s10+$0x90];
	v29 =	vor.u32 s17, v17  }
0x352: {  	[tilespmem:v30+s26+$0x0] =	vst.idx.msk $0xffff, v27;
	v27 =	vld [tilespmem:s10+$0x1080];
	v30 =	vor.u32 s17, v18  }
0x353: {  	v62 =	vor.u32 s17, v19;
	s14 =	simm.s32 $0x5;
	[tilespmem:v61+s26+$0x0] =	vst.idx.msk $0xffff, v31;
	v31 =	vld [tilespmem:s10+$0x1090]  }
0x354: {  	[tilespmem:v26+s26+$0x0] =	vst.idx.msk $0xffff, v23;
	v23 =	vld [tilespmem:s10+$0xA0];
	v26 =	vor.u32 s14, v16  }
0x355: {  	[tilespmem:v28+s26+$0x0] =	vst.idx.msk $0xffff, v24;
	v24 =	vld [tilespmem:s10+$0xB0];
	v28 =	vor.u32 s14, v17  }
0x356: {  	[tilespmem:v29+s26+$0x0] =	vst.idx.msk $0xffff, v25;
	v25 =	vld [tilespmem:s10+$0x10A0];
	v29 =	vor.u32 s14, v18  }
0x357: {  	s15 =	simm.s32 $0x6;
	[tilespmem:v30+s26+$0x0] =	vst.idx.msk $0xffff, v27;
	v27 =	vld [tilespmem:s10+$0x10B0];
	v30 =	vor.u32 s14, v19  }
0x358: {  	v63 =	vor.u32 s15, v16;
	[tilespmem:v62+s26+$0x0] =	vst.idx.msk $0xffff, v31;
	v31 =	vld [tilespmem:s10+$0xC0]  }
0x359: {  	v33 =	vld [tilespmem:s10+$0xD0];
	v34 =	vor.u32 s15, v17;
	[tilespmem:v26+s26+$0x0] =	vst.idx.msk $0xffff, v23  }
0x35a: {  	v35 =	vld [tilespmem:s10+$0x10C0];
	v36 =	vor.u32 s15, v18;
	[tilespmem:v28+s26+$0x0] =	vst.idx.msk $0xffff, v24  }
0x35b: {  	s17 =	simm.s32 $0x0;
	v23 =	vld [tilespmem:s10+$0x10D0];
	[tilespmem:v29+s26+$0x0] =	vst.idx.msk $0xffff, v25;
	v29 =	vor.u32 s15, v19  }
0x35c: {  	s11 =	simm.s32 $0xF;
	s14 =	simm.s32 $0xE500;
	v24 =	vld [tilespmem:s10+$0x0];
	[tilespmem:v30+s26+$0x0] =	vst.idx.msk $0xffff, v27;
	v30 =	vor.u32 s17, v16  }
0x35d: {  	v32 =	vor.u32 s11, v16;
	v26 =	vld [tilespmem:s14+$0xE0];
	[tilespmem:v63+s26+$0x0] =	vst.idx.msk $0xffff, v31  }
0x35e: {  	v27 =	vld [tilespmem:s14+$0xF0];
	v31 =	vor.u32 s11, v17;
	[tilespmem:v34+s26+$0x0] =	vst.idx.msk $0xffff, v33  }
0x35f: {  	v28 =	vor.u32 s11, v18;
	s10 =	simm.s32 $0x10;
	s15 =	simm.s32 $0x8;
	v25 =	vld [tilespmem:s14+$0x10E0];
	[tilespmem:v36+s26+$0x0] =	vst.idx.msk $0xffff, v35  }
.LBB2_27:
0x360: {  	p0 =	slt.u32 s10, $0x78;
	v33 =	vld [tilespmem:s14+$0x10F0];
	v34 =	vor.u32 s11, v19;
	[tilespmem:v29+s26+$0x0] =	vst.idx.msk $0xffff, v23  }
0x361: {  	v23 =	vld [tilespmem:s14+$0x10];
	[tilespmem:v30+s26+$0x0] =	vst.idx.msk $0xffff, v24;
	v24 =	vor.u32 s17, v17  }
0x362: {  	v29 =	vld [tilespmem:s14+$0x1000];
	[tilespmem:v32+s26+$0x0] =	vst.idx.msk $0xffff, v26;
	v26 =	vor.u32 s17, v18  }
0x363: {  	s11 =	sadd.s32 $0x1, s15;
	v30 =	vld [tilespmem:s14+$0x1010];
	[tilespmem:v31+s26+$0x0] =	vst.idx.msk $0xffff, v27;
	v27 =	vor.u32 s17, v19;
	s17 =	smov.u32 s15;
	s15 =	smov.u32 s10  }
0x364: {  	v32 =	vor.u32 s11, v16;
	v31 =	vld [tilespmem:s14+$0x20];
	[tilespmem:v28+s26+$0x0] =	vst.idx.msk $0xffff, v25  }
0x365: {  	v28 =	vor.u32 s11, v17;
	v25 =	vld [tilespmem:s14+$0x30];
	[tilespmem:v34+s26+$0x0] =	vst.idx.msk $0xffff, v33  }
0x366: {  	v34 =	vor.u32 s11, v18;
	v33 =	vld [tilespmem:s14+$0x1020];
	[tilespmem:v24+s26+$0x0] =	vst.idx.msk $0xffff, v22;
	v22 =	vmov v23  }
0x367: {  	v24 =	vor.u32 s11, v19;
	s11 =	sadd.s32 $0x2, s17;
	v23 =	vld [tilespmem:s14+$0x1030];
	[tilespmem:v26+s26+$0x0] =	vst.idx.msk $0xffff, v21;
	v21 =	vmov v29  }
0x368: {  	v29 =	vor.u32 s11, v16;
	v26 =	vld [tilespmem:s14+$0x40];
	[tilespmem:v27+s26+$0x0] =	vst.idx.msk $0xffff, v20;
	v20 =	vmov v30  }
0x369: {  	v30 =	vor.u32 s11, v17;
	[tilespmem:v32+s26+$0x0] =	vst.idx.msk $0xffff, v31;
	v27 =	vld [tilespmem:s14+$0x50]  }
0x36a: {  	[tilespmem:v28+s26+$0x0] =	vst.idx.msk $0xffff, v25;
	v25 =	vld [tilespmem:s14+$0x1040];
	v28 =	vor.u32 s11, v18  }
0x36b: {  	v32 =	vor.u32 s11, v19;
	s11 =	sadd.s32 $0x3, s17;
	[tilespmem:v34+s26+$0x0] =	vst.idx.msk $0xffff, v33;
	v31 =	vld [tilespmem:s14+$0x1050]  }
0x36c: {  	[tilespmem:v24+s26+$0x0] =	vst.idx.msk $0xffff, v23;
	v23 =	vld [tilespmem:s14+$0x60];
	v24 =	vor.u32 s11, v16  }
0x36d: {  	[tilespmem:v29+s26+$0x0] =	vst.idx.msk $0xffff, v26;
	v26 =	vld [tilespmem:s14+$0x70];
	v29 =	vor.u32 s11, v17  }
0x36e: {  	[tilespmem:v30+s26+$0x0] =	vst.idx.msk $0xffff, v27;
	v27 =	vld [tilespmem:s14+$0x1060];
	v30 =	vor.u32 s11, v18  }
0x36f: {  	[tilespmem:v28+s26+$0x0] =	vst.idx.msk $0xffff, v25;
	v25 =	vld [tilespmem:s14+$0x1070];
	v28 =	vor.u32 s11, v19;
	s11 =	sadd.s32 $0x4, s17  }
0x370: {  	[tilespmem:v32+s26+$0x0] =	vst.idx.msk $0xffff, v31;
	v31 =	vld [tilespmem:s14+$0x80];
	v32 =	vor.u32 s11, v16  }
0x371: {  	[tilespmem:v24+s26+$0x0] =	vst.idx.msk $0xffff, v23;
	v23 =	vld [tilespmem:s14+$0x90];
	v24 =	vor.u32 s11, v17  }
0x372: {  	[tilespmem:v29+s26+$0x0] =	vst.idx.msk $0xffff, v26;
	v26 =	vld [tilespmem:s14+$0x1080];
	v29 =	vor.u32 s11, v18  }
0x373: {  	[tilespmem:v30+s26+$0x0] =	vst.idx.msk $0xffff, v27;
	v27 =	vld [tilespmem:s14+$0x1090];
	v30 =	vor.u32 s11, v19;
	s11 =	sadd.s32 $0x5, s17  }
0x374: {  	[tilespmem:v28+s26+$0x0] =	vst.idx.msk $0xffff, v25;
	v25 =	vld [tilespmem:s14+$0xA0];
	v28 =	vor.u32 s11, v16  }
0x375: {  	[tilespmem:v32+s26+$0x0] =	vst.idx.msk $0xffff, v31;
	v31 =	vld [tilespmem:s14+$0xB0];
	v32 =	vor.u32 s11, v17  }
0x376: {  	[tilespmem:v24+s26+$0x0] =	vst.idx.msk $0xffff, v23;
	v23 =	vld [tilespmem:s14+$0x10A0];
	v24 =	vor.u32 s11, v18  }
0x377: {  	v33 =	vor.u32 s11, v19;
	s11 =	sadd.s32 $0x6, s17;
	[tilespmem:v29+s26+$0x0] =	vst.idx.msk $0xffff, v26;
	v26 =	vld [tilespmem:s14+$0x10B0]  }
0x378: {  	v34 =	vor.u32 s11, v16;
	[tilespmem:v30+s26+$0x0] =	vst.idx.msk $0xffff, v27;
	v27 =	vld [tilespmem:s14+$0xC0]  }
0x379: {  	[tilespmem:v28+s26+$0x0] =	vst.idx.msk $0xffff, v25;
	v25 =	vld [tilespmem:s14+$0xD0];
	v28 =	vor.u32 s11, v17  }
0x37a: {  	v36 =	vor.u32 s11, v18;
	[tilespmem:v32+s26+$0x0] =	vst.idx.msk $0xffff, v31;
	v35 =	vld [tilespmem:s14+$0x10C0]  }
.Ltmp18:
0x37b: {  	v29 =	vor.u32 s11, v19;
	[tilespmem:v24+s26+$0x0] =	vst.idx.msk $0xffff, v23;
	v23 =	vld [tilespmem:s14+$0x10D0];
	(pc) =	sbr.rel @p0 .LBB2_27-.Ltmp18, $4  }
0x37c: {  	v30 =	vor.u32 s17, v16;
	s11 =	sadd.s32 $0x7, s10;
	v24 =	vld [tilespmem:s14+$0x0];
	[tilespmem:v33+s26+$0x0] =	vst.idx.msk $0xffff, v26;
	s14 =	sadd.s32 $0x100, s14  }
0x37d: {  	v32 =	vor.u32 s11, v16;
	v26 =	vld [tilespmem:s14+$0xE0];
	[tilespmem:v34+s26+$0x0] =	vst.idx.msk $0xffff, v27  }
0x37e: {  	v31 =	vor.u32 s11, v17;
	v27 =	vld [tilespmem:s14+$0xF0];
	[tilespmem:v28+s26+$0x0] =	vst.idx.msk $0xffff, v25  }
0x37f: {  	s10 =	sadd.s32 $0x8, s10;
	v28 =	vor.u32 s11, v18;
	v25 =	vld [tilespmem:s14+$0x10E0];
	[tilespmem:v36+s26+$0x0] =	vst.idx.msk $0xffff, v35  }
0x380: {  	_ =	sdelay $0x1  }
0x381: {  	v33 =	vld [tilespmem:s14+$0x10F0]  }
0x382: {  	v45 =	vld [tilespmem:s14+$0x20]  }
0x383: {  	v34 =	vor.u32 s11, v19;
	[tilespmem:v29+s26+$0x0] =	vst.idx.msk $0xffff, v23;
	v47 =	vld [tilespmem:s14+$0x30]  }
0x384: {  	v42 =	vor.u32 s17, v17;
	v49 =	vld [tilespmem:s14+$0x1020];
	[tilespmem:v30+s26+$0x0] =	vst.idx.msk $0xffff, v24  }
0x385: {  	v43 =	vor.u32 s17, v18;
	s10 =	sadd.s32 $0x1, s15;
	v51 =	vld [tilespmem:s14+$0x1030];
	[tilespmem:v32+s26+$0x0] =	vst.idx.msk $0xffff, v26  }
0x386: {  	v53 =	vld [tilespmem:s14+$0x40];
	v46 =	vor.u32 s10, v16;
	[tilespmem:v31+s26+$0x0] =	vst.idx.msk $0xffff, v27  }
0x387: {  	v44 =	vor.u32 s17, v19;
	v56 =	vld [tilespmem:s14+$0x1040];
	[tilespmem:v28+s26+$0x0] =	vst.idx.msk $0xffff, v25  }
0x388: {  	s11 =	sadd.s32 $0x2, s15;
	v58 =	vld [tilespmem:s14+$0x1050];
	v48 =	vor.u32 s10, v17;
	[tilespmem:v34+s26+$0x0] =	vst.idx.msk $0xffff, v33  }
0x389: {  	v60 =	vld [tilespmem:s14+$0x60];
	v54 =	vor.u32 s11, v16;
	[tilespmem:v42+s26+$0x0] =	vst.idx.msk $0xffff, v22  }
0x38a: {  	s17 =	sadd.s32 $0x3, s15;
	v62 =	vld [tilespmem:s14+$0x70];
	v50 =	vor.u32 s10, v18;
	[tilespmem:v43+s26+$0x0] =	vst.idx.msk $0xffff, v21  }
0x38b: {  	v52 =	vor.u32 s10, v19;
	v55 =	vor.u32 s11, v17;
	v61 =	vor.u32 s17, v16;
	[tilespmem:v46+s26+$0x0] =	vst.idx.msk $0xffff, v45  }
0x38c: {  	v63 =	vor.u32 s17, v17;
	v32 =	vor.u32 s17, v18;
	v34 =	vor.u32 s17, v19;
	s17 =	sadd.s32 $0x5, s15;
	[tilespmem:v44+s26+$0x0] =	vst.idx.msk $0xffff, v20;
	v20 =	vld [tilespmem:s14+$0x50]  }
0x38d: {  	v42 =	vld [tilespmem:s14+$0xA0];
	v43 =	vor.u32 s17, v16;
	[tilespmem:v48+s26+$0x0] =	vst.idx.msk $0xffff, v47  }
0x38e: {  	v35 =	vld [tilespmem:s14+$0x80];
	[tilespmem:v54+s26+$0x0] =	vst.idx.msk $0xffff, v53  }
0x38f: {  	v45 =	vor.u32 s17, v17;
	v44 =	vld [tilespmem:s14+$0xB0];
	[tilespmem:v50+s26+$0x0] =	vst.idx.msk $0xffff, v49  }
0x390: {  	v46 =	vld [tilespmem:s14+$0x10A0];
	[tilespmem:v52+s26+$0x0] =	vst.idx.msk $0xffff, v51  }
0x391: {  	[tilespmem:v55+s26+$0x0] =	vst.idx.msk $0xffff, v20;
	v20 =	vld [tilespmem:s14+$0x1060]  }
0x392: {  	v57 =	vor.u32 s11, v18;
	v59 =	vor.u32 s11, v19;
	s11 =	sadd.s32 $0x4, s15;
	v48 =	vld [tilespmem:s14+$0x10B0];
	[tilespmem:v43+s26+$0x0] =	vst.idx.msk $0xffff, v42  }
0x393: {  	v36 =	vor.u32 s11, v16;
	v33 =	vld [tilespmem:s14+$0x1070];
	[tilespmem:v61+s26+$0x0] =	vst.idx.msk $0xffff, v60  }
0x394: {  	v37 =	vld [tilespmem:s14+$0x90];
	v38 =	vor.u32 s11, v17;
	[tilespmem:v45+s26+$0x0] =	vst.idx.msk $0xffff, v44  }
0x395: {  	v39 =	vld [tilespmem:s14+$0x1080];
	v40 =	vor.u32 s11, v18;
	[tilespmem:v63+s26+$0x0] =	vst.idx.msk $0xffff, v62  }
0x396: {  	v41 =	vor.u32 s11, v19;
	[tilespmem:v32+s26+$0x0] =	vst.idx.msk $0xffff, v20;
	v20 =	vld [tilespmem:s14+$0x1090]  }
0x397: {  	[tilespmem:v57+s26+$0x0] =	vst.idx.msk $0xffff, v56  }
0x398: {  	v47 =	vor.u32 s17, v18;
	[tilespmem:v36+s26+$0x0] =	vst.idx.msk $0xffff, v35  }
0x399: {  	v49 =	vor.u32 s17, v19;
	[tilespmem:v38+s26+$0x0] =	vst.idx.msk $0xffff, v37  }
0x39a: {  	s11 =	sadd.s32 $0x6, s15;
	v53 =	vld [tilespmem:s14+$0x10C0];
	[tilespmem:v40+s26+$0x0] =	vst.idx.msk $0xffff, v39  }
0x39b: {  	v50 =	vor.u32 s11, v16;
	[tilespmem:v41+s26+$0x0] =	vst.idx.msk $0xffff, v20;
	v20 =	vld [tilespmem:s14+$0xC0]  }
0x39c: {  	v57 =	vld [tilespmem:s14+$0x0];
	[tilespmem:v59+s26+$0x0] =	vst.idx.msk $0xffff, v58;
	v58 =	vor.u32 s15, v16  }
0x39d: {  	v51 =	vld [tilespmem:s14+$0xD0];
	v52 =	vor.u32 s11, v17;
	[tilespmem:v47+s26+$0x0] =	vst.idx.msk $0xffff, v46  }
0x39e: {  	v54 =	vor.u32 s11, v18;
	v55 =	vld [tilespmem:s14+$0x10D0];
	[tilespmem:v49+s26+$0x0] =	vst.idx.msk $0xffff, v48  }
0x39f: {  	v60 =	vld [tilespmem:s14+$0x1000];
	v56 =	vor.u32 s11, v19;
	[tilespmem:v34+s26+$0x0] =	vst.idx.msk $0xffff, v33  }
0x3a0: {  	v59 =	vld [tilespmem:s14+$0x10];
	[tilespmem:v50+s26+$0x0] =	vst.idx.msk $0xffff, v20;
	v20 =	vor.u32 s15, v17  }
0x3a1: {  	v61 =	vor.u32 s15, v18;
	v62 =	vld [tilespmem:s14+$0x1010];
	[tilespmem:v58+s26+$0x0] =	vst.idx.msk $0xffff, v57  }
0x3a2: {  	s17 =	sadd.s32 s20, s13;
	v63 =	vor.u32 s15, v19;
	[tilespmem:v52+s26+$0x0] =	vst.idx.msk $0xffff, v51  }
0x3a3: {  	s20 =	sshll.u32 s17, $0xA;
	s10 =	sshll.u32 s17, $0xC;
	[tilespmem:v54+s26+$0x0] =	vst.idx.msk $0xffff, v53  }
0x3a4: {  	s10 =	sand.u32 $0x7FF80000, s10;
	s11 =	sand.u32 $0x1F800, s20;
	[tilespmem:v56+s26+$0x0] =	vst.idx.msk $0xffff, v55  }
0x3a5: {  	s10 =	sor.u32 s11, s10;
	[tilespmem:v20+s26+$0x0] =	vst.idx.msk $0xffff, v59  }
0x3a6: {  	s10 =	sshrl.u32 s10, $0x3;
	[tilespmem:v61+s26+$0x0] =	vst.idx.msk $0xffff, v60  }
0x3a7: {  	s14 =	sadd.s32 s2, s10;
	s15 =	simm.s32 $0x18400;
	[tilespmem:v63+s26+$0x0] =	vst.idx.msk $0xffff, v62  }
0x3a8: {  	[hbm4b:s14+s3] =	stream.linear.scatter [tilespmem:s15], [sflag:$0xE], $0x400, $0x38;
	[tilespmem:$0x1A400] =	vst v63  }
0x3a9: {  	s20 =	simm.s32 $0x18800;
	s17 =	sadd.s32 s10, s7  }
0x3aa: {  	[hbm4b:s17+s3] =	stream.linear.scatter [tilespmem:s20], [sflag:$0xE], $0x400, $0x38;
	[tilespmem:$0x1A400] =	vst v63  }
0x3ab: {  	s14 =	sadd.s32 s10, s8;
	s15 =	simm.s32 $0x18C00  }
0x3ac: {  	[hbm4b:s14+s3] =	stream.linear.scatter [tilespmem:s15], [sflag:$0xE], $0x400, $0x38;
	[tilespmem:$0x1A400] =	vst v63  }
0x3ad: {  	s17 =	sadd.s32 s10, s9;
	s20 =	simm.s32 $0x19000;
	s10 =	sor.u32 $0x80, s10  }
0x3ae: {  	[hbm4b:s17+s3] =	stream.linear.scatter [tilespmem:s20], [sflag:$0xE], $0x400, $0x38;
	[tilespmem:$0x1A400] =	vst v63  }
0x3af: {  	s14 =	sadd.s32 s2, s10;
	s15 =	simm.s32 $0x19400  }
0x3b0: {  	[hbm4b:s14+s3] =	stream.linear.scatter [tilespmem:s15], [sflag:$0xF], $0x400, $0x38;
	[tilespmem:$0x1A400] =	vst v63  }
0x3b1: {  	p0 =	seq.s32 s18, $0x13;
	s17 =	sadd.s32 s10, s7;
	s20 =	simm.s32 $0x19800  }
0x3b2: {  	[hbm4b:s17+s3] =	stream.linear.scatter [tilespmem:s20], [sflag:$0xF], $0x400, $0x38;
	[tilespmem:$0x1A400] =	vst v63  }
.Ltmp19:
0x3b3: {  	_ = 	snop;
	(pc) =	sbr.rel @p0 .LBB2_30-.Ltmp19, $4  }
0x3b4: {  	s15 =	sadd.s32 s10, s8;
	s17 =	simm.s32 $0x19C00  }
0x3b5: {  	[hbm4b:s15+s3] =	stream.linear.scatter [tilespmem:s17], [sflag:$0xF], $0x400, $0x38;
	[tilespmem:$0x1A400] =	vst v63  }
0x3b6: {  	s10 =	sadd.s32 s10, s9;
	s20 =	simm.s32 $0x1A000  }
0x3b7: {  	[hbm4b:s10+s3] =	stream.linear.scatter [tilespmem:s20], [sflag:$0xF], $0x400, $0x38;
	[tilespmem:$0x1A400] =	vst v63  }
0x3b8: {  	s10 =	smul.u32 $0x1400, s18  }
.Ltmp20:
0x3b9: {  	_ = 	snop;
	(pc) =	sbr.rel .LBB2_2-.Ltmp20, $4  }
0x3ba: {  	_ = 	snop  }
0x3bb: {  	s10 =	sshra.s32 s10, $0x2  }
0x3bc: {  	s11 =	simm.s32 $0xE400;
	s18 =	sadd.s32 $0x1, s18;
	s10 =	sadd.s32 $0x900, s10  }
0x3bd: {  	[tilespmem:s11], [sflag:$0x5] =	stream.indirect.gather [hbm4b:s4+s16], $0x20, s10, s16, $0xb8;
	[tilespmem:$0x1A400] =	vst v63  }
.LBB2_31:
0x3be: {  	_ =	sfence.sel $0x180000  }
0x3bf: {  	[bflag:$0x0] =	sbarrier.arrive $0xFFFF  }
0x3c0: {  	_ =	strace $0x90000047  }
0x3c1: {  	s0 =	stileid.u32;
	[bflag:$0x2] =	sbarrier.arrive $0xFFFF  }
0x3c2: {  	p0 =	sne.s32 s0, $0x0;
	s0 =	rddreg [dreg:$0x2]  }
0x3c3: {  	s0 =	sadd.s32 @!p0 $0x100000, s0  }
0x3c4: {  	[sflag:s0] =	ssyncadd.tile.s32 @!p0 $0x1;
	_ =	shalt  }
.Lfunc_end2:
_tile_overlayer_lowered:
.L_overlay_start_2:
0x3c5: {  	(tag) =	ssettag $0x2  }
0x3c6: {  	s0 =	rddreg [dreg:$0x0];
	s2 =	stileid.u32  }
0x3c7: {  	s1 =	rddreg [dreg:$0x1];
	p0 =	sne.s32 s2, $0x0  }
0x3c8: {  	s3 =	rddreg [dreg:$0x2];
	[bflag:$0x3] =	sbarrier.arrive $0xFFFF;
	s2 =	simm.s32 @!p0 $0x1C11  }
0x3c9: {  	[timem:s3], [sflag:s2] =	dma.local @!p0 [hbm:s0], s1  }
0x3ca: {  	s0 =	simm.s32 @!p0 $0x11  }
0x3cb: {  	_ =	swait.ge @!p0 [sflag:s0], s1  }
0x3cc: {  	s1 =	ssub.s32 @!p0 $0x0, s1;
	[sflag:s0] =	ssyncset.done @!p0 $0x0  }
0x3cd: {  	[sflag:s0] =	ssyncadd.s32 @!p0 s1  }
0x3ce: {  	[bflag:$0x3] =	sbarrier.arrive $0xFFFF  }
0x3cf: {  	_ =	shalt  }

</sc_bundles>
